<compile_context>
chip_gen: v7x
topology: tpu7x:2x2x1
jax: 0.10.2.dev20260603
libtpu: 0.0.44.dev20260713+nightly
codegen_flags: <defaults>
</compile_context>

<pallas_src>
import functools

import jax
import jax.numpy as jnp
from jax import lax
from jax.experimental import pallas as pl
from jax.experimental.pallas import tpu as pltpu
from jax.experimental.pallas import tpu_sc as plsc

N_SLOTS = 8192
KEY_DIM = 256
PFC_DIM = 32
D_MEM = 44
EPS_PER_SLOT = 8
EP_ROW = EPS_PER_SLOT * D_MEM
NC = 2
NS = 16
NW = NC * NS
SLOTS_PER_W = N_SLOTS // NW
GROUPS = SLOTS_PER_W // 16

GQ = 4
SUPERS = GROUPS // GQ
ROWS_PER_SUPER = GQ * 16


def _scan_body(proto_hbm, act_hbm, mem_hbm, eps_hbm,
               vals_hbm, idx_hbm, memrow_hbm, eprow_hbm,
               act_v, key_v, buf, idx_v, gidx_v,
               memrow_v, eprow_v, bestv_v, besti_v, sem0, sem1, semg):
    cid = lax.axis_index("c")
    sid = lax.axis_index("s")
    wid = cid * NS + sid
    base = wid * SLOTS_PER_W

    pltpu.sync_copy(act_hbm, act_v)
    for b in range(KEY_DIM // 16):
        key_v[pl.ds(b * 16, 16)] = jnp.maximum(act_v[pl.ds(b * 16, 16)], 0.0)

    lanes = lax.iota(jnp.int32, 16)
    rowidx = [lanes + q * 16 for q in range(GQ)]
    sems = (sem0, sem1)

    def start(sg):
        par = sg % 2
        for q in range(GQ):
            idx_v[par, pl.ds(q * 16, 16)] = (base + sg * ROWS_PER_SUPER
                                             + q * 16) + lanes
        return pltpu.async_copy(proto_hbm.at[idx_v.at[par]], buf.at[par],
                                sems[par])

    pending = [None, None]
    pending[0] = start(0)
    best_v = jnp.full((16,), -jnp.inf, jnp.float32)
    best_i = jnp.zeros((16,), jnp.int32)
    for sg in range(SUPERS):
        par = sg % 2
        if sg + 1 < SUPERS:
            pending[(sg + 1) % 2] = start(sg + 1)
        pending[par].wait()
        bufv = buf.at[par]

        zero = jnp.zeros((16,), jnp.float32)

        def jbody(j, carry):
            col = jnp.full((16,), j, jnp.int32)
            kj = plsc.load_gather(key_v, [col])
            out = []
            for q in range(GQ):
                d, s = carry[2 * q], carry[2 * q + 1]
                p = plsc.load_gather(bufv, [rowidx[q], col])
                out.extend((d + p * kj, s + p * p))
            return tuple(out)

        acc = plsc.parallel_loop(0, KEY_DIM, unroll=8,
                                 carry=(zero,) * (2 * GQ))(jbody)
        for q in range(GQ):
            d, s = acc[2 * q], acc[2 * q + 1]
            v = (d * jnp.abs(d)) / jnp.maximum(s, 1e-24)
            slot_ids = (base + sg * ROWS_PER_SUPER + q * 16) + lanes
            better = v > best_v
            best_v = jnp.where(better, v, best_v)
            best_i = jnp.where(better, slot_ids, best_i)

    m_t = jnp.max(best_v)
    slot_t = jnp.min(jnp.where(best_v == m_t, best_i, jnp.int32(N_SLOTS)))
    sv = jnp.zeros((16,), jnp.int32) + slot_t

    handles = []
    mlim = jnp.zeros((16,), jnp.int32) + (N_SLOTS * D_MEM - 1)
    for t in range(3):
        gidx_v[t, :] = jnp.minimum(sv * D_MEM + (lanes + 16 * t), mlim)
        handles.append(pltpu.async_copy(
            mem_hbm.at[gidx_v.at[t]],
            memrow_v.at[0, pl.ds(16 * t, 16)], semg))
    elim = jnp.zeros((16,), jnp.int32) + (N_SLOTS * EP_ROW - 1)
    for e in range(EPS_PER_SLOT):
        for t in range(3):
            k = 3 + e * 3 + t
            gidx_v[k, :] = jnp.minimum(
                sv * EP_ROW + (e * D_MEM + 16 * t) + lanes, elim)
            handles.append(pltpu.async_copy(
                eps_hbm.at[gidx_v.at[k]],
                eprow_v.at[0, e, pl.ds(16 * t, 16)], semg))
    for h in handles:
        h.wait()

    bestv_v[0, :] = jnp.zeros((16,), jnp.float32) + m_t
    besti_v[0, :] = sv
    pltpu.sync_copy(bestv_v, vals_hbm.at[pl.ds(wid, 1), :])
    pltpu.sync_copy(besti_v, idx_hbm.at[pl.ds(wid, 1), :])
    pltpu.sync_copy(memrow_v, memrow_hbm.at[pl.ds(wid, 1), :])
    pltpu.sync_copy(eprow_v, eprow_hbm.at[pl.ds(wid, 1), :, :])


@functools.cache
def _make_scan():
    return pl.kernel(
        _scan_body,
        out_type=(jax.ShapeDtypeStruct((NW, 16), jnp.float32),
                  jax.ShapeDtypeStruct((NW, 16), jnp.int32),
                  jax.ShapeDtypeStruct((NW, 48), jnp.float32),
                  jax.ShapeDtypeStruct((NW, EPS_PER_SLOT, 48), jnp.float32)),
        mesh=plsc.VectorSubcoreMesh(core_axis_name="c", subcore_axis_name="s",
                                    num_cores=NC, num_subcores=NS),
        compiler_params=pltpu.CompilerParams(needs_layout_passes=False),
        scratch_types=[
            pltpu.VMEM((KEY_DIM,), jnp.float32),
            pltpu.VMEM((KEY_DIM,), jnp.float32),
            pltpu.VMEM((2, ROWS_PER_SUPER, KEY_DIM), jnp.float32),
            pltpu.VMEM((2, ROWS_PER_SUPER), jnp.int32),
            pltpu.VMEM((27, 16), jnp.int32),
            pltpu.VMEM((1, 48), jnp.float32),
            pltpu.VMEM((1, EPS_PER_SLOT, 48), jnp.float32),
            pltpu.VMEM((1, 16), jnp.float32),
            pltpu.VMEM((1, 16), jnp.int32),
            pltpu.SemaphoreType.DMA,
            pltpu.SemaphoreType.DMA,
            pltpu.SemaphoreType.DMA,
        ],
    )


def _tail_body(vals_ref, idx_ref, memrow_ref, eprow_ref, act_ref, pfc_ref,
               td_ref, wg1_ref, bg1_ref, wg2_ref, bg2_ref, wp_ref, bp_ref,
               wb1_ref, bb1_ref, wb2_ref, bb2_ref, out_ref):
    vals = vals_ref[:, 0]
    idxs = idx_ref[:, 0]
    m = jnp.max(vals)
    big = jnp.int32(N_SLOTS)
    slot = jnp.min(jnp.where(vals == m, idxs, big))
    tmask = (vals == m) & (idxs == slot)

    ema_out = jnp.sum(jnp.where(tmask[:, None], memrow_ref[:, :D_MEM], 0.0),
                      axis=0)
    slot_eps = jnp.sum(jnp.where(tmask[:, None, None],
                                 eprow_ref[:, :, :D_MEM], 0.0),
                       axis=0)

    act = act_ref[...]
    key = jnp.maximum(act, 0.0)
    knorm = jnp.sqrt(jnp.sum(key * key))
    best_sim = jnp.sign(m) * jnp.sqrt(jnp.abs(m)) / jnp.maximum(knorm, 1e-12)

    pfc = pfc_ref[...]
    pfc_flat = pfc[0]
    pfcn = pfc_flat / jnp.maximum(jnp.sqrt(jnp.sum(pfc_flat * pfc_flat)),
                                  1e-12)
    td = jnp.abs(td_ref[0])

    stored = slot_eps[:, :PFC_DIM]
    norms = jnp.sqrt(jnp.sum(stored * stored, axis=1, keepdims=True))
    stored_n = stored / jnp.maximum(norms, 1e-12)
    sims_ep = jnp.sum(stored_n * pfcn[None, :], axis=1, keepdims=True)
    ep_sim = jnp.max(sims_ep)
    eids = lax.broadcasted_iota(jnp.int32, (EPS_PER_SLOT, 1), 0)
    best_ep = jnp.min(jnp.where(sims_ep == ep_sim, eids,
                                jnp.int32(EPS_PER_SLOT)))
    ep_content = jnp.sum(jnp.where(eids == best_ep, slot_eps, 0.0), axis=0)

    wb1 = wb1_ref[...]
    hb = jnp.tanh(wb1[:, 0] * best_sim + wb1[:, 1] * ep_sim + wb1[:, 2] * td
                  + bb1_ref[...])
    ep_w = jax.nn.sigmoid(jnp.sum(wb2_ref[0] * hb) + bb2_ref[0])
    read_out = (1.0 - ep_w) * ema_out + ep_w * ep_content

    wg1 = wg1_ref[...]
    hg = jnp.tanh(wg1[:, 0] * best_sim + wg1[:, 1] * td + bg1_ref[...])
    alpha = jnp.tanh(jnp.sum(wg2_ref[0] * hg) + bg2_ref[0])

    pfc_delta = jnp.sum(wp_ref[...] * read_out[None, :], axis=1) + bp_ref[...]
    out_ref[...] = pfc + alpha * pfc_delta[None, :]


def _tail(vals, idxs, memrows, eprows, act, pfc, td, wg1, bg1, wg2, bg2,
          wp, bp, wb1, bb1, wb2, bb2):
    vspec = pl.BlockSpec(memory_space=pltpu.VMEM)
    return pl.pallas_call(
        _tail_body,
        out_shape=jax.ShapeDtypeStruct((1, PFC_DIM), jnp.float32),
        in_specs=[vspec] * 17,
        out_specs=vspec,
    )(vals, idxs, memrows, eprows, act, pfc, td, wg1, bg1, wg2, bg2,
      wp, bp, wb1, bb1, wb2, bb2)


def kernel(activation_summary, pfc_state, td_error, prototypes,
           log_temperature, W1, b1, W2, b2, memory, episodes,
           Wg1, bg1, Wg2, bg2, Wp, bp, Wb1, bb1, Wb2, bb2):
    del log_temperature, W1, b1, W2, b2
    mem1d = memory.reshape(N_SLOTS * D_MEM)
    eps1d = episodes.reshape(N_SLOTS * EP_ROW)
    vals, idxs, memrows, eprows = _make_scan()(
        prototypes, activation_summary, mem1d, eps1d)
    return _tail(vals, idxs, memrows, eprows,
                 activation_summary, pfc_state, td_error,
                 Wg1, bg1, Wg2, bg2, Wp, bp, Wb1, bb1, Wb2, bb2)

# --- scband reference (transcript-rebuilt; emitter-appended) ---
"""Pipeline reference for scband-hippocampus-32057635897375 (READ-ONLY COPY).

The authoritative reference and input builder live on the scoring server;
editing this copy changes nothing except your own understanding.
"""

import jax, jax.numpy as jnp
import numpy as np

KEY_DIM = 256
PFC_DIM = 32
N_PATCHES = 4
N_SLOTS = 8192
EPS_PER_SLOT = 8
D_MEM = PFC_DIM + N_PATCHES * 3  # 44

def _normalize(x, axis=-1):
    n = jnp.linalg.norm(x, axis=axis, keepdims=True)
    return x / jnp.maximum(n, 1e-12)

def setup_inputs(seed: int = 0) -> dict:
    key = jax.random.key(seed)
    ks = jax.random.split(key, 16)
    in_dim = KEY_DIM + PFC_DIM
    W1 = np.zeros((2 * KEY_DIM, in_dim), dtype=np.float32)
    W1[:KEY_DIM, :KEY_DIM] = np.eye(KEY_DIM, dtype=np.float32)
    W2 = np.zeros((KEY_DIM, 2 * KEY_DIM), dtype=np.float32)
    W2[:, :KEY_DIM] = np.eye(KEY_DIM, dtype=np.float32)
    Wp = np.zeros((PFC_DIM, D_MEM), dtype=np.float32)
    Wp[:PFC_DIM, :PFC_DIM] = np.eye(PFC_DIM, dtype=np.float32) * 0.1
    return {
        'activation_summary': jax.random.normal(ks[0], (KEY_DIM,), dtype=jnp.float32),
        'pfc_state': jax.random.normal(ks[1], (1, PFC_DIM), dtype=jnp.float32),
        'td_error': jax.random.uniform(ks[2], (1,), dtype=jnp.float32),
        'prototypes': jax.random.normal(ks[3], (N_SLOTS, KEY_DIM), dtype=jnp.float32) * 0.1,
        'log_temperature': jnp.asarray(2.302585, dtype=jnp.float32),
        'W1': jnp.asarray(W1), 'b1': jnp.zeros((2 * KEY_DIM,), jnp.float32),
        'W2': jnp.asarray(W2), 'b2': jnp.zeros((KEY_DIM,), jnp.float32),
        'memory': jax.random.normal(ks[4], (N_SLOTS, D_MEM), dtype=jnp.float32) * 0.1,
        'episodes': jax.random.normal(ks[5], (N_SLOTS, EPS_PER_SLOT, D_MEM), dtype=jnp.float32) * 0.1,
        'Wg1': jax.random.normal(ks[6], (16, 3), dtype=jnp.float32) * 0.1,
        'bg1': jnp.zeros((16,), jnp.float32),
        'Wg2': jax.random.normal(ks[7], (1, 16), dtype=jnp.float32) * 0.1,
        'bg2': jnp.full((1,), 0.1, jnp.float32),
        'Wp': jnp.asarray(Wp), 'bp': jnp.zeros((PFC_DIM,), jnp.float32),
        'Wb1': jax.random.normal(ks[8], (8, 3), dtype=jnp.float32) * 0.1,
        'bb1': jnp.zeros((8,), jnp.float32),
        'Wb2': jax.random.normal(ks[9], (1, 8), dtype=jnp.float32) * 0.1,
        'bb2': jnp.zeros((1,), jnp.float32),
    }

def reference(activation_summary, pfc_state, td_error, prototypes, log_temperature,
              W1, b1, W2, b2, memory, episodes, Wg1, bg1, Wg2, bg2, Wp, bp,
              Wb1, bb1, Wb2, bb2):
    # _make_key: key_proj MLP over [activation; pfc]
    pfc_flat = pfc_state[0]
    combined = jnp.concatenate([activation_summary, pfc_flat])
    h = jax.nn.relu(W1 @ combined + b1)
    kvec = W2 @ h + b2
    # _match: cosine sims against prototypes, straight-through one-hot
    key_norm = _normalize(kvec[None, :])[0]
    proto_norm = _normalize(prototypes)
    sims = proto_norm @ key_norm
    temp = jnp.exp(log_temperature)
    soft = jax.nn.softmax(sims * temp)
    slot_idx = jnp.argmax(sims)
    hard = jax.nn.one_hot(slot_idx, N_SLOTS, dtype=soft.dtype)
    one_hot = hard - jax.lax.stop_gradient(soft) + soft
    ema_out = one_hot @ memory
    # _best_episode within the selected slot (buffer assumed full)
    slot_eps = episodes[slot_idx]
    stored_pfcs = slot_eps[:, :PFC_DIM]
    sims_ep = _normalize(stored_pfcs) @ _normalize(pfc_flat[None, :])[0]
    best_ep = jnp.argmax(sims_ep)
    ep_content = slot_eps[best_ep]
    ep_sim = jax.lax.stop_gradient(sims_ep[best_ep])  # torch.tensor(ep_sim) is detached
    td = jax.lax.stop_gradient(jnp.abs(td_error[0]))
    best_sim = sims[slot_idx]
    # blend_gate
    blend_in = jnp.stack([best_sim, ep_sim, td])
    ep_w = jax.nn.sigmoid(Wb2 @ jnp.tanh(Wb1 @ blend_in + bb1) + bb2)[0]
    read_out = (1.0 - ep_w) * ema_out + ep_w * ep_content
    # read_gate (reward_ema starts at 0.0)
    gate_in = jnp.stack([best_sim, td, jnp.zeros((), jnp.float32)])
    alpha = jnp.tanh(Wg2 @ jnp.tanh(Wg1 @ gate_in + bg1) + bg2)[0]
    # reinstate into PFC
    pfc_delta = Wp @ read_out + bp
    new_pfc = pfc_state + alpha * pfc_delta[None, :]
    return new_pfc

if __name__ == "__main__":
    import jax
    _d = setup_inputs()
    print(jax.jit(kernel)(*tuple(_d.values())))

</pallas_src>

<mosaic_0001>
#map = affine_map<(d0, d1) -> (0, 0)>
#map1 = affine_map<(d0, d1) -> (0)>
#map2 = affine_map<(d0, d1) -> (0, 0, 0)>
module attributes {stable_mosaic.version = 14 : i64} {
  func.func @_scan_body(%arg0: i32, %arg1: i32, %arg2: memref<8192x256xf32, #tpu.memory_space<hbm>>, %arg3: memref<256xf32, #tpu.memory_space<hbm>>, %arg4: memref<360448xf32, #tpu.memory_space<hbm>>, %arg5: memref<2883584xf32, #tpu.memory_space<hbm>>, %arg6: memref<32x16xf32, #tpu.memory_space<hbm>>, %arg7: memref<32x16xi32, #tpu.memory_space<hbm>>, %arg8: memref<32x48xf32, #tpu.memory_space<hbm>>, %arg9: memref<32x8x48xf32, #tpu.memory_space<hbm>>, %arg10: memref<256xf32, #tpu.memory_space<vmem>>, %arg11: memref<256xf32, #tpu.memory_space<vmem>>, %arg12: memref<2x64x256xf32, #tpu.memory_space<vmem>>, %arg13: memref<2x64xi32, #tpu.memory_space<vmem>>, %arg14: memref<27x16xi32, #tpu.memory_space<vmem>>, %arg15: memref<1x48xf32, #tpu.memory_space<vmem>>, %arg16: memref<1x8x48xf32, #tpu.memory_space<vmem>>, %arg17: memref<1x16xf32, #tpu.memory_space<vmem>>, %arg18: memref<1x16xi32, #tpu.memory_space<vmem>>, %arg19: memref<!tpu.dma_semaphore, #tpu.memory_space<semaphore_mem>>, %arg20: memref<!tpu.dma_semaphore, #tpu.memory_space<semaphore_mem>>, %arg21: memref<!tpu.dma_semaphore, #tpu.memory_space<semaphore_mem>>) attributes {dimension_semantics = [#tpu.dimension_semantics<core_parallel>, #tpu.dimension_semantics<subcore_parallel>], iteration_bounds = array<i64: 2, 16>, scalar_prefetch = 0 : i64, scratch_operands = 12 : i64, tpu.core_type = #tpu.core_type<sc_vector_subcore>, window_params = [{transform_indices = #map}, {transform_indices = #map1}, {transform_indices = #map1}, {transform_indices = #map1}, {transform_indices = #map}, {transform_indices = #map}, {transform_indices = #map}, {transform_indices = #map2}]} {
    %mul3A = arith.constant 16 : i32
    %mul3A_0 = arith.muli %arg0, %mul3A : i32
    %add3A = arith.addi %mul3A_0, %arg1 : i32
    %mul3A_1 = arith.constant 256 : i32
    %mul3A_2 = arith.muli %add3A, %mul3A_1 : i32
    "tpu.region"() ({
      %run_scoped3A = tpu.sem_alloc : memref<!tpu.dma_semaphore, #tpu.memory_space<semaphore_mem>>
      tpu.enqueue_dma source(%arg3 : memref<256xf32, #tpu.memory_space<hbm>>) target(%arg10 : memref<256xf32, #tpu.memory_space<vmem>>) target_semaphore(%run_scoped3A : memref<!tpu.dma_semaphore, #tpu.memory_space<semaphore_mem>>)
      tpu.wait_dma2 semaphore(%run_scoped3A : memref<!tpu.dma_semaphore, #tpu.memory_space<semaphore_mem>>) src(%arg3 : memref<256xf32, #tpu.memory_space<hbm>>) dst(%arg10 : memref<256xf32, #tpu.memory_space<vmem>>)
      tpu.yield
    }) : () -> ()
    %get3A = arith.constant 0 : index
    %get3A_3 = tpu.vector_load %arg10[%get3A] {strides = array<i32>} : memref<256xf32, #tpu.memory_space<vmem>>, vector<16xf32>,
    %max3A = arith.constant 0.000000e+00 : f32
    %max3A_4 = vector.broadcast %max3A : f32 to vector<16xf32>
    %max3A_5 = arith.maximumf %get3A_3, %max3A_4 : vector<16xf32>
    %swap3A = arith.constant 0 : index
    %swap3A_6 = tpu.vector_load %arg11[%swap3A] {strides = array<i32>} : memref<256xf32, #tpu.memory_space<vmem>>, vector<16xf32>,
    tpu.vector_store %arg11[%swap3A], %max3A_5 {strides = array<i32>} : memref<256xf32, #tpu.memory_space<vmem>>, vector<16xf32>,
    %get3A_7 = arith.constant 16 : index
    %get3A_8 = tpu.vector_load %arg10[%get3A_7] {strides = array<i32>} : memref<256xf32, #tpu.memory_space<vmem>>, vector<16xf32>,
    %max3A_9 = arith.constant 0.000000e+00 : f32
    %max3A_10 = vector.broadcast %max3A_9 : f32 to vector<16xf32>
    %max3A_11 = arith.maximumf %get3A_8, %max3A_10 : vector<16xf32>
    %swap3A_12 = arith.constant 16 : index
    %swap3A_13 = tpu.vector_load %arg11[%swap3A_12] {strides = array<i32>} : memref<256xf32, #tpu.memory_space<vmem>>, vector<16xf32>,
    tpu.vector_store %arg11[%swap3A_12], %max3A_11 {strides = array<i32>} : memref<256xf32, #tpu.memory_space<vmem>>, vector<16xf32>,
    %get3A_14 = arith.constant 32 : index
    %get3A_15 = tpu.vector_load %arg10[%get3A_14] {strides = array<i32>} : memref<256xf32, #tpu.memory_space<vmem>>, vector<16xf32>,
    %max3A_16 = arith.constant 0.000000e+00 : f32
    %max3A_17 = vector.broadcast %max3A_16 : f32 to vector<16xf32>
    %max3A_18 = arith.maximumf %get3A_15, %max3A_17 : vector<16xf32>
    %swap3A_19 = arith.constant 32 : index
    %swap3A_20 = tpu.vector_load %arg11[%swap3A_19] {strides = array<i32>} : memref<256xf32, #tpu.memory_space<vmem>>, vector<16xf32>,
    tpu.vector_store %arg11[%swap3A_19], %max3A_18 {strides = array<i32>} : memref<256xf32, #tpu.memory_space<vmem>>, vector<16xf32>,
    %get3A_21 = arith.constant 48 : index
    %get3A_22 = tpu.vector_load %arg10[%get3A_21] {strides = array<i32>} : memref<256xf32, #tpu.memory_space<vmem>>, vector<16xf32>,
    %max3A_23 = arith.constant 0.000000e+00 : f32
    %max3A_24 = vector.broadcast %max3A_23 : f32 to vector<16xf32>
    %max3A_25 = arith.maximumf %get3A_22, %max3A_24 : vector<16xf32>
    %swap3A_26 = arith.constant 48 : index
    %swap3A_27 = tpu.vector_load %arg11[%swap3A_26] {strides = array<i32>} : memref<256xf32, #tpu.memory_space<vmem>>, vector<16xf32>,
    tpu.vector_store %arg11[%swap3A_26], %max3A_25 {strides = array<i32>} : memref<256xf32, #tpu.memory_space<vmem>>, vector<16xf32>,
    %get3A_28 = arith.constant 64 : index
    %get3A_29 = tpu.vector_load %arg10[%get3A_28] {strides = array<i32>} : memref<256xf32, #tpu.memory_space<vmem>>, vector<16xf32>,
    %max3A_30 = arith.constant 0.000000e+00 : f32
    %max3A_31 = vector.broadcast %max3A_30 : f32 to vector<16xf32>
    %max3A_32 = arith.maximumf %get3A_29, %max3A_31 : vector<16xf32>
    %swap3A_33 = arith.constant 64 : index
    %swap3A_34 = tpu.vector_load %arg11[%swap3A_33] {strides = array<i32>} : memref<256xf32, #tpu.memory_space<vmem>>, vector<16xf32>,
    tpu.vector_store %arg11[%swap3A_33], %max3A_32 {strides = array<i32>} : memref<256xf32, #tpu.memory_space<vmem>>, vector<16xf32>,
    %get3A_35 = arith.constant 80 : index
    %get3A_36 = tpu.vector_load %arg10[%get3A_35] {strides = array<i32>} : memref<256xf32, #tpu.memory_space<vmem>>, vector<16xf32>,
    %max3A_37 = arith.constant 0.000000e+00 : f32
    %max3A_38 = vector.broadcast %max3A_37 : f32 to vector<16xf32>
    %max3A_39 = arith.maximumf %get3A_36, %max3A_38 : vector<16xf32>
    %swap3A_40 = arith.constant 80 : index
    %swap3A_41 = tpu.vector_load %arg11[%swap3A_40] {strides = array<i32>} : memref<256xf32, #tpu.memory_space<vmem>>, vector<16xf32>,
    tpu.vector_store %arg11[%swap3A_40], %max3A_39 {strides = array<i32>} : memref<256xf32, #tpu.memory_space<vmem>>, vector<16xf32>,
    %get3A_42 = arith.constant 96 : index
    %get3A_43 = tpu.vector_load %arg10[%get3A_42] {strides = array<i32>} : memref<256xf32, #tpu.memory_space<vmem>>, vector<16xf32>,
    %max3A_44 = arith.constant 0.000000e+00 : f32
    %max3A_45 = vector.broadcast %max3A_44 : f32 to vector<16xf32>
    %max3A_46 = arith.maximumf %get3A_43, %max3A_45 : vector<16xf32>
    %swap3A_47 = arith.constant 96 : index
    %swap3A_48 = tpu.vector_load %arg11[%swap3A_47] {strides = array<i32>} : memref<256xf32, #tpu.memory_space<vmem>>, vector<16xf32>,
    tpu.vector_store %arg11[%swap3A_47], %max3A_46 {strides = array<i32>} : memref<256xf32, #tpu.memory_space<vmem>>, vector<16xf32>,
    %get3A_49 = arith.constant 112 : index
    %get3A_50 = tpu.vector_load %arg10[%get3A_49] {strides = array<i32>} : memref<256xf32, #tpu.memory_space<vmem>>, vector<16xf32>,
    %max3A_51 = arith.constant 0.000000e+00 : f32
    %max3A_52 = vector.broadcast %max3A_51 : f32 to vector<16xf32>
    %max3A_53 = arith.maximumf %get3A_50, %max3A_52 : vector<16xf32>
    %swap3A_54 = arith.constant 112 : index
    %swap3A_55 = tpu.vector_load %arg11[%swap3A_54] {strides = array<i32>} : memref<256xf32, #tpu.memory_space<vmem>>, vector<16xf32>,
    tpu.vector_store %arg11[%swap3A_54], %max3A_53 {strides = array<i32>} : memref<256xf32, #tpu.memory_space<vmem>>, vector<16xf32>,
    %get3A_56 = arith.constant 128 : index
    %get3A_57 = tpu.vector_load %arg10[%get3A_56] {strides = array<i32>} : memref<256xf32, #tpu.memory_space<vmem>>, vector<16xf32>,
    %max3A_58 = arith.constant 0.000000e+00 : f32
    %max3A_59 = vector.broadcast %max3A_58 : f32 to vector<16xf32>
    %max3A_60 = arith.maximumf %get3A_57, %max3A_59 : vector<16xf32>
    %swap3A_61 = arith.constant 128 : index
    %swap3A_62 = tpu.vector_load %arg11[%swap3A_61] {strides = array<i32>} : memref<256xf32, #tpu.memory_space<vmem>>, vector<16xf32>,
    tpu.vector_store %arg11[%swap3A_61], %max3A_60 {strides = array<i32>} : memref<256xf32, #tpu.memory_space<vmem>>, vector<16xf32>,
    %get3A_63 = arith.constant 144 : index
    %get3A_64 = tpu.vector_load %arg10[%get3A_63] {strides = array<i32>} : memref<256xf32, #tpu.memory_space<vmem>>, vector<16xf32>,
    %max3A_65 = arith.constant 0.000000e+00 : f32
    %max3A_66 = vector.broadcast %max3A_65 : f32 to vector<16xf32>
    %max3A_67 = arith.maximumf %get3A_64, %max3A_66 : vector<16xf32>
    %swap3A_68 = arith.constant 144 : index
    %swap3A_69 = tpu.vector_load %arg11[%swap3A_68] {strides = array<i32>} : memref<256xf32, #tpu.memory_space<vmem>>, vector<16xf32>,
    tpu.vector_store %arg11[%swap3A_68], %max3A_67 {strides = array<i32>} : memref<256xf32, #tpu.memory_space<vmem>>, vector<16xf32>,
    %get3A_70 = arith.constant 160 : index
    %get3A_71 = tpu.vector_load %arg10[%get3A_70] {strides = array<i32>} : memref<256xf32, #tpu.memory_space<vmem>>, vector<16xf32>,
    %max3A_72 = arith.constant 0.000000e+00 : f32
    %max3A_73 = vector.broadcast %max3A_72 : f32 to vector<16xf32>
    %max3A_74 = arith.maximumf %get3A_71, %max3A_73 : vector<16xf32>
    %swap3A_75 = arith.constant 160 : index
    %swap3A_76 = tpu.vector_load %arg11[%swap3A_75] {strides = array<i32>} : memref<256xf32, #tpu.memory_space<vmem>>, vector<16xf32>,
    tpu.vector_store %arg11[%swap3A_75], %max3A_74 {strides = array<i32>} : memref<256xf32, #tpu.memory_space<vmem>>, vector<16xf32>,
    %get3A_77 = arith.constant 176 : index
    %get3A_78 = tpu.vector_load %arg10[%get3A_77] {strides = array<i32>} : memref<256xf32, #tpu.memory_space<vmem>>, vector<16xf32>,
    %max3A_79 = arith.constant 0.000000e+00 : f32
    %max3A_80 = vector.broadcast %max3A_79 : f32 to vector<16xf32>
    %max3A_81 = arith.maximumf %get3A_78, %max3A_80 : vector<16xf32>
    %swap3A_82 = arith.constant 176 : index
    %swap3A_83 = tpu.vector_load %arg11[%swap3A_82] {strides = array<i32>} : memref<256xf32, #tpu.memory_space<vmem>>, vector<16xf32>,
    tpu.vector_store %arg11[%swap3A_82], %max3A_81 {strides = array<i32>} : memref<256xf32, #tpu.memory_space<vmem>>, vector<16xf32>,
    %get3A_84 = arith.constant 192 : index
    %get3A_85 = tpu.vector_load %arg10[%get3A_84] {strides = array<i32>} : memref<256xf32, #tpu.memory_space<vmem>>, vector<16xf32>,
    %max3A_86 = arith.constant 0.000000e+00 : f32
    %max3A_87 = vector.broadcast %max3A_86 : f32 to vector<16xf32>
    %max3A_88 = arith.maximumf %get3A_85, %max3A_87 : vector<16xf32>
    %swap3A_89 = arith.constant 192 : index
    %swap3A_90 = tpu.vector_load %arg11[%swap3A_89] {strides = array<i32>} : memref<256xf32, #tpu.memory_space<vmem>>, vector<16xf32>,
    tpu.vector_store %arg11[%swap3A_89], %max3A_88 {strides = array<i32>} : memref<256xf32, #tpu.memory_space<vmem>>, vector<16xf32>,
    %get3A_91 = arith.constant 208 : index
    %get3A_92 = tpu.vector_load %arg10[%get3A_91] {strides = array<i32>} : memref<256xf32, #tpu.memory_space<vmem>>, vector<16xf32>,
    %max3A_93 = arith.constant 0.000000e+00 : f32
    %max3A_94 = vector.broadcast %max3A_93 : f32 to vector<16xf32>
    %max3A_95 = arith.maximumf %get3A_92, %max3A_94 : vector<16xf32>
    %swap3A_96 = arith.constant 208 : index
    %swap3A_97 = tpu.vector_load %arg11[%swap3A_96] {strides = array<i32>} : memref<256xf32, #tpu.memory_space<vmem>>, vector<16xf32>,
    tpu.vector_store %arg11[%swap3A_96], %max3A_95 {strides = array<i32>} : memref<256xf32, #tpu.memory_space<vmem>>, vector<16xf32>,
    %get3A_98 = arith.constant 224 : index
    %get3A_99 = tpu.vector_load %arg10[%get3A_98] {strides = array<i32>} : memref<256xf32, #tpu.memory_space<vmem>>, vector<16xf32>,
    %max3A_100 = arith.constant 0.000000e+00 : f32
    %max3A_101 = vector.broadcast %max3A_100 : f32 to vector<16xf32>
    %max3A_102 = arith.maximumf %get3A_99, %max3A_101 : vector<16xf32>
    %swap3A_103 = arith.constant 224 : index
    %swap3A_104 = tpu.vector_load %arg11[%swap3A_103] {strides = array<i32>} : memref<256xf32, #tpu.memory_space<vmem>>, vector<16xf32>,
    tpu.vector_store %arg11[%swap3A_103], %max3A_102 {strides = array<i32>} : memref<256xf32, #tpu.memory_space<vmem>>, vector<16xf32>,
    %get3A_105 = arith.constant 240 : index
    %get3A_106 = tpu.vector_load %arg10[%get3A_105] {strides = array<i32>} : memref<256xf32, #tpu.memory_space<vmem>>, vector<16xf32>,
    %max3A_107 = arith.constant 0.000000e+00 : f32
    %max3A_108 = vector.broadcast %max3A_107 : f32 to vector<16xf32>
    %max3A_109 = arith.maximumf %get3A_106, %max3A_108 : vector<16xf32>
    %swap3A_110 = arith.constant 240 : index
    %swap3A_111 = tpu.vector_load %arg11[%swap3A_110] {strides = array<i32>} : memref<256xf32, #tpu.memory_space<vmem>>, vector<16xf32>,
    tpu.vector_store %arg11[%swap3A_110], %max3A_109 {strides = array<i32>} : memref<256xf32, #tpu.memory_space<vmem>>, vector<16xf32>,
    %iota3A = tpu.iota {dimensions = array<i32: 0>} : vector<16xi32>
    %add3A_112 = arith.constant 0 : i32
    %add3A_113 = vector.broadcast %add3A_112 : i32 to vector<16xi32>
    %add3A_114 = arith.addi %iota3A, %add3A_113 : vector<16xi32>
    %add3A_115 = arith.constant 16 : i32
    %add3A_116 = vector.broadcast %add3A_115 : i32 to vector<16xi32>
    %add3A_117 = arith.addi %iota3A, %add3A_116 : vector<16xi32>
    %add3A_118 = arith.constant 32 : i32
    %add3A_119 = vector.broadcast %add3A_118 : i32 to vector<16xi32>
    %add3A_120 = arith.addi %iota3A, %add3A_119 : vector<16xi32>
    %add3A_121 = arith.constant 48 : i32
    %add3A_122 = vector.broadcast %add3A_121 : i32 to vector<16xi32>
    %add3A_123 = arith.addi %iota3A, %add3A_122 : vector<16xi32>
    %add3A_124 = arith.constant 0 : i32
    %add3A_125 = arith.addi %mul3A_2, %add3A_124 : i32
    %add3A_126 = arith.constant 0 : i32
    %add3A_127 = arith.addi %add3A_125, %add3A_126 : i32
    %add3A_128 = vector.broadcast %add3A_127 : i32 to vector<16xi32>
    %add3A_129 = arith.addi %add3A_128, %iota3A : vector<16xi32>
    %swap3A_130 = arith.constant 0 : i32
    %swap3A_131 = arith.index_cast %swap3A_130 : i32 to index
    %swap3A_132 = arith.constant 0 : index
    %swap3A_133 = tpu.vector_load %arg13[%swap3A_131, %swap3A_132] {strides = array<i32>} : memref<2x64xi32, #tpu.memory_space<vmem>>, vector<16xi32>,
    tpu.vector_store %arg13[%swap3A_131, %swap3A_132], %add3A_129 {strides = array<i32>} : memref<2x64xi32, #tpu.memory_space<vmem>>, vector<16xi32>,
    %add3A_134 = arith.constant 0 : i32
    %add3A_135 = arith.addi %mul3A_2, %add3A_134 : i32
    %add3A_136 = arith.constant 16 : i32
    %add3A_137 = arith.addi %add3A_135, %add3A_136 : i32
    %add3A_138 = vector.broadcast %add3A_137 : i32 to vector<16xi32>
    %add3A_139 = arith.addi %add3A_138, %iota3A : vector<16xi32>
    %swap3A_140 = arith.constant 0 : i32
    %swap3A_141 = arith.index_cast %swap3A_140 : i32 to index
    %swap3A_142 = arith.constant 16 : index
    %swap3A_143 = tpu.vector_load %arg13[%swap3A_141, %swap3A_142] {strides = array<i32>} : memref<2x64xi32, #tpu.memory_space<vmem>>, vector<16xi32>,
    tpu.vector_store %arg13[%swap3A_141, %swap3A_142], %add3A_139 {strides = array<i32>} : memref<2x64xi32, #tpu.memory_space<vmem>>, vector<16xi32>,
    %add3A_144 = arith.constant 0 : i32
    %add3A_145 = arith.addi %mul3A_2, %add3A_144 : i32
    %add3A_146 = arith.constant 32 : i32
    %add3A_147 = arith.addi %add3A_145, %add3A_146 : i32
    %add3A_148 = vector.broadcast %add3A_147 : i32 to vector<16xi32>
    %add3A_149 = arith.addi %add3A_148, %iota3A : vector<16xi32>
    %swap3A_150 = arith.constant 0 : i32
    %swap3A_151 = arith.index_cast %swap3A_150 : i32 to index
    %swap3A_152 = arith.constant 32 : index
    %swap3A_153 = tpu.vector_load %arg13[%swap3A_151, %swap3A_152] {strides = array<i32>} : memref<2x64xi32, #tpu.memory_space<vmem>>, vector<16xi32>,
    tpu.vector_store %arg13[%swap3A_151, %swap3A_152], %add3A_149 {strides = array<i32>} : memref<2x64xi32, #tpu.memory_space<vmem>>, vector<16xi32>,
    %add3A_154 = arith.constant 0 : i32
    %add3A_155 = arith.addi %mul3A_2, %add3A_154 : i32
    %add3A_156 = arith.constant 48 : i32
    %add3A_157 = arith.addi %add3A_155, %add3A_156 : i32
    %add3A_158 = vector.broadcast %add3A_157 : i32 to vector<16xi32>
    %add3A_159 = arith.addi %add3A_158, %iota3A : vector<16xi32>
    %swap3A_160 = arith.constant 0 : i32
    %swap3A_161 = arith.index_cast %swap3A_160 : i32 to index
    %swap3A_162 = arith.constant 48 : index
    %swap3A_163 = tpu.vector_load %arg13[%swap3A_161, %swap3A_162] {strides = array<i32>} : memref<2x64xi32, #tpu.memory_space<vmem>>, vector<16xi32>,
    tpu.vector_store %arg13[%swap3A_161, %swap3A_162], %add3A_159 {strides = array<i32>} : memref<2x64xi32, #tpu.memory_space<vmem>>, vector<16xi32>,
    %dma_start3A = arith.constant 0 : i32
    %dma_start3A_164 = arith.constant 0 : i32
    %dma_start3A_165 = arith.constant 0 : i32
    %dma_start3A_166 = arith.constant 0 : i32
    %dma_start3A_167 = tpu.memref_slice %arg12[%dma_start3A_164, %dma_start3A_165, %dma_start3A_166] : memref<2x64x256xf32, #tpu.memory_space<vmem>> -> memref<1x64x256xf32, #tpu.memory_space<vmem>>
    %dma_start3A_168 = tpu.memref_squeeze %dma_start3A_167 : memref<1x64x256xf32, #tpu.memory_space<vmem>> -> memref<64x256xf32, #tpu.memory_space<vmem>>
    %dma_start3A_169 = arith.constant 0 : i32
    %dma_start3A_170 = tpu.memref_slice %arg13[%dma_start3A, %dma_start3A_169] : memref<2x64xi32, #tpu.memory_space<vmem>> -> memref<1x64xi32, #tpu.memory_space<vmem>>
    %dma_start3A_171 = tpu.memref_squeeze %dma_start3A_170 : memref<1x64xi32, #tpu.memory_space<vmem>> -> memref<64xi32, #tpu.memory_space<vmem>>
    %dma_start3A_172 = arith.constant 0 : i32
    %dma_start3A_173 = arith.constant 0 : i32
    %dma_start3A_174 = tpu.memref_slice %arg2[%dma_start3A_172, %dma_start3A_173] : memref<8192x256xf32, #tpu.memory_space<hbm>> -> memref<8192x256xf32, #tpu.memory_space<hbm>>
    tpu.enqueue_indirect_dma source(%dma_start3A_174 : memref<8192x256xf32, #tpu.memory_space<hbm>>) target(%dma_start3A_168 : memref<64x256xf32, #tpu.memory_space<vmem>>) offsets(%dma_start3A_171 : memref<64xi32, #tpu.memory_space<vmem>>) semaphore(%arg19 : memref<!tpu.dma_semaphore, #tpu.memory_space<semaphore_mem>>)
    %broadcast_in_dim3A = arith.constant 0xFF800000 : f32
    %broadcast_in_dim3A_175 = vector.broadcast %broadcast_in_dim3A : f32 to vector<16xf32>
    %broadcast_in_dim3A_176 = arith.constant 0 : i32
    %broadcast_in_dim3A_177 = vector.broadcast %broadcast_in_dim3A_176 : i32 to vector<16xi32>
    %add3A_178 = arith.constant 64 : i32
    %add3A_179 = arith.addi %mul3A_2, %add3A_178 : i32
    %add3A_180 = arith.constant 0 : i32
    %add3A_181 = arith.addi %add3A_179, %add3A_180 : i32
    %add3A_182 = vector.broadcast %add3A_181 : i32 to vector<16xi32>
    %add3A_183 = arith.addi %add3A_182, %iota3A : vector<16xi32>
    %swap3A_184 = arith.constant 1 : i32
    %swap3A_185 = arith.index_cast %swap3A_184 : i32 to index
    %swap3A_186 = arith.constant 0 : index
    %swap3A_187 = tpu.vector_load %arg13[%swap3A_185, %swap3A_186] {strides = array<i32>} : memref<2x64xi32, #tpu.memory_space<vmem>>, vector<16xi32>,
    tpu.vector_store %arg13[%swap3A_185, %swap3A_186], %add3A_183 {strides = array<i32>} : memref<2x64xi32, #tpu.memory_space<vmem>>, vector<16xi32>,
    %add3A_188 = arith.constant 64 : i32
    %add3A_189 = arith.addi %mul3A_2, %add3A_188 : i32
    %add3A_190 = arith.constant 16 : i32
    %add3A_191 = arith.addi %add3A_189, %add3A_190 : i32
    %add3A_192 = vector.broadcast %add3A_191 : i32 to vector<16xi32>
    %add3A_193 = arith.addi %add3A_192, %iota3A : vector<16xi32>
    %swap3A_194 = arith.constant 1 : i32
    %swap3A_195 = arith.index_cast %swap3A_194 : i32 to index
    %swap3A_196 = arith.constant 16 : index
    %swap3A_197 = tpu.vector_load %arg13[%swap3A_195, %swap3A_196] {strides = array<i32>} : memref<2x64xi32, #tpu.memory_space<vmem>>, vector<16xi32>,
    tpu.vector_store %arg13[%swap3A_195, %swap3A_196], %add3A_193 {strides = array<i32>} : memref<2x64xi32, #tpu.memory_space<vmem>>, vector<16xi32>,
    %add3A_198 = arith.constant 64 : i32
    %add3A_199 = arith.addi %mul3A_2, %add3A_198 : i32
    %add3A_200 = arith.constant 32 : i32
    %add3A_201 = arith.addi %add3A_199, %add3A_200 : i32
    %add3A_202 = vector.broadcast %add3A_201 : i32 to vector<16xi32>
    %add3A_203 = arith.addi %add3A_202, %iota3A : vector<16xi32>
    %swap3A_204 = arith.constant 1 : i32
    %swap3A_205 = arith.index_cast %swap3A_204 : i32 to index
    %swap3A_206 = arith.constant 32 : index
    %swap3A_207 = tpu.vector_load %arg13[%swap3A_205, %swap3A_206] {strides = array<i32>} : memref<2x64xi32, #tpu.memory_space<vmem>>, vector<16xi32>,
    tpu.vector_store %arg13[%swap3A_205, %swap3A_206], %add3A_203 {strides = array<i32>} : memref<2x64xi32, #tpu.memory_space<vmem>>, vector<16xi32>,
    %add3A_208 = arith.constant 64 : i32
    %add3A_209 = arith.addi %mul3A_2, %add3A_208 : i32
    %add3A_210 = arith.constant 48 : i32
    %add3A_211 = arith.addi %add3A_209, %add3A_210 : i32
    %add3A_212 = vector.broadcast %add3A_211 : i32 to vector<16xi32>
    %add3A_213 = arith.addi %add3A_212, %iota3A : vector<16xi32>
    %swap3A_214 = arith.constant 1 : i32
    %swap3A_215 = arith.index_cast %swap3A_214 : i32 to index
    %swap3A_216 = arith.constant 48 : index
    %swap3A_217 = tpu.vector_load %arg13[%swap3A_215, %swap3A_216] {strides = array<i32>} : memref<2x64xi32, #tpu.memory_space<vmem>>, vector<16xi32>,
    tpu.vector_store %arg13[%swap3A_215, %swap3A_216], %add3A_213 {strides = array<i32>} : memref<2x64xi32, #tpu.memory_space<vmem>>, vector<16xi32>,
    %dma_start3A_218 = arith.constant 1 : i32
    %dma_start3A_219 = arith.constant 1 : i32
    %dma_start3A_220 = arith.constant 0 : i32
    %dma_start3A_221 = arith.constant 0 : i32
    %dma_start3A_222 = tpu.memref_slice %arg12[%dma_start3A_219, %dma_start3A_220, %dma_start3A_221] : memref<2x64x256xf32, #tpu.memory_space<vmem>> -> memref<1x64x256xf32, #tpu.memory_space<vmem>>
    %dma_start3A_223 = tpu.memref_squeeze %dma_start3A_222 : memref<1x64x256xf32, #tpu.memory_space<vmem>> -> memref<64x256xf32, #tpu.memory_space<vmem>>
    %dma_start3A_224 = arith.constant 0 : i32
    %dma_start3A_225 = tpu.memref_slice %arg13[%dma_start3A_218, %dma_start3A_224] : memref<2x64xi32, #tpu.memory_space<vmem>> -> memref<1x64xi32, #tpu.memory_space<vmem>>
    %dma_start3A_226 = tpu.memref_squeeze %dma_start3A_225 : memref<1x64xi32, #tpu.memory_space<vmem>> -> memref<64xi32, #tpu.memory_space<vmem>>
    %dma_start3A_227 = arith.constant 0 : i32
    %dma_start3A_228 = arith.constant 0 : i32
    %dma_start3A_229 = tpu.memref_slice %arg2[%dma_start3A_227, %dma_start3A_228] : memref<8192x256xf32, #tpu.memory_space<hbm>> -> memref<8192x256xf32, #tpu.memory_space<hbm>>
    tpu.enqueue_indirect_dma source(%dma_start3A_229 : memref<8192x256xf32, #tpu.memory_space<hbm>>) target(%dma_start3A_223 : memref<64x256xf32, #tpu.memory_space<vmem>>) offsets(%dma_start3A_226 : memref<64xi32, #tpu.memory_space<vmem>>) semaphore(%arg20 : memref<!tpu.dma_semaphore, #tpu.memory_space<semaphore_mem>>)
    %dma_wait3A = arith.constant 0 : i32
    %dma_wait3A_230 = arith.constant 0 : i32
    %dma_wait3A_231 = arith.constant 0 : i32
    %dma_wait3A_232 = arith.constant 0 : i32
    %dma_wait3A_233 = tpu.memref_slice %arg12[%dma_wait3A_230, %dma_wait3A_231, %dma_wait3A_232] : memref<2x64x256xf32, #tpu.memory_space<vmem>> -> memref<1x64x256xf32, #tpu.memory_space<vmem>>
    %dma_wait3A_234 = tpu.memref_squeeze %dma_wait3A_233 : memref<1x64x256xf32, #tpu.memory_space<vmem>> -> memref<64x256xf32, #tpu.memory_space<vmem>>
    %dma_wait3A_235 = arith.constant 0 : i32
    %dma_wait3A_236 = tpu.memref_slice %arg13[%dma_wait3A, %dma_wait3A_235] : memref<2x64xi32, #tpu.memory_space<vmem>> -> memref<1x64xi32, #tpu.memory_space<vmem>>
    %dma_wait3A_237 = tpu.memref_squeeze %dma_wait3A_236 : memref<1x64xi32, #tpu.memory_space<vmem>> -> memref<64xi32, #tpu.memory_space<vmem>>
    %dma_wait3A_238 = arith.constant 0 : i32
    %dma_wait3A_239 = arith.constant 0 : i32
    %dma_wait3A_240 = tpu.memref_slice %arg2[%dma_wait3A_238, %dma_wait3A_239] : memref<8192x256xf32, #tpu.memory_space<hbm>> -> memref<8192x256xf32, #tpu.memory_space<hbm>>
    tpu.wait_indirect_dma semaphore(%arg19 : memref<!tpu.dma_semaphore, #tpu.memory_space<semaphore_mem>>) src(%dma_wait3A_240 : memref<8192x256xf32, #tpu.memory_space<hbm>>) dst(%dma_wait3A_234 : memref<64x256xf32, #tpu.memory_space<vmem>>)
    %broadcast_in_dim3A_241 = arith.constant 0.000000e+00 : f32
    %broadcast_in_dim3A_242 = vector.broadcast %broadcast_in_dim3A_241 : f32 to vector<16xf32>
    %parallel_loop3A = arith.constant 0 : i32
    %parallel_loop3A_243 = arith.constant 256 : i32
    %parallel_loop3A_244 = arith.constant 1 : i32
    %parallel_loop3A_245 = arith.constant 0 : i32
    %parallel_loop3A_246:8 = scf.for %parallel_loop3A_1594 = %parallel_loop3A to %parallel_loop3A_243 step %parallel_loop3A_244 iter_args(%parallel_loop3A_1595 = %broadcast_in_dim3A_242, %parallel_loop3A_1596 = %broadcast_in_dim3A_242, %parallel_loop3A_1597 = %broadcast_in_dim3A_242, %parallel_loop3A_1598 = %broadcast_in_dim3A_242, %parallel_loop3A_1599 = %broadcast_in_dim3A_242, %parallel_loop3A_1600 = %broadcast_in_dim3A_242, %parallel_loop3A_1601 = %broadcast_in_dim3A_242, %parallel_loop3A_1602 = %broadcast_in_dim3A_242) -> (vector<16xf32>, vector<16xf32>, vector<16xf32>, vector<16xf32>, vector<16xf32>, vector<16xf32>, vector<16xf32>, vector<16xf32>)  : i32 {
      %parallel_loop3A_1603 = vector.broadcast %parallel_loop3A_1594 : i32 to vector<16xi32>
      %parallel_loop3A_1604 = tpu.vector_load_idx %arg11[%parallel_loop3A_1603] : memref<256xf32, #tpu.memory_space<vmem>>[vector<16xi32>], vector<16xf32>,
      %parallel_loop3A_1605 = arith.constant 0 : i32
      %parallel_loop3A_1606 = arith.constant 0 : i32
      %parallel_loop3A_1607 = tpu.memref_slice %arg12[%parallel_loop3A_245, %parallel_loop3A_1605, %parallel_loop3A_1606] : memref<2x64x256xf32, #tpu.memory_space<vmem>> -> memref<1x64x256xf32, #tpu.memory_space<vmem>>
      %parallel_loop3A_1608 = tpu.memref_squeeze %parallel_loop3A_1607 : memref<1x64x256xf32, #tpu.memory_space<vmem>> -> memref<64x256xf32, #tpu.memory_space<vmem>>
      %parallel_loop3A_1609 = tpu.vector_load_idx %parallel_loop3A_1608[%add3A_114, %parallel_loop3A_1603] : memref<64x256xf32, #tpu.memory_space<vmem>>[vector<16xi32>, vector<16xi32>], vector<16xf32>,
      %parallel_loop3A_1610 = arith.mulf %parallel_loop3A_1609, %parallel_loop3A_1604 : vector<16xf32>
      %parallel_loop3A_1611 = arith.addf %parallel_loop3A_1595, %parallel_loop3A_1610 : vector<16xf32>
      %parallel_loop3A_1612 = arith.mulf %parallel_loop3A_1609, %parallel_loop3A_1609 : vector<16xf32>
      %parallel_loop3A_1613 = arith.addf %parallel_loop3A_1596, %parallel_loop3A_1612 : vector<16xf32>
      %parallel_loop3A_1614 = arith.constant 0 : i32
      %parallel_loop3A_1615 = arith.constant 0 : i32
      %parallel_loop3A_1616 = tpu.memref_slice %arg12[%parallel_loop3A_245, %parallel_loop3A_1614, %parallel_loop3A_1615] : memref<2x64x256xf32, #tpu.memory_space<vmem>> -> memref<1x64x256xf32, #tpu.memory_space<vmem>>
      %parallel_loop3A_1617 = tpu.memref_squeeze %parallel_loop3A_1616 : memref<1x64x256xf32, #tpu.memory_space<vmem>> -> memref<64x256xf32, #tpu.memory_space<vmem>>
      %parallel_loop3A_1618 = tpu.vector_load_idx %parallel_loop3A_1617[%add3A_117, %parallel_loop3A_1603] : memref<64x256xf32, #tpu.memory_space<vmem>>[vector<16xi32>, vector<16xi32>], vector<16xf32>,
      %parallel_loop3A_1619 = arith.mulf %parallel_loop3A_1618, %parallel_loop3A_1604 : vector<16xf32>
      %parallel_loop3A_1620 = arith.addf %parallel_loop3A_1597, %parallel_loop3A_1619 : vector<16xf32>
      %parallel_loop3A_1621 = arith.mulf %parallel_loop3A_1618, %parallel_loop3A_1618 : vector<16xf32>
      %parallel_loop3A_1622 = arith.addf %parallel_loop3A_1598, %parallel_loop3A_1621 : vector<16xf32>
      %parallel_loop3A_1623 = arith.constant 0 : i32
      %parallel_loop3A_1624 = arith.constant 0 : i32
      %parallel_loop3A_1625 = tpu.memref_slice %arg12[%parallel_loop3A_245, %parallel_loop3A_1623, %parallel_loop3A_1624] : memref<2x64x256xf32, #tpu.memory_space<vmem>> -> memref<1x64x256xf32, #tpu.memory_space<vmem>>
      %parallel_loop3A_1626 = tpu.memref_squeeze %parallel_loop3A_1625 : memref<1x64x256xf32, #tpu.memory_space<vmem>> -> memref<64x256xf32, #tpu.memory_space<vmem>>
      %parallel_loop3A_1627 = tpu.vector_load_idx %parallel_loop3A_1626[%add3A_120, %parallel_loop3A_1603] : memref<64x256xf32, #tpu.memory_space<vmem>>[vector<16xi32>, vector<16xi32>], vector<16xf32>,
      %parallel_loop3A_1628 = arith.mulf %parallel_loop3A_1627, %parallel_loop3A_1604 : vector<16xf32>
      %parallel_loop3A_1629 = arith.addf %parallel_loop3A_1599, %parallel_loop3A_1628 : vector<16xf32>
      %parallel_loop3A_1630 = arith.mulf %parallel_loop3A_1627, %parallel_loop3A_1627 : vector<16xf32>
      %parallel_loop3A_1631 = arith.addf %parallel_loop3A_1600, %parallel_loop3A_1630 : vector<16xf32>
      %parallel_loop3A_1632 = arith.constant 0 : i32
      %parallel_loop3A_1633 = arith.constant 0 : i32
      %parallel_loop3A_1634 = tpu.memref_slice %arg12[%parallel_loop3A_245, %parallel_loop3A_1632, %parallel_loop3A_1633] : memref<2x64x256xf32, #tpu.memory_space<vmem>> -> memref<1x64x256xf32, #tpu.memory_space<vmem>>
      %parallel_loop3A_1635 = tpu.memref_squeeze %parallel_loop3A_1634 : memref<1x64x256xf32, #tpu.memory_space<vmem>> -> memref<64x256xf32, #tpu.memory_space<vmem>>
      %parallel_loop3A_1636 = tpu.vector_load_idx %parallel_loop3A_1635[%add3A_123, %parallel_loop3A_1603] : memref<64x256xf32, #tpu.memory_space<vmem>>[vector<16xi32>, vector<16xi32>], vector<16xf32>,
      %parallel_loop3A_1637 = arith.mulf %parallel_loop3A_1636, %parallel_loop3A_1604 : vector<16xf32>
      %parallel_loop3A_1638 = arith.addf %parallel_loop3A_1601, %parallel_loop3A_1637 : vector<16xf32>
      %parallel_loop3A_1639 = arith.mulf %parallel_loop3A_1636, %parallel_loop3A_1636 : vector<16xf32>
      %parallel_loop3A_1640 = arith.addf %parallel_loop3A_1602, %parallel_loop3A_1639 : vector<16xf32>
      scf.yield %parallel_loop3A_1611, %parallel_loop3A_1613, %parallel_loop3A_1620, %parallel_loop3A_1622, %parallel_loop3A_1629, %parallel_loop3A_1631, %parallel_loop3A_1638, %parallel_loop3A_1640 : vector<16xf32>, vector<16xf32>, vector<16xf32>, vector<16xf32>, vector<16xf32>, vector<16xf32>, vector<16xf32>, vector<16xf32>
    } {sc.loop_unroll_factor = 8 : i64, sc.parallel_access}
    %abs3A = math.absf %parallel_loop3A_246#0 : vector<16xf32>
    %mul3A_247 = arith.mulf %parallel_loop3A_246#0, %abs3A : vector<16xf32>
    %max3A_248 = arith.constant 1.000000e-24 : f32
    %max3A_249 = vector.broadcast %max3A_248 : f32 to vector<16xf32>
    %max3A_250 = arith.maximumf %parallel_loop3A_246#1, %max3A_249 : vector<16xf32>
    %div3A = arith.divf %mul3A_247, %max3A_250 : vector<16xf32>
    %add3A_251 = arith.constant 0 : i32
    %add3A_252 = arith.addi %mul3A_2, %add3A_251 : i32
    %add3A_253 = arith.constant 0 : i32
    %add3A_254 = arith.addi %add3A_252, %add3A_253 : i32
    %add3A_255 = vector.broadcast %add3A_254 : i32 to vector<16xi32>
    %add3A_256 = arith.addi %add3A_255, %iota3A : vector<16xi32>
    %gt3A = arith.cmpf ogt, %div3A, %broadcast_in_dim3A_175 : vector<16xf32>
    %select_n3A = arith.select %gt3A, %div3A, %broadcast_in_dim3A_175 : vector<16xi1>, vector<16xf32>
    %select_n3A_257 = arith.select %gt3A, %add3A_256, %broadcast_in_dim3A_177 : vector<16xi1>, vector<16xi32>
    %abs3A_258 = math.absf %parallel_loop3A_246#2 : vector<16xf32>
    %mul3A_259 = arith.mulf %parallel_loop3A_246#2, %abs3A_258 : vector<16xf32>
    %max3A_260 = arith.constant 1.000000e-24 : f32
    %max3A_261 = vector.broadcast %max3A_260 : f32 to vector<16xf32>
    %max3A_262 = arith.maximumf %parallel_loop3A_246#3, %max3A_261 : vector<16xf32>
    %div3A_263 = arith.divf %mul3A_259, %max3A_262 : vector<16xf32>
    %add3A_264 = arith.constant 0 : i32
    %add3A_265 = arith.addi %mul3A_2, %add3A_264 : i32
    %add3A_266 = arith.constant 16 : i32
    %add3A_267 = arith.addi %add3A_265, %add3A_266 : i32
    %add3A_268 = vector.broadcast %add3A_267 : i32 to vector<16xi32>
    %add3A_269 = arith.addi %add3A_268, %iota3A : vector<16xi32>
    %gt3A_270 = arith.cmpf ogt, %div3A_263, %select_n3A : vector<16xf32>
    %select_n3A_271 = arith.select %gt3A_270, %div3A_263, %select_n3A : vector<16xi1>, vector<16xf32>
    %select_n3A_272 = arith.select %gt3A_270, %add3A_269, %select_n3A_257 : vector<16xi1>, vector<16xi32>
    %abs3A_273 = math.absf %parallel_loop3A_246#4 : vector<16xf32>
    %mul3A_274 = arith.mulf %parallel_loop3A_246#4, %abs3A_273 : vector<16xf32>
    %max3A_275 = arith.constant 1.000000e-24 : f32
    %max3A_276 = vector.broadcast %max3A_275 : f32 to vector<16xf32>
    %max3A_277 = arith.maximumf %parallel_loop3A_246#5, %max3A_276 : vector<16xf32>
    %div3A_278 = arith.divf %mul3A_274, %max3A_277 : vector<16xf32>
    %add3A_279 = arith.constant 0 : i32
    %add3A_280 = arith.addi %mul3A_2, %add3A_279 : i32
    %add3A_281 = arith.constant 32 : i32
    %add3A_282 = arith.addi %add3A_280, %add3A_281 : i32
    %add3A_283 = vector.broadcast %add3A_282 : i32 to vector<16xi32>
    %add3A_284 = arith.addi %add3A_283, %iota3A : vector<16xi32>
    %gt3A_285 = arith.cmpf ogt, %div3A_278, %select_n3A_271 : vector<16xf32>
    %select_n3A_286 = arith.select %gt3A_285, %div3A_278, %select_n3A_271 : vector<16xi1>, vector<16xf32>
    %select_n3A_287 = arith.select %gt3A_285, %add3A_284, %select_n3A_272 : vector<16xi1>, vector<16xi32>
    %abs3A_288 = math.absf %parallel_loop3A_246#6 : vector<16xf32>
    %mul3A_289 = arith.mulf %parallel_loop3A_246#6, %abs3A_288 : vector<16xf32>
    %max3A_290 = arith.constant 1.000000e-24 : f32
    %max3A_291 = vector.broadcast %max3A_290 : f32 to vector<16xf32>
    %max3A_292 = arith.maximumf %parallel_loop3A_246#7, %max3A_291 : vector<16xf32>
    %div3A_293 = arith.divf %mul3A_289, %max3A_292 : vector<16xf32>
    %add3A_294 = arith.constant 0 : i32
    %add3A_295 = arith.addi %mul3A_2, %add3A_294 : i32
    %add3A_296 = arith.constant 48 : i32
    %add3A_297 = arith.addi %add3A_295, %add3A_296 : i32
    %add3A_298 = vector.broadcast %add3A_297 : i32 to vector<16xi32>
    %add3A_299 = arith.addi %add3A_298, %iota3A : vector<16xi32>
    %gt3A_300 = arith.cmpf ogt, %div3A_293, %select_n3A_286 : vector<16xf32>
    %select_n3A_301 = arith.select %gt3A_300, %div3A_293, %select_n3A_286 : vector<16xi1>, vector<16xf32>
    %select_n3A_302 = arith.select %gt3A_300, %add3A_299, %select_n3A_287 : vector<16xi1>, vector<16xi32>
    %add3A_303 = arith.constant 128 : i32
    %add3A_304 = arith.addi %mul3A_2, %add3A_303 : i32
    %add3A_305 = arith.constant 0 : i32
    %add3A_306 = arith.addi %add3A_304, %add3A_305 : i32
    %add3A_307 = vector.broadcast %add3A_306 : i32 to vector<16xi32>
    %add3A_308 = arith.addi %add3A_307, %iota3A : vector<16xi32>
    %swap3A_309 = arith.constant 0 : i32
    %swap3A_310 = arith.index_cast %swap3A_309 : i32 to index
    %swap3A_311 = arith.constant 0 : index
    %swap3A_312 = tpu.vector_load %arg13[%swap3A_310, %swap3A_311] {strides = array<i32>} : memref<2x64xi32, #tpu.memory_space<vmem>>, vector<16xi32>,
    tpu.vector_store %arg13[%swap3A_310, %swap3A_311], %add3A_308 {strides = array<i32>} : memref<2x64xi32, #tpu.memory_space<vmem>>, vector<16xi32>,
    %add3A_313 = arith.constant 128 : i32
    %add3A_314 = arith.addi %mul3A_2, %add3A_313 : i32
    %add3A_315 = arith.constant 16 : i32
    %add3A_316 = arith.addi %add3A_314, %add3A_315 : i32
    %add3A_317 = vector.broadcast %add3A_316 : i32 to vector<16xi32>
    %add3A_318 = arith.addi %add3A_317, %iota3A : vector<16xi32>
    %swap3A_319 = arith.constant 0 : i32
    %swap3A_320 = arith.index_cast %swap3A_319 : i32 to index
    %swap3A_321 = arith.constant 16 : index
    %swap3A_322 = tpu.vector_load %arg13[%swap3A_320, %swap3A_321] {strides = array<i32>} : memref<2x64xi32, #tpu.memory_space<vmem>>, vector<16xi32>,
    tpu.vector_store %arg13[%swap3A_320, %swap3A_321], %add3A_318 {strides = array<i32>} : memref<2x64xi32, #tpu.memory_space<vmem>>, vector<16xi32>,
    %add3A_323 = arith.constant 128 : i32
    %add3A_324 = arith.addi %mul3A_2, %add3A_323 : i32
    %add3A_325 = arith.constant 32 : i32
    %add3A_326 = arith.addi %add3A_324, %add3A_325 : i32
    %add3A_327 = vector.broadcast %add3A_326 : i32 to vector<16xi32>
    %add3A_328 = arith.addi %add3A_327, %iota3A : vector<16xi32>
    %swap3A_329 = arith.constant 0 : i32
    %swap3A_330 = arith.index_cast %swap3A_329 : i32 to index
    %swap3A_331 = arith.constant 32 : index
    %swap3A_332 = tpu.vector_load %arg13[%swap3A_330, %swap3A_331] {strides = array<i32>} : memref<2x64xi32, #tpu.memory_space<vmem>>, vector<16xi32>,
    tpu.vector_store %arg13[%swap3A_330, %swap3A_331], %add3A_328 {strides = array<i32>} : memref<2x64xi32, #tpu.memory_space<vmem>>, vector<16xi32>,
    %add3A_333 = arith.constant 128 : i32
    %add3A_334 = arith.addi %mul3A_2, %add3A_333 : i32
    %add3A_335 = arith.constant 48 : i32
    %add3A_336 = arith.addi %add3A_334, %add3A_335 : i32
    %add3A_337 = vector.broadcast %add3A_336 : i32 to vector<16xi32>
    %add3A_338 = arith.addi %add3A_337, %iota3A : vector<16xi32>
    %swap3A_339 = arith.constant 0 : i32
    %swap3A_340 = arith.index_cast %swap3A_339 : i32 to index
    %swap3A_341 = arith.constant 48 : index
    %swap3A_342 = tpu.vector_load %arg13[%swap3A_340, %swap3A_341] {strides = array<i32>} : memref<2x64xi32, #tpu.memory_space<vmem>>, vector<16xi32>,
    tpu.vector_store %arg13[%swap3A_340, %swap3A_341], %add3A_338 {strides = array<i32>} : memref<2x64xi32, #tpu.memory_space<vmem>>, vector<16xi32>,
    %dma_start3A_343 = arith.constant 0 : i32
    %dma_start3A_344 = arith.constant 0 : i32
    %dma_start3A_345 = arith.constant 0 : i32
    %dma_start3A_346 = arith.constant 0 : i32
    %dma_start3A_347 = tpu.memref_slice %arg12[%dma_start3A_344, %dma_start3A_345, %dma_start3A_346] : memref<2x64x256xf32, #tpu.memory_space<vmem>> -> memref<1x64x256xf32, #tpu.memory_space<vmem>>
    %dma_start3A_348 = tpu.memref_squeeze %dma_start3A_347 : memref<1x64x256xf32, #tpu.memory_space<vmem>> -> memref<64x256xf32, #tpu.memory_space<vmem>>
    %dma_start3A_349 = arith.constant 0 : i32
    %dma_start3A_350 = tpu.memref_slice %arg13[%dma_start3A_343, %dma_start3A_349] : memref<2x64xi32, #tpu.memory_space<vmem>> -> memref<1x64xi32, #tpu.memory_space<vmem>>
    %dma_start3A_351 = tpu.memref_squeeze %dma_start3A_350 : memref<1x64xi32, #tpu.memory_space<vmem>> -> memref<64xi32, #tpu.memory_space<vmem>>
    %dma_start3A_352 = arith.constant 0 : i32
    %dma_start3A_353 = arith.constant 0 : i32
    %dma_start3A_354 = tpu.memref_slice %arg2[%dma_start3A_352, %dma_start3A_353] : memref<8192x256xf32, #tpu.memory_space<hbm>> -> memref<8192x256xf32, #tpu.memory_space<hbm>>
    tpu.enqueue_indirect_dma source(%dma_start3A_354 : memref<8192x256xf32, #tpu.memory_space<hbm>>) target(%dma_start3A_348 : memref<64x256xf32, #tpu.memory_space<vmem>>) offsets(%dma_start3A_351 : memref<64xi32, #tpu.memory_space<vmem>>) semaphore(%arg19 : memref<!tpu.dma_semaphore, #tpu.memory_space<semaphore_mem>>)
    %dma_wait3A_355 = arith.constant 1 : i32
    %dma_wait3A_356 = arith.constant 1 : i32
    %dma_wait3A_357 = arith.constant 0 : i32
    %dma_wait3A_358 = arith.constant 0 : i32
    %dma_wait3A_359 = tpu.memref_slice %arg12[%dma_wait3A_356, %dma_wait3A_357, %dma_wait3A_358] : memref<2x64x256xf32, #tpu.memory_space<vmem>> -> memref<1x64x256xf32, #tpu.memory_space<vmem>>
    %dma_wait3A_360 = tpu.memref_squeeze %dma_wait3A_359 : memref<1x64x256xf32, #tpu.memory_space<vmem>> -> memref<64x256xf32, #tpu.memory_space<vmem>>
    %dma_wait3A_361 = arith.constant 0 : i32
    %dma_wait3A_362 = tpu.memref_slice %arg13[%dma_wait3A_355, %dma_wait3A_361] : memref<2x64xi32, #tpu.memory_space<vmem>> -> memref<1x64xi32, #tpu.memory_space<vmem>>
    %dma_wait3A_363 = tpu.memref_squeeze %dma_wait3A_362 : memref<1x64xi32, #tpu.memory_space<vmem>> -> memref<64xi32, #tpu.memory_space<vmem>>
    %dma_wait3A_364 = arith.constant 0 : i32
    %dma_wait3A_365 = arith.constant 0 : i32
    %dma_wait3A_366 = tpu.memref_slice %arg2[%dma_wait3A_364, %dma_wait3A_365] : memref<8192x256xf32, #tpu.memory_space<hbm>> -> memref<8192x256xf32, #tpu.memory_space<hbm>>
    tpu.wait_indirect_dma semaphore(%arg20 : memref<!tpu.dma_semaphore, #tpu.memory_space<semaphore_mem>>) src(%dma_wait3A_366 : memref<8192x256xf32, #tpu.memory_space<hbm>>) dst(%dma_wait3A_360 : memref<64x256xf32, #tpu.memory_space<vmem>>)
    %broadcast_in_dim3A_367 = arith.constant 0.000000e+00 : f32
    %broadcast_in_dim3A_368 = vector.broadcast %broadcast_in_dim3A_367 : f32 to vector<16xf32>
    %parallel_loop3A_369 = arith.constant 0 : i32
    %parallel_loop3A_370 = arith.constant 256 : i32
    %parallel_loop3A_371 = arith.constant 1 : i32
    %parallel_loop3A_372 = arith.constant 1 : i32
    %parallel_loop3A_373:8 = scf.for %parallel_loop3A_1594 = %parallel_loop3A_369 to %parallel_loop3A_370 step %parallel_loop3A_371 iter_args(%parallel_loop3A_1595 = %broadcast_in_dim3A_368, %parallel_loop3A_1596 = %broadcast_in_dim3A_368, %parallel_loop3A_1597 = %broadcast_in_dim3A_368, %parallel_loop3A_1598 = %broadcast_in_dim3A_368, %parallel_loop3A_1599 = %broadcast_in_dim3A_368, %parallel_loop3A_1600 = %broadcast_in_dim3A_368, %parallel_loop3A_1601 = %broadcast_in_dim3A_368, %parallel_loop3A_1602 = %broadcast_in_dim3A_368) -> (vector<16xf32>, vector<16xf32>, vector<16xf32>, vector<16xf32>, vector<16xf32>, vector<16xf32>, vector<16xf32>, vector<16xf32>)  : i32 {
      %parallel_loop3A_1603 = vector.broadcast %parallel_loop3A_1594 : i32 to vector<16xi32>
      %parallel_loop3A_1604 = tpu.vector_load_idx %arg11[%parallel_loop3A_1603] : memref<256xf32, #tpu.memory_space<vmem>>[vector<16xi32>], vector<16xf32>,
      %parallel_loop3A_1605 = arith.constant 0 : i32
      %parallel_loop3A_1606 = arith.constant 0 : i32
      %parallel_loop3A_1607 = tpu.memref_slice %arg12[%parallel_loop3A_372, %parallel_loop3A_1605, %parallel_loop3A_1606] : memref<2x64x256xf32, #tpu.memory_space<vmem>> -> memref<1x64x256xf32, #tpu.memory_space<vmem>>
      %parallel_loop3A_1608 = tpu.memref_squeeze %parallel_loop3A_1607 : memref<1x64x256xf32, #tpu.memory_space<vmem>> -> memref<64x256xf32, #tpu.memory_space<vmem>>
      %parallel_loop3A_1609 = tpu.vector_load_idx %parallel_loop3A_1608[%add3A_114, %parallel_loop3A_1603] : memref<64x256xf32, #tpu.memory_space<vmem>>[vector<16xi32>, vector<16xi32>], vector<16xf32>,
      %parallel_loop3A_1610 = arith.mulf %parallel_loop3A_1609, %parallel_loop3A_1604 : vector<16xf32>
      %parallel_loop3A_1611 = arith.addf %parallel_loop3A_1595, %parallel_loop3A_1610 : vector<16xf32>
      %parallel_loop3A_1612 = arith.mulf %parallel_loop3A_1609, %parallel_loop3A_1609 : vector<16xf32>
      %parallel_loop3A_1613 = arith.addf %parallel_loop3A_1596, %parallel_loop3A_1612 : vector<16xf32>
      %parallel_loop3A_1614 = arith.constant 0 : i32
      %parallel_loop3A_1615 = arith.constant 0 : i32
      %parallel_loop3A_1616 = tpu.memref_slice %arg12[%parallel_loop3A_372, %parallel_loop3A_1614, %parallel_loop3A_1615] : memref<2x64x256xf32, #tpu.memory_space<vmem>> -> memref<1x64x256xf32, #tpu.memory_space<vmem>>
      %parallel_loop3A_1617 = tpu.memref_squeeze %parallel_loop3A_1616 : memref<1x64x256xf32, #tpu.memory_space<vmem>> -> memref<64x256xf32, #tpu.memory_space<vmem>>
      %parallel_loop3A_1618 = tpu.vector_load_idx %parallel_loop3A_1617[%add3A_117, %parallel_loop3A_1603] : memref<64x256xf32, #tpu.memory_space<vmem>>[vector<16xi32>, vector<16xi32>], vector<16xf32>,
      %parallel_loop3A_1619 = arith.mulf %parallel_loop3A_1618, %parallel_loop3A_1604 : vector<16xf32>
      %parallel_loop3A_1620 = arith.addf %parallel_loop3A_1597, %parallel_loop3A_1619 : vector<16xf32>
      %parallel_loop3A_1621 = arith.mulf %parallel_loop3A_1618, %parallel_loop3A_1618 : vector<16xf32>
      %parallel_loop3A_1622 = arith.addf %parallel_loop3A_1598, %parallel_loop3A_1621 : vector<16xf32>
      %parallel_loop3A_1623 = arith.constant 0 : i32
      %parallel_loop3A_1624 = arith.constant 0 : i32
      %parallel_loop3A_1625 = tpu.memref_slice %arg12[%parallel_loop3A_372, %parallel_loop3A_1623, %parallel_loop3A_1624] : memref<2x64x256xf32, #tpu.memory_space<vmem>> -> memref<1x64x256xf32, #tpu.memory_space<vmem>>
      %parallel_loop3A_1626 = tpu.memref_squeeze %parallel_loop3A_1625 : memref<1x64x256xf32, #tpu.memory_space<vmem>> -> memref<64x256xf32, #tpu.memory_space<vmem>>
      %parallel_loop3A_1627 = tpu.vector_load_idx %parallel_loop3A_1626[%add3A_120, %parallel_loop3A_1603] : memref<64x256xf32, #tpu.memory_space<vmem>>[vector<16xi32>, vector<16xi32>], vector<16xf32>,
      %parallel_loop3A_1628 = arith.mulf %parallel_loop3A_1627, %parallel_loop3A_1604 : vector<16xf32>
      %parallel_loop3A_1629 = arith.addf %parallel_loop3A_1599, %parallel_loop3A_1628 : vector<16xf32>
      %parallel_loop3A_1630 = arith.mulf %parallel_loop3A_1627, %parallel_loop3A_1627 : vector<16xf32>
      %parallel_loop3A_1631 = arith.addf %parallel_loop3A_1600, %parallel_loop3A_1630 : vector<16xf32>
      %parallel_loop3A_1632 = arith.constant 0 : i32
      %parallel_loop3A_1633 = arith.constant 0 : i32
      %parallel_loop3A_1634 = tpu.memref_slice %arg12[%parallel_loop3A_372, %parallel_loop3A_1632, %parallel_loop3A_1633] : memref<2x64x256xf32, #tpu.memory_space<vmem>> -> memref<1x64x256xf32, #tpu.memory_space<vmem>>
      %parallel_loop3A_1635 = tpu.memref_squeeze %parallel_loop3A_1634 : memref<1x64x256xf32, #tpu.memory_space<vmem>> -> memref<64x256xf32, #tpu.memory_space<vmem>>
      %parallel_loop3A_1636 = tpu.vector_load_idx %parallel_loop3A_1635[%add3A_123, %parallel_loop3A_1603] : memref<64x256xf32, #tpu.memory_space<vmem>>[vector<16xi32>, vector<16xi32>], vector<16xf32>,
      %parallel_loop3A_1637 = arith.mulf %parallel_loop3A_1636, %parallel_loop3A_1604 : vector<16xf32>
      %parallel_loop3A_1638 = arith.addf %parallel_loop3A_1601, %parallel_loop3A_1637 : vector<16xf32>
      %parallel_loop3A_1639 = arith.mulf %parallel_loop3A_1636, %parallel_loop3A_1636 : vector<16xf32>
      %parallel_loop3A_1640 = arith.addf %parallel_loop3A_1602, %parallel_loop3A_1639 : vector<16xf32>
      scf.yield %parallel_loop3A_1611, %parallel_loop3A_1613, %parallel_loop3A_1620, %parallel_loop3A_1622, %parallel_loop3A_1629, %parallel_loop3A_1631, %parallel_loop3A_1638, %parallel_loop3A_1640 : vector<16xf32>, vector<16xf32>, vector<16xf32>, vector<16xf32>, vector<16xf32>, vector<16xf32>, vector<16xf32>, vector<16xf32>
    } {sc.loop_unroll_factor = 8 : i64, sc.parallel_access}
    %abs3A_374 = math.absf %parallel_loop3A_373#0 : vector<16xf32>
    %mul3A_375 = arith.mulf %parallel_loop3A_373#0, %abs3A_374 : vector<16xf32>
    %max3A_376 = arith.constant 1.000000e-24 : f32
    %max3A_377 = vector.broadcast %max3A_376 : f32 to vector<16xf32>
    %max3A_378 = arith.maximumf %parallel_loop3A_373#1, %max3A_377 : vector<16xf32>
    %div3A_379 = arith.divf %mul3A_375, %max3A_378 : vector<16xf32>
    %add3A_380 = arith.constant 64 : i32
    %add3A_381 = arith.addi %mul3A_2, %add3A_380 : i32
    %add3A_382 = arith.constant 0 : i32
    %add3A_383 = arith.addi %add3A_381, %add3A_382 : i32
    %add3A_384 = vector.broadcast %add3A_383 : i32 to vector<16xi32>
    %add3A_385 = arith.addi %add3A_384, %iota3A : vector<16xi32>
    %gt3A_386 = arith.cmpf ogt, %div3A_379, %select_n3A_301 : vector<16xf32>
    %select_n3A_387 = arith.select %gt3A_386, %div3A_379, %select_n3A_301 : vector<16xi1>, vector<16xf32>
    %select_n3A_388 = arith.select %gt3A_386, %add3A_385, %select_n3A_302 : vector<16xi1>, vector<16xi32>
    %abs3A_389 = math.absf %parallel_loop3A_373#2 : vector<16xf32>
    %mul3A_390 = arith.mulf %parallel_loop3A_373#2, %abs3A_389 : vector<16xf32>
    %max3A_391 = arith.constant 1.000000e-24 : f32
    %max3A_392 = vector.broadcast %max3A_391 : f32 to vector<16xf32>
    %max3A_393 = arith.maximumf %parallel_loop3A_373#3, %max3A_392 : vector<16xf32>
    %div3A_394 = arith.divf %mul3A_390, %max3A_393 : vector<16xf32>
    %add3A_395 = arith.constant 64 : i32
    %add3A_396 = arith.addi %mul3A_2, %add3A_395 : i32
    %add3A_397 = arith.constant 16 : i32
    %add3A_398 = arith.addi %add3A_396, %add3A_397 : i32
    %add3A_399 = vector.broadcast %add3A_398 : i32 to vector<16xi32>
    %add3A_400 = arith.addi %add3A_399, %iota3A : vector<16xi32>
    %gt3A_401 = arith.cmpf ogt, %div3A_394, %select_n3A_387 : vector<16xf32>
    %select_n3A_402 = arith.select %gt3A_401, %div3A_394, %select_n3A_387 : vector<16xi1>, vector<16xf32>
    %select_n3A_403 = arith.select %gt3A_401, %add3A_400, %select_n3A_388 : vector<16xi1>, vector<16xi32>
    %abs3A_404 = math.absf %parallel_loop3A_373#4 : vector<16xf32>
    %mul3A_405 = arith.mulf %parallel_loop3A_373#4, %abs3A_404 : vector<16xf32>
    %max3A_406 = arith.constant 1.000000e-24 : f32
    %max3A_407 = vector.broadcast %max3A_406 : f32 to vector<16xf32>
    %max3A_408 = arith.maximumf %parallel_loop3A_373#5, %max3A_407 : vector<16xf32>
    %div3A_409 = arith.divf %mul3A_405, %max3A_408 : vector<16xf32>
    %add3A_410 = arith.constant 64 : i32
    %add3A_411 = arith.addi %mul3A_2, %add3A_410 : i32
    %add3A_412 = arith.constant 32 : i32
    %add3A_413 = arith.addi %add3A_411, %add3A_412 : i32
    %add3A_414 = vector.broadcast %add3A_413 : i32 to vector<16xi32>
    %add3A_415 = arith.addi %add3A_414, %iota3A : vector<16xi32>
    %gt3A_416 = arith.cmpf ogt, %div3A_409, %select_n3A_402 : vector<16xf32>
    %select_n3A_417 = arith.select %gt3A_416, %div3A_409, %select_n3A_402 : vector<16xi1>, vector<16xf32>
    %select_n3A_418 = arith.select %gt3A_416, %add3A_415, %select_n3A_403 : vector<16xi1>, vector<16xi32>
    %abs3A_419 = math.absf %parallel_loop3A_373#6 : vector<16xf32>
    %mul3A_420 = arith.mulf %parallel_loop3A_373#6, %abs3A_419 : vector<16xf32>
    %max3A_421 = arith.constant 1.000000e-24 : f32
    %max3A_422 = vector.broadcast %max3A_421 : f32 to vector<16xf32>
    %max3A_423 = arith.maximumf %parallel_loop3A_373#7, %max3A_422 : vector<16xf32>
    %div3A_424 = arith.divf %mul3A_420, %max3A_423 : vector<16xf32>
    %add3A_425 = arith.constant 64 : i32
    %add3A_426 = arith.addi %mul3A_2, %add3A_425 : i32
    %add3A_427 = arith.constant 48 : i32
    %add3A_428 = arith.addi %add3A_426, %add3A_427 : i32
    %add3A_429 = vector.broadcast %add3A_428 : i32 to vector<16xi32>
    %add3A_430 = arith.addi %add3A_429, %iota3A : vector<16xi32>
    %gt3A_431 = arith.cmpf ogt, %div3A_424, %select_n3A_417 : vector<16xf32>
    %select_n3A_432 = arith.select %gt3A_431, %div3A_424, %select_n3A_417 : vector<16xi1>, vector<16xf32>
    %select_n3A_433 = arith.select %gt3A_431, %add3A_430, %select_n3A_418 : vector<16xi1>, vector<16xi32>
    %add3A_434 = arith.constant 192 : i32
    %add3A_435 = arith.addi %mul3A_2, %add3A_434 : i32
    %add3A_436 = arith.constant 0 : i32
    %add3A_437 = arith.addi %add3A_435, %add3A_436 : i32
    %add3A_438 = vector.broadcast %add3A_437 : i32 to vector<16xi32>
    %add3A_439 = arith.addi %add3A_438, %iota3A : vector<16xi32>
    %swap3A_440 = arith.constant 1 : i32
    %swap3A_441 = arith.index_cast %swap3A_440 : i32 to index
    %swap3A_442 = arith.constant 0 : index
    %swap3A_443 = tpu.vector_load %arg13[%swap3A_441, %swap3A_442] {strides = array<i32>} : memref<2x64xi32, #tpu.memory_space<vmem>>, vector<16xi32>,
    tpu.vector_store %arg13[%swap3A_441, %swap3A_442], %add3A_439 {strides = array<i32>} : memref<2x64xi32, #tpu.memory_space<vmem>>, vector<16xi32>,
    %add3A_444 = arith.constant 192 : i32
    %add3A_445 = arith.addi %mul3A_2, %add3A_444 : i32
    %add3A_446 = arith.constant 16 : i32
    %add3A_447 = arith.addi %add3A_445, %add3A_446 : i32
    %add3A_448 = vector.broadcast %add3A_447 : i32 to vector<16xi32>
    %add3A_449 = arith.addi %add3A_448, %iota3A : vector<16xi32>
    %swap3A_450 = arith.constant 1 : i32
    %swap3A_451 = arith.index_cast %swap3A_450 : i32 to index
    %swap3A_452 = arith.constant 16 : index
    %swap3A_453 = tpu.vector_load %arg13[%swap3A_451, %swap3A_452] {strides = array<i32>} : memref<2x64xi32, #tpu.memory_space<vmem>>, vector<16xi32>,
    tpu.vector_store %arg13[%swap3A_451, %swap3A_452], %add3A_449 {strides = array<i32>} : memref<2x64xi32, #tpu.memory_space<vmem>>, vector<16xi32>,
    %add3A_454 = arith.constant 192 : i32
    %add3A_455 = arith.addi %mul3A_2, %add3A_454 : i32
    %add3A_456 = arith.constant 32 : i32
    %add3A_457 = arith.addi %add3A_455, %add3A_456 : i32
    %add3A_458 = vector.broadcast %add3A_457 : i32 to vector<16xi32>
    %add3A_459 = arith.addi %add3A_458, %iota3A : vector<16xi32>
    %swap3A_460 = arith.constant 1 : i32
    %swap3A_461 = arith.index_cast %swap3A_460 : i32 to index
    %swap3A_462 = arith.constant 32 : index
    %swap3A_463 = tpu.vector_load %arg13[%swap3A_461, %swap3A_462] {strides = array<i32>} : memref<2x64xi32, #tpu.memory_space<vmem>>, vector<16xi32>,
    tpu.vector_store %arg13[%swap3A_461, %swap3A_462], %add3A_459 {strides = array<i32>} : memref<2x64xi32, #tpu.memory_space<vmem>>, vector<16xi32>,
    %add3A_464 = arith.constant 192 : i32
    %add3A_465 = arith.addi %mul3A_2, %add3A_464 : i32
    %add3A_466 = arith.constant 48 : i32
    %add3A_467 = arith.addi %add3A_465, %add3A_466 : i32
    %add3A_468 = vector.broadcast %add3A_467 : i32 to vector<16xi32>
    %add3A_469 = arith.addi %add3A_468, %iota3A : vector<16xi32>
    %swap3A_470 = arith.constant 1 : i32
    %swap3A_471 = arith.index_cast %swap3A_470 : i32 to index
    %swap3A_472 = arith.constant 48 : index
    %swap3A_473 = tpu.vector_load %arg13[%swap3A_471, %swap3A_472] {strides = array<i32>} : memref<2x64xi32, #tpu.memory_space<vmem>>, vector<16xi32>,
    tpu.vector_store %arg13[%swap3A_471, %swap3A_472], %add3A_469 {strides = array<i32>} : memref<2x64xi32, #tpu.memory_space<vmem>>, vector<16xi32>,
    %dma_start3A_474 = arith.constant 1 : i32
    %dma_start3A_475 = arith.constant 1 : i32
    %dma_start3A_476 = arith.constant 0 : i32
    %dma_start3A_477 = arith.constant 0 : i32
    %dma_start3A_478 = tpu.memref_slice %arg12[%dma_start3A_475, %dma_start3A_476, %dma_start3A_477] : memref<2x64x256xf32, #tpu.memory_space<vmem>> -> memref<1x64x256xf32, #tpu.memory_space<vmem>>
    %dma_start3A_479 = tpu.memref_squeeze %dma_start3A_478 : memref<1x64x256xf32, #tpu.memory_space<vmem>> -> memref<64x256xf32, #tpu.memory_space<vmem>>
    %dma_start3A_480 = arith.constant 0 : i32
    %dma_start3A_481 = tpu.memref_slice %arg13[%dma_start3A_474, %dma_start3A_480] : memref<2x64xi32, #tpu.memory_space<vmem>> -> memref<1x64xi32, #tpu.memory_space<vmem>>
    %dma_start3A_482 = tpu.memref_squeeze %dma_start3A_481 : memref<1x64xi32, #tpu.memory_space<vmem>> -> memref<64xi32, #tpu.memory_space<vmem>>
    %dma_start3A_483 = arith.constant 0 : i32
    %dma_start3A_484 = arith.constant 0 : i32
    %dma_start3A_485 = tpu.memref_slice %arg2[%dma_start3A_483, %dma_start3A_484] : memref<8192x256xf32, #tpu.memory_space<hbm>> -> memref<8192x256xf32, #tpu.memory_space<hbm>>
    tpu.enqueue_indirect_dma source(%dma_start3A_485 : memref<8192x256xf32, #tpu.memory_space<hbm>>) target(%dma_start3A_479 : memref<64x256xf32, #tpu.memory_space<vmem>>) offsets(%dma_start3A_482 : memref<64xi32, #tpu.memory_space<vmem>>) semaphore(%arg20 : memref<!tpu.dma_semaphore, #tpu.memory_space<semaphore_mem>>)
    %dma_wait3A_486 = arith.constant 0 : i32
    %dma_wait3A_487 = arith.constant 0 : i32
    %dma_wait3A_488 = arith.constant 0 : i32
    %dma_wait3A_489 = arith.constant 0 : i32
    %dma_wait3A_490 = tpu.memref_slice %arg12[%dma_wait3A_487, %dma_wait3A_488, %dma_wait3A_489] : memref<2x64x256xf32, #tpu.memory_space<vmem>> -> memref<1x64x256xf32, #tpu.memory_space<vmem>>
    %dma_wait3A_491 = tpu.memref_squeeze %dma_wait3A_490 : memref<1x64x256xf32, #tpu.memory_space<vmem>> -> memref<64x256xf32, #tpu.memory_space<vmem>>
    %dma_wait3A_492 = arith.constant 0 : i32
    %dma_wait3A_493 = tpu.memref_slice %arg13[%dma_wait3A_486, %dma_wait3A_492] : memref<2x64xi32, #tpu.memory_space<vmem>> -> memref<1x64xi32, #tpu.memory_space<vmem>>
    %dma_wait3A_494 = tpu.memref_squeeze %dma_wait3A_493 : memref<1x64xi32, #tpu.memory_space<vmem>> -> memref<64xi32, #tpu.memory_space<vmem>>
    %dma_wait3A_495 = arith.constant 0 : i32
    %dma_wait3A_496 = arith.constant 0 : i32
    %dma_wait3A_497 = tpu.memref_slice %arg2[%dma_wait3A_495, %dma_wait3A_496] : memref<8192x256xf32, #tpu.memory_space<hbm>> -> memref<8192x256xf32, #tpu.memory_space<hbm>>
    tpu.wait_indirect_dma semaphore(%arg19 : memref<!tpu.dma_semaphore, #tpu.memory_space<semaphore_mem>>) src(%dma_wait3A_497 : memref<8192x256xf32, #tpu.memory_space<hbm>>) dst(%dma_wait3A_491 : memref<64x256xf32, #tpu.memory_space<vmem>>)
    %broadcast_in_dim3A_498 = arith.constant 0.000000e+00 : f32
    %broadcast_in_dim3A_499 = vector.broadcast %broadcast_in_dim3A_498 : f32 to vector<16xf32>
    %parallel_loop3A_500 = arith.constant 0 : i32
    %parallel_loop3A_501 = arith.constant 256 : i32
    %parallel_loop3A_502 = arith.constant 1 : i32
    %parallel_loop3A_503 = arith.constant 0 : i32
    %parallel_loop3A_504:8 = scf.for %parallel_loop3A_1594 = %parallel_loop3A_500 to %parallel_loop3A_501 step %parallel_loop3A_502 iter_args(%parallel_loop3A_1595 = %broadcast_in_dim3A_499, %parallel_loop3A_1596 = %broadcast_in_dim3A_499, %parallel_loop3A_1597 = %broadcast_in_dim3A_499, %parallel_loop3A_1598 = %broadcast_in_dim3A_499, %parallel_loop3A_1599 = %broadcast_in_dim3A_499, %parallel_loop3A_1600 = %broadcast_in_dim3A_499, %parallel_loop3A_1601 = %broadcast_in_dim3A_499, %parallel_loop3A_1602 = %broadcast_in_dim3A_499) -> (vector<16xf32>, vector<16xf32>, vector<16xf32>, vector<16xf32>, vector<16xf32>, vector<16xf32>, vector<16xf32>, vector<16xf32>)  : i32 {
      %parallel_loop3A_1603 = vector.broadcast %parallel_loop3A_1594 : i32 to vector<16xi32>
      %parallel_loop3A_1604 = tpu.vector_load_idx %arg11[%parallel_loop3A_1603] : memref<256xf32, #tpu.memory_space<vmem>>[vector<16xi32>], vector<16xf32>,
      %parallel_loop3A_1605 = arith.constant 0 : i32
      %parallel_loop3A_1606 = arith.constant 0 : i32
      %parallel_loop3A_1607 = tpu.memref_slice %arg12[%parallel_loop3A_503, %parallel_loop3A_1605, %parallel_loop3A_1606] : memref<2x64x256xf32, #tpu.memory_space<vmem>> -> memref<1x64x256xf32, #tpu.memory_space<vmem>>
      %parallel_loop3A_1608 = tpu.memref_squeeze %parallel_loop3A_1607 : memref<1x64x256xf32, #tpu.memory_space<vmem>> -> memref<64x256xf32, #tpu.memory_space<vmem>>
      %parallel_loop3A_1609 = tpu.vector_load_idx %parallel_loop3A_1608[%add3A_114, %parallel_loop3A_1603] : memref<64x256xf32, #tpu.memory_space<vmem>>[vector<16xi32>, vector<16xi32>], vector<16xf32>,
      %parallel_loop3A_1610 = arith.mulf %parallel_loop3A_1609, %parallel_loop3A_1604 : vector<16xf32>
      %parallel_loop3A_1611 = arith.addf %parallel_loop3A_1595, %parallel_loop3A_1610 : vector<16xf32>
      %parallel_loop3A_1612 = arith.mulf %parallel_loop3A_1609, %parallel_loop3A_1609 : vector<16xf32>
      %parallel_loop3A_1613 = arith.addf %parallel_loop3A_1596, %parallel_loop3A_1612 : vector<16xf32>
      %parallel_loop3A_1614 = arith.constant 0 : i32
      %parallel_loop3A_1615 = arith.constant 0 : i32
      %parallel_loop3A_1616 = tpu.memref_slice %arg12[%parallel_loop3A_503, %parallel_loop3A_1614, %parallel_loop3A_1615] : memref<2x64x256xf32, #tpu.memory_space<vmem>> -> memref<1x64x256xf32, #tpu.memory_space<vmem>>
      %parallel_loop3A_1617 = tpu.memref_squeeze %parallel_loop3A_1616 : memref<1x64x256xf32, #tpu.memory_space<vmem>> -> memref<64x256xf32, #tpu.memory_space<vmem>>
      %parallel_loop3A_1618 = tpu.vector_load_idx %parallel_loop3A_1617[%add3A_117, %parallel_loop3A_1603] : memref<64x256xf32, #tpu.memory_space<vmem>>[vector<16xi32>, vector<16xi32>], vector<16xf32>,
      %parallel_loop3A_1619 = arith.mulf %parallel_loop3A_1618, %parallel_loop3A_1604 : vector<16xf32>
      %parallel_loop3A_1620 = arith.addf %parallel_loop3A_1597, %parallel_loop3A_1619 : vector<16xf32>
      %parallel_loop3A_1621 = arith.mulf %parallel_loop3A_1618, %parallel_loop3A_1618 : vector<16xf32>
      %parallel_loop3A_1622 = arith.addf %parallel_loop3A_1598, %parallel_loop3A_1621 : vector<16xf32>
      %parallel_loop3A_1623 = arith.constant 0 : i32
      %parallel_loop3A_1624 = arith.constant 0 : i32
      %parallel_loop3A_1625 = tpu.memref_slice %arg12[%parallel_loop3A_503, %parallel_loop3A_1623, %parallel_loop3A_1624] : memref<2x64x256xf32, #tpu.memory_space<vmem>> -> memref<1x64x256xf32, #tpu.memory_space<vmem>>
      %parallel_loop3A_1626 = tpu.memref_squeeze %parallel_loop3A_1625 : memref<1x64x256xf32, #tpu.memory_space<vmem>> -> memref<64x256xf32, #tpu.memory_space<vmem>>
      %parallel_loop3A_1627 = tpu.vector_load_idx %parallel_loop3A_1626[%add3A_120, %parallel_loop3A_1603] : memref<64x256xf32, #tpu.memory_space<vmem>>[vector<16xi32>, vector<16xi32>], vector<16xf32>,
      %parallel_loop3A_1628 = arith.mulf %parallel_loop3A_1627, %parallel_loop3A_1604 : vector<16xf32>
      %parallel_loop3A_1629 = arith.addf %parallel_loop3A_1599, %parallel_loop3A_1628 : vector<16xf32>
      %parallel_loop3A_1630 = arith.mulf %parallel_loop3A_1627, %parallel_loop3A_1627 : vector<16xf32>
      %parallel_loop3A_1631 = arith.addf %parallel_loop3A_1600, %parallel_loop3A_1630 : vector<16xf32>
      %parallel_loop3A_1632 = arith.constant 0 : i32
      %parallel_loop3A_1633 = arith.constant 0 : i32
      %parallel_loop3A_1634 = tpu.memref_slice %arg12[%parallel_loop3A_503, %parallel_loop3A_1632, %parallel_loop3A_1633] : memref<2x64x256xf32, #tpu.memory_space<vmem>> -> memref<1x64x256xf32, #tpu.memory_space<vmem>>
      %parallel_loop3A_1635 = tpu.memref_squeeze %parallel_loop3A_1634 : memref<1x64x256xf32, #tpu.memory_space<vmem>> -> memref<64x256xf32, #tpu.memory_space<vmem>>
      %parallel_loop3A_1636 = tpu.vector_load_idx %parallel_loop3A_1635[%add3A_123, %parallel_loop3A_1603] : memref<64x256xf32, #tpu.memory_space<vmem>>[vector<16xi32>, vector<16xi32>], vector<16xf32>,
      %parallel_loop3A_1637 = arith.mulf %parallel_loop3A_1636, %parallel_loop3A_1604 : vector<16xf32>
      %parallel_loop3A_1638 = arith.addf %parallel_loop3A_1601, %parallel_loop3A_1637 : vector<16xf32>
      %parallel_loop3A_1639 = arith.mulf %parallel_loop3A_1636, %parallel_loop3A_1636 : vector<16xf32>
      %parallel_loop3A_1640 = arith.addf %parallel_loop3A_1602, %parallel_loop3A_1639 : vector<16xf32>
      scf.yield %parallel_loop3A_1611, %parallel_loop3A_1613, %parallel_loop3A_1620, %parallel_loop3A_1622, %parallel_loop3A_1629, %parallel_loop3A_1631, %parallel_loop3A_1638, %parallel_loop3A_1640 : vector<16xf32>, vector<16xf32>, vector<16xf32>, vector<16xf32>, vector<16xf32>, vector<16xf32>, vector<16xf32>, vector<16xf32>
    } {sc.loop_unroll_factor = 8 : i64, sc.parallel_access}
    %abs3A_505 = math.absf %parallel_loop3A_504#0 : vector<16xf32>
    %mul3A_506 = arith.mulf %parallel_loop3A_504#0, %abs3A_505 : vector<16xf32>
    %max3A_507 = arith.constant 1.000000e-24 : f32
    %max3A_508 = vector.broadcast %max3A_507 : f32 to vector<16xf32>
    %max3A_509 = arith.maximumf %parallel_loop3A_504#1, %max3A_508 : vector<16xf32>
    %div3A_510 = arith.divf %mul3A_506, %max3A_509 : vector<16xf32>
    %add3A_511 = arith.constant 128 : i32
    %add3A_512 = arith.addi %mul3A_2, %add3A_511 : i32
    %add3A_513 = arith.constant 0 : i32
    %add3A_514 = arith.addi %add3A_512, %add3A_513 : i32
    %add3A_515 = vector.broadcast %add3A_514 : i32 to vector<16xi32>
    %add3A_516 = arith.addi %add3A_515, %iota3A : vector<16xi32>
    %gt3A_517 = arith.cmpf ogt, %div3A_510, %select_n3A_432 : vector<16xf32>
    %select_n3A_518 = arith.select %gt3A_517, %div3A_510, %select_n3A_432 : vector<16xi1>, vector<16xf32>
    %select_n3A_519 = arith.select %gt3A_517, %add3A_516, %select_n3A_433 : vector<16xi1>, vector<16xi32>
    %abs3A_520 = math.absf %parallel_loop3A_504#2 : vector<16xf32>
    %mul3A_521 = arith.mulf %parallel_loop3A_504#2, %abs3A_520 : vector<16xf32>
    %max3A_522 = arith.constant 1.000000e-24 : f32
    %max3A_523 = vector.broadcast %max3A_522 : f32 to vector<16xf32>
    %max3A_524 = arith.maximumf %parallel_loop3A_504#3, %max3A_523 : vector<16xf32>
    %div3A_525 = arith.divf %mul3A_521, %max3A_524 : vector<16xf32>
    %add3A_526 = arith.constant 128 : i32
    %add3A_527 = arith.addi %mul3A_2, %add3A_526 : i32
    %add3A_528 = arith.constant 16 : i32
    %add3A_529 = arith.addi %add3A_527, %add3A_528 : i32
    %add3A_530 = vector.broadcast %add3A_529 : i32 to vector<16xi32>
    %add3A_531 = arith.addi %add3A_530, %iota3A : vector<16xi32>
    %gt3A_532 = arith.cmpf ogt, %div3A_525, %select_n3A_518 : vector<16xf32>
    %select_n3A_533 = arith.select %gt3A_532, %div3A_525, %select_n3A_518 : vector<16xi1>, vector<16xf32>
    %select_n3A_534 = arith.select %gt3A_532, %add3A_531, %select_n3A_519 : vector<16xi1>, vector<16xi32>
    %abs3A_535 = math.absf %parallel_loop3A_504#4 : vector<16xf32>
    %mul3A_536 = arith.mulf %parallel_loop3A_504#4, %abs3A_535 : vector<16xf32>
    %max3A_537 = arith.constant 1.000000e-24 : f32
    %max3A_538 = vector.broadcast %max3A_537 : f32 to vector<16xf32>
    %max3A_539 = arith.maximumf %parallel_loop3A_504#5, %max3A_538 : vector<16xf32>
    %div3A_540 = arith.divf %mul3A_536, %max3A_539 : vector<16xf32>
    %add3A_541 = arith.constant 128 : i32
    %add3A_542 = arith.addi %mul3A_2, %add3A_541 : i32
    %add3A_543 = arith.constant 32 : i32
    %add3A_544 = arith.addi %add3A_542, %add3A_543 : i32
    %add3A_545 = vector.broadcast %add3A_544 : i32 to vector<16xi32>
    %add3A_546 = arith.addi %add3A_545, %iota3A : vector<16xi32>
    %gt3A_547 = arith.cmpf ogt, %div3A_540, %select_n3A_533 : vector<16xf32>
    %select_n3A_548 = arith.select %gt3A_547, %div3A_540, %select_n3A_533 : vector<16xi1>, vector<16xf32>
    %select_n3A_549 = arith.select %gt3A_547, %add3A_546, %select_n3A_534 : vector<16xi1>, vector<16xi32>
    %abs3A_550 = math.absf %parallel_loop3A_504#6 : vector<16xf32>
    %mul3A_551 = arith.mulf %parallel_loop3A_504#6, %abs3A_550 : vector<16xf32>
    %max3A_552 = arith.constant 1.000000e-24 : f32
    %max3A_553 = vector.broadcast %max3A_552 : f32 to vector<16xf32>
    %max3A_554 = arith.maximumf %parallel_loop3A_504#7, %max3A_553 : vector<16xf32>
    %div3A_555 = arith.divf %mul3A_551, %max3A_554 : vector<16xf32>
    %add3A_556 = arith.constant 128 : i32
    %add3A_557 = arith.addi %mul3A_2, %add3A_556 : i32
    %add3A_558 = arith.constant 48 : i32
    %add3A_559 = arith.addi %add3A_557, %add3A_558 : i32
    %add3A_560 = vector.broadcast %add3A_559 : i32 to vector<16xi32>
    %add3A_561 = arith.addi %add3A_560, %iota3A : vector<16xi32>
    %gt3A_562 = arith.cmpf ogt, %div3A_555, %select_n3A_548 : vector<16xf32>
    %select_n3A_563 = arith.select %gt3A_562, %div3A_555, %select_n3A_548 : vector<16xi1>, vector<16xf32>
    %select_n3A_564 = arith.select %gt3A_562, %add3A_561, %select_n3A_549 : vector<16xi1>, vector<16xi32>
    %dma_wait3A_565 = arith.constant 1 : i32
    %dma_wait3A_566 = arith.constant 1 : i32
    %dma_wait3A_567 = arith.constant 0 : i32
    %dma_wait3A_568 = arith.constant 0 : i32
    %dma_wait3A_569 = tpu.memref_slice %arg12[%dma_wait3A_566, %dma_wait3A_567, %dma_wait3A_568] : memref<2x64x256xf32, #tpu.memory_space<vmem>> -> memref<1x64x256xf32, #tpu.memory_space<vmem>>
    %dma_wait3A_570 = tpu.memref_squeeze %dma_wait3A_569 : memref<1x64x256xf32, #tpu.memory_space<vmem>> -> memref<64x256xf32, #tpu.memory_space<vmem>>
    %dma_wait3A_571 = arith.constant 0 : i32
    %dma_wait3A_572 = tpu.memref_slice %arg13[%dma_wait3A_565, %dma_wait3A_571] : memref<2x64xi32, #tpu.memory_space<vmem>> -> memref<1x64xi32, #tpu.memory_space<vmem>>
    %dma_wait3A_573 = tpu.memref_squeeze %dma_wait3A_572 : memref<1x64xi32, #tpu.memory_space<vmem>> -> memref<64xi32, #tpu.memory_space<vmem>>
    %dma_wait3A_574 = arith.constant 0 : i32
    %dma_wait3A_575 = arith.constant 0 : i32
    %dma_wait3A_576 = tpu.memref_slice %arg2[%dma_wait3A_574, %dma_wait3A_575] : memref<8192x256xf32, #tpu.memory_space<hbm>> -> memref<8192x256xf32, #tpu.memory_space<hbm>>
    tpu.wait_indirect_dma semaphore(%arg20 : memref<!tpu.dma_semaphore, #tpu.memory_space<semaphore_mem>>) src(%dma_wait3A_576 : memref<8192x256xf32, #tpu.memory_space<hbm>>) dst(%dma_wait3A_570 : memref<64x256xf32, #tpu.memory_space<vmem>>)
    %broadcast_in_dim3A_577 = arith.constant 0.000000e+00 : f32
    %broadcast_in_dim3A_578 = vector.broadcast %broadcast_in_dim3A_577 : f32 to vector<16xf32>
    %parallel_loop3A_579 = arith.constant 0 : i32
    %parallel_loop3A_580 = arith.constant 256 : i32
    %parallel_loop3A_581 = arith.constant 1 : i32
    %parallel_loop3A_582 = arith.constant 1 : i32
    %parallel_loop3A_583:8 = scf.for %parallel_loop3A_1594 = %parallel_loop3A_579 to %parallel_loop3A_580 step %parallel_loop3A_581 iter_args(%parallel_loop3A_1595 = %broadcast_in_dim3A_578, %parallel_loop3A_1596 = %broadcast_in_dim3A_578, %parallel_loop3A_1597 = %broadcast_in_dim3A_578, %parallel_loop3A_1598 = %broadcast_in_dim3A_578, %parallel_loop3A_1599 = %broadcast_in_dim3A_578, %parallel_loop3A_1600 = %broadcast_in_dim3A_578, %parallel_loop3A_1601 = %broadcast_in_dim3A_578, %parallel_loop3A_1602 = %broadcast_in_dim3A_578) -> (vector<16xf32>, vector<16xf32>, vector<16xf32>, vector<16xf32>, vector<16xf32>, vector<16xf32>, vector<16xf32>, vector<16xf32>)  : i32 {
      %parallel_loop3A_1603 = vector.broadcast %parallel_loop3A_1594 : i32 to vector<16xi32>
      %parallel_loop3A_1604 = tpu.vector_load_idx %arg11[%parallel_loop3A_1603] : memref<256xf32, #tpu.memory_space<vmem>>[vector<16xi32>], vector<16xf32>,
      %parallel_loop3A_1605 = arith.constant 0 : i32
      %parallel_loop3A_1606 = arith.constant 0 : i32
      %parallel_loop3A_1607 = tpu.memref_slice %arg12[%parallel_loop3A_582, %parallel_loop3A_1605, %parallel_loop3A_1606] : memref<2x64x256xf32, #tpu.memory_space<vmem>> -> memref<1x64x256xf32, #tpu.memory_space<vmem>>
      %parallel_loop3A_1608 = tpu.memref_squeeze %parallel_loop3A_1607 : memref<1x64x256xf32, #tpu.memory_space<vmem>> -> memref<64x256xf32, #tpu.memory_space<vmem>>
      %parallel_loop3A_1609 = tpu.vector_load_idx %parallel_loop3A_1608[%add3A_114, %parallel_loop3A_1603] : memref<64x256xf32, #tpu.memory_space<vmem>>[vector<16xi32>, vector<16xi32>], vector<16xf32>,
      %parallel_loop3A_1610 = arith.mulf %parallel_loop3A_1609, %parallel_loop3A_1604 : vector<16xf32>
      %parallel_loop3A_1611 = arith.addf %parallel_loop3A_1595, %parallel_loop3A_1610 : vector<16xf32>
      %parallel_loop3A_1612 = arith.mulf %parallel_loop3A_1609, %parallel_loop3A_1609 : vector<16xf32>
      %parallel_loop3A_1613 = arith.addf %parallel_loop3A_1596, %parallel_loop3A_1612 : vector<16xf32>
      %parallel_loop3A_1614 = arith.constant 0 : i32
      %parallel_loop3A_1615 = arith.constant 0 : i32
      %parallel_loop3A_1616 = tpu.memref_slice %arg12[%parallel_loop3A_582, %parallel_loop3A_1614, %parallel_loop3A_1615] : memref<2x64x256xf32, #tpu.memory_space<vmem>> -> memref<1x64x256xf32, #tpu.memory_space<vmem>>
      %parallel_loop3A_1617 = tpu.memref_squeeze %parallel_loop3A_1616 : memref<1x64x256xf32, #tpu.memory_space<vmem>> -> memref<64x256xf32, #tpu.memory_space<vmem>>
      %parallel_loop3A_1618 = tpu.vector_load_idx %parallel_loop3A_1617[%add3A_117, %parallel_loop3A_1603] : memref<64x256xf32, #tpu.memory_space<vmem>>[vector<16xi32>, vector<16xi32>], vector<16xf32>,
      %parallel_loop3A_1619 = arith.mulf %parallel_loop3A_1618, %parallel_loop3A_1604 : vector<16xf32>
      %parallel_loop3A_1620 = arith.addf %parallel_loop3A_1597, %parallel_loop3A_1619 : vector<16xf32>
      %parallel_loop3A_1621 = arith.mulf %parallel_loop3A_1618, %parallel_loop3A_1618 : vector<16xf32>
      %parallel_loop3A_1622 = arith.addf %parallel_loop3A_1598, %parallel_loop3A_1621 : vector<16xf32>
      %parallel_loop3A_1623 = arith.constant 0 : i32
      %parallel_loop3A_1624 = arith.constant 0 : i32
      %parallel_loop3A_1625 = tpu.memref_slice %arg12[%parallel_loop3A_582, %parallel_loop3A_1623, %parallel_loop3A_1624] : memref<2x64x256xf32, #tpu.memory_space<vmem>> -> memref<1x64x256xf32, #tpu.memory_space<vmem>>
      %parallel_loop3A_1626 = tpu.memref_squeeze %parallel_loop3A_1625 : memref<1x64x256xf32, #tpu.memory_space<vmem>> -> memref<64x256xf32, #tpu.memory_space<vmem>>
      %parallel_loop3A_1627 = tpu.vector_load_idx %parallel_loop3A_1626[%add3A_120, %parallel_loop3A_1603] : memref<64x256xf32, #tpu.memory_space<vmem>>[vector<16xi32>, vector<16xi32>], vector<16xf32>,
      %parallel_loop3A_1628 = arith.mulf %parallel_loop3A_1627, %parallel_loop3A_1604 : vector<16xf32>
      %parallel_loop3A_1629 = arith.addf %parallel_loop3A_1599, %parallel_loop3A_1628 : vector<16xf32>
      %parallel_loop3A_1630 = arith.mulf %parallel_loop3A_1627, %parallel_loop3A_1627 : vector<16xf32>
      %parallel_loop3A_1631 = arith.addf %parallel_loop3A_1600, %parallel_loop3A_1630 : vector<16xf32>
      %parallel_loop3A_1632 = arith.constant 0 : i32
      %parallel_loop3A_1633 = arith.constant 0 : i32
      %parallel_loop3A_1634 = tpu.memref_slice %arg12[%parallel_loop3A_582, %parallel_loop3A_1632, %parallel_loop3A_1633] : memref<2x64x256xf32, #tpu.memory_space<vmem>> -> memref<1x64x256xf32, #tpu.memory_space<vmem>>
      %parallel_loop3A_1635 = tpu.memref_squeeze %parallel_loop3A_1634 : memref<1x64x256xf32, #tpu.memory_space<vmem>> -> memref<64x256xf32, #tpu.memory_space<vmem>>
      %parallel_loop3A_1636 = tpu.vector_load_idx %parallel_loop3A_1635[%add3A_123, %parallel_loop3A_1603] : memref<64x256xf32, #tpu.memory_space<vmem>>[vector<16xi32>, vector<16xi32>], vector<16xf32>,
      %parallel_loop3A_1637 = arith.mulf %parallel_loop3A_1636, %parallel_loop3A_1604 : vector<16xf32>
      %parallel_loop3A_1638 = arith.addf %parallel_loop3A_1601, %parallel_loop3A_1637 : vector<16xf32>
      %parallel_loop3A_1639 = arith.mulf %parallel_loop3A_1636, %parallel_loop3A_1636 : vector<16xf32>
      %parallel_loop3A_1640 = arith.addf %parallel_loop3A_1602, %parallel_loop3A_1639 : vector<16xf32>
      scf.yield %parallel_loop3A_1611, %parallel_loop3A_1613, %parallel_loop3A_1620, %parallel_loop3A_1622, %parallel_loop3A_1629, %parallel_loop3A_1631, %parallel_loop3A_1638, %parallel_loop3A_1640 : vector<16xf32>, vector<16xf32>, vector<16xf32>, vector<16xf32>, vector<16xf32>, vector<16xf32>, vector<16xf32>, vector<16xf32>
    } {sc.loop_unroll_factor = 8 : i64, sc.parallel_access}
    %abs3A_584 = math.absf %parallel_loop3A_583#0 : vector<16xf32>
    %mul3A_585 = arith.mulf %parallel_loop3A_583#0, %abs3A_584 : vector<16xf32>
    %max3A_586 = arith.constant 1.000000e-24 : f32
    %max3A_587 = vector.broadcast %max3A_586 : f32 to vector<16xf32>
    %max3A_588 = arith.maximumf %parallel_loop3A_583#1, %max3A_587 : vector<16xf32>
    %div3A_589 = arith.divf %mul3A_585, %max3A_588 : vector<16xf32>
    %add3A_590 = arith.constant 192 : i32
    %add3A_591 = arith.addi %mul3A_2, %add3A_590 : i32
    %add3A_592 = arith.constant 0 : i32
    %add3A_593 = arith.addi %add3A_591, %add3A_592 : i32
    %add3A_594 = vector.broadcast %add3A_593 : i32 to vector<16xi32>
    %add3A_595 = arith.addi %add3A_594, %iota3A : vector<16xi32>
    %gt3A_596 = arith.cmpf ogt, %div3A_589, %select_n3A_563 : vector<16xf32>
    %select_n3A_597 = arith.select %gt3A_596, %div3A_589, %select_n3A_563 : vector<16xi1>, vector<16xf32>
    %select_n3A_598 = arith.select %gt3A_596, %add3A_595, %select_n3A_564 : vector<16xi1>, vector<16xi32>
    %abs3A_599 = math.absf %parallel_loop3A_583#2 : vector<16xf32>
    %mul3A_600 = arith.mulf %parallel_loop3A_583#2, %abs3A_599 : vector<16xf32>
    %max3A_601 = arith.constant 1.000000e-24 : f32
    %max3A_602 = vector.broadcast %max3A_601 : f32 to vector<16xf32>
    %max3A_603 = arith.maximumf %parallel_loop3A_583#3, %max3A_602 : vector<16xf32>
    %div3A_604 = arith.divf %mul3A_600, %max3A_603 : vector<16xf32>
    %add3A_605 = arith.constant 192 : i32
    %add3A_606 = arith.addi %mul3A_2, %add3A_605 : i32
    %add3A_607 = arith.constant 16 : i32
    %add3A_608 = arith.addi %add3A_606, %add3A_607 : i32
    %add3A_609 = vector.broadcast %add3A_608 : i32 to vector<16xi32>
    %add3A_610 = arith.addi %add3A_609, %iota3A : vector<16xi32>
    %gt3A_611 = arith.cmpf ogt, %div3A_604, %select_n3A_597 : vector<16xf32>
    %select_n3A_612 = arith.select %gt3A_611, %div3A_604, %select_n3A_597 : vector<16xi1>, vector<16xf32>
    %select_n3A_613 = arith.select %gt3A_611, %add3A_610, %select_n3A_598 : vector<16xi1>, vector<16xi32>
    %abs3A_614 = math.absf %parallel_loop3A_583#4 : vector<16xf32>
    %mul3A_615 = arith.mulf %parallel_loop3A_583#4, %abs3A_614 : vector<16xf32>
    %max3A_616 = arith.constant 1.000000e-24 : f32
    %max3A_617 = vector.broadcast %max3A_616 : f32 to vector<16xf32>
    %max3A_618 = arith.maximumf %parallel_loop3A_583#5, %max3A_617 : vector<16xf32>
    %div3A_619 = arith.divf %mul3A_615, %max3A_618 : vector<16xf32>
    %add3A_620 = arith.constant 192 : i32
    %add3A_621 = arith.addi %mul3A_2, %add3A_620 : i32
    %add3A_622 = arith.constant 32 : i32
    %add3A_623 = arith.addi %add3A_621, %add3A_622 : i32
    %add3A_624 = vector.broadcast %add3A_623 : i32 to vector<16xi32>
    %add3A_625 = arith.addi %add3A_624, %iota3A : vector<16xi32>
    %gt3A_626 = arith.cmpf ogt, %div3A_619, %select_n3A_612 : vector<16xf32>
    %select_n3A_627 = arith.select %gt3A_626, %div3A_619, %select_n3A_612 : vector<16xi1>, vector<16xf32>
    %select_n3A_628 = arith.select %gt3A_626, %add3A_625, %select_n3A_613 : vector<16xi1>, vector<16xi32>
    %abs3A_629 = math.absf %parallel_loop3A_583#6 : vector<16xf32>
    %mul3A_630 = arith.mulf %parallel_loop3A_583#6, %abs3A_629 : vector<16xf32>
    %max3A_631 = arith.constant 1.000000e-24 : f32
    %max3A_632 = vector.broadcast %max3A_631 : f32 to vector<16xf32>
    %max3A_633 = arith.maximumf %parallel_loop3A_583#7, %max3A_632 : vector<16xf32>
    %div3A_634 = arith.divf %mul3A_630, %max3A_633 : vector<16xf32>
    %add3A_635 = arith.constant 192 : i32
    %add3A_636 = arith.addi %mul3A_2, %add3A_635 : i32
    %add3A_637 = arith.constant 48 : i32
    %add3A_638 = arith.addi %add3A_636, %add3A_637 : i32
    %add3A_639 = vector.broadcast %add3A_638 : i32 to vector<16xi32>
    %add3A_640 = arith.addi %add3A_639, %iota3A : vector<16xi32>
    %gt3A_641 = arith.cmpf ogt, %div3A_634, %select_n3A_627 : vector<16xf32>
    %select_n3A_642 = arith.select %gt3A_641, %div3A_634, %select_n3A_627 : vector<16xi1>, vector<16xf32>
    %select_n3A_643 = arith.select %gt3A_641, %add3A_640, %select_n3A_628 : vector<16xi1>, vector<16xi32>
    %reduce_max3A = arith.constant true
    %reduce_max3A_644 = vector.broadcast %reduce_max3A : i1 to vector<16xi1>
    %reduce_max3A_645 = tpu.scan <max>, %select_n3A_642 masked %reduce_max3A_644 : vector<16xf32>, vector<16xi1> -> vector<16xf32>
    %reduce_max3A_646 = vector.extract %reduce_max3A_645[15] : f32 from vector<16xf32>
    %eq3A = vector.broadcast %reduce_max3A_646 : f32 to vector<16xf32>
    %eq3A_647 = arith.cmpf oeq, %select_n3A_642, %eq3A : vector<16xf32>
    %jit3A = arith.constant 8192 : i32
    %broadcast_in_dim3A_648 = vector.broadcast %jit3A : i32 to vector<16xi32>
    %select_n3A_649 = arith.select %eq3A_647, %select_n3A_643, %broadcast_in_dim3A_648 : vector<16xi1>, vector<16xi32>
    %reduce_min3A = arith.constant true
    %reduce_min3A_650 = vector.broadcast %reduce_min3A : i1 to vector<16xi1>
    %reduce_min3A_651 = arith.constant -2147483648 : i32
    %reduce_min3A_652 = vector.broadcast %reduce_min3A_651 : i32 to vector<16xi32>
    %reduce_min3A_653 = arith.xori %select_n3A_649, %reduce_min3A_652 : vector<16xi32>
    %reduce_min3A_654 = tpu.scan <min>, %reduce_min3A_653 masked %reduce_min3A_650 : vector<16xi32>, vector<16xi1> -> vector<16xi32>
    %reduce_min3A_655 = arith.xori %reduce_min3A_654, %reduce_min3A_652 : vector<16xi32>
    %reduce_min3A_656 = vector.extract %reduce_min3A_655[15] : i32 from vector<16xi32>
    %broadcast_in_dim3A_657 = arith.constant 0 : i32
    %broadcast_in_dim3A_658 = vector.broadcast %broadcast_in_dim3A_657 : i32 to vector<16xi32>
    %add3A_659 = vector.broadcast %reduce_min3A_656 : i32 to vector<16xi32>
    %add3A_660 = arith.addi %broadcast_in_dim3A_658, %add3A_659 : vector<16xi32>
    %broadcast_in_dim3A_661 = arith.constant 0 : i32
    %broadcast_in_dim3A_662 = vector.broadcast %broadcast_in_dim3A_661 : i32 to vector<16xi32>
    %add3A_663 = arith.constant 360447 : i32
    %add3A_664 = vector.broadcast %add3A_663 : i32 to vector<16xi32>
    %add3A_665 = arith.addi %broadcast_in_dim3A_662, %add3A_664 : vector<16xi32>
    %mul3A_666 = arith.constant 44 : i32
    %mul3A_667 = vector.broadcast %mul3A_666 : i32 to vector<16xi32>
    %mul3A_668 = arith.muli %add3A_660, %mul3A_667 : vector<16xi32>
    %add3A_669 = arith.constant 0 : i32
    %add3A_670 = vector.broadcast %add3A_669 : i32 to vector<16xi32>
    %add3A_671 = arith.addi %iota3A, %add3A_670 : vector<16xi32>
    %add3A_672 = arith.addi %mul3A_668, %add3A_671 : vector<16xi32>
    %min3A = arith.minsi %add3A_672, %add3A_665 : vector<16xi32>
    %swap3A_673 = arith.constant 0 : i32
    %swap3A_674 = arith.index_cast %swap3A_673 : i32 to index
    %swap3A_675 = arith.constant 0 : index
    %swap3A_676 = tpu.vector_load %arg14[%swap3A_674, %swap3A_675] {strides = array<i32>} : memref<27x16xi32, #tpu.memory_space<vmem>>, vector<16xi32>,
    tpu.vector_store %arg14[%swap3A_674, %swap3A_675], %min3A {strides = array<i32>} : memref<27x16xi32, #tpu.memory_space<vmem>>, vector<16xi32>,
    %dma_start3A_677 = arith.constant 0 : i32
    %dma_start3A_678 = arith.constant 0 : i32
    %dma_start3A_679 = arith.constant 0 : i32
    %dma_start3A_680 = tpu.memref_slice %arg15[%dma_start3A_678, %dma_start3A_679] : memref<1x48xf32, #tpu.memory_space<vmem>> -> memref<1x16xf32, #tpu.memory_space<vmem>>
    %dma_start3A_681 = tpu.memref_squeeze %dma_start3A_680 : memref<1x16xf32, #tpu.memory_space<vmem>> -> memref<16xf32, #tpu.memory_space<vmem>>
    %dma_start3A_682 = arith.constant 0 : i32
    %dma_start3A_683 = tpu.memref_slice %arg14[%dma_start3A_677, %dma_start3A_682] : memref<27x16xi32, #tpu.memory_space<vmem>> -> memref<1x16xi32, #tpu.memory_space<vmem>>
    %dma_start3A_684 = tpu.memref_squeeze %dma_start3A_683 : memref<1x16xi32, #tpu.memory_space<vmem>> -> memref<16xi32, #tpu.memory_space<vmem>>
    %dma_start3A_685 = arith.constant 0 : i32
    %dma_start3A_686 = tpu.memref_slice %arg4[%dma_start3A_685] : memref<360448xf32, #tpu.memory_space<hbm>> -> memref<360448xf32, #tpu.memory_space<hbm>>
    tpu.enqueue_indirect_dma source(%dma_start3A_686 : memref<360448xf32, #tpu.memory_space<hbm>>) target(%dma_start3A_681 : memref<16xf32, #tpu.memory_space<vmem>>) offsets(%dma_start3A_684 : memref<16xi32, #tpu.memory_space<vmem>>) semaphore(%arg21 : memref<!tpu.dma_semaphore, #tpu.memory_space<semaphore_mem>>)
    %mul3A_687 = arith.constant 44 : i32
    %mul3A_688 = vector.broadcast %mul3A_687 : i32 to vector<16xi32>
    %mul3A_689 = arith.muli %add3A_660, %mul3A_688 : vector<16xi32>
    %add3A_690 = arith.constant 16 : i32
    %add3A_691 = vector.broadcast %add3A_690 : i32 to vector<16xi32>
    %add3A_692 = arith.addi %iota3A, %add3A_691 : vector<16xi32>
    %add3A_693 = arith.addi %mul3A_689, %add3A_692 : vector<16xi32>
    %min3A_694 = arith.minsi %add3A_693, %add3A_665 : vector<16xi32>
    %swap3A_695 = arith.constant 1 : i32
    %swap3A_696 = arith.index_cast %swap3A_695 : i32 to index
    %swap3A_697 = arith.constant 0 : index
    %swap3A_698 = tpu.vector_load %arg14[%swap3A_696, %swap3A_697] {strides = array<i32>} : memref<27x16xi32, #tpu.memory_space<vmem>>, vector<16xi32>,
    tpu.vector_store %arg14[%swap3A_696, %swap3A_697], %min3A_694 {strides = array<i32>} : memref<27x16xi32, #tpu.memory_space<vmem>>, vector<16xi32>,
    %dma_start3A_699 = arith.constant 1 : i32
    %dma_start3A_700 = arith.constant 0 : i32
    %dma_start3A_701 = arith.constant 16 : i32
    %dma_start3A_702 = tpu.memref_slice %arg15[%dma_start3A_700, %dma_start3A_701] : memref<1x48xf32, #tpu.memory_space<vmem>> -> memref<1x16xf32, #tpu.memory_space<vmem>>
    %dma_start3A_703 = tpu.memref_squeeze %dma_start3A_702 : memref<1x16xf32, #tpu.memory_space<vmem>> -> memref<16xf32, #tpu.memory_space<vmem>>
    %dma_start3A_704 = arith.constant 0 : i32
    %dma_start3A_705 = tpu.memref_slice %arg14[%dma_start3A_699, %dma_start3A_704] : memref<27x16xi32, #tpu.memory_space<vmem>> -> memref<1x16xi32, #tpu.memory_space<vmem>>
    %dma_start3A_706 = tpu.memref_squeeze %dma_start3A_705 : memref<1x16xi32, #tpu.memory_space<vmem>> -> memref<16xi32, #tpu.memory_space<vmem>>
    %dma_start3A_707 = arith.constant 0 : i32
    %dma_start3A_708 = tpu.memref_slice %arg4[%dma_start3A_707] : memref<360448xf32, #tpu.memory_space<hbm>> -> memref<360448xf32, #tpu.memory_space<hbm>>
    tpu.enqueue_indirect_dma source(%dma_start3A_708 : memref<360448xf32, #tpu.memory_space<hbm>>) target(%dma_start3A_703 : memref<16xf32, #tpu.memory_space<vmem>>) offsets(%dma_start3A_706 : memref<16xi32, #tpu.memory_space<vmem>>) semaphore(%arg21 : memref<!tpu.dma_semaphore, #tpu.memory_space<semaphore_mem>>)
    %mul3A_709 = arith.constant 44 : i32
    %mul3A_710 = vector.broadcast %mul3A_709 : i32 to vector<16xi32>
    %mul3A_711 = arith.muli %add3A_660, %mul3A_710 : vector<16xi32>
    %add3A_712 = arith.constant 32 : i32
    %add3A_713 = vector.broadcast %add3A_712 : i32 to vector<16xi32>
    %add3A_714 = arith.addi %iota3A, %add3A_713 : vector<16xi32>
    %add3A_715 = arith.addi %mul3A_711, %add3A_714 : vector<16xi32>
    %min3A_716 = arith.minsi %add3A_715, %add3A_665 : vector<16xi32>
    %swap3A_717 = arith.constant 2 : i32
    %swap3A_718 = arith.index_cast %swap3A_717 : i32 to index
    %swap3A_719 = arith.constant 0 : index
    %swap3A_720 = tpu.vector_load %arg14[%swap3A_718, %swap3A_719] {strides = array<i32>} : memref<27x16xi32, #tpu.memory_space<vmem>>, vector<16xi32>,
    tpu.vector_store %arg14[%swap3A_718, %swap3A_719], %min3A_716 {strides = array<i32>} : memref<27x16xi32, #tpu.memory_space<vmem>>, vector<16xi32>,
    %dma_start3A_721 = arith.constant 2 : i32
    %dma_start3A_722 = arith.constant 0 : i32
    %dma_start3A_723 = arith.constant 32 : i32
    %dma_start3A_724 = tpu.memref_slice %arg15[%dma_start3A_722, %dma_start3A_723] : memref<1x48xf32, #tpu.memory_space<vmem>> -> memref<1x16xf32, #tpu.memory_space<vmem>>
    %dma_start3A_725 = tpu.memref_squeeze %dma_start3A_724 : memref<1x16xf32, #tpu.memory_space<vmem>> -> memref<16xf32, #tpu.memory_space<vmem>>
    %dma_start3A_726 = arith.constant 0 : i32
    %dma_start3A_727 = tpu.memref_slice %arg14[%dma_start3A_721, %dma_start3A_726] : memref<27x16xi32, #tpu.memory_space<vmem>> -> memref<1x16xi32, #tpu.memory_space<vmem>>
    %dma_start3A_728 = tpu.memref_squeeze %dma_start3A_727 : memref<1x16xi32, #tpu.memory_space<vmem>> -> memref<16xi32, #tpu.memory_space<vmem>>
    %dma_start3A_729 = arith.constant 0 : i32
    %dma_start3A_730 = tpu.memref_slice %arg4[%dma_start3A_729] : memref<360448xf32, #tpu.memory_space<hbm>> -> memref<360448xf32, #tpu.memory_space<hbm>>
    tpu.enqueue_indirect_dma source(%dma_start3A_730 : memref<360448xf32, #tpu.memory_space<hbm>>) target(%dma_start3A_725 : memref<16xf32, #tpu.memory_space<vmem>>) offsets(%dma_start3A_728 : memref<16xi32, #tpu.memory_space<vmem>>) semaphore(%arg21 : memref<!tpu.dma_semaphore, #tpu.memory_space<semaphore_mem>>)
    %broadcast_in_dim3A_731 = arith.constant 0 : i32
    %broadcast_in_dim3A_732 = vector.broadcast %broadcast_in_dim3A_731 : i32 to vector<16xi32>
    %add3A_733 = arith.constant 2883583 : i32
    %add3A_734 = vector.broadcast %add3A_733 : i32 to vector<16xi32>
    %add3A_735 = arith.addi %broadcast_in_dim3A_732, %add3A_734 : vector<16xi32>
    %mul3A_736 = arith.constant 352 : i32
    %mul3A_737 = vector.broadcast %mul3A_736 : i32 to vector<16xi32>
    %mul3A_738 = arith.muli %add3A_660, %mul3A_737 : vector<16xi32>
    %add3A_739 = arith.constant 0 : i32
    %add3A_740 = vector.broadcast %add3A_739 : i32 to vector<16xi32>
    %add3A_741 = arith.addi %mul3A_738, %add3A_740 : vector<16xi32>
    %add3A_742 = arith.addi %add3A_741, %iota3A : vector<16xi32>
    %min3A_743 = arith.minsi %add3A_742, %add3A_735 : vector<16xi32>
    %swap3A_744 = arith.constant 3 : i32
    %swap3A_745 = arith.index_cast %swap3A_744 : i32 to index
    %swap3A_746 = arith.constant 0 : index
    %swap3A_747 = tpu.vector_load %arg14[%swap3A_745, %swap3A_746] {strides = array<i32>} : memref<27x16xi32, #tpu.memory_space<vmem>>, vector<16xi32>,
    tpu.vector_store %arg14[%swap3A_745, %swap3A_746], %min3A_743 {strides = array<i32>} : memref<27x16xi32, #tpu.memory_space<vmem>>, vector<16xi32>,
    %dma_start3A_748 = arith.constant 3 : i32
    %dma_start3A_749 = arith.constant 0 : i32
    %dma_start3A_750 = arith.constant 0 : i32
    %dma_start3A_751 = arith.constant 0 : i32
    %dma_start3A_752 = tpu.memref_slice %arg16[%dma_start3A_749, %dma_start3A_750, %dma_start3A_751] : memref<1x8x48xf32, #tpu.memory_space<vmem>> -> memref<1x1x16xf32, #tpu.memory_space<vmem>>
    %dma_start3A_753 = tpu.memref_squeeze %dma_start3A_752 : memref<1x1x16xf32, #tpu.memory_space<vmem>> -> memref<16xf32, #tpu.memory_space<vmem>>
    %dma_start3A_754 = arith.constant 0 : i32
    %dma_start3A_755 = tpu.memref_slice %arg14[%dma_start3A_748, %dma_start3A_754] : memref<27x16xi32, #tpu.memory_space<vmem>> -> memref<1x16xi32, #tpu.memory_space<vmem>>
    %dma_start3A_756 = tpu.memref_squeeze %dma_start3A_755 : memref<1x16xi32, #tpu.memory_space<vmem>> -> memref<16xi32, #tpu.memory_space<vmem>>
    %dma_start3A_757 = arith.constant 0 : i32
    %dma_start3A_758 = tpu.memref_slice %arg5[%dma_start3A_757] : memref<2883584xf32, #tpu.memory_space<hbm>> -> memref<2883584xf32, #tpu.memory_space<hbm>>
    tpu.enqueue_indirect_dma source(%dma_start3A_758 : memref<2883584xf32, #tpu.memory_space<hbm>>) target(%dma_start3A_753 : memref<16xf32, #tpu.memory_space<vmem>>) offsets(%dma_start3A_756 : memref<16xi32, #tpu.memory_space<vmem>>) semaphore(%arg21 : memref<!tpu.dma_semaphore, #tpu.memory_space<semaphore_mem>>)
    %mul3A_759 = arith.constant 352 : i32
    %mul3A_760 = vector.broadcast %mul3A_759 : i32 to vector<16xi32>
    %mul3A_761 = arith.muli %add3A_660, %mul3A_760 : vector<16xi32>
    %add3A_762 = arith.constant 16 : i32
    %add3A_763 = vector.broadcast %add3A_762 : i32 to vector<16xi32>
    %add3A_764 = arith.addi %mul3A_761, %add3A_763 : vector<16xi32>
    %add3A_765 = arith.addi %add3A_764, %iota3A : vector<16xi32>
    %min3A_766 = arith.minsi %add3A_765, %add3A_735 : vector<16xi32>
    %swap3A_767 = arith.constant 4 : i32
    %swap3A_768 = arith.index_cast %swap3A_767 : i32 to index
    %swap3A_769 = arith.constant 0 : index
    %swap3A_770 = tpu.vector_load %arg14[%swap3A_768, %swap3A_769] {strides = array<i32>} : memref<27x16xi32, #tpu.memory_space<vmem>>, vector<16xi32>,
    tpu.vector_store %arg14[%swap3A_768, %swap3A_769], %min3A_766 {strides = array<i32>} : memref<27x16xi32, #tpu.memory_space<vmem>>, vector<16xi32>,
    %dma_start3A_771 = arith.constant 4 : i32
    %dma_start3A_772 = arith.constant 0 : i32
    %dma_start3A_773 = arith.constant 0 : i32
    %dma_start3A_774 = arith.constant 16 : i32
    %dma_start3A_775 = tpu.memref_slice %arg16[%dma_start3A_772, %dma_start3A_773, %dma_start3A_774] : memref<1x8x48xf32, #tpu.memory_space<vmem>> -> memref<1x1x16xf32, #tpu.memory_space<vmem>>
    %dma_start3A_776 = tpu.memref_squeeze %dma_start3A_775 : memref<1x1x16xf32, #tpu.memory_space<vmem>> -> memref<16xf32, #tpu.memory_space<vmem>>
    %dma_start3A_777 = arith.constant 0 : i32
    %dma_start3A_778 = tpu.memref_slice %arg14[%dma_start3A_771, %dma_start3A_777] : memref<27x16xi32, #tpu.memory_space<vmem>> -> memref<1x16xi32, #tpu.memory_space<vmem>>
    %dma_start3A_779 = tpu.memref_squeeze %dma_start3A_778 : memref<1x16xi32, #tpu.memory_space<vmem>> -> memref<16xi32, #tpu.memory_space<vmem>>
    %dma_start3A_780 = arith.constant 0 : i32
    %dma_start3A_781 = tpu.memref_slice %arg5[%dma_start3A_780] : memref<2883584xf32, #tpu.memory_space<hbm>> -> memref<2883584xf32, #tpu.memory_space<hbm>>
    tpu.enqueue_indirect_dma source(%dma_start3A_781 : memref<2883584xf32, #tpu.memory_space<hbm>>) target(%dma_start3A_776 : memref<16xf32, #tpu.memory_space<vmem>>) offsets(%dma_start3A_779 : memref<16xi32, #tpu.memory_space<vmem>>) semaphore(%arg21 : memref<!tpu.dma_semaphore, #tpu.memory_space<semaphore_mem>>)
    %mul3A_782 = arith.constant 352 : i32
    %mul3A_783 = vector.broadcast %mul3A_782 : i32 to vector<16xi32>
    %mul3A_784 = arith.muli %add3A_660, %mul3A_783 : vector<16xi32>
    %add3A_785 = arith.constant 32 : i32
    %add3A_786 = vector.broadcast %add3A_785 : i32 to vector<16xi32>
    %add3A_787 = arith.addi %mul3A_784, %add3A_786 : vector<16xi32>
    %add3A_788 = arith.addi %add3A_787, %iota3A : vector<16xi32>
    %min3A_789 = arith.minsi %add3A_788, %add3A_735 : vector<16xi32>
    %swap3A_790 = arith.constant 5 : i32
    %swap3A_791 = arith.index_cast %swap3A_790 : i32 to index
    %swap3A_792 = arith.constant 0 : index
    %swap3A_793 = tpu.vector_load %arg14[%swap3A_791, %swap3A_792] {strides = array<i32>} : memref<27x16xi32, #tpu.memory_space<vmem>>, vector<16xi32>,
    tpu.vector_store %arg14[%swap3A_791, %swap3A_792], %min3A_789 {strides = array<i32>} : memref<27x16xi32, #tpu.memory_space<vmem>>, vector<16xi32>,
    %dma_start3A_794 = arith.constant 5 : i32
    %dma_start3A_795 = arith.constant 0 : i32
    %dma_start3A_796 = arith.constant 0 : i32
    %dma_start3A_797 = arith.constant 32 : i32
    %dma_start3A_798 = tpu.memref_slice %arg16[%dma_start3A_795, %dma_start3A_796, %dma_start3A_797] : memref<1x8x48xf32, #tpu.memory_space<vmem>> -> memref<1x1x16xf32, #tpu.memory_space<vmem>>
    %dma_start3A_799 = tpu.memref_squeeze %dma_start3A_798 : memref<1x1x16xf32, #tpu.memory_space<vmem>> -> memref<16xf32, #tpu.memory_space<vmem>>
    %dma_start3A_800 = arith.constant 0 : i32
    %dma_start3A_801 = tpu.memref_slice %arg14[%dma_start3A_794, %dma_start3A_800] : memref<27x16xi32, #tpu.memory_space<vmem>> -> memref<1x16xi32, #tpu.memory_space<vmem>>
    %dma_start3A_802 = tpu.memref_squeeze %dma_start3A_801 : memref<1x16xi32, #tpu.memory_space<vmem>> -> memref<16xi32, #tpu.memory_space<vmem>>
    %dma_start3A_803 = arith.constant 0 : i32
    %dma_start3A_804 = tpu.memref_slice %arg5[%dma_start3A_803] : memref<2883584xf32, #tpu.memory_space<hbm>> -> memref<2883584xf32, #tpu.memory_space<hbm>>
    tpu.enqueue_indirect_dma source(%dma_start3A_804 : memref<2883584xf32, #tpu.memory_space<hbm>>) target(%dma_start3A_799 : memref<16xf32, #tpu.memory_space<vmem>>) offsets(%dma_start3A_802 : memref<16xi32, #tpu.memory_space<vmem>>) semaphore(%arg21 : memref<!tpu.dma_semaphore, #tpu.memory_space<semaphore_mem>>)
    %mul3A_805 = arith.constant 352 : i32
    %mul3A_806 = vector.broadcast %mul3A_805 : i32 to vector<16xi32>
    %mul3A_807 = arith.muli %add3A_660, %mul3A_806 : vector<16xi32>
    %add3A_808 = arith.constant 44 : i32
    %add3A_809 = vector.broadcast %add3A_808 : i32 to vector<16xi32>
    %add3A_810 = arith.addi %mul3A_807, %add3A_809 : vector<16xi32>
    %add3A_811 = arith.addi %add3A_810, %iota3A : vector<16xi32>
    %min3A_812 = arith.minsi %add3A_811, %add3A_735 : vector<16xi32>
    %swap3A_813 = arith.constant 6 : i32
    %swap3A_814 = arith.index_cast %swap3A_813 : i32 to index
    %swap3A_815 = arith.constant 0 : index
    %swap3A_816 = tpu.vector_load %arg14[%swap3A_814, %swap3A_815] {strides = array<i32>} : memref<27x16xi32, #tpu.memory_space<vmem>>, vector<16xi32>,
    tpu.vector_store %arg14[%swap3A_814, %swap3A_815], %min3A_812 {strides = array<i32>} : memref<27x16xi32, #tpu.memory_space<vmem>>, vector<16xi32>,
    %dma_start3A_817 = arith.constant 6 : i32
    %dma_start3A_818 = arith.constant 0 : i32
    %dma_start3A_819 = arith.constant 1 : i32
    %dma_start3A_820 = arith.constant 0 : i32
    %dma_start3A_821 = tpu.memref_slice %arg16[%dma_start3A_818, %dma_start3A_819, %dma_start3A_820] : memref<1x8x48xf32, #tpu.memory_space<vmem>> -> memref<1x1x16xf32, #tpu.memory_space<vmem>>
    %dma_start3A_822 = tpu.memref_squeeze %dma_start3A_821 : memref<1x1x16xf32, #tpu.memory_space<vmem>> -> memref<16xf32, #tpu.memory_space<vmem>>
    %dma_start3A_823 = arith.constant 0 : i32
    %dma_start3A_824 = tpu.memref_slice %arg14[%dma_start3A_817, %dma_start3A_823] : memref<27x16xi32, #tpu.memory_space<vmem>> -> memref<1x16xi32, #tpu.memory_space<vmem>>
    %dma_start3A_825 = tpu.memref_squeeze %dma_start3A_824 : memref<1x16xi32, #tpu.memory_space<vmem>> -> memref<16xi32, #tpu.memory_space<vmem>>
    %dma_start3A_826 = arith.constant 0 : i32
    %dma_start3A_827 = tpu.memref_slice %arg5[%dma_start3A_826] : memref<2883584xf32, #tpu.memory_space<hbm>> -> memref<2883584xf32, #tpu.memory_space<hbm>>
    tpu.enqueue_indirect_dma source(%dma_start3A_827 : memref<2883584xf32, #tpu.memory_space<hbm>>) target(%dma_start3A_822 : memref<16xf32, #tpu.memory_space<vmem>>) offsets(%dma_start3A_825 : memref<16xi32, #tpu.memory_space<vmem>>) semaphore(%arg21 : memref<!tpu.dma_semaphore, #tpu.memory_space<semaphore_mem>>)
    %mul3A_828 = arith.constant 352 : i32
    %mul3A_829 = vector.broadcast %mul3A_828 : i32 to vector<16xi32>
    %mul3A_830 = arith.muli %add3A_660, %mul3A_829 : vector<16xi32>
    %add3A_831 = arith.constant 60 : i32
    %add3A_832 = vector.broadcast %add3A_831 : i32 to vector<16xi32>
    %add3A_833 = arith.addi %mul3A_830, %add3A_832 : vector<16xi32>
    %add3A_834 = arith.addi %add3A_833, %iota3A : vector<16xi32>
    %min3A_835 = arith.minsi %add3A_834, %add3A_735 : vector<16xi32>
    %swap3A_836 = arith.constant 7 : i32
    %swap3A_837 = arith.index_cast %swap3A_836 : i32 to index
    %swap3A_838 = arith.constant 0 : index
    %swap3A_839 = tpu.vector_load %arg14[%swap3A_837, %swap3A_838] {strides = array<i32>} : memref<27x16xi32, #tpu.memory_space<vmem>>, vector<16xi32>,
    tpu.vector_store %arg14[%swap3A_837, %swap3A_838], %min3A_835 {strides = array<i32>} : memref<27x16xi32, #tpu.memory_space<vmem>>, vector<16xi32>,
    %dma_start3A_840 = arith.constant 7 : i32
    %dma_start3A_841 = arith.constant 0 : i32
    %dma_start3A_842 = arith.constant 1 : i32
    %dma_start3A_843 = arith.constant 16 : i32
    %dma_start3A_844 = tpu.memref_slice %arg16[%dma_start3A_841, %dma_start3A_842, %dma_start3A_843] : memref<1x8x48xf32, #tpu.memory_space<vmem>> -> memref<1x1x16xf32, #tpu.memory_space<vmem>>
    %dma_start3A_845 = tpu.memref_squeeze %dma_start3A_844 : memref<1x1x16xf32, #tpu.memory_space<vmem>> -> memref<16xf32, #tpu.memory_space<vmem>>
    %dma_start3A_846 = arith.constant 0 : i32
    %dma_start3A_847 = tpu.memref_slice %arg14[%dma_start3A_840, %dma_start3A_846] : memref<27x16xi32, #tpu.memory_space<vmem>> -> memref<1x16xi32, #tpu.memory_space<vmem>>
    %dma_start3A_848 = tpu.memref_squeeze %dma_start3A_847 : memref<1x16xi32, #tpu.memory_space<vmem>> -> memref<16xi32, #tpu.memory_space<vmem>>
    %dma_start3A_849 = arith.constant 0 : i32
    %dma_start3A_850 = tpu.memref_slice %arg5[%dma_start3A_849] : memref<2883584xf32, #tpu.memory_space<hbm>> -> memref<2883584xf32, #tpu.memory_space<hbm>>
    tpu.enqueue_indirect_dma source(%dma_start3A_850 : memref<2883584xf32, #tpu.memory_space<hbm>>) target(%dma_start3A_845 : memref<16xf32, #tpu.memory_space<vmem>>) offsets(%dma_start3A_848 : memref<16xi32, #tpu.memory_space<vmem>>) semaphore(%arg21 : memref<!tpu.dma_semaphore, #tpu.memory_space<semaphore_mem>>)
    %mul3A_851 = arith.constant 352 : i32
    %mul3A_852 = vector.broadcast %mul3A_851 : i32 to vector<16xi32>
    %mul3A_853 = arith.muli %add3A_660, %mul3A_852 : vector<16xi32>
    %add3A_854 = arith.constant 76 : i32
    %add3A_855 = vector.broadcast %add3A_854 : i32 to vector<16xi32>
    %add3A_856 = arith.addi %mul3A_853, %add3A_855 : vector<16xi32>
    %add3A_857 = arith.addi %add3A_856, %iota3A : vector<16xi32>
    %min3A_858 = arith.minsi %add3A_857, %add3A_735 : vector<16xi32>
    %swap3A_859 = arith.constant 8 : i32
    %swap3A_860 = arith.index_cast %swap3A_859 : i32 to index
    %swap3A_861 = arith.constant 0 : index
    %swap3A_862 = tpu.vector_load %arg14[%swap3A_860, %swap3A_861] {strides = array<i32>} : memref<27x16xi32, #tpu.memory_space<vmem>>, vector<16xi32>,
    tpu.vector_store %arg14[%swap3A_860, %swap3A_861], %min3A_858 {strides = array<i32>} : memref<27x16xi32, #tpu.memory_space<vmem>>, vector<16xi32>,
    %dma_start3A_863 = arith.constant 8 : i32
    %dma_start3A_864 = arith.constant 0 : i32
    %dma_start3A_865 = arith.constant 1 : i32
    %dma_start3A_866 = arith.constant 32 : i32
    %dma_start3A_867 = tpu.memref_slice %arg16[%dma_start3A_864, %dma_start3A_865, %dma_start3A_866] : memref<1x8x48xf32, #tpu.memory_space<vmem>> -> memref<1x1x16xf32, #tpu.memory_space<vmem>>
    %dma_start3A_868 = tpu.memref_squeeze %dma_start3A_867 : memref<1x1x16xf32, #tpu.memory_space<vmem>> -> memref<16xf32, #tpu.memory_space<vmem>>
    %dma_start3A_869 = arith.constant 0 : i32
    %dma_start3A_870 = tpu.memref_slice %arg14[%dma_start3A_863, %dma_start3A_869] : memref<27x16xi32, #tpu.memory_space<vmem>> -> memref<1x16xi32, #tpu.memory_space<vmem>>
    %dma_start3A_871 = tpu.memref_squeeze %dma_start3A_870 : memref<1x16xi32, #tpu.memory_space<vmem>> -> memref<16xi32, #tpu.memory_space<vmem>>
    %dma_start3A_872 = arith.constant 0 : i32
    %dma_start3A_873 = tpu.memref_slice %arg5[%dma_start3A_872] : memref<2883584xf32, #tpu.memory_space<hbm>> -> memref<2883584xf32, #tpu.memory_space<hbm>>
    tpu.enqueue_indirect_dma source(%dma_start3A_873 : memref<2883584xf32, #tpu.memory_space<hbm>>) target(%dma_start3A_868 : memref<16xf32, #tpu.memory_space<vmem>>) offsets(%dma_start3A_871 : memref<16xi32, #tpu.memory_space<vmem>>) semaphore(%arg21 : memref<!tpu.dma_semaphore, #tpu.memory_space<semaphore_mem>>)
    %mul3A_874 = arith.constant 352 : i32
    %mul3A_875 = vector.broadcast %mul3A_874 : i32 to vector<16xi32>
    %mul3A_876 = arith.muli %add3A_660, %mul3A_875 : vector<16xi32>
    %add3A_877 = arith.constant 88 : i32
    %add3A_878 = vector.broadcast %add3A_877 : i32 to vector<16xi32>
    %add3A_879 = arith.addi %mul3A_876, %add3A_878 : vector<16xi32>
    %add3A_880 = arith.addi %add3A_879, %iota3A : vector<16xi32>
    %min3A_881 = arith.minsi %add3A_880, %add3A_735 : vector<16xi32>
    %swap3A_882 = arith.constant 9 : i32
    %swap3A_883 = arith.index_cast %swap3A_882 : i32 to index
    %swap3A_884 = arith.constant 0 : index
    %swap3A_885 = tpu.vector_load %arg14[%swap3A_883, %swap3A_884] {strides = array<i32>} : memref<27x16xi32, #tpu.memory_space<vmem>>, vector<16xi32>,
    tpu.vector_store %arg14[%swap3A_883, %swap3A_884], %min3A_881 {strides = array<i32>} : memref<27x16xi32, #tpu.memory_space<vmem>>, vector<16xi32>,
    %dma_start3A_886 = arith.constant 9 : i32
    %dma_start3A_887 = arith.constant 0 : i32
    %dma_start3A_888 = arith.constant 2 : i32
    %dma_start3A_889 = arith.constant 0 : i32
    %dma_start3A_890 = tpu.memref_slice %arg16[%dma_start3A_887, %dma_start3A_888, %dma_start3A_889] : memref<1x8x48xf32, #tpu.memory_space<vmem>> -> memref<1x1x16xf32, #tpu.memory_space<vmem>>
    %dma_start3A_891 = tpu.memref_squeeze %dma_start3A_890 : memref<1x1x16xf32, #tpu.memory_space<vmem>> -> memref<16xf32, #tpu.memory_space<vmem>>
    %dma_start3A_892 = arith.constant 0 : i32
    %dma_start3A_893 = tpu.memref_slice %arg14[%dma_start3A_886, %dma_start3A_892] : memref<27x16xi32, #tpu.memory_space<vmem>> -> memref<1x16xi32, #tpu.memory_space<vmem>>
    %dma_start3A_894 = tpu.memref_squeeze %dma_start3A_893 : memref<1x16xi32, #tpu.memory_space<vmem>> -> memref<16xi32, #tpu.memory_space<vmem>>
    %dma_start3A_895 = arith.constant 0 : i32
    %dma_start3A_896 = tpu.memref_slice %arg5[%dma_start3A_895] : memref<2883584xf32, #tpu.memory_space<hbm>> -> memref<2883584xf32, #tpu.memory_space<hbm>>
    tpu.enqueue_indirect_dma source(%dma_start3A_896 : memref<2883584xf32, #tpu.memory_space<hbm>>) target(%dma_start3A_891 : memref<16xf32, #tpu.memory_space<vmem>>) offsets(%dma_start3A_894 : memref<16xi32, #tpu.memory_space<vmem>>) semaphore(%arg21 : memref<!tpu.dma_semaphore, #tpu.memory_space<semaphore_mem>>)
    %mul3A_897 = arith.constant 352 : i32
    %mul3A_898 = vector.broadcast %mul3A_897 : i32 to vector<16xi32>
    %mul3A_899 = arith.muli %add3A_660, %mul3A_898 : vector<16xi32>
    %add3A_900 = arith.constant 104 : i32
    %add3A_901 = vector.broadcast %add3A_900 : i32 to vector<16xi32>
    %add3A_902 = arith.addi %mul3A_899, %add3A_901 : vector<16xi32>
    %add3A_903 = arith.addi %add3A_902, %iota3A : vector<16xi32>
    %min3A_904 = arith.minsi %add3A_903, %add3A_735 : vector<16xi32>
    %swap3A_905 = arith.constant 10 : i32
    %swap3A_906 = arith.index_cast %swap3A_905 : i32 to index
    %swap3A_907 = arith.constant 0 : index
    %swap3A_908 = tpu.vector_load %arg14[%swap3A_906, %swap3A_907] {strides = array<i32>} : memref<27x16xi32, #tpu.memory_space<vmem>>, vector<16xi32>,
    tpu.vector_store %arg14[%swap3A_906, %swap3A_907], %min3A_904 {strides = array<i32>} : memref<27x16xi32, #tpu.memory_space<vmem>>, vector<16xi32>,
    %dma_start3A_909 = arith.constant 10 : i32
    %dma_start3A_910 = arith.constant 0 : i32
    %dma_start3A_911 = arith.constant 2 : i32
    %dma_start3A_912 = arith.constant 16 : i32
    %dma_start3A_913 = tpu.memref_slice %arg16[%dma_start3A_910, %dma_start3A_911, %dma_start3A_912] : memref<1x8x48xf32, #tpu.memory_space<vmem>> -> memref<1x1x16xf32, #tpu.memory_space<vmem>>
    %dma_start3A_914 = tpu.memref_squeeze %dma_start3A_913 : memref<1x1x16xf32, #tpu.memory_space<vmem>> -> memref<16xf32, #tpu.memory_space<vmem>>
    %dma_start3A_915 = arith.constant 0 : i32
    %dma_start3A_916 = tpu.memref_slice %arg14[%dma_start3A_909, %dma_start3A_915] : memref<27x16xi32, #tpu.memory_space<vmem>> -> memref<1x16xi32, #tpu.memory_space<vmem>>
    %dma_start3A_917 = tpu.memref_squeeze %dma_start3A_916 : memref<1x16xi32, #tpu.memory_space<vmem>> -> memref<16xi32, #tpu.memory_space<vmem>>
    %dma_start3A_918 = arith.constant 0 : i32
    %dma_start3A_919 = tpu.memref_slice %arg5[%dma_start3A_918] : memref<2883584xf32, #tpu.memory_space<hbm>> -> memref<2883584xf32, #tpu.memory_space<hbm>>
    tpu.enqueue_indirect_dma source(%dma_start3A_919 : memref<2883584xf32, #tpu.memory_space<hbm>>) target(%dma_start3A_914 : memref<16xf32, #tpu.memory_space<vmem>>) offsets(%dma_start3A_917 : memref<16xi32, #tpu.memory_space<vmem>>) semaphore(%arg21 : memref<!tpu.dma_semaphore, #tpu.memory_space<semaphore_mem>>)
    %mul3A_920 = arith.constant 352 : i32
    %mul3A_921 = vector.broadcast %mul3A_920 : i32 to vector<16xi32>
    %mul3A_922 = arith.muli %add3A_660, %mul3A_921 : vector<16xi32>
    %add3A_923 = arith.constant 120 : i32
    %add3A_924 = vector.broadcast %add3A_923 : i32 to vector<16xi32>
    %add3A_925 = arith.addi %mul3A_922, %add3A_924 : vector<16xi32>
    %add3A_926 = arith.addi %add3A_925, %iota3A : vector<16xi32>
    %min3A_927 = arith.minsi %add3A_926, %add3A_735 : vector<16xi32>
    %swap3A_928 = arith.constant 11 : i32
    %swap3A_929 = arith.index_cast %swap3A_928 : i32 to index
    %swap3A_930 = arith.constant 0 : index
    %swap3A_931 = tpu.vector_load %arg14[%swap3A_929, %swap3A_930] {strides = array<i32>} : memref<27x16xi32, #tpu.memory_space<vmem>>, vector<16xi32>,
    tpu.vector_store %arg14[%swap3A_929, %swap3A_930], %min3A_927 {strides = array<i32>} : memref<27x16xi32, #tpu.memory_space<vmem>>, vector<16xi32>,
    %dma_start3A_932 = arith.constant 11 : i32
    %dma_start3A_933 = arith.constant 0 : i32
    %dma_start3A_934 = arith.constant 2 : i32
    %dma_start3A_935 = arith.constant 32 : i32
    %dma_start3A_936 = tpu.memref_slice %arg16[%dma_start3A_933, %dma_start3A_934, %dma_start3A_935] : memref<1x8x48xf32, #tpu.memory_space<vmem>> -> memref<1x1x16xf32, #tpu.memory_space<vmem>>
    %dma_start3A_937 = tpu.memref_squeeze %dma_start3A_936 : memref<1x1x16xf32, #tpu.memory_space<vmem>> -> memref<16xf32, #tpu.memory_space<vmem>>
    %dma_start3A_938 = arith.constant 0 : i32
    %dma_start3A_939 = tpu.memref_slice %arg14[%dma_start3A_932, %dma_start3A_938] : memref<27x16xi32, #tpu.memory_space<vmem>> -> memref<1x16xi32, #tpu.memory_space<vmem>>
    %dma_start3A_940 = tpu.memref_squeeze %dma_start3A_939 : memref<1x16xi32, #tpu.memory_space<vmem>> -> memref<16xi32, #tpu.memory_space<vmem>>
    %dma_start3A_941 = arith.constant 0 : i32
    %dma_start3A_942 = tpu.memref_slice %arg5[%dma_start3A_941] : memref<2883584xf32, #tpu.memory_space<hbm>> -> memref<2883584xf32, #tpu.memory_space<hbm>>
    tpu.enqueue_indirect_dma source(%dma_start3A_942 : memref<2883584xf32, #tpu.memory_space<hbm>>) target(%dma_start3A_937 : memref<16xf32, #tpu.memory_space<vmem>>) offsets(%dma_start3A_940 : memref<16xi32, #tpu.memory_space<vmem>>) semaphore(%arg21 : memref<!tpu.dma_semaphore, #tpu.memory_space<semaphore_mem>>)
    %mul3A_943 = arith.constant 352 : i32
    %mul3A_944 = vector.broadcast %mul3A_943 : i32 to vector<16xi32>
    %mul3A_945 = arith.muli %add3A_660, %mul3A_944 : vector<16xi32>
    %add3A_946 = arith.constant 132 : i32
    %add3A_947 = vector.broadcast %add3A_946 : i32 to vector<16xi32>
    %add3A_948 = arith.addi %mul3A_945, %add3A_947 : vector<16xi32>
    %add3A_949 = arith.addi %add3A_948, %iota3A : vector<16xi32>
    %min3A_950 = arith.minsi %add3A_949, %add3A_735 : vector<16xi32>
    %swap3A_951 = arith.constant 12 : i32
    %swap3A_952 = arith.index_cast %swap3A_951 : i32 to index
    %swap3A_953 = arith.constant 0 : index
    %swap3A_954 = tpu.vector_load %arg14[%swap3A_952, %swap3A_953] {strides = array<i32>} : memref<27x16xi32, #tpu.memory_space<vmem>>, vector<16xi32>,
    tpu.vector_store %arg14[%swap3A_952, %swap3A_953], %min3A_950 {strides = array<i32>} : memref<27x16xi32, #tpu.memory_space<vmem>>, vector<16xi32>,
    %dma_start3A_955 = arith.constant 12 : i32
    %dma_start3A_956 = arith.constant 0 : i32
    %dma_start3A_957 = arith.constant 3 : i32
    %dma_start3A_958 = arith.constant 0 : i32
    %dma_start3A_959 = tpu.memref_slice %arg16[%dma_start3A_956, %dma_start3A_957, %dma_start3A_958] : memref<1x8x48xf32, #tpu.memory_space<vmem>> -> memref<1x1x16xf32, #tpu.memory_space<vmem>>
    %dma_start3A_960 = tpu.memref_squeeze %dma_start3A_959 : memref<1x1x16xf32, #tpu.memory_space<vmem>> -> memref<16xf32, #tpu.memory_space<vmem>>
    %dma_start3A_961 = arith.constant 0 : i32
    %dma_start3A_962 = tpu.memref_slice %arg14[%dma_start3A_955, %dma_start3A_961] : memref<27x16xi32, #tpu.memory_space<vmem>> -> memref<1x16xi32, #tpu.memory_space<vmem>>
    %dma_start3A_963 = tpu.memref_squeeze %dma_start3A_962 : memref<1x16xi32, #tpu.memory_space<vmem>> -> memref<16xi32, #tpu.memory_space<vmem>>
    %dma_start3A_964 = arith.constant 0 : i32
    %dma_start3A_965 = tpu.memref_slice %arg5[%dma_start3A_964] : memref<2883584xf32, #tpu.memory_space<hbm>> -> memref<2883584xf32, #tpu.memory_space<hbm>>
    tpu.enqueue_indirect_dma source(%dma_start3A_965 : memref<2883584xf32, #tpu.memory_space<hbm>>) target(%dma_start3A_960 : memref<16xf32, #tpu.memory_space<vmem>>) offsets(%dma_start3A_963 : memref<16xi32, #tpu.memory_space<vmem>>) semaphore(%arg21 : memref<!tpu.dma_semaphore, #tpu.memory_space<semaphore_mem>>)
    %mul3A_966 = arith.constant 352 : i32
    %mul3A_967 = vector.broadcast %mul3A_966 : i32 to vector<16xi32>
    %mul3A_968 = arith.muli %add3A_660, %mul3A_967 : vector<16xi32>
    %add3A_969 = arith.constant 148 : i32
    %add3A_970 = vector.broadcast %add3A_969 : i32 to vector<16xi32>
    %add3A_971 = arith.addi %mul3A_968, %add3A_970 : vector<16xi32>
    %add3A_972 = arith.addi %add3A_971, %iota3A : vector<16xi32>
    %min3A_973 = arith.minsi %add3A_972, %add3A_735 : vector<16xi32>
    %swap3A_974 = arith.constant 13 : i32
    %swap3A_975 = arith.index_cast %swap3A_974 : i32 to index
    %swap3A_976 = arith.constant 0 : index
    %swap3A_977 = tpu.vector_load %arg14[%swap3A_975, %swap3A_976] {strides = array<i32>} : memref<27x16xi32, #tpu.memory_space<vmem>>, vector<16xi32>,
    tpu.vector_store %arg14[%swap3A_975, %swap3A_976], %min3A_973 {strides = array<i32>} : memref<27x16xi32, #tpu.memory_space<vmem>>, vector<16xi32>,
    %dma_start3A_978 = arith.constant 13 : i32
    %dma_start3A_979 = arith.constant 0 : i32
    %dma_start3A_980 = arith.constant 3 : i32
    %dma_start3A_981 = arith.constant 16 : i32
    %dma_start3A_982 = tpu.memref_slice %arg16[%dma_start3A_979, %dma_start3A_980, %dma_start3A_981] : memref<1x8x48xf32, #tpu.memory_space<vmem>> -> memref<1x1x16xf32, #tpu.memory_space<vmem>>
    %dma_start3A_983 = tpu.memref_squeeze %dma_start3A_982 : memref<1x1x16xf32, #tpu.memory_space<vmem>> -> memref<16xf32, #tpu.memory_space<vmem>>
    %dma_start3A_984 = arith.constant 0 : i32
    %dma_start3A_985 = tpu.memref_slice %arg14[%dma_start3A_978, %dma_start3A_984] : memref<27x16xi32, #tpu.memory_space<vmem>> -> memref<1x16xi32, #tpu.memory_space<vmem>>
    %dma_start3A_986 = tpu.memref_squeeze %dma_start3A_985 : memref<1x16xi32, #tpu.memory_space<vmem>> -> memref<16xi32, #tpu.memory_space<vmem>>
    %dma_start3A_987 = arith.constant 0 : i32
    %dma_start3A_988 = tpu.memref_slice %arg5[%dma_start3A_987] : memref<2883584xf32, #tpu.memory_space<hbm>> -> memref<2883584xf32, #tpu.memory_space<hbm>>
    tpu.enqueue_indirect_dma source(%dma_start3A_988 : memref<2883584xf32, #tpu.memory_space<hbm>>) target(%dma_start3A_983 : memref<16xf32, #tpu.memory_space<vmem>>) offsets(%dma_start3A_986 : memref<16xi32, #tpu.memory_space<vmem>>) semaphore(%arg21 : memref<!tpu.dma_semaphore, #tpu.memory_space<semaphore_mem>>)
    %mul3A_989 = arith.constant 352 : i32
    %mul3A_990 = vector.broadcast %mul3A_989 : i32 to vector<16xi32>
    %mul3A_991 = arith.muli %add3A_660, %mul3A_990 : vector<16xi32>
    %add3A_992 = arith.constant 164 : i32
    %add3A_993 = vector.broadcast %add3A_992 : i32 to vector<16xi32>
    %add3A_994 = arith.addi %mul3A_991, %add3A_993 : vector<16xi32>
    %add3A_995 = arith.addi %add3A_994, %iota3A : vector<16xi32>
    %min3A_996 = arith.minsi %add3A_995, %add3A_735 : vector<16xi32>
    %swap3A_997 = arith.constant 14 : i32
    %swap3A_998 = arith.index_cast %swap3A_997 : i32 to index
    %swap3A_999 = arith.constant 0 : index
    %swap3A_1000 = tpu.vector_load %arg14[%swap3A_998, %swap3A_999] {strides = array<i32>} : memref<27x16xi32, #tpu.memory_space<vmem>>, vector<16xi32>,
    tpu.vector_store %arg14[%swap3A_998, %swap3A_999], %min3A_996 {strides = array<i32>} : memref<27x16xi32, #tpu.memory_space<vmem>>, vector<16xi32>,
    %dma_start3A_1001 = arith.constant 14 : i32
    %dma_start3A_1002 = arith.constant 0 : i32
    %dma_start3A_1003 = arith.constant 3 : i32
    %dma_start3A_1004 = arith.constant 32 : i32
    %dma_start3A_1005 = tpu.memref_slice %arg16[%dma_start3A_1002, %dma_start3A_1003, %dma_start3A_1004] : memref<1x8x48xf32, #tpu.memory_space<vmem>> -> memref<1x1x16xf32, #tpu.memory_space<vmem>>
    %dma_start3A_1006 = tpu.memref_squeeze %dma_start3A_1005 : memref<1x1x16xf32, #tpu.memory_space<vmem>> -> memref<16xf32, #tpu.memory_space<vmem>>
    %dma_start3A_1007 = arith.constant 0 : i32
    %dma_start3A_1008 = tpu.memref_slice %arg14[%dma_start3A_1001, %dma_start3A_1007] : memref<27x16xi32, #tpu.memory_space<vmem>> -> memref<1x16xi32, #tpu.memory_space<vmem>>
    %dma_start3A_1009 = tpu.memref_squeeze %dma_start3A_1008 : memref<1x16xi32, #tpu.memory_space<vmem>> -> memref<16xi32, #tpu.memory_space<vmem>>
    %dma_start3A_1010 = arith.constant 0 : i32
    %dma_start3A_1011 = tpu.memref_slice %arg5[%dma_start3A_1010] : memref<2883584xf32, #tpu.memory_space<hbm>> -> memref<2883584xf32, #tpu.memory_space<hbm>>
    tpu.enqueue_indirect_dma source(%dma_start3A_1011 : memref<2883584xf32, #tpu.memory_space<hbm>>) target(%dma_start3A_1006 : memref<16xf32, #tpu.memory_space<vmem>>) offsets(%dma_start3A_1009 : memref<16xi32, #tpu.memory_space<vmem>>) semaphore(%arg21 : memref<!tpu.dma_semaphore, #tpu.memory_space<semaphore_mem>>)
    %mul3A_1012 = arith.constant 352 : i32
    %mul3A_1013 = vector.broadcast %mul3A_1012 : i32 to vector<16xi32>
    %mul3A_1014 = arith.muli %add3A_660, %mul3A_1013 : vector<16xi32>
    %add3A_1015 = arith.constant 176 : i32
    %add3A_1016 = vector.broadcast %add3A_1015 : i32 to vector<16xi32>
    %add3A_1017 = arith.addi %mul3A_1014, %add3A_1016 : vector<16xi32>
    %add3A_1018 = arith.addi %add3A_1017, %iota3A : vector<16xi32>
    %min3A_1019 = arith.minsi %add3A_1018, %add3A_735 : vector<16xi32>
    %swap3A_1020 = arith.constant 15 : i32
    %swap3A_1021 = arith.index_cast %swap3A_1020 : i32 to index
    %swap3A_1022 = arith.constant 0 : index
    %swap3A_1023 = tpu.vector_load %arg14[%swap3A_1021, %swap3A_1022] {strides = array<i32>} : memref<27x16xi32, #tpu.memory_space<vmem>>, vector<16xi32>,
    tpu.vector_store %arg14[%swap3A_1021, %swap3A_1022], %min3A_1019 {strides = array<i32>} : memref<27x16xi32, #tpu.memory_space<vmem>>, vector<16xi32>,
    %dma_start3A_1024 = arith.constant 15 : i32
    %dma_start3A_1025 = arith.constant 0 : i32
    %dma_start3A_1026 = arith.constant 4 : i32
    %dma_start3A_1027 = arith.constant 0 : i32
    %dma_start3A_1028 = tpu.memref_slice %arg16[%dma_start3A_1025, %dma_start3A_1026, %dma_start3A_1027] : memref<1x8x48xf32, #tpu.memory_space<vmem>> -> memref<1x1x16xf32, #tpu.memory_space<vmem>>
    %dma_start3A_1029 = tpu.memref_squeeze %dma_start3A_1028 : memref<1x1x16xf32, #tpu.memory_space<vmem>> -> memref<16xf32, #tpu.memory_space<vmem>>
    %dma_start3A_1030 = arith.constant 0 : i32
    %dma_start3A_1031 = tpu.memref_slice %arg14[%dma_start3A_1024, %dma_start3A_1030] : memref<27x16xi32, #tpu.memory_space<vmem>> -> memref<1x16xi32, #tpu.memory_space<vmem>>
    %dma_start3A_1032 = tpu.memref_squeeze %dma_start3A_1031 : memref<1x16xi32, #tpu.memory_space<vmem>> -> memref<16xi32, #tpu.memory_space<vmem>>
    %dma_start3A_1033 = arith.constant 0 : i32
    %dma_start3A_1034 = tpu.memref_slice %arg5[%dma_start3A_1033] : memref<2883584xf32, #tpu.memory_space<hbm>> -> memref<2883584xf32, #tpu.memory_space<hbm>>
    tpu.enqueue_indirect_dma source(%dma_start3A_1034 : memref<2883584xf32, #tpu.memory_space<hbm>>) target(%dma_start3A_1029 : memref<16xf32, #tpu.memory_space<vmem>>) offsets(%dma_start3A_1032 : memref<16xi32, #tpu.memory_space<vmem>>) semaphore(%arg21 : memref<!tpu.dma_semaphore, #tpu.memory_space<semaphore_mem>>)
    %mul3A_1035 = arith.constant 352 : i32
    %mul3A_1036 = vector.broadcast %mul3A_1035 : i32 to vector<16xi32>
    %mul3A_1037 = arith.muli %add3A_660, %mul3A_1036 : vector<16xi32>
    %add3A_1038 = arith.constant 192 : i32
    %add3A_1039 = vector.broadcast %add3A_1038 : i32 to vector<16xi32>
    %add3A_1040 = arith.addi %mul3A_1037, %add3A_1039 : vector<16xi32>
    %add3A_1041 = arith.addi %add3A_1040, %iota3A : vector<16xi32>
    %min3A_1042 = arith.minsi %add3A_1041, %add3A_735 : vector<16xi32>
    %swap3A_1043 = arith.constant 16 : i32
    %swap3A_1044 = arith.index_cast %swap3A_1043 : i32 to index
    %swap3A_1045 = arith.constant 0 : index
    %swap3A_1046 = tpu.vector_load %arg14[%swap3A_1044, %swap3A_1045] {strides = array<i32>} : memref<27x16xi32, #tpu.memory_space<vmem>>, vector<16xi32>,
    tpu.vector_store %arg14[%swap3A_1044, %swap3A_1045], %min3A_1042 {strides = array<i32>} : memref<27x16xi32, #tpu.memory_space<vmem>>, vector<16xi32>,
    %dma_start3A_1047 = arith.constant 16 : i32
    %dma_start3A_1048 = arith.constant 0 : i32
    %dma_start3A_1049 = arith.constant 4 : i32
    %dma_start3A_1050 = arith.constant 16 : i32
    %dma_start3A_1051 = tpu.memref_slice %arg16[%dma_start3A_1048, %dma_start3A_1049, %dma_start3A_1050] : memref<1x8x48xf32, #tpu.memory_space<vmem>> -> memref<1x1x16xf32, #tpu.memory_space<vmem>>
    %dma_start3A_1052 = tpu.memref_squeeze %dma_start3A_1051 : memref<1x1x16xf32, #tpu.memory_space<vmem>> -> memref<16xf32, #tpu.memory_space<vmem>>
    %dma_start3A_1053 = arith.constant 0 : i32
    %dma_start3A_1054 = tpu.memref_slice %arg14[%dma_start3A_1047, %dma_start3A_1053] : memref<27x16xi32, #tpu.memory_space<vmem>> -> memref<1x16xi32, #tpu.memory_space<vmem>>
    %dma_start3A_1055 = tpu.memref_squeeze %dma_start3A_1054 : memref<1x16xi32, #tpu.memory_space<vmem>> -> memref<16xi32, #tpu.memory_space<vmem>>
    %dma_start3A_1056 = arith.constant 0 : i32
    %dma_start3A_1057 = tpu.memref_slice %arg5[%dma_start3A_1056] : memref<2883584xf32, #tpu.memory_space<hbm>> -> memref<2883584xf32, #tpu.memory_space<hbm>>
    tpu.enqueue_indirect_dma source(%dma_start3A_1057 : memref<2883584xf32, #tpu.memory_space<hbm>>) target(%dma_start3A_1052 : memref<16xf32, #tpu.memory_space<vmem>>) offsets(%dma_start3A_1055 : memref<16xi32, #tpu.memory_space<vmem>>) semaphore(%arg21 : memref<!tpu.dma_semaphore, #tpu.memory_space<semaphore_mem>>)
    %mul3A_1058 = arith.constant 352 : i32
    %mul3A_1059 = vector.broadcast %mul3A_1058 : i32 to vector<16xi32>
    %mul3A_1060 = arith.muli %add3A_660, %mul3A_1059 : vector<16xi32>
    %add3A_1061 = arith.constant 208 : i32
    %add3A_1062 = vector.broadcast %add3A_1061 : i32 to vector<16xi32>
    %add3A_1063 = arith.addi %mul3A_1060, %add3A_1062 : vector<16xi32>
    %add3A_1064 = arith.addi %add3A_1063, %iota3A : vector<16xi32>
    %min3A_1065 = arith.minsi %add3A_1064, %add3A_735 : vector<16xi32>
    %swap3A_1066 = arith.constant 17 : i32
    %swap3A_1067 = arith.index_cast %swap3A_1066 : i32 to index
    %swap3A_1068 = arith.constant 0 : index
    %swap3A_1069 = tpu.vector_load %arg14[%swap3A_1067, %swap3A_1068] {strides = array<i32>} : memref<27x16xi32, #tpu.memory_space<vmem>>, vector<16xi32>,
    tpu.vector_store %arg14[%swap3A_1067, %swap3A_1068], %min3A_1065 {strides = array<i32>} : memref<27x16xi32, #tpu.memory_space<vmem>>, vector<16xi32>,
    %dma_start3A_1070 = arith.constant 17 : i32
    %dma_start3A_1071 = arith.constant 0 : i32
    %dma_start3A_1072 = arith.constant 4 : i32
    %dma_start3A_1073 = arith.constant 32 : i32
    %dma_start3A_1074 = tpu.memref_slice %arg16[%dma_start3A_1071, %dma_start3A_1072, %dma_start3A_1073] : memref<1x8x48xf32, #tpu.memory_space<vmem>> -> memref<1x1x16xf32, #tpu.memory_space<vmem>>
    %dma_start3A_1075 = tpu.memref_squeeze %dma_start3A_1074 : memref<1x1x16xf32, #tpu.memory_space<vmem>> -> memref<16xf32, #tpu.memory_space<vmem>>
    %dma_start3A_1076 = arith.constant 0 : i32
    %dma_start3A_1077 = tpu.memref_slice %arg14[%dma_start3A_1070, %dma_start3A_1076] : memref<27x16xi32, #tpu.memory_space<vmem>> -> memref<1x16xi32, #tpu.memory_space<vmem>>
    %dma_start3A_1078 = tpu.memref_squeeze %dma_start3A_1077 : memref<1x16xi32, #tpu.memory_space<vmem>> -> memref<16xi32, #tpu.memory_space<vmem>>
    %dma_start3A_1079 = arith.constant 0 : i32
    %dma_start3A_1080 = tpu.memref_slice %arg5[%dma_start3A_1079] : memref<2883584xf32, #tpu.memory_space<hbm>> -> memref<2883584xf32, #tpu.memory_space<hbm>>
    tpu.enqueue_indirect_dma source(%dma_start3A_1080 : memref<2883584xf32, #tpu.memory_space<hbm>>) target(%dma_start3A_1075 : memref<16xf32, #tpu.memory_space<vmem>>) offsets(%dma_start3A_1078 : memref<16xi32, #tpu.memory_space<vmem>>) semaphore(%arg21 : memref<!tpu.dma_semaphore, #tpu.memory_space<semaphore_mem>>)
    %mul3A_1081 = arith.constant 352 : i32
    %mul3A_1082 = vector.broadcast %mul3A_1081 : i32 to vector<16xi32>
    %mul3A_1083 = arith.muli %add3A_660, %mul3A_1082 : vector<16xi32>
    %add3A_1084 = arith.constant 220 : i32
    %add3A_1085 = vector.broadcast %add3A_1084 : i32 to vector<16xi32>
    %add3A_1086 = arith.addi %mul3A_1083, %add3A_1085 : vector<16xi32>
    %add3A_1087 = arith.addi %add3A_1086, %iota3A : vector<16xi32>
    %min3A_1088 = arith.minsi %add3A_1087, %add3A_735 : vector<16xi32>
    %swap3A_1089 = arith.constant 18 : i32
    %swap3A_1090 = arith.index_cast %swap3A_1089 : i32 to index
    %swap3A_1091 = arith.constant 0 : index
    %swap3A_1092 = tpu.vector_load %arg14[%swap3A_1090, %swap3A_1091] {strides = array<i32>} : memref<27x16xi32, #tpu.memory_space<vmem>>, vector<16xi32>,
    tpu.vector_store %arg14[%swap3A_1090, %swap3A_1091], %min3A_1088 {strides = array<i32>} : memref<27x16xi32, #tpu.memory_space<vmem>>, vector<16xi32>,
    %dma_start3A_1093 = arith.constant 18 : i32
    %dma_start3A_1094 = arith.constant 0 : i32
    %dma_start3A_1095 = arith.constant 5 : i32
    %dma_start3A_1096 = arith.constant 0 : i32
    %dma_start3A_1097 = tpu.memref_slice %arg16[%dma_start3A_1094, %dma_start3A_1095, %dma_start3A_1096] : memref<1x8x48xf32, #tpu.memory_space<vmem>> -> memref<1x1x16xf32, #tpu.memory_space<vmem>>
    %dma_start3A_1098 = tpu.memref_squeeze %dma_start3A_1097 : memref<1x1x16xf32, #tpu.memory_space<vmem>> -> memref<16xf32, #tpu.memory_space<vmem>>
    %dma_start3A_1099 = arith.constant 0 : i32
    %dma_start3A_1100 = tpu.memref_slice %arg14[%dma_start3A_1093, %dma_start3A_1099] : memref<27x16xi32, #tpu.memory_space<vmem>> -> memref<1x16xi32, #tpu.memory_space<vmem>>
    %dma_start3A_1101 = tpu.memref_squeeze %dma_start3A_1100 : memref<1x16xi32, #tpu.memory_space<vmem>> -> memref<16xi32, #tpu.memory_space<vmem>>
    %dma_start3A_1102 = arith.constant 0 : i32
    %dma_start3A_1103 = tpu.memref_slice %arg5[%dma_start3A_1102] : memref<2883584xf32, #tpu.memory_space<hbm>> -> memref<2883584xf32, #tpu.memory_space<hbm>>
    tpu.enqueue_indirect_dma source(%dma_start3A_1103 : memref<2883584xf32, #tpu.memory_space<hbm>>) target(%dma_start3A_1098 : memref<16xf32, #tpu.memory_space<vmem>>) offsets(%dma_start3A_1101 : memref<16xi32, #tpu.memory_space<vmem>>) semaphore(%arg21 : memref<!tpu.dma_semaphore, #tpu.memory_space<semaphore_mem>>)
    %mul3A_1104 = arith.constant 352 : i32
    %mul3A_1105 = vector.broadcast %mul3A_1104 : i32 to vector<16xi32>
    %mul3A_1106 = arith.muli %add3A_660, %mul3A_1105 : vector<16xi32>
    %add3A_1107 = arith.constant 236 : i32
    %add3A_1108 = vector.broadcast %add3A_1107 : i32 to vector<16xi32>
    %add3A_1109 = arith.addi %mul3A_1106, %add3A_1108 : vector<16xi32>
    %add3A_1110 = arith.addi %add3A_1109, %iota3A : vector<16xi32>
    %min3A_1111 = arith.minsi %add3A_1110, %add3A_735 : vector<16xi32>
    %swap3A_1112 = arith.constant 19 : i32
    %swap3A_1113 = arith.index_cast %swap3A_1112 : i32 to index
    %swap3A_1114 = arith.constant 0 : index
    %swap3A_1115 = tpu.vector_load %arg14[%swap3A_1113, %swap3A_1114] {strides = array<i32>} : memref<27x16xi32, #tpu.memory_space<vmem>>, vector<16xi32>,
    tpu.vector_store %arg14[%swap3A_1113, %swap3A_1114], %min3A_1111 {strides = array<i32>} : memref<27x16xi32, #tpu.memory_space<vmem>>, vector<16xi32>,
    %dma_start3A_1116 = arith.constant 19 : i32
    %dma_start3A_1117 = arith.constant 0 : i32
    %dma_start3A_1118 = arith.constant 5 : i32
    %dma_start3A_1119 = arith.constant 16 : i32
    %dma_start3A_1120 = tpu.memref_slice %arg16[%dma_start3A_1117, %dma_start3A_1118, %dma_start3A_1119] : memref<1x8x48xf32, #tpu.memory_space<vmem>> -> memref<1x1x16xf32, #tpu.memory_space<vmem>>
    %dma_start3A_1121 = tpu.memref_squeeze %dma_start3A_1120 : memref<1x1x16xf32, #tpu.memory_space<vmem>> -> memref<16xf32, #tpu.memory_space<vmem>>
    %dma_start3A_1122 = arith.constant 0 : i32
    %dma_start3A_1123 = tpu.memref_slice %arg14[%dma_start3A_1116, %dma_start3A_1122] : memref<27x16xi32, #tpu.memory_space<vmem>> -> memref<1x16xi32, #tpu.memory_space<vmem>>
    %dma_start3A_1124 = tpu.memref_squeeze %dma_start3A_1123 : memref<1x16xi32, #tpu.memory_space<vmem>> -> memref<16xi32, #tpu.memory_space<vmem>>
    %dma_start3A_1125 = arith.constant 0 : i32
    %dma_start3A_1126 = tpu.memref_slice %arg5[%dma_start3A_1125] : memref<2883584xf32, #tpu.memory_space<hbm>> -> memref<2883584xf32, #tpu.memory_space<hbm>>
    tpu.enqueue_indirect_dma source(%dma_start3A_1126 : memref<2883584xf32, #tpu.memory_space<hbm>>) target(%dma_start3A_1121 : memref<16xf32, #tpu.memory_space<vmem>>) offsets(%dma_start3A_1124 : memref<16xi32, #tpu.memory_space<vmem>>) semaphore(%arg21 : memref<!tpu.dma_semaphore, #tpu.memory_space<semaphore_mem>>)
    %mul3A_1127 = arith.constant 352 : i32
    %mul3A_1128 = vector.broadcast %mul3A_1127 : i32 to vector<16xi32>
    %mul3A_1129 = arith.muli %add3A_660, %mul3A_1128 : vector<16xi32>
    %add3A_1130 = arith.constant 252 : i32
    %add3A_1131 = vector.broadcast %add3A_1130 : i32 to vector<16xi32>
    %add3A_1132 = arith.addi %mul3A_1129, %add3A_1131 : vector<16xi32>
    %add3A_1133 = arith.addi %add3A_1132, %iota3A : vector<16xi32>
    %min3A_1134 = arith.minsi %add3A_1133, %add3A_735 : vector<16xi32>
    %swap3A_1135 = arith.constant 20 : i32
    %swap3A_1136 = arith.index_cast %swap3A_1135 : i32 to index
    %swap3A_1137 = arith.constant 0 : index
    %swap3A_1138 = tpu.vector_load %arg14[%swap3A_1136, %swap3A_1137] {strides = array<i32>} : memref<27x16xi32, #tpu.memory_space<vmem>>, vector<16xi32>,
    tpu.vector_store %arg14[%swap3A_1136, %swap3A_1137], %min3A_1134 {strides = array<i32>} : memref<27x16xi32, #tpu.memory_space<vmem>>, vector<16xi32>,
    %dma_start3A_1139 = arith.constant 20 : i32
    %dma_start3A_1140 = arith.constant 0 : i32
    %dma_start3A_1141 = arith.constant 5 : i32
    %dma_start3A_1142 = arith.constant 32 : i32
    %dma_start3A_1143 = tpu.memref_slice %arg16[%dma_start3A_1140, %dma_start3A_1141, %dma_start3A_1142] : memref<1x8x48xf32, #tpu.memory_space<vmem>> -> memref<1x1x16xf32, #tpu.memory_space<vmem>>
    %dma_start3A_1144 = tpu.memref_squeeze %dma_start3A_1143 : memref<1x1x16xf32, #tpu.memory_space<vmem>> -> memref<16xf32, #tpu.memory_space<vmem>>
    %dma_start3A_1145 = arith.constant 0 : i32
    %dma_start3A_1146 = tpu.memref_slice %arg14[%dma_start3A_1139, %dma_start3A_1145] : memref<27x16xi32, #tpu.memory_space<vmem>> -> memref<1x16xi32, #tpu.memory_space<vmem>>
    %dma_start3A_1147 = tpu.memref_squeeze %dma_start3A_1146 : memref<1x16xi32, #tpu.memory_space<vmem>> -> memref<16xi32, #tpu.memory_space<vmem>>
    %dma_start3A_1148 = arith.constant 0 : i32
    %dma_start3A_1149 = tpu.memref_slice %arg5[%dma_start3A_1148] : memref<2883584xf32, #tpu.memory_space<hbm>> -> memref<2883584xf32, #tpu.memory_space<hbm>>
    tpu.enqueue_indirect_dma source(%dma_start3A_1149 : memref<2883584xf32, #tpu.memory_space<hbm>>) target(%dma_start3A_1144 : memref<16xf32, #tpu.memory_space<vmem>>) offsets(%dma_start3A_1147 : memref<16xi32, #tpu.memory_space<vmem>>) semaphore(%arg21 : memref<!tpu.dma_semaphore, #tpu.memory_space<semaphore_mem>>)
    %mul3A_1150 = arith.constant 352 : i32
    %mul3A_1151 = vector.broadcast %mul3A_1150 : i32 to vector<16xi32>
    %mul3A_1152 = arith.muli %add3A_660, %mul3A_1151 : vector<16xi32>
    %add3A_1153 = arith.constant 264 : i32
    %add3A_1154 = vector.broadcast %add3A_1153 : i32 to vector<16xi32>
    %add3A_1155 = arith.addi %mul3A_1152, %add3A_1154 : vector<16xi32>
    %add3A_1156 = arith.addi %add3A_1155, %iota3A : vector<16xi32>
    %min3A_1157 = arith.minsi %add3A_1156, %add3A_735 : vector<16xi32>
    %swap3A_1158 = arith.constant 21 : i32
    %swap3A_1159 = arith.index_cast %swap3A_1158 : i32 to index
    %swap3A_1160 = arith.constant 0 : index
    %swap3A_1161 = tpu.vector_load %arg14[%swap3A_1159, %swap3A_1160] {strides = array<i32>} : memref<27x16xi32, #tpu.memory_space<vmem>>, vector<16xi32>,
    tpu.vector_store %arg14[%swap3A_1159, %swap3A_1160], %min3A_1157 {strides = array<i32>} : memref<27x16xi32, #tpu.memory_space<vmem>>, vector<16xi32>,
    %dma_start3A_1162 = arith.constant 21 : i32
    %dma_start3A_1163 = arith.constant 0 : i32
    %dma_start3A_1164 = arith.constant 6 : i32
    %dma_start3A_1165 = arith.constant 0 : i32
    %dma_start3A_1166 = tpu.memref_slice %arg16[%dma_start3A_1163, %dma_start3A_1164, %dma_start3A_1165] : memref<1x8x48xf32, #tpu.memory_space<vmem>> -> memref<1x1x16xf32, #tpu.memory_space<vmem>>
    %dma_start3A_1167 = tpu.memref_squeeze %dma_start3A_1166 : memref<1x1x16xf32, #tpu.memory_space<vmem>> -> memref<16xf32, #tpu.memory_space<vmem>>
    %dma_start3A_1168 = arith.constant 0 : i32
    %dma_start3A_1169 = tpu.memref_slice %arg14[%dma_start3A_1162, %dma_start3A_1168] : memref<27x16xi32, #tpu.memory_space<vmem>> -> memref<1x16xi32, #tpu.memory_space<vmem>>
    %dma_start3A_1170 = tpu.memref_squeeze %dma_start3A_1169 : memref<1x16xi32, #tpu.memory_space<vmem>> -> memref<16xi32, #tpu.memory_space<vmem>>
    %dma_start3A_1171 = arith.constant 0 : i32
    %dma_start3A_1172 = tpu.memref_slice %arg5[%dma_start3A_1171] : memref<2883584xf32, #tpu.memory_space<hbm>> -> memref<2883584xf32, #tpu.memory_space<hbm>>
    tpu.enqueue_indirect_dma source(%dma_start3A_1172 : memref<2883584xf32, #tpu.memory_space<hbm>>) target(%dma_start3A_1167 : memref<16xf32, #tpu.memory_space<vmem>>) offsets(%dma_start3A_1170 : memref<16xi32, #tpu.memory_space<vmem>>) semaphore(%arg21 : memref<!tpu.dma_semaphore, #tpu.memory_space<semaphore_mem>>)
    %mul3A_1173 = arith.constant 352 : i32
    %mul3A_1174 = vector.broadcast %mul3A_1173 : i32 to vector<16xi32>
    %mul3A_1175 = arith.muli %add3A_660, %mul3A_1174 : vector<16xi32>
    %add3A_1176 = arith.constant 280 : i32
    %add3A_1177 = vector.broadcast %add3A_1176 : i32 to vector<16xi32>
    %add3A_1178 = arith.addi %mul3A_1175, %add3A_1177 : vector<16xi32>
    %add3A_1179 = arith.addi %add3A_1178, %iota3A : vector<16xi32>
    %min3A_1180 = arith.minsi %add3A_1179, %add3A_735 : vector<16xi32>
    %swap3A_1181 = arith.constant 22 : i32
    %swap3A_1182 = arith.index_cast %swap3A_1181 : i32 to index
    %swap3A_1183 = arith.constant 0 : index
    %swap3A_1184 = tpu.vector_load %arg14[%swap3A_1182, %swap3A_1183] {strides = array<i32>} : memref<27x16xi32, #tpu.memory_space<vmem>>, vector<16xi32>,
    tpu.vector_store %arg14[%swap3A_1182, %swap3A_1183], %min3A_1180 {strides = array<i32>} : memref<27x16xi32, #tpu.memory_space<vmem>>, vector<16xi32>,
    %dma_start3A_1185 = arith.constant 22 : i32
    %dma_start3A_1186 = arith.constant 0 : i32
    %dma_start3A_1187 = arith.constant 6 : i32
    %dma_start3A_1188 = arith.constant 16 : i32
    %dma_start3A_1189 = tpu.memref_slice %arg16[%dma_start3A_1186, %dma_start3A_1187, %dma_start3A_1188] : memref<1x8x48xf32, #tpu.memory_space<vmem>> -> memref<1x1x16xf32, #tpu.memory_space<vmem>>
    %dma_start3A_1190 = tpu.memref_squeeze %dma_start3A_1189 : memref<1x1x16xf32, #tpu.memory_space<vmem>> -> memref<16xf32, #tpu.memory_space<vmem>>
    %dma_start3A_1191 = arith.constant 0 : i32
    %dma_start3A_1192 = tpu.memref_slice %arg14[%dma_start3A_1185, %dma_start3A_1191] : memref<27x16xi32, #tpu.memory_space<vmem>> -> memref<1x16xi32, #tpu.memory_space<vmem>>
    %dma_start3A_1193 = tpu.memref_squeeze %dma_start3A_1192 : memref<1x16xi32, #tpu.memory_space<vmem>> -> memref<16xi32, #tpu.memory_space<vmem>>
    %dma_start3A_1194 = arith.constant 0 : i32
    %dma_start3A_1195 = tpu.memref_slice %arg5[%dma_start3A_1194] : memref<2883584xf32, #tpu.memory_space<hbm>> -> memref<2883584xf32, #tpu.memory_space<hbm>>
    tpu.enqueue_indirect_dma source(%dma_start3A_1195 : memref<2883584xf32, #tpu.memory_space<hbm>>) target(%dma_start3A_1190 : memref<16xf32, #tpu.memory_space<vmem>>) offsets(%dma_start3A_1193 : memref<16xi32, #tpu.memory_space<vmem>>) semaphore(%arg21 : memref<!tpu.dma_semaphore, #tpu.memory_space<semaphore_mem>>)
    %mul3A_1196 = arith.constant 352 : i32
    %mul3A_1197 = vector.broadcast %mul3A_1196 : i32 to vector<16xi32>
    %mul3A_1198 = arith.muli %add3A_660, %mul3A_1197 : vector<16xi32>
    %add3A_1199 = arith.constant 296 : i32
    %add3A_1200 = vector.broadcast %add3A_1199 : i32 to vector<16xi32>
    %add3A_1201 = arith.addi %mul3A_1198, %add3A_1200 : vector<16xi32>
    %add3A_1202 = arith.addi %add3A_1201, %iota3A : vector<16xi32>
    %min3A_1203 = arith.minsi %add3A_1202, %add3A_735 : vector<16xi32>
    %swap3A_1204 = arith.constant 23 : i32
    %swap3A_1205 = arith.index_cast %swap3A_1204 : i32 to index
    %swap3A_1206 = arith.constant 0 : index
    %swap3A_1207 = tpu.vector_load %arg14[%swap3A_1205, %swap3A_1206] {strides = array<i32>} : memref<27x16xi32, #tpu.memory_space<vmem>>, vector<16xi32>,
    tpu.vector_store %arg14[%swap3A_1205, %swap3A_1206], %min3A_1203 {strides = array<i32>} : memref<27x16xi32, #tpu.memory_space<vmem>>, vector<16xi32>,
    %dma_start3A_1208 = arith.constant 23 : i32
    %dma_start3A_1209 = arith.constant 0 : i32
    %dma_start3A_1210 = arith.constant 6 : i32
    %dma_start3A_1211 = arith.constant 32 : i32
    %dma_start3A_1212 = tpu.memref_slice %arg16[%dma_start3A_1209, %dma_start3A_1210, %dma_start3A_1211] : memref<1x8x48xf32, #tpu.memory_space<vmem>> -> memref<1x1x16xf32, #tpu.memory_space<vmem>>
    %dma_start3A_1213 = tpu.memref_squeeze %dma_start3A_1212 : memref<1x1x16xf32, #tpu.memory_space<vmem>> -> memref<16xf32, #tpu.memory_space<vmem>>
    %dma_start3A_1214 = arith.constant 0 : i32
    %dma_start3A_1215 = tpu.memref_slice %arg14[%dma_start3A_1208, %dma_start3A_1214] : memref<27x16xi32, #tpu.memory_space<vmem>> -> memref<1x16xi32, #tpu.memory_space<vmem>>
    %dma_start3A_1216 = tpu.memref_squeeze %dma_start3A_1215 : memref<1x16xi32, #tpu.memory_space<vmem>> -> memref<16xi32, #tpu.memory_space<vmem>>
    %dma_start3A_1217 = arith.constant 0 : i32
    %dma_start3A_1218 = tpu.memref_slice %arg5[%dma_start3A_1217] : memref<2883584xf32, #tpu.memory_space<hbm>> -> memref<2883584xf32, #tpu.memory_space<hbm>>
    tpu.enqueue_indirect_dma source(%dma_start3A_1218 : memref<2883584xf32, #tpu.memory_space<hbm>>) target(%dma_start3A_1213 : memref<16xf32, #tpu.memory_space<vmem>>) offsets(%dma_start3A_1216 : memref<16xi32, #tpu.memory_space<vmem>>) semaphore(%arg21 : memref<!tpu.dma_semaphore, #tpu.memory_space<semaphore_mem>>)
    %mul3A_1219 = arith.constant 352 : i32
    %mul3A_1220 = vector.broadcast %mul3A_1219 : i32 to vector<16xi32>
    %mul3A_1221 = arith.muli %add3A_660, %mul3A_1220 : vector<16xi32>
    %add3A_1222 = arith.constant 308 : i32
    %add3A_1223 = vector.broadcast %add3A_1222 : i32 to vector<16xi32>
    %add3A_1224 = arith.addi %mul3A_1221, %add3A_1223 : vector<16xi32>
    %add3A_1225 = arith.addi %add3A_1224, %iota3A : vector<16xi32>
    %min3A_1226 = arith.minsi %add3A_1225, %add3A_735 : vector<16xi32>
    %swap3A_1227 = arith.constant 24 : i32
    %swap3A_1228 = arith.index_cast %swap3A_1227 : i32 to index
    %swap3A_1229 = arith.constant 0 : index
    %swap3A_1230 = tpu.vector_load %arg14[%swap3A_1228, %swap3A_1229] {strides = array<i32>} : memref<27x16xi32, #tpu.memory_space<vmem>>, vector<16xi32>,
    tpu.vector_store %arg14[%swap3A_1228, %swap3A_1229], %min3A_1226 {strides = array<i32>} : memref<27x16xi32, #tpu.memory_space<vmem>>, vector<16xi32>,
    %dma_start3A_1231 = arith.constant 24 : i32
    %dma_start3A_1232 = arith.constant 0 : i32
    %dma_start3A_1233 = arith.constant 7 : i32
    %dma_start3A_1234 = arith.constant 0 : i32
    %dma_start3A_1235 = tpu.memref_slice %arg16[%dma_start3A_1232, %dma_start3A_1233, %dma_start3A_1234] : memref<1x8x48xf32, #tpu.memory_space<vmem>> -> memref<1x1x16xf32, #tpu.memory_space<vmem>>
    %dma_start3A_1236 = tpu.memref_squeeze %dma_start3A_1235 : memref<1x1x16xf32, #tpu.memory_space<vmem>> -> memref<16xf32, #tpu.memory_space<vmem>>
    %dma_start3A_1237 = arith.constant 0 : i32
    %dma_start3A_1238 = tpu.memref_slice %arg14[%dma_start3A_1231, %dma_start3A_1237] : memref<27x16xi32, #tpu.memory_space<vmem>> -> memref<1x16xi32, #tpu.memory_space<vmem>>
    %dma_start3A_1239 = tpu.memref_squeeze %dma_start3A_1238 : memref<1x16xi32, #tpu.memory_space<vmem>> -> memref<16xi32, #tpu.memory_space<vmem>>
    %dma_start3A_1240 = arith.constant 0 : i32
    %dma_start3A_1241 = tpu.memref_slice %arg5[%dma_start3A_1240] : memref<2883584xf32, #tpu.memory_space<hbm>> -> memref<2883584xf32, #tpu.memory_space<hbm>>
    tpu.enqueue_indirect_dma source(%dma_start3A_1241 : memref<2883584xf32, #tpu.memory_space<hbm>>) target(%dma_start3A_1236 : memref<16xf32, #tpu.memory_space<vmem>>) offsets(%dma_start3A_1239 : memref<16xi32, #tpu.memory_space<vmem>>) semaphore(%arg21 : memref<!tpu.dma_semaphore, #tpu.memory_space<semaphore_mem>>)
    %mul3A_1242 = arith.constant 352 : i32
    %mul3A_1243 = vector.broadcast %mul3A_1242 : i32 to vector<16xi32>
    %mul3A_1244 = arith.muli %add3A_660, %mul3A_1243 : vector<16xi32>
    %add3A_1245 = arith.constant 324 : i32
    %add3A_1246 = vector.broadcast %add3A_1245 : i32 to vector<16xi32>
    %add3A_1247 = arith.addi %mul3A_1244, %add3A_1246 : vector<16xi32>
    %add3A_1248 = arith.addi %add3A_1247, %iota3A : vector<16xi32>
    %min3A_1249 = arith.minsi %add3A_1248, %add3A_735 : vector<16xi32>
    %swap3A_1250 = arith.constant 25 : i32
    %swap3A_1251 = arith.index_cast %swap3A_1250 : i32 to index
    %swap3A_1252 = arith.constant 0 : index
    %swap3A_1253 = tpu.vector_load %arg14[%swap3A_1251, %swap3A_1252] {strides = array<i32>} : memref<27x16xi32, #tpu.memory_space<vmem>>, vector<16xi32>,
    tpu.vector_store %arg14[%swap3A_1251, %swap3A_1252], %min3A_1249 {strides = array<i32>} : memref<27x16xi32, #tpu.memory_space<vmem>>, vector<16xi32>,
    %dma_start3A_1254 = arith.constant 25 : i32
    %dma_start3A_1255 = arith.constant 0 : i32
    %dma_start3A_1256 = arith.constant 7 : i32
    %dma_start3A_1257 = arith.constant 16 : i32
    %dma_start3A_1258 = tpu.memref_slice %arg16[%dma_start3A_1255, %dma_start3A_1256, %dma_start3A_1257] : memref<1x8x48xf32, #tpu.memory_space<vmem>> -> memref<1x1x16xf32, #tpu.memory_space<vmem>>
    %dma_start3A_1259 = tpu.memref_squeeze %dma_start3A_1258 : memref<1x1x16xf32, #tpu.memory_space<vmem>> -> memref<16xf32, #tpu.memory_space<vmem>>
    %dma_start3A_1260 = arith.constant 0 : i32
    %dma_start3A_1261 = tpu.memref_slice %arg14[%dma_start3A_1254, %dma_start3A_1260] : memref<27x16xi32, #tpu.memory_space<vmem>> -> memref<1x16xi32, #tpu.memory_space<vmem>>
    %dma_start3A_1262 = tpu.memref_squeeze %dma_start3A_1261 : memref<1x16xi32, #tpu.memory_space<vmem>> -> memref<16xi32, #tpu.memory_space<vmem>>
    %dma_start3A_1263 = arith.constant 0 : i32
    %dma_start3A_1264 = tpu.memref_slice %arg5[%dma_start3A_1263] : memref<2883584xf32, #tpu.memory_space<hbm>> -> memref<2883584xf32, #tpu.memory_space<hbm>>
    tpu.enqueue_indirect_dma source(%dma_start3A_1264 : memref<2883584xf32, #tpu.memory_space<hbm>>) target(%dma_start3A_1259 : memref<16xf32, #tpu.memory_space<vmem>>) offsets(%dma_start3A_1262 : memref<16xi32, #tpu.memory_space<vmem>>) semaphore(%arg21 : memref<!tpu.dma_semaphore, #tpu.memory_space<semaphore_mem>>)
    %mul3A_1265 = arith.constant 352 : i32
    %mul3A_1266 = vector.broadcast %mul3A_1265 : i32 to vector<16xi32>
    %mul3A_1267 = arith.muli %add3A_660, %mul3A_1266 : vector<16xi32>
    %add3A_1268 = arith.constant 340 : i32
    %add3A_1269 = vector.broadcast %add3A_1268 : i32 to vector<16xi32>
    %add3A_1270 = arith.addi %mul3A_1267, %add3A_1269 : vector<16xi32>
    %add3A_1271 = arith.addi %add3A_1270, %iota3A : vector<16xi32>
    %min3A_1272 = arith.minsi %add3A_1271, %add3A_735 : vector<16xi32>
    %swap3A_1273 = arith.constant 26 : i32
    %swap3A_1274 = arith.index_cast %swap3A_1273 : i32 to index
    %swap3A_1275 = arith.constant 0 : index
    %swap3A_1276 = tpu.vector_load %arg14[%swap3A_1274, %swap3A_1275] {strides = array<i32>} : memref<27x16xi32, #tpu.memory_space<vmem>>, vector<16xi32>,
    tpu.vector_store %arg14[%swap3A_1274, %swap3A_1275], %min3A_1272 {strides = array<i32>} : memref<27x16xi32, #tpu.memory_space<vmem>>, vector<16xi32>,
    %dma_start3A_1277 = arith.constant 26 : i32
    %dma_start3A_1278 = arith.constant 0 : i32
    %dma_start3A_1279 = arith.constant 7 : i32
    %dma_start3A_1280 = arith.constant 32 : i32
    %dma_start3A_1281 = tpu.memref_slice %arg16[%dma_start3A_1278, %dma_start3A_1279, %dma_start3A_1280] : memref<1x8x48xf32, #tpu.memory_space<vmem>> -> memref<1x1x16xf32, #tpu.memory_space<vmem>>
    %dma_start3A_1282 = tpu.memref_squeeze %dma_start3A_1281 : memref<1x1x16xf32, #tpu.memory_space<vmem>> -> memref<16xf32, #tpu.memory_space<vmem>>
    %dma_start3A_1283 = arith.constant 0 : i32
    %dma_start3A_1284 = tpu.memref_slice %arg14[%dma_start3A_1277, %dma_start3A_1283] : memref<27x16xi32, #tpu.memory_space<vmem>> -> memref<1x16xi32, #tpu.memory_space<vmem>>
    %dma_start3A_1285 = tpu.memref_squeeze %dma_start3A_1284 : memref<1x16xi32, #tpu.memory_space<vmem>> -> memref<16xi32, #tpu.memory_space<vmem>>
    %dma_start3A_1286 = arith.constant 0 : i32
    %dma_start3A_1287 = tpu.memref_slice %arg5[%dma_start3A_1286] : memref<2883584xf32, #tpu.memory_space<hbm>> -> memref<2883584xf32, #tpu.memory_space<hbm>>
    tpu.enqueue_indirect_dma source(%dma_start3A_1287 : memref<2883584xf32, #tpu.memory_space<hbm>>) target(%dma_start3A_1282 : memref<16xf32, #tpu.memory_space<vmem>>) offsets(%dma_start3A_1285 : memref<16xi32, #tpu.memory_space<vmem>>) semaphore(%arg21 : memref<!tpu.dma_semaphore, #tpu.memory_space<semaphore_mem>>)
    %dma_wait3A_1288 = arith.constant 0 : i32
    %dma_wait3A_1289 = arith.constant 0 : i32
    %dma_wait3A_1290 = arith.constant 0 : i32
    %dma_wait3A_1291 = tpu.memref_slice %arg15[%dma_wait3A_1289, %dma_wait3A_1290] : memref<1x48xf32, #tpu.memory_space<vmem>> -> memref<1x16xf32, #tpu.memory_space<vmem>>
    %dma_wait3A_1292 = tpu.memref_squeeze %dma_wait3A_1291 : memref<1x16xf32, #tpu.memory_space<vmem>> -> memref<16xf32, #tpu.memory_space<vmem>>
    %dma_wait3A_1293 = arith.constant 0 : i32
    %dma_wait3A_1294 = tpu.memref_slice %arg14[%dma_wait3A_1288, %dma_wait3A_1293] : memref<27x16xi32, #tpu.memory_space<vmem>> -> memref<1x16xi32, #tpu.memory_space<vmem>>
    %dma_wait3A_1295 = tpu.memref_squeeze %dma_wait3A_1294 : memref<1x16xi32, #tpu.memory_space<vmem>> -> memref<16xi32, #tpu.memory_space<vmem>>
    %dma_wait3A_1296 = arith.constant 0 : i32
    %dma_wait3A_1297 = tpu.memref_slice %arg4[%dma_wait3A_1296] : memref<360448xf32, #tpu.memory_space<hbm>> -> memref<360448xf32, #tpu.memory_space<hbm>>
    tpu.wait_indirect_dma semaphore(%arg21 : memref<!tpu.dma_semaphore, #tpu.memory_space<semaphore_mem>>) src(%dma_wait3A_1297 : memref<360448xf32, #tpu.memory_space<hbm>>) dst(%dma_wait3A_1292 : memref<16xf32, #tpu.memory_space<vmem>>)
    %dma_wait3A_1298 = arith.constant 1 : i32
    %dma_wait3A_1299 = arith.constant 0 : i32
    %dma_wait3A_1300 = arith.constant 16 : i32
    %dma_wait3A_1301 = tpu.memref_slice %arg15[%dma_wait3A_1299, %dma_wait3A_1300] : memref<1x48xf32, #tpu.memory_space<vmem>> -> memref<1x16xf32, #tpu.memory_space<vmem>>
    %dma_wait3A_1302 = tpu.memref_squeeze %dma_wait3A_1301 : memref<1x16xf32, #tpu.memory_space<vmem>> -> memref<16xf32, #tpu.memory_space<vmem>>
    %dma_wait3A_1303 = arith.constant 0 : i32
    %dma_wait3A_1304 = tpu.memref_slice %arg14[%dma_wait3A_1298, %dma_wait3A_1303] : memref<27x16xi32, #tpu.memory_space<vmem>> -> memref<1x16xi32, #tpu.memory_space<vmem>>
    %dma_wait3A_1305 = tpu.memref_squeeze %dma_wait3A_1304 : memref<1x16xi32, #tpu.memory_space<vmem>> -> memref<16xi32, #tpu.memory_space<vmem>>
    %dma_wait3A_1306 = arith.constant 0 : i32
    %dma_wait3A_1307 = tpu.memref_slice %arg4[%dma_wait3A_1306] : memref<360448xf32, #tpu.memory_space<hbm>> -> memref<360448xf32, #tpu.memory_space<hbm>>
    tpu.wait_indirect_dma semaphore(%arg21 : memref<!tpu.dma_semaphore, #tpu.memory_space<semaphore_mem>>) src(%dma_wait3A_1307 : memref<360448xf32, #tpu.memory_space<hbm>>) dst(%dma_wait3A_1302 : memref<16xf32, #tpu.memory_space<vmem>>)
    %dma_wait3A_1308 = arith.constant 2 : i32
    %dma_wait3A_1309 = arith.constant 0 : i32
    %dma_wait3A_1310 = arith.constant 32 : i32
    %dma_wait3A_1311 = tpu.memref_slice %arg15[%dma_wait3A_1309, %dma_wait3A_1310] : memref<1x48xf32, #tpu.memory_space<vmem>> -> memref<1x16xf32, #tpu.memory_space<vmem>>
    %dma_wait3A_1312 = tpu.memref_squeeze %dma_wait3A_1311 : memref<1x16xf32, #tpu.memory_space<vmem>> -> memref<16xf32, #tpu.memory_space<vmem>>
    %dma_wait3A_1313 = arith.constant 0 : i32
    %dma_wait3A_1314 = tpu.memref_slice %arg14[%dma_wait3A_1308, %dma_wait3A_1313] : memref<27x16xi32, #tpu.memory_space<vmem>> -> memref<1x16xi32, #tpu.memory_space<vmem>>
    %dma_wait3A_1315 = tpu.memref_squeeze %dma_wait3A_1314 : memref<1x16xi32, #tpu.memory_space<vmem>> -> memref<16xi32, #tpu.memory_space<vmem>>
    %dma_wait3A_1316 = arith.constant 0 : i32
    %dma_wait3A_1317 = tpu.memref_slice %arg4[%dma_wait3A_1316] : memref<360448xf32, #tpu.memory_space<hbm>> -> memref<360448xf32, #tpu.memory_space<hbm>>
    tpu.wait_indirect_dma semaphore(%arg21 : memref<!tpu.dma_semaphore, #tpu.memory_space<semaphore_mem>>) src(%dma_wait3A_1317 : memref<360448xf32, #tpu.memory_space<hbm>>) dst(%dma_wait3A_1312 : memref<16xf32, #tpu.memory_space<vmem>>)
    %dma_wait3A_1318 = arith.constant 3 : i32
    %dma_wait3A_1319 = arith.constant 0 : i32
    %dma_wait3A_1320 = arith.constant 0 : i32
    %dma_wait3A_1321 = arith.constant 0 : i32
    %dma_wait3A_1322 = tpu.memref_slice %arg16[%dma_wait3A_1319, %dma_wait3A_1320, %dma_wait3A_1321] : memref<1x8x48xf32, #tpu.memory_space<vmem>> -> memref<1x1x16xf32, #tpu.memory_space<vmem>>
    %dma_wait3A_1323 = tpu.memref_squeeze %dma_wait3A_1322 : memref<1x1x16xf32, #tpu.memory_space<vmem>> -> memref<16xf32, #tpu.memory_space<vmem>>
    %dma_wait3A_1324 = arith.constant 0 : i32
    %dma_wait3A_1325 = tpu.memref_slice %arg14[%dma_wait3A_1318, %dma_wait3A_1324] : memref<27x16xi32, #tpu.memory_space<vmem>> -> memref<1x16xi32, #tpu.memory_space<vmem>>
    %dma_wait3A_1326 = tpu.memref_squeeze %dma_wait3A_1325 : memref<1x16xi32, #tpu.memory_space<vmem>> -> memref<16xi32, #tpu.memory_space<vmem>>
    %dma_wait3A_1327 = arith.constant 0 : i32
    %dma_wait3A_1328 = tpu.memref_slice %arg5[%dma_wait3A_1327] : memref<2883584xf32, #tpu.memory_space<hbm>> -> memref<2883584xf32, #tpu.memory_space<hbm>>
    tpu.wait_indirect_dma semaphore(%arg21 : memref<!tpu.dma_semaphore, #tpu.memory_space<semaphore_mem>>) src(%dma_wait3A_1328 : memref<2883584xf32, #tpu.memory_space<hbm>>) dst(%dma_wait3A_1323 : memref<16xf32, #tpu.memory_space<vmem>>)
    %dma_wait3A_1329 = arith.constant 4 : i32
    %dma_wait3A_1330 = arith.constant 0 : i32
    %dma_wait3A_1331 = arith.constant 0 : i32
    %dma_wait3A_1332 = arith.constant 16 : i32
    %dma_wait3A_1333 = tpu.memref_slice %arg16[%dma_wait3A_1330, %dma_wait3A_1331, %dma_wait3A_1332] : memref<1x8x48xf32, #tpu.memory_space<vmem>> -> memref<1x1x16xf32, #tpu.memory_space<vmem>>
    %dma_wait3A_1334 = tpu.memref_squeeze %dma_wait3A_1333 : memref<1x1x16xf32, #tpu.memory_space<vmem>> -> memref<16xf32, #tpu.memory_space<vmem>>
    %dma_wait3A_1335 = arith.constant 0 : i32
    %dma_wait3A_1336 = tpu.memref_slice %arg14[%dma_wait3A_1329, %dma_wait3A_1335] : memref<27x16xi32, #tpu.memory_space<vmem>> -> memref<1x16xi32, #tpu.memory_space<vmem>>
    %dma_wait3A_1337 = tpu.memref_squeeze %dma_wait3A_1336 : memref<1x16xi32, #tpu.memory_space<vmem>> -> memref<16xi32, #tpu.memory_space<vmem>>
    %dma_wait3A_1338 = arith.constant 0 : i32
    %dma_wait3A_1339 = tpu.memref_slice %arg5[%dma_wait3A_1338] : memref<2883584xf32, #tpu.memory_space<hbm>> -> memref<2883584xf32, #tpu.memory_space<hbm>>
    tpu.wait_indirect_dma semaphore(%arg21 : memref<!tpu.dma_semaphore, #tpu.memory_space<semaphore_mem>>) src(%dma_wait3A_1339 : memref<2883584xf32, #tpu.memory_space<hbm>>) dst(%dma_wait3A_1334 : memref<16xf32, #tpu.memory_space<vmem>>)
    %dma_wait3A_1340 = arith.constant 5 : i32
    %dma_wait3A_1341 = arith.constant 0 : i32
    %dma_wait3A_1342 = arith.constant 0 : i32
    %dma_wait3A_1343 = arith.constant 32 : i32
    %dma_wait3A_1344 = tpu.memref_slice %arg16[%dma_wait3A_1341, %dma_wait3A_1342, %dma_wait3A_1343] : memref<1x8x48xf32, #tpu.memory_space<vmem>> -> memref<1x1x16xf32, #tpu.memory_space<vmem>>
    %dma_wait3A_1345 = tpu.memref_squeeze %dma_wait3A_1344 : memref<1x1x16xf32, #tpu.memory_space<vmem>> -> memref<16xf32, #tpu.memory_space<vmem>>
    %dma_wait3A_1346 = arith.constant 0 : i32
    %dma_wait3A_1347 = tpu.memref_slice %arg14[%dma_wait3A_1340, %dma_wait3A_1346] : memref<27x16xi32, #tpu.memory_space<vmem>> -> memref<1x16xi32, #tpu.memory_space<vmem>>
    %dma_wait3A_1348 = tpu.memref_squeeze %dma_wait3A_1347 : memref<1x16xi32, #tpu.memory_space<vmem>> -> memref<16xi32, #tpu.memory_space<vmem>>
    %dma_wait3A_1349 = arith.constant 0 : i32
    %dma_wait3A_1350 = tpu.memref_slice %arg5[%dma_wait3A_1349] : memref<2883584xf32, #tpu.memory_space<hbm>> -> memref<2883584xf32, #tpu.memory_space<hbm>>
    tpu.wait_indirect_dma semaphore(%arg21 : memref<!tpu.dma_semaphore, #tpu.memory_space<semaphore_mem>>) src(%dma_wait3A_1350 : memref<2883584xf32, #tpu.memory_space<hbm>>) dst(%dma_wait3A_1345 : memref<16xf32, #tpu.memory_space<vmem>>)
    %dma_wait3A_1351 = arith.constant 6 : i32
    %dma_wait3A_1352 = arith.constant 0 : i32
    %dma_wait3A_1353 = arith.constant 1 : i32
    %dma_wait3A_1354 = arith.constant 0 : i32
    %dma_wait3A_1355 = tpu.memref_slice %arg16[%dma_wait3A_1352, %dma_wait3A_1353, %dma_wait3A_1354] : memref<1x8x48xf32, #tpu.memory_space<vmem>> -> memref<1x1x16xf32, #tpu.memory_space<vmem>>
    %dma_wait3A_1356 = tpu.memref_squeeze %dma_wait3A_1355 : memref<1x1x16xf32, #tpu.memory_space<vmem>> -> memref<16xf32, #tpu.memory_space<vmem>>
    %dma_wait3A_1357 = arith.constant 0 : i32
    %dma_wait3A_1358 = tpu.memref_slice %arg14[%dma_wait3A_1351, %dma_wait3A_1357] : memref<27x16xi32, #tpu.memory_space<vmem>> -> memref<1x16xi32, #tpu.memory_space<vmem>>
    %dma_wait3A_1359 = tpu.memref_squeeze %dma_wait3A_1358 : memref<1x16xi32, #tpu.memory_space<vmem>> -> memref<16xi32, #tpu.memory_space<vmem>>
    %dma_wait3A_1360 = arith.constant 0 : i32
    %dma_wait3A_1361 = tpu.memref_slice %arg5[%dma_wait3A_1360] : memref<2883584xf32, #tpu.memory_space<hbm>> -> memref<2883584xf32, #tpu.memory_space<hbm>>
    tpu.wait_indirect_dma semaphore(%arg21 : memref<!tpu.dma_semaphore, #tpu.memory_space<semaphore_mem>>) src(%dma_wait3A_1361 : memref<2883584xf32, #tpu.memory_space<hbm>>) dst(%dma_wait3A_1356 : memref<16xf32, #tpu.memory_space<vmem>>)
    %dma_wait3A_1362 = arith.constant 7 : i32
    %dma_wait3A_1363 = arith.constant 0 : i32
    %dma_wait3A_1364 = arith.constant 1 : i32
    %dma_wait3A_1365 = arith.constant 16 : i32
    %dma_wait3A_1366 = tpu.memref_slice %arg16[%dma_wait3A_1363, %dma_wait3A_1364, %dma_wait3A_1365] : memref<1x8x48xf32, #tpu.memory_space<vmem>> -> memref<1x1x16xf32, #tpu.memory_space<vmem>>
    %dma_wait3A_1367 = tpu.memref_squeeze %dma_wait3A_1366 : memref<1x1x16xf32, #tpu.memory_space<vmem>> -> memref<16xf32, #tpu.memory_space<vmem>>
    %dma_wait3A_1368 = arith.constant 0 : i32
    %dma_wait3A_1369 = tpu.memref_slice %arg14[%dma_wait3A_1362, %dma_wait3A_1368] : memref<27x16xi32, #tpu.memory_space<vmem>> -> memref<1x16xi32, #tpu.memory_space<vmem>>
    %dma_wait3A_1370 = tpu.memref_squeeze %dma_wait3A_1369 : memref<1x16xi32, #tpu.memory_space<vmem>> -> memref<16xi32, #tpu.memory_space<vmem>>
    %dma_wait3A_1371 = arith.constant 0 : i32
    %dma_wait3A_1372 = tpu.memref_slice %arg5[%dma_wait3A_1371] : memref<2883584xf32, #tpu.memory_space<hbm>> -> memref<2883584xf32, #tpu.memory_space<hbm>>
    tpu.wait_indirect_dma semaphore(%arg21 : memref<!tpu.dma_semaphore, #tpu.memory_space<semaphore_mem>>) src(%dma_wait3A_1372 : memref<2883584xf32, #tpu.memory_space<hbm>>) dst(%dma_wait3A_1367 : memref<16xf32, #tpu.memory_space<vmem>>)
    %dma_wait3A_1373 = arith.constant 8 : i32
    %dma_wait3A_1374 = arith.constant 0 : i32
    %dma_wait3A_1375 = arith.constant 1 : i32
    %dma_wait3A_1376 = arith.constant 32 : i32
    %dma_wait3A_1377 = tpu.memref_slice %arg16[%dma_wait3A_1374, %dma_wait3A_1375, %dma_wait3A_1376] : memref<1x8x48xf32, #tpu.memory_space<vmem>> -> memref<1x1x16xf32, #tpu.memory_space<vmem>>
    %dma_wait3A_1378 = tpu.memref_squeeze %dma_wait3A_1377 : memref<1x1x16xf32, #tpu.memory_space<vmem>> -> memref<16xf32, #tpu.memory_space<vmem>>
    %dma_wait3A_1379 = arith.constant 0 : i32
    %dma_wait3A_1380 = tpu.memref_slice %arg14[%dma_wait3A_1373, %dma_wait3A_1379] : memref<27x16xi32, #tpu.memory_space<vmem>> -> memref<1x16xi32, #tpu.memory_space<vmem>>
    %dma_wait3A_1381 = tpu.memref_squeeze %dma_wait3A_1380 : memref<1x16xi32, #tpu.memory_space<vmem>> -> memref<16xi32, #tpu.memory_space<vmem>>
    %dma_wait3A_1382 = arith.constant 0 : i32
    %dma_wait3A_1383 = tpu.memref_slice %arg5[%dma_wait3A_1382] : memref<2883584xf32, #tpu.memory_space<hbm>> -> memref<2883584xf32, #tpu.memory_space<hbm>>
    tpu.wait_indirect_dma semaphore(%arg21 : memref<!tpu.dma_semaphore, #tpu.memory_space<semaphore_mem>>) src(%dma_wait3A_1383 : memref<2883584xf32, #tpu.memory_space<hbm>>) dst(%dma_wait3A_1378 : memref<16xf32, #tpu.memory_space<vmem>>)
    %dma_wait3A_1384 = arith.constant 9 : i32
    %dma_wait3A_1385 = arith.constant 0 : i32
    %dma_wait3A_1386 = arith.constant 2 : i32
    %dma_wait3A_1387 = arith.constant 0 : i32
    %dma_wait3A_1388 = tpu.memref_slice %arg16[%dma_wait3A_1385, %dma_wait3A_1386, %dma_wait3A_1387] : memref<1x8x48xf32, #tpu.memory_space<vmem>> -> memref<1x1x16xf32, #tpu.memory_space<vmem>>
    %dma_wait3A_1389 = tpu.memref_squeeze %dma_wait3A_1388 : memref<1x1x16xf32, #tpu.memory_space<vmem>> -> memref<16xf32, #tpu.memory_space<vmem>>
    %dma_wait3A_1390 = arith.constant 0 : i32
    %dma_wait3A_1391 = tpu.memref_slice %arg14[%dma_wait3A_1384, %dma_wait3A_1390] : memref<27x16xi32, #tpu.memory_space<vmem>> -> memref<1x16xi32, #tpu.memory_space<vmem>>
    %dma_wait3A_1392 = tpu.memref_squeeze %dma_wait3A_1391 : memref<1x16xi32, #tpu.memory_space<vmem>> -> memref<16xi32, #tpu.memory_space<vmem>>
    %dma_wait3A_1393 = arith.constant 0 : i32
    %dma_wait3A_1394 = tpu.memref_slice %arg5[%dma_wait3A_1393] : memref<2883584xf32, #tpu.memory_space<hbm>> -> memref<2883584xf32, #tpu.memory_space<hbm>>
    tpu.wait_indirect_dma semaphore(%arg21 : memref<!tpu.dma_semaphore, #tpu.memory_space<semaphore_mem>>) src(%dma_wait3A_1394 : memref<2883584xf32, #tpu.memory_space<hbm>>) dst(%dma_wait3A_1389 : memref<16xf32, #tpu.memory_space<vmem>>)
    %dma_wait3A_1395 = arith.constant 10 : i32
    %dma_wait3A_1396 = arith.constant 0 : i32
    %dma_wait3A_1397 = arith.constant 2 : i32
    %dma_wait3A_1398 = arith.constant 16 : i32
    %dma_wait3A_1399 = tpu.memref_slice %arg16[%dma_wait3A_1396, %dma_wait3A_1397, %dma_wait3A_1398] : memref<1x8x48xf32, #tpu.memory_space<vmem>> -> memref<1x1x16xf32, #tpu.memory_space<vmem>>
    %dma_wait3A_1400 = tpu.memref_squeeze %dma_wait3A_1399 : memref<1x1x16xf32, #tpu.memory_space<vmem>> -> memref<16xf32, #tpu.memory_space<vmem>>
    %dma_wait3A_1401 = arith.constant 0 : i32
    %dma_wait3A_1402 = tpu.memref_slice %arg14[%dma_wait3A_1395, %dma_wait3A_1401] : memref<27x16xi32, #tpu.memory_space<vmem>> -> memref<1x16xi32, #tpu.memory_space<vmem>>
    %dma_wait3A_1403 = tpu.memref_squeeze %dma_wait3A_1402 : memref<1x16xi32, #tpu.memory_space<vmem>> -> memref<16xi32, #tpu.memory_space<vmem>>
    %dma_wait3A_1404 = arith.constant 0 : i32
    %dma_wait3A_1405 = tpu.memref_slice %arg5[%dma_wait3A_1404] : memref<2883584xf32, #tpu.memory_space<hbm>> -> memref<2883584xf32, #tpu.memory_space<hbm>>
    tpu.wait_indirect_dma semaphore(%arg21 : memref<!tpu.dma_semaphore, #tpu.memory_space<semaphore_mem>>) src(%dma_wait3A_1405 : memref<2883584xf32, #tpu.memory_space<hbm>>) dst(%dma_wait3A_1400 : memref<16xf32, #tpu.memory_space<vmem>>)
    %dma_wait3A_1406 = arith.constant 11 : i32
    %dma_wait3A_1407 = arith.constant 0 : i32
    %dma_wait3A_1408 = arith.constant 2 : i32
    %dma_wait3A_1409 = arith.constant 32 : i32
    %dma_wait3A_1410 = tpu.memref_slice %arg16[%dma_wait3A_1407, %dma_wait3A_1408, %dma_wait3A_1409] : memref<1x8x48xf32, #tpu.memory_space<vmem>> -> memref<1x1x16xf32, #tpu.memory_space<vmem>>
    %dma_wait3A_1411 = tpu.memref_squeeze %dma_wait3A_1410 : memref<1x1x16xf32, #tpu.memory_space<vmem>> -> memref<16xf32, #tpu.memory_space<vmem>>
    %dma_wait3A_1412 = arith.constant 0 : i32
    %dma_wait3A_1413 = tpu.memref_slice %arg14[%dma_wait3A_1406, %dma_wait3A_1412] : memref<27x16xi32, #tpu.memory_space<vmem>> -> memref<1x16xi32, #tpu.memory_space<vmem>>
    %dma_wait3A_1414 = tpu.memref_squeeze %dma_wait3A_1413 : memref<1x16xi32, #tpu.memory_space<vmem>> -> memref<16xi32, #tpu.memory_space<vmem>>
    %dma_wait3A_1415 = arith.constant 0 : i32
    %dma_wait3A_1416 = tpu.memref_slice %arg5[%dma_wait3A_1415] : memref<2883584xf32, #tpu.memory_space<hbm>> -> memref<2883584xf32, #tpu.memory_space<hbm>>
    tpu.wait_indirect_dma semaphore(%arg21 : memref<!tpu.dma_semaphore, #tpu.memory_space<semaphore_mem>>) src(%dma_wait3A_1416 : memref<2883584xf32, #tpu.memory_space<hbm>>) dst(%dma_wait3A_1411 : memref<16xf32, #tpu.memory_space<vmem>>)
    %dma_wait3A_1417 = arith.constant 12 : i32
    %dma_wait3A_1418 = arith.constant 0 : i32
    %dma_wait3A_1419 = arith.constant 3 : i32
    %dma_wait3A_1420 = arith.constant 0 : i32
    %dma_wait3A_1421 = tpu.memref_slice %arg16[%dma_wait3A_1418, %dma_wait3A_1419, %dma_wait3A_1420] : memref<1x8x48xf32, #tpu.memory_space<vmem>> -> memref<1x1x16xf32, #tpu.memory_space<vmem>>
    %dma_wait3A_1422 = tpu.memref_squeeze %dma_wait3A_1421 : memref<1x1x16xf32, #tpu.memory_space<vmem>> -> memref<16xf32, #tpu.memory_space<vmem>>
    %dma_wait3A_1423 = arith.constant 0 : i32
    %dma_wait3A_1424 = tpu.memref_slice %arg14[%dma_wait3A_1417, %dma_wait3A_1423] : memref<27x16xi32, #tpu.memory_space<vmem>> -> memref<1x16xi32, #tpu.memory_space<vmem>>
    %dma_wait3A_1425 = tpu.memref_squeeze %dma_wait3A_1424 : memref<1x16xi32, #tpu.memory_space<vmem>> -> memref<16xi32, #tpu.memory_space<vmem>>
    %dma_wait3A_1426 = arith.constant 0 : i32
    %dma_wait3A_1427 = tpu.memref_slice %arg5[%dma_wait3A_1426] : memref<2883584xf32, #tpu.memory_space<hbm>> -> memref<2883584xf32, #tpu.memory_space<hbm>>
    tpu.wait_indirect_dma semaphore(%arg21 : memref<!tpu.dma_semaphore, #tpu.memory_space<semaphore_mem>>) src(%dma_wait3A_1427 : memref<2883584xf32, #tpu.memory_space<hbm>>) dst(%dma_wait3A_1422 : memref<16xf32, #tpu.memory_space<vmem>>)
    %dma_wait3A_1428 = arith.constant 13 : i32
    %dma_wait3A_1429 = arith.constant 0 : i32
    %dma_wait3A_1430 = arith.constant 3 : i32
    %dma_wait3A_1431 = arith.constant 16 : i32
    %dma_wait3A_1432 = tpu.memref_slice %arg16[%dma_wait3A_1429, %dma_wait3A_1430, %dma_wait3A_1431] : memref<1x8x48xf32, #tpu.memory_space<vmem>> -> memref<1x1x16xf32, #tpu.memory_space<vmem>>
    %dma_wait3A_1433 = tpu.memref_squeeze %dma_wait3A_1432 : memref<1x1x16xf32, #tpu.memory_space<vmem>> -> memref<16xf32, #tpu.memory_space<vmem>>
    %dma_wait3A_1434 = arith.constant 0 : i32
    %dma_wait3A_1435 = tpu.memref_slice %arg14[%dma_wait3A_1428, %dma_wait3A_1434] : memref<27x16xi32, #tpu.memory_space<vmem>> -> memref<1x16xi32, #tpu.memory_space<vmem>>
    %dma_wait3A_1436 = tpu.memref_squeeze %dma_wait3A_1435 : memref<1x16xi32, #tpu.memory_space<vmem>> -> memref<16xi32, #tpu.memory_space<vmem>>
    %dma_wait3A_1437 = arith.constant 0 : i32
    %dma_wait3A_1438 = tpu.memref_slice %arg5[%dma_wait3A_1437] : memref<2883584xf32, #tpu.memory_space<hbm>> -> memref<2883584xf32, #tpu.memory_space<hbm>>
    tpu.wait_indirect_dma semaphore(%arg21 : memref<!tpu.dma_semaphore, #tpu.memory_space<semaphore_mem>>) src(%dma_wait3A_1438 : memref<2883584xf32, #tpu.memory_space<hbm>>) dst(%dma_wait3A_1433 : memref<16xf32, #tpu.memory_space<vmem>>)
    %dma_wait3A_1439 = arith.constant 14 : i32
    %dma_wait3A_1440 = arith.constant 0 : i32
    %dma_wait3A_1441 = arith.constant 3 : i32
    %dma_wait3A_1442 = arith.constant 32 : i32
    %dma_wait3A_1443 = tpu.memref_slice %arg16[%dma_wait3A_1440, %dma_wait3A_1441, %dma_wait3A_1442] : memref<1x8x48xf32, #tpu.memory_space<vmem>> -> memref<1x1x16xf32, #tpu.memory_space<vmem>>
    %dma_wait3A_1444 = tpu.memref_squeeze %dma_wait3A_1443 : memref<1x1x16xf32, #tpu.memory_space<vmem>> -> memref<16xf32, #tpu.memory_space<vmem>>
    %dma_wait3A_1445 = arith.constant 0 : i32
    %dma_wait3A_1446 = tpu.memref_slice %arg14[%dma_wait3A_1439, %dma_wait3A_1445] : memref<27x16xi32, #tpu.memory_space<vmem>> -> memref<1x16xi32, #tpu.memory_space<vmem>>
    %dma_wait3A_1447 = tpu.memref_squeeze %dma_wait3A_1446 : memref<1x16xi32, #tpu.memory_space<vmem>> -> memref<16xi32, #tpu.memory_space<vmem>>
    %dma_wait3A_1448 = arith.constant 0 : i32
    %dma_wait3A_1449 = tpu.memref_slice %arg5[%dma_wait3A_1448] : memref<2883584xf32, #tpu.memory_space<hbm>> -> memref<2883584xf32, #tpu.memory_space<hbm>>
    tpu.wait_indirect_dma semaphore(%arg21 : memref<!tpu.dma_semaphore, #tpu.memory_space<semaphore_mem>>) src(%dma_wait3A_1449 : memref<2883584xf32, #tpu.memory_space<hbm>>) dst(%dma_wait3A_1444 : memref<16xf32, #tpu.memory_space<vmem>>)
    %dma_wait3A_1450 = arith.constant 15 : i32
    %dma_wait3A_1451 = arith.constant 0 : i32
    %dma_wait3A_1452 = arith.constant 4 : i32
    %dma_wait3A_1453 = arith.constant 0 : i32
    %dma_wait3A_1454 = tpu.memref_slice %arg16[%dma_wait3A_1451, %dma_wait3A_1452, %dma_wait3A_1453] : memref<1x8x48xf32, #tpu.memory_space<vmem>> -> memref<1x1x16xf32, #tpu.memory_space<vmem>>
    %dma_wait3A_1455 = tpu.memref_squeeze %dma_wait3A_1454 : memref<1x1x16xf32, #tpu.memory_space<vmem>> -> memref<16xf32, #tpu.memory_space<vmem>>
    %dma_wait3A_1456 = arith.constant 0 : i32
    %dma_wait3A_1457 = tpu.memref_slice %arg14[%dma_wait3A_1450, %dma_wait3A_1456] : memref<27x16xi32, #tpu.memory_space<vmem>> -> memref<1x16xi32, #tpu.memory_space<vmem>>
    %dma_wait3A_1458 = tpu.memref_squeeze %dma_wait3A_1457 : memref<1x16xi32, #tpu.memory_space<vmem>> -> memref<16xi32, #tpu.memory_space<vmem>>
    %dma_wait3A_1459 = arith.constant 0 : i32
    %dma_wait3A_1460 = tpu.memref_slice %arg5[%dma_wait3A_1459] : memref<2883584xf32, #tpu.memory_space<hbm>> -> memref<2883584xf32, #tpu.memory_space<hbm>>
    tpu.wait_indirect_dma semaphore(%arg21 : memref<!tpu.dma_semaphore, #tpu.memory_space<semaphore_mem>>) src(%dma_wait3A_1460 : memref<2883584xf32, #tpu.memory_space<hbm>>) dst(%dma_wait3A_1455 : memref<16xf32, #tpu.memory_space<vmem>>)
    %dma_wait3A_1461 = arith.constant 16 : i32
    %dma_wait3A_1462 = arith.constant 0 : i32
    %dma_wait3A_1463 = arith.constant 4 : i32
    %dma_wait3A_1464 = arith.constant 16 : i32
    %dma_wait3A_1465 = tpu.memref_slice %arg16[%dma_wait3A_1462, %dma_wait3A_1463, %dma_wait3A_1464] : memref<1x8x48xf32, #tpu.memory_space<vmem>> -> memref<1x1x16xf32, #tpu.memory_space<vmem>>
    %dma_wait3A_1466 = tpu.memref_squeeze %dma_wait3A_1465 : memref<1x1x16xf32, #tpu.memory_space<vmem>> -> memref<16xf32, #tpu.memory_space<vmem>>
    %dma_wait3A_1467 = arith.constant 0 : i32
    %dma_wait3A_1468 = tpu.memref_slice %arg14[%dma_wait3A_1461, %dma_wait3A_1467] : memref<27x16xi32, #tpu.memory_space<vmem>> -> memref<1x16xi32, #tpu.memory_space<vmem>>
    %dma_wait3A_1469 = tpu.memref_squeeze %dma_wait3A_1468 : memref<1x16xi32, #tpu.memory_space<vmem>> -> memref<16xi32, #tpu.memory_space<vmem>>
    %dma_wait3A_1470 = arith.constant 0 : i32
    %dma_wait3A_1471 = tpu.memref_slice %arg5[%dma_wait3A_1470] : memref<2883584xf32, #tpu.memory_space<hbm>> -> memref<2883584xf32, #tpu.memory_space<hbm>>
    tpu.wait_indirect_dma semaphore(%arg21 : memref<!tpu.dma_semaphore, #tpu.memory_space<semaphore_mem>>) src(%dma_wait3A_1471 : memref<2883584xf32, #tpu.memory_space<hbm>>) dst(%dma_wait3A_1466 : memref<16xf32, #tpu.memory_space<vmem>>)
    %dma_wait3A_1472 = arith.constant 17 : i32
    %dma_wait3A_1473 = arith.constant 0 : i32
    %dma_wait3A_1474 = arith.constant 4 : i32
    %dma_wait3A_1475 = arith.constant 32 : i32
    %dma_wait3A_1476 = tpu.memref_slice %arg16[%dma_wait3A_1473, %dma_wait3A_1474, %dma_wait3A_1475] : memref<1x8x48xf32, #tpu.memory_space<vmem>> -> memref<1x1x16xf32, #tpu.memory_space<vmem>>
    %dma_wait3A_1477 = tpu.memref_squeeze %dma_wait3A_1476 : memref<1x1x16xf32, #tpu.memory_space<vmem>> -> memref<16xf32, #tpu.memory_space<vmem>>
    %dma_wait3A_1478 = arith.constant 0 : i32
    %dma_wait3A_1479 = tpu.memref_slice %arg14[%dma_wait3A_1472, %dma_wait3A_1478] : memref<27x16xi32, #tpu.memory_space<vmem>> -> memref<1x16xi32, #tpu.memory_space<vmem>>
    %dma_wait3A_1480 = tpu.memref_squeeze %dma_wait3A_1479 : memref<1x16xi32, #tpu.memory_space<vmem>> -> memref<16xi32, #tpu.memory_space<vmem>>
    %dma_wait3A_1481 = arith.constant 0 : i32
    %dma_wait3A_1482 = tpu.memref_slice %arg5[%dma_wait3A_1481] : memref<2883584xf32, #tpu.memory_space<hbm>> -> memref<2883584xf32, #tpu.memory_space<hbm>>
    tpu.wait_indirect_dma semaphore(%arg21 : memref<!tpu.dma_semaphore, #tpu.memory_space<semaphore_mem>>) src(%dma_wait3A_1482 : memref<2883584xf32, #tpu.memory_space<hbm>>) dst(%dma_wait3A_1477 : memref<16xf32, #tpu.memory_space<vmem>>)
    %dma_wait3A_1483 = arith.constant 18 : i32
    %dma_wait3A_1484 = arith.constant 0 : i32
    %dma_wait3A_1485 = arith.constant 5 : i32
    %dma_wait3A_1486 = arith.constant 0 : i32
    %dma_wait3A_1487 = tpu.memref_slice %arg16[%dma_wait3A_1484, %dma_wait3A_1485, %dma_wait3A_1486] : memref<1x8x48xf32, #tpu.memory_space<vmem>> -> memref<1x1x16xf32, #tpu.memory_space<vmem>>
    %dma_wait3A_1488 = tpu.memref_squeeze %dma_wait3A_1487 : memref<1x1x16xf32, #tpu.memory_space<vmem>> -> memref<16xf32, #tpu.memory_space<vmem>>
    %dma_wait3A_1489 = arith.constant 0 : i32
    %dma_wait3A_1490 = tpu.memref_slice %arg14[%dma_wait3A_1483, %dma_wait3A_1489] : memref<27x16xi32, #tpu.memory_space<vmem>> -> memref<1x16xi32, #tpu.memory_space<vmem>>
    %dma_wait3A_1491 = tpu.memref_squeeze %dma_wait3A_1490 : memref<1x16xi32, #tpu.memory_space<vmem>> -> memref<16xi32, #tpu.memory_space<vmem>>
    %dma_wait3A_1492 = arith.constant 0 : i32
    %dma_wait3A_1493 = tpu.memref_slice %arg5[%dma_wait3A_1492] : memref<2883584xf32, #tpu.memory_space<hbm>> -> memref<2883584xf32, #tpu.memory_space<hbm>>
    tpu.wait_indirect_dma semaphore(%arg21 : memref<!tpu.dma_semaphore, #tpu.memory_space<semaphore_mem>>) src(%dma_wait3A_1493 : memref<2883584xf32, #tpu.memory_space<hbm>>) dst(%dma_wait3A_1488 : memref<16xf32, #tpu.memory_space<vmem>>)
    %dma_wait3A_1494 = arith.constant 19 : i32
    %dma_wait3A_1495 = arith.constant 0 : i32
    %dma_wait3A_1496 = arith.constant 5 : i32
    %dma_wait3A_1497 = arith.constant 16 : i32
    %dma_wait3A_1498 = tpu.memref_slice %arg16[%dma_wait3A_1495, %dma_wait3A_1496, %dma_wait3A_1497] : memref<1x8x48xf32, #tpu.memory_space<vmem>> -> memref<1x1x16xf32, #tpu.memory_space<vmem>>
    %dma_wait3A_1499 = tpu.memref_squeeze %dma_wait3A_1498 : memref<1x1x16xf32, #tpu.memory_space<vmem>> -> memref<16xf32, #tpu.memory_space<vmem>>
    %dma_wait3A_1500 = arith.constant 0 : i32
    %dma_wait3A_1501 = tpu.memref_slice %arg14[%dma_wait3A_1494, %dma_wait3A_1500] : memref<27x16xi32, #tpu.memory_space<vmem>> -> memref<1x16xi32, #tpu.memory_space<vmem>>
    %dma_wait3A_1502 = tpu.memref_squeeze %dma_wait3A_1501 : memref<1x16xi32, #tpu.memory_space<vmem>> -> memref<16xi32, #tpu.memory_space<vmem>>
    %dma_wait3A_1503 = arith.constant 0 : i32
    %dma_wait3A_1504 = tpu.memref_slice %arg5[%dma_wait3A_1503] : memref<2883584xf32, #tpu.memory_space<hbm>> -> memref<2883584xf32, #tpu.memory_space<hbm>>
    tpu.wait_indirect_dma semaphore(%arg21 : memref<!tpu.dma_semaphore, #tpu.memory_space<semaphore_mem>>) src(%dma_wait3A_1504 : memref<2883584xf32, #tpu.memory_space<hbm>>) dst(%dma_wait3A_1499 : memref<16xf32, #tpu.memory_space<vmem>>)
    %dma_wait3A_1505 = arith.constant 20 : i32
    %dma_wait3A_1506 = arith.constant 0 : i32
    %dma_wait3A_1507 = arith.constant 5 : i32
    %dma_wait3A_1508 = arith.constant 32 : i32
    %dma_wait3A_1509 = tpu.memref_slice %arg16[%dma_wait3A_1506, %dma_wait3A_1507, %dma_wait3A_1508] : memref<1x8x48xf32, #tpu.memory_space<vmem>> -> memref<1x1x16xf32, #tpu.memory_space<vmem>>
    %dma_wait3A_1510 = tpu.memref_squeeze %dma_wait3A_1509 : memref<1x1x16xf32, #tpu.memory_space<vmem>> -> memref<16xf32, #tpu.memory_space<vmem>>
    %dma_wait3A_1511 = arith.constant 0 : i32
    %dma_wait3A_1512 = tpu.memref_slice %arg14[%dma_wait3A_1505, %dma_wait3A_1511] : memref<27x16xi32, #tpu.memory_space<vmem>> -> memref<1x16xi32, #tpu.memory_space<vmem>>
    %dma_wait3A_1513 = tpu.memref_squeeze %dma_wait3A_1512 : memref<1x16xi32, #tpu.memory_space<vmem>> -> memref<16xi32, #tpu.memory_space<vmem>>
    %dma_wait3A_1514 = arith.constant 0 : i32
    %dma_wait3A_1515 = tpu.memref_slice %arg5[%dma_wait3A_1514] : memref<2883584xf32, #tpu.memory_space<hbm>> -> memref<2883584xf32, #tpu.memory_space<hbm>>
    tpu.wait_indirect_dma semaphore(%arg21 : memref<!tpu.dma_semaphore, #tpu.memory_space<semaphore_mem>>) src(%dma_wait3A_1515 : memref<2883584xf32, #tpu.memory_space<hbm>>) dst(%dma_wait3A_1510 : memref<16xf32, #tpu.memory_space<vmem>>)
    %dma_wait3A_1516 = arith.constant 21 : i32
    %dma_wait3A_1517 = arith.constant 0 : i32
    %dma_wait3A_1518 = arith.constant 6 : i32
    %dma_wait3A_1519 = arith.constant 0 : i32
    %dma_wait3A_1520 = tpu.memref_slice %arg16[%dma_wait3A_1517, %dma_wait3A_1518, %dma_wait3A_1519] : memref<1x8x48xf32, #tpu.memory_space<vmem>> -> memref<1x1x16xf32, #tpu.memory_space<vmem>>
    %dma_wait3A_1521 = tpu.memref_squeeze %dma_wait3A_1520 : memref<1x1x16xf32, #tpu.memory_space<vmem>> -> memref<16xf32, #tpu.memory_space<vmem>>
    %dma_wait3A_1522 = arith.constant 0 : i32
    %dma_wait3A_1523 = tpu.memref_slice %arg14[%dma_wait3A_1516, %dma_wait3A_1522] : memref<27x16xi32, #tpu.memory_space<vmem>> -> memref<1x16xi32, #tpu.memory_space<vmem>>
    %dma_wait3A_1524 = tpu.memref_squeeze %dma_wait3A_1523 : memref<1x16xi32, #tpu.memory_space<vmem>> -> memref<16xi32, #tpu.memory_space<vmem>>
    %dma_wait3A_1525 = arith.constant 0 : i32
    %dma_wait3A_1526 = tpu.memref_slice %arg5[%dma_wait3A_1525] : memref<2883584xf32, #tpu.memory_space<hbm>> -> memref<2883584xf32, #tpu.memory_space<hbm>>
    tpu.wait_indirect_dma semaphore(%arg21 : memref<!tpu.dma_semaphore, #tpu.memory_space<semaphore_mem>>) src(%dma_wait3A_1526 : memref<2883584xf32, #tpu.memory_space<hbm>>) dst(%dma_wait3A_1521 : memref<16xf32, #tpu.memory_space<vmem>>)
    %dma_wait3A_1527 = arith.constant 22 : i32
    %dma_wait3A_1528 = arith.constant 0 : i32
    %dma_wait3A_1529 = arith.constant 6 : i32
    %dma_wait3A_1530 = arith.constant 16 : i32
    %dma_wait3A_1531 = tpu.memref_slice %arg16[%dma_wait3A_1528, %dma_wait3A_1529, %dma_wait3A_1530] : memref<1x8x48xf32, #tpu.memory_space<vmem>> -> memref<1x1x16xf32, #tpu.memory_space<vmem>>
    %dma_wait3A_1532 = tpu.memref_squeeze %dma_wait3A_1531 : memref<1x1x16xf32, #tpu.memory_space<vmem>> -> memref<16xf32, #tpu.memory_space<vmem>>
    %dma_wait3A_1533 = arith.constant 0 : i32
    %dma_wait3A_1534 = tpu.memref_slice %arg14[%dma_wait3A_1527, %dma_wait3A_1533] : memref<27x16xi32, #tpu.memory_space<vmem>> -> memref<1x16xi32, #tpu.memory_space<vmem>>
    %dma_wait3A_1535 = tpu.memref_squeeze %dma_wait3A_1534 : memref<1x16xi32, #tpu.memory_space<vmem>> -> memref<16xi32, #tpu.memory_space<vmem>>
    %dma_wait3A_1536 = arith.constant 0 : i32
    %dma_wait3A_1537 = tpu.memref_slice %arg5[%dma_wait3A_1536] : memref<2883584xf32, #tpu.memory_space<hbm>> -> memref<2883584xf32, #tpu.memory_space<hbm>>
    tpu.wait_indirect_dma semaphore(%arg21 : memref<!tpu.dma_semaphore, #tpu.memory_space<semaphore_mem>>) src(%dma_wait3A_1537 : memref<2883584xf32, #tpu.memory_space<hbm>>) dst(%dma_wait3A_1532 : memref<16xf32, #tpu.memory_space<vmem>>)
    %dma_wait3A_1538 = arith.constant 23 : i32
    %dma_wait3A_1539 = arith.constant 0 : i32
    %dma_wait3A_1540 = arith.constant 6 : i32
    %dma_wait3A_1541 = arith.constant 32 : i32
    %dma_wait3A_1542 = tpu.memref_slice %arg16[%dma_wait3A_1539, %dma_wait3A_1540, %dma_wait3A_1541] : memref<1x8x48xf32, #tpu.memory_space<vmem>> -> memref<1x1x16xf32, #tpu.memory_space<vmem>>
    %dma_wait3A_1543 = tpu.memref_squeeze %dma_wait3A_1542 : memref<1x1x16xf32, #tpu.memory_space<vmem>> -> memref<16xf32, #tpu.memory_space<vmem>>
    %dma_wait3A_1544 = arith.constant 0 : i32
    %dma_wait3A_1545 = tpu.memref_slice %arg14[%dma_wait3A_1538, %dma_wait3A_1544] : memref<27x16xi32, #tpu.memory_space<vmem>> -> memref<1x16xi32, #tpu.memory_space<vmem>>
    %dma_wait3A_1546 = tpu.memref_squeeze %dma_wait3A_1545 : memref<1x16xi32, #tpu.memory_space<vmem>> -> memref<16xi32, #tpu.memory_space<vmem>>
    %dma_wait3A_1547 = arith.constant 0 : i32
    %dma_wait3A_1548 = tpu.memref_slice %arg5[%dma_wait3A_1547] : memref<2883584xf32, #tpu.memory_space<hbm>> -> memref<2883584xf32, #tpu.memory_space<hbm>>
    tpu.wait_indirect_dma semaphore(%arg21 : memref<!tpu.dma_semaphore, #tpu.memory_space<semaphore_mem>>) src(%dma_wait3A_1548 : memref<2883584xf32, #tpu.memory_space<hbm>>) dst(%dma_wait3A_1543 : memref<16xf32, #tpu.memory_space<vmem>>)
    %dma_wait3A_1549 = arith.constant 24 : i32
    %dma_wait3A_1550 = arith.constant 0 : i32
    %dma_wait3A_1551 = arith.constant 7 : i32
    %dma_wait3A_1552 = arith.constant 0 : i32
    %dma_wait3A_1553 = tpu.memref_slice %arg16[%dma_wait3A_1550, %dma_wait3A_1551, %dma_wait3A_1552] : memref<1x8x48xf32, #tpu.memory_space<vmem>> -> memref<1x1x16xf32, #tpu.memory_space<vmem>>
    %dma_wait3A_1554 = tpu.memref_squeeze %dma_wait3A_1553 : memref<1x1x16xf32, #tpu.memory_space<vmem>> -> memref<16xf32, #tpu.memory_space<vmem>>
    %dma_wait3A_1555 = arith.constant 0 : i32
    %dma_wait3A_1556 = tpu.memref_slice %arg14[%dma_wait3A_1549, %dma_wait3A_1555] : memref<27x16xi32, #tpu.memory_space<vmem>> -> memref<1x16xi32, #tpu.memory_space<vmem>>
    %dma_wait3A_1557 = tpu.memref_squeeze %dma_wait3A_1556 : memref<1x16xi32, #tpu.memory_space<vmem>> -> memref<16xi32, #tpu.memory_space<vmem>>
    %dma_wait3A_1558 = arith.constant 0 : i32
    %dma_wait3A_1559 = tpu.memref_slice %arg5[%dma_wait3A_1558] : memref<2883584xf32, #tpu.memory_space<hbm>> -> memref<2883584xf32, #tpu.memory_space<hbm>>
    tpu.wait_indirect_dma semaphore(%arg21 : memref<!tpu.dma_semaphore, #tpu.memory_space<semaphore_mem>>) src(%dma_wait3A_1559 : memref<2883584xf32, #tpu.memory_space<hbm>>) dst(%dma_wait3A_1554 : memref<16xf32, #tpu.memory_space<vmem>>)
    %dma_wait3A_1560 = arith.constant 25 : i32
    %dma_wait3A_1561 = arith.constant 0 : i32
    %dma_wait3A_1562 = arith.constant 7 : i32
    %dma_wait3A_1563 = arith.constant 16 : i32
    %dma_wait3A_1564 = tpu.memref_slice %arg16[%dma_wait3A_1561, %dma_wait3A_1562, %dma_wait3A_1563] : memref<1x8x48xf32, #tpu.memory_space<vmem>> -> memref<1x1x16xf32, #tpu.memory_space<vmem>>
    %dma_wait3A_1565 = tpu.memref_squeeze %dma_wait3A_1564 : memref<1x1x16xf32, #tpu.memory_space<vmem>> -> memref<16xf32, #tpu.memory_space<vmem>>
    %dma_wait3A_1566 = arith.constant 0 : i32
    %dma_wait3A_1567 = tpu.memref_slice %arg14[%dma_wait3A_1560, %dma_wait3A_1566] : memref<27x16xi32, #tpu.memory_space<vmem>> -> memref<1x16xi32, #tpu.memory_space<vmem>>
    %dma_wait3A_1568 = tpu.memref_squeeze %dma_wait3A_1567 : memref<1x16xi32, #tpu.memory_space<vmem>> -> memref<16xi32, #tpu.memory_space<vmem>>
    %dma_wait3A_1569 = arith.constant 0 : i32
    %dma_wait3A_1570 = tpu.memref_slice %arg5[%dma_wait3A_1569] : memref<2883584xf32, #tpu.memory_space<hbm>> -> memref<2883584xf32, #tpu.memory_space<hbm>>
    tpu.wait_indirect_dma semaphore(%arg21 : memref<!tpu.dma_semaphore, #tpu.memory_space<semaphore_mem>>) src(%dma_wait3A_1570 : memref<2883584xf32, #tpu.memory_space<hbm>>) dst(%dma_wait3A_1565 : memref<16xf32, #tpu.memory_space<vmem>>)
    %dma_wait3A_1571 = arith.constant 26 : i32
    %dma_wait3A_1572 = arith.constant 0 : i32
    %dma_wait3A_1573 = arith.constant 7 : i32
    %dma_wait3A_1574 = arith.constant 32 : i32
    %dma_wait3A_1575 = tpu.memref_slice %arg16[%dma_wait3A_1572, %dma_wait3A_1573, %dma_wait3A_1574] : memref<1x8x48xf32, #tpu.memory_space<vmem>> -> memref<1x1x16xf32, #tpu.memory_space<vmem>>
    %dma_wait3A_1576 = tpu.memref_squeeze %dma_wait3A_1575 : memref<1x1x16xf32, #tpu.memory_space<vmem>> -> memref<16xf32, #tpu.memory_space<vmem>>
    %dma_wait3A_1577 = arith.constant 0 : i32
    %dma_wait3A_1578 = tpu.memref_slice %arg14[%dma_wait3A_1571, %dma_wait3A_1577] : memref<27x16xi32, #tpu.memory_space<vmem>> -> memref<1x16xi32, #tpu.memory_space<vmem>>
    %dma_wait3A_1579 = tpu.memref_squeeze %dma_wait3A_1578 : memref<1x16xi32, #tpu.memory_space<vmem>> -> memref<16xi32, #tpu.memory_space<vmem>>
    %dma_wait3A_1580 = arith.constant 0 : i32
    %dma_wait3A_1581 = tpu.memref_slice %arg5[%dma_wait3A_1580] : memref<2883584xf32, #tpu.memory_space<hbm>> -> memref<2883584xf32, #tpu.memory_space<hbm>>
    tpu.wait_indirect_dma semaphore(%arg21 : memref<!tpu.dma_semaphore, #tpu.memory_space<semaphore_mem>>) src(%dma_wait3A_1581 : memref<2883584xf32, #tpu.memory_space<hbm>>) dst(%dma_wait3A_1576 : memref<16xf32, #tpu.memory_space<vmem>>)
    %broadcast_in_dim3A_1582 = arith.constant 0.000000e+00 : f32
    %broadcast_in_dim3A_1583 = vector.broadcast %broadcast_in_dim3A_1582 : f32 to vector<16xf32>
    %add3A_1584 = vector.broadcast %reduce_max3A_646 : f32 to vector<16xf32>
    %add3A_1585 = arith.addf %broadcast_in_dim3A_1583, %add3A_1584 : vector<16xf32>
    %swap3A_1586 = arith.constant 0 : i32
    %swap3A_1587 = arith.index_cast %swap3A_1586 : i32 to index
    %swap3A_1588 = arith.constant 0 : index
    %swap3A_1589 = tpu.vector_load %arg17[%swap3A_1587, %swap3A_1588] {strides = array<i32>} : memref<1x16xf32, #tpu.memory_space<vmem>>, vector<16xf32>,
    tpu.vector_store %arg17[%swap3A_1587, %swap3A_1588], %add3A_1585 {strides = array<i32>} : memref<1x16xf32, #tpu.memory_space<vmem>>, vector<16xf32>,
    %swap3A_1590 = arith.constant 0 : i32
    %swap3A_1591 = arith.index_cast %swap3A_1590 : i32 to index
    %swap3A_1592 = arith.constant 0 : index
    %swap3A_1593 = tpu.vector_load %arg18[%swap3A_1591, %swap3A_1592] {strides = array<i32>} : memref<1x16xi32, #tpu.memory_space<vmem>>, vector<16xi32>,
    tpu.vector_store %arg18[%swap3A_1591, %swap3A_1592], %add3A_660 {strides = array<i32>} : memref<1x16xi32, #tpu.memory_space<vmem>>, vector<16xi32>,
    "tpu.region"() ({
      %run_scoped3A = tpu.sem_alloc : memref<!tpu.dma_semaphore, #tpu.memory_space<semaphore_mem>>
      %dma_start3A_1594 = arith.constant 0 : i32
      %dma_start3A_1595 = tpu.memref_slice %arg6[%add3A, %dma_start3A_1594] : memref<32x16xf32, #tpu.memory_space<hbm>> -> memref<1x16xf32, #tpu.memory_space<hbm>>
      %dma_start3A_1596 = arith.constant 0 : i32
      %dma_start3A_1597 = tpu.memref_slice %arg6[%add3A, %dma_start3A_1596] : memref<32x16xf32, #tpu.memory_space<hbm>> -> memref<1x16xf32, #tpu.memory_space<hbm>>
      tpu.enqueue_dma source(%arg17 : memref<1x16xf32, #tpu.memory_space<vmem>>) target(%dma_start3A_1597 : memref<1x16xf32, #tpu.memory_space<hbm>>) target_semaphore(%run_scoped3A : memref<!tpu.dma_semaphore, #tpu.memory_space<semaphore_mem>>)
      %dma_wait3A_1598 = arith.constant 0 : i32
      %dma_wait3A_1599 = tpu.memref_slice %arg6[%add3A, %dma_wait3A_1598] : memref<32x16xf32, #tpu.memory_space<hbm>> -> memref<1x16xf32, #tpu.memory_space<hbm>>
      %dma_wait3A_1600 = arith.constant 0 : i32
      %dma_wait3A_1601 = tpu.memref_slice %arg6[%add3A, %dma_wait3A_1600] : memref<32x16xf32, #tpu.memory_space<hbm>> -> memref<1x16xf32, #tpu.memory_space<hbm>>
      tpu.wait_dma2 semaphore(%run_scoped3A : memref<!tpu.dma_semaphore, #tpu.memory_space<semaphore_mem>>) src(%arg17 : memref<1x16xf32, #tpu.memory_space<vmem>>) dst(%dma_wait3A_1601 : memref<1x16xf32, #tpu.memory_space<hbm>>)
      tpu.yield
    }) : () -> ()
    "tpu.region"() ({
      %run_scoped3A = tpu.sem_alloc : memref<!tpu.dma_semaphore, #tpu.memory_space<semaphore_mem>>
      %dma_start3A_1594 = arith.constant 0 : i32
      %dma_start3A_1595 = tpu.memref_slice %arg7[%add3A, %dma_start3A_1594] : memref<32x16xi32, #tpu.memory_space<hbm>> -> memref<1x16xi32, #tpu.memory_space<hbm>>
      %dma_start3A_1596 = arith.constant 0 : i32
      %dma_start3A_1597 = tpu.memref_slice %arg7[%add3A, %dma_start3A_1596] : memref<32x16xi32, #tpu.memory_space<hbm>> -> memref<1x16xi32, #tpu.memory_space<hbm>>
      tpu.enqueue_dma source(%arg18 : memref<1x16xi32, #tpu.memory_space<vmem>>) target(%dma_start3A_1597 : memref<1x16xi32, #tpu.memory_space<hbm>>) target_semaphore(%run_scoped3A : memref<!tpu.dma_semaphore, #tpu.memory_space<semaphore_mem>>)
      %dma_wait3A_1598 = arith.constant 0 : i32
      %dma_wait3A_1599 = tpu.memref_slice %arg7[%add3A, %dma_wait3A_1598] : memref<32x16xi32, #tpu.memory_space<hbm>> -> memref<1x16xi32, #tpu.memory_space<hbm>>
      %dma_wait3A_1600 = arith.constant 0 : i32
      %dma_wait3A_1601 = tpu.memref_slice %arg7[%add3A, %dma_wait3A_1600] : memref<32x16xi32, #tpu.memory_space<hbm>> -> memref<1x16xi32, #tpu.memory_space<hbm>>
      tpu.wait_dma2 semaphore(%run_scoped3A : memref<!tpu.dma_semaphore, #tpu.memory_space<semaphore_mem>>) src(%arg18 : memref<1x16xi32, #tpu.memory_space<vmem>>) dst(%dma_wait3A_1601 : memref<1x16xi32, #tpu.memory_space<hbm>>)
      tpu.yield
    }) : () -> ()
    "tpu.region"() ({
      %run_scoped3A = tpu.sem_alloc : memref<!tpu.dma_semaphore, #tpu.memory_space<semaphore_mem>>
      %dma_start3A_1594 = arith.constant 0 : i32
      %dma_start3A_1595 = tpu.memref_slice %arg8[%add3A, %dma_start3A_1594] : memref<32x48xf32, #tpu.memory_space<hbm>> -> memref<1x48xf32, #tpu.memory_space<hbm>>
      %dma_start3A_1596 = arith.constant 0 : i32
      %dma_start3A_1597 = tpu.memref_slice %arg8[%add3A, %dma_start3A_1596] : memref<32x48xf32, #tpu.memory_space<hbm>> -> memref<1x48xf32, #tpu.memory_space<hbm>>
      tpu.enqueue_dma source(%arg15 : memref<1x48xf32, #tpu.memory_space<vmem>>) target(%dma_start3A_1597 : memref<1x48xf32, #tpu.memory_space<hbm>>) target_semaphore(%run_scoped3A : memref<!tpu.dma_semaphore, #tpu.memory_space<semaphore_mem>>)
      %dma_wait3A_1598 = arith.constant 0 : i32
      %dma_wait3A_1599 = tpu.memref_slice %arg8[%add3A, %dma_wait3A_1598] : memref<32x48xf32, #tpu.memory_space<hbm>> -> memref<1x48xf32, #tpu.memory_space<hbm>>
      %dma_wait3A_1600 = arith.constant 0 : i32
      %dma_wait3A_1601 = tpu.memref_slice %arg8[%add3A, %dma_wait3A_1600] : memref<32x48xf32, #tpu.memory_space<hbm>> -> memref<1x48xf32, #tpu.memory_space<hbm>>
      tpu.wait_dma2 semaphore(%run_scoped3A : memref<!tpu.dma_semaphore, #tpu.memory_space<semaphore_mem>>) src(%arg15 : memref<1x48xf32, #tpu.memory_space<vmem>>) dst(%dma_wait3A_1601 : memref<1x48xf32, #tpu.memory_space<hbm>>)
      tpu.yield
    }) : () -> ()
    "tpu.region"() ({
      %run_scoped3A = tpu.sem_alloc : memref<!tpu.dma_semaphore, #tpu.memory_space<semaphore_mem>>
      %dma_start3A_1594 = arith.constant 0 : i32
      %dma_start3A_1595 = arith.constant 0 : i32
      %dma_start3A_1596 = tpu.memref_slice %arg9[%add3A, %dma_start3A_1594, %dma_start3A_1595] : memref<32x8x48xf32, #tpu.memory_space<hbm>> -> memref<1x8x48xf32, #tpu.memory_space<hbm>>
      %dma_start3A_1597 = arith.constant 0 : i32
      %dma_start3A_1598 = arith.constant 0 : i32
      %dma_start3A_1599 = tpu.memref_slice %arg9[%add3A, %dma_start3A_1597, %dma_start3A_1598] : memref<32x8x48xf32, #tpu.memory_space<hbm>> -> memref<1x8x48xf32, #tpu.memory_space<hbm>>
      tpu.enqueue_dma source(%arg16 : memref<1x8x48xf32, #tpu.memory_space<vmem>>) target(%dma_start3A_1599 : memref<1x8x48xf32, #tpu.memory_space<hbm>>) target_semaphore(%run_scoped3A : memref<!tpu.dma_semaphore, #tpu.memory_space<semaphore_mem>>)
      %dma_wait3A_1600 = arith.constant 0 : i32
      %dma_wait3A_1601 = arith.constant 0 : i32
      %dma_wait3A_1602 = tpu.memref_slice %arg9[%add3A, %dma_wait3A_1600, %dma_wait3A_1601] : memref<32x8x48xf32, #tpu.memory_space<hbm>> -> memref<1x8x48xf32, #tpu.memory_space<hbm>>
      %dma_wait3A_1603 = arith.constant 0 : i32
      %dma_wait3A_1604 = arith.constant 0 : i32
      %dma_wait3A_1605 = tpu.memref_slice %arg9[%add3A, %dma_wait3A_1603, %dma_wait3A_1604] : memref<32x8x48xf32, #tpu.memory_space<hbm>> -> memref<1x8x48xf32, #tpu.memory_space<hbm>>
      tpu.wait_dma2 semaphore(%run_scoped3A : memref<!tpu.dma_semaphore, #tpu.memory_space<semaphore_mem>>) src(%arg16 : memref<1x8x48xf32, #tpu.memory_space<vmem>>) dst(%dma_wait3A_1605 : memref<1x8x48xf32, #tpu.memory_space<hbm>>)
      tpu.yield
    }) : () -> ()
    return
  }
}

module attributes {stable_mosaic.version = 14 : i64} {
  func.func @_tail_body(%arg0: memref<32x16xf32, #tpu.memory_space<vmem>>, %arg1: memref<32x16xi32, #tpu.memory_space<vmem>>, %arg2: memref<32x48xf32, #tpu.memory_space<vmem>>, %arg3: memref<32x8x48xf32, #tpu.memory_space<vmem>>, %arg4: memref<256xf32, #tpu.memory_space<vmem>>, %arg5: memref<1x32xf32, #tpu.memory_space<vmem>>, %arg6: memref<1xf32, #tpu.memory_space<vmem>>, %arg7: memref<16x3xf32, #tpu.memory_space<vmem>>, %arg8: memref<16xf32, #tpu.memory_space<vmem>>, %arg9: memref<1x16xf32, #tpu.memory_space<vmem>>, %arg10: memref<1xf32, #tpu.memory_space<vmem>>, %arg11: memref<32x44xf32, #tpu.memory_space<vmem>>, %arg12: memref<32xf32, #tpu.memory_space<vmem>>, %arg13: memref<8x3xf32, #tpu.memory_space<vmem>>, %arg14: memref<8xf32, #tpu.memory_space<vmem>>, %arg15: memref<1x8xf32, #tpu.memory_space<vmem>>, %arg16: memref<1xf32, #tpu.memory_space<vmem>>, %arg17: memref<1x32xf32, #tpu.memory_space<vmem>>) attributes {dimension_semantics = [], scalar_prefetch = 0 : i64, scratch_operands = 0 : i64, tpu.core_type = #tpu.core_type<tc>} {
    %get3A = arith.constant 0 : index
    %get3A_0 = arith.constant 0 : index
    %get3A_1 = vector.load %arg0[%get3A, %get3A_0] : memref<32x16xf32, #tpu.memory_space<vmem>>, vector<32x1xf32>
    %get3A_2 = vector.shape_cast %get3A_1 : vector<32x1xf32> to vector<32xf32>
    %get3A_3 = arith.constant 0 : index
    %get3A_4 = arith.constant 0 : index
    %get3A_5 = vector.load %arg1[%get3A_3, %get3A_4] : memref<32x16xi32, #tpu.memory_space<vmem>>, vector<32x1xi32>
    %get3A_6 = vector.shape_cast %get3A_5 : vector<32x1xi32> to vector<32xi32>
    %reduce_max3A = vector.shape_cast %get3A_2 : vector<32xf32> to vector<1x32xf32>
    %reduce_max3A_7 = arith.constant dense<0xFF800000> : vector<1xf32>
    %reduce_max3A_8 = vector.multi_reduction <maximumf>, %reduce_max3A, %reduce_max3A_7 [1] : vector<1x32xf32> to vector<1xf32>
    %reduce_max3A_9 = vector.shape_cast %reduce_max3A_8 : vector<1xf32> to vector<1x1xf32>
    %reduce_max3A_10 = vector.extract %reduce_max3A_9[0, 0] : f32 from vector<1x1xf32>
    %eq3A = vector.broadcast %reduce_max3A_10 : f32 to vector<32xf32>
    %eq3A_11 = arith.cmpf oeq, %get3A_2, %eq3A : vector<32xf32>
    %jit3A = arith.constant 8192 : i32
    %broadcast_in_dim3A = vector.broadcast %jit3A : i32 to vector<32xi32>
    %select_n3A = arith.select %eq3A_11, %get3A_6, %broadcast_in_dim3A : vector<32xi1>, vector<32xi32>
    %reduce_min3A = vector.shape_cast %select_n3A : vector<32xi32> to vector<1x32xi32>
    %reduce_min3A_12 = arith.constant dense<2147483647> : vector<1xi32>
    %reduce_min3A_13 = vector.multi_reduction <minsi>, %reduce_min3A, %reduce_min3A_12 [1] : vector<1x32xi32> to vector<1xi32>
    %reduce_min3A_14 = vector.shape_cast %reduce_min3A_13 : vector<1xi32> to vector<1x1xi32>
    %reduce_min3A_15 = vector.extract %reduce_min3A_14[0, 0] : i32 from vector<1x1xi32>
    %eq3A_16 = vector.broadcast %reduce_max3A_10 : f32 to vector<32xf32>
    %eq3A_17 = arith.cmpf oeq, %get3A_2, %eq3A_16 : vector<32xf32>
    %eq3A_18 = vector.broadcast %reduce_min3A_15 : i32 to vector<32xi32>
    %eq3A_19 = arith.cmpi eq, %get3A_6, %eq3A_18 : vector<32xi32>
    %and3A = arith.andi %eq3A_17, %eq3A_19 : vector<32xi1>
    %broadcast_in_dim3A_20 = vector.shape_cast %and3A : vector<32xi1> to vector<32x1xi1>
    %get3A_21 = arith.constant 0 : index
    %get3A_22 = arith.constant 0 : index
    %get3A_23 = vector.load %arg2[%get3A_21, %get3A_22] : memref<32x48xf32, #tpu.memory_space<vmem>>, vector<32x44xf32>
    %jit3A_24 = arith.constant 0.000000e+00 : f32
    %broadcast_in_dim3A_25 = vector.shape_cast %broadcast_in_dim3A_20 : vector<32x1xi1> to vector<32x1xi1>
    %broadcast_in_dim3A_26 = vector.broadcast %broadcast_in_dim3A_25 : vector<32x1xi1> to vector<32x44xi1>
    %broadcast_in_dim3A_27 = vector.broadcast %jit3A_24 : f32 to vector<32x44xf32>
    %select_n3A_28 = arith.select %broadcast_in_dim3A_26, %get3A_23, %broadcast_in_dim3A_27 : vector<32x44xi1>, vector<32x44xf32>
    %reduce_sum3A = arith.constant dense<0.000000e+00> : vector<44xf32>
    %reduce_sum3A_29 = vector.multi_reduction <add>, %select_n3A_28, %reduce_sum3A [0] : vector<32x44xf32> to vector<44xf32>
    %broadcast_in_dim3A_30 = vector.shape_cast %and3A : vector<32xi1> to vector<32x1x1xi1>
    %get3A_31 = arith.constant 0 : index
    %get3A_32 = arith.constant 0 : index
    %get3A_33 = arith.constant 0 : index
    %get3A_34 = vector.load %arg3[%get3A_31, %get3A_32, %get3A_33] : memref<32x8x48xf32, #tpu.memory_space<vmem>>, vector<32x8x44xf32>
    %jit3A_35 = arith.constant 0.000000e+00 : f32
    %broadcast_in_dim3A_36 = vector.shape_cast %broadcast_in_dim3A_30 : vector<32x1x1xi1> to vector<32x1x1xi1>
    %broadcast_in_dim3A_37 = vector.broadcast %broadcast_in_dim3A_36 : vector<32x1x1xi1> to vector<32x8x44xi1>
    %broadcast_in_dim3A_38 = vector.broadcast %jit3A_35 : f32 to vector<32x8x44xf32>
    %select_n3A_39 = arith.select %broadcast_in_dim3A_37, %get3A_34, %broadcast_in_dim3A_38 : vector<32x8x44xi1>, vector<32x8x44xf32>
    %reduce_sum3A_40 = arith.constant dense<0.000000e+00> : vector<8x44xf32>
    %reduce_sum3A_41 = vector.multi_reduction <add>, %select_n3A_39, %reduce_sum3A_40 [0] : vector<32x8x44xf32> to vector<8x44xf32>
    %get3A_42 = arith.constant 0 : index
    %get3A_43 = vector.load %arg4[%get3A_42] : memref<256xf32, #tpu.memory_space<vmem>>, vector<256xf32>
    %max3A = arith.constant 0.000000e+00 : f32
    %max3A_44 = vector.broadcast %max3A : f32 to vector<256xf32>
    %max3A_45 = arith.maximumf %get3A_43, %max3A_44 : vector<256xf32>
    %mul3A = arith.mulf %max3A_45, %max3A_45 : vector<256xf32>
    %reduce_sum3A_46 = vector.shape_cast %mul3A : vector<256xf32> to vector<1x256xf32>
    %reduce_sum3A_47 = arith.constant dense<0.000000e+00> : vector<1xf32>
    %reduce_sum3A_48 = vector.multi_reduction <add>, %reduce_sum3A_46, %reduce_sum3A_47 [1] : vector<1x256xf32> to vector<1xf32>
    %reduce_sum3A_49 = vector.shape_cast %reduce_sum3A_48 : vector<1xf32> to vector<1x1xf32>
    %reduce_sum3A_50 = vector.extract %reduce_sum3A_49[0, 0] : f32 from vector<1x1xf32>
    %sqrt3A = math.sqrt %reduce_sum3A_50 : f32
    %sign3A = arith.bitcast %reduce_max3A_10 : f32 to i32
    %sign3A_51 = arith.constant -2147483648 : i32
    %sign3A_52 = arith.andi %sign3A, %sign3A_51 : i32
    %sign3A_53 = arith.constant 1065353216 : i32
    %sign3A_54 = arith.ori %sign3A_53, %sign3A_52 : i32
    %sign3A_55 = arith.bitcast %sign3A_54 : i32 to f32
    %sign3A_56 = math.absf %reduce_max3A_10 : f32
    %sign3A_57 = arith.constant 0.000000e+00 : f32
    %sign3A_58 = arith.cmpf ogt, %sign3A_56, %sign3A_57 : f32
    %sign3A_59 = arith.select %sign3A_58, %sign3A_55, %reduce_max3A_10 : f32
    %abs3A = math.absf %reduce_max3A_10 : f32
    %sqrt3A_60 = math.sqrt %abs3A : f32
    %mul3A_61 = arith.mulf %sign3A_59, %sqrt3A_60 : f32
    %max3A_62 = arith.constant 9.99999996E-13 : f32
    %max3A_63 = arith.maximumf %sqrt3A, %max3A_62 : f32
    %div3A = arith.divf %mul3A_61, %max3A_63 : f32
    %get3A_64 = arith.constant 0 : index
    %get3A_65 = arith.constant 0 : index
    %get3A_66 = vector.load %arg5[%get3A_64, %get3A_65] : memref<1x32xf32, #tpu.memory_space<vmem>>, vector<1x32xf32>
    %squeeze3A = vector.shape_cast %get3A_66 : vector<1x32xf32> to vector<32xf32>
    %mul3A_67 = arith.mulf %squeeze3A, %squeeze3A : vector<32xf32>
    %reduce_sum3A_68 = vector.shape_cast %mul3A_67 : vector<32xf32> to vector<1x32xf32>
    %reduce_sum3A_69 = arith.constant dense<0.000000e+00> : vector<1xf32>
    %reduce_sum3A_70 = vector.multi_reduction <add>, %reduce_sum3A_68, %reduce_sum3A_69 [1] : vector<1x32xf32> to vector<1xf32>
    %reduce_sum3A_71 = vector.shape_cast %reduce_sum3A_70 : vector<1xf32> to vector<1x1xf32>
    %reduce_sum3A_72 = vector.extract %reduce_sum3A_71[0, 0] : f32 from vector<1x1xf32>
    %sqrt3A_73 = math.sqrt %reduce_sum3A_72 : f32
    %max3A_74 = arith.constant 9.99999996E-13 : f32
    %max3A_75 = arith.maximumf %sqrt3A_73, %max3A_74 : f32
    %div3A_76 = vector.broadcast %max3A_75 : f32 to vector<32xf32>
    %div3A_77 = arith.divf %squeeze3A, %div3A_76 : vector<32xf32>
    %get3A_78 = arith.constant 0 : index
    %get3A_79 = vector.load %arg6[%get3A_78] : memref<1xf32, #tpu.memory_space<vmem>>, vector<1xf32>
    %get3A_80 = vector.extract %get3A_79[0] : f32 from vector<1xf32>
    %abs3A_81 = math.absf %get3A_80 : f32
    %slice3A = vector.extract_strided_slice %reduce_sum3A_41 {offsets = [0, 0], sizes = [8, 32], strides = [1, 1]} : vector<8x44xf32> to vector<8x32xf32>
    %mul3A_82 = arith.mulf %slice3A, %slice3A : vector<8x32xf32>
    %reduce_sum3A_83 = arith.constant dense<0.000000e+00> : vector<8xf32>
    %reduce_sum3A_84 = vector.multi_reduction <add>, %mul3A_82, %reduce_sum3A_83 [1] : vector<8x32xf32> to vector<8xf32>
    %broadcast_in_dim3A_85 = vector.shape_cast %reduce_sum3A_84 : vector<8xf32> to vector<8x1xf32>
    %sqrt3A_86 = math.sqrt %broadcast_in_dim3A_85 : vector<8x1xf32>
    %max3A_87 = arith.constant 9.99999996E-13 : f32
    %max3A_88 = vector.broadcast %max3A_87 : f32 to vector<8x1xf32>
    %max3A_89 = arith.maximumf %sqrt3A_86, %max3A_88 : vector<8x1xf32>
    %div3A_90 = vector.broadcast %max3A_89 : vector<8x1xf32> to vector<8x32xf32>
    %div3A_91 = arith.divf %slice3A, %div3A_90 : vector<8x32xf32>
    %broadcast_in_dim3A_92 = vector.shape_cast %div3A_77 : vector<32xf32> to vector<1x32xf32>
    %mul3A_93 = vector.broadcast %broadcast_in_dim3A_92 : vector<1x32xf32> to vector<8x32xf32>
    %mul3A_94 = arith.mulf %div3A_91, %mul3A_93 : vector<8x32xf32>
    %reduce_sum3A_95 = arith.constant dense<0.000000e+00> : vector<8xf32>
    %reduce_sum3A_96 = vector.multi_reduction <add>, %mul3A_94, %reduce_sum3A_95 [1] : vector<8x32xf32> to vector<8xf32>
    %broadcast_in_dim3A_97 = vector.shape_cast %reduce_sum3A_96 : vector<8xf32> to vector<8x1xf32>
    %reduce_max3A_98 = vector.shape_cast %broadcast_in_dim3A_97 : vector<8x1xf32> to vector<1x8x1xf32>
    %reduce_max3A_99 = arith.constant dense<0xFF800000> : vector<1xf32>
    %reduce_max3A_100 = vector.multi_reduction <maximumf>, %reduce_max3A_98, %reduce_max3A_99 [1, 2] : vector<1x8x1xf32> to vector<1xf32>
    %reduce_max3A_101 = vector.shape_cast %reduce_max3A_100 : vector<1xf32> to vector<1x1x1xf32>
    %reduce_max3A_102 = vector.extract %reduce_max3A_101[0, 0, 0] : f32 from vector<1x1x1xf32>
    %iota3A = tpu.iota {dimensions = array<i32: 0>} : vector<8x1xi32>
    %eq3A_103 = vector.broadcast %reduce_max3A_102 : f32 to vector<8x1xf32>
    %eq3A_104 = arith.cmpf oeq, %broadcast_in_dim3A_97, %eq3A_103 : vector<8x1xf32>
    %jit3A_105 = arith.constant 8 : i32
    %broadcast_in_dim3A_106 = vector.broadcast %jit3A_105 : i32 to vector<8x1xi32>
    %select_n3A_107 = arith.select %eq3A_104, %iota3A, %broadcast_in_dim3A_106 : vector<8x1xi1>, vector<8x1xi32>
    %reduce_min3A_108 = vector.shape_cast %select_n3A_107 : vector<8x1xi32> to vector<1x8x1xi32>
    %reduce_min3A_109 = arith.constant dense<2147483647> : vector<1xi32>
    %reduce_min3A_110 = vector.multi_reduction <minsi>, %reduce_min3A_108, %reduce_min3A_109 [1, 2] : vector<1x8x1xi32> to vector<1xi32>
    %reduce_min3A_111 = vector.shape_cast %reduce_min3A_110 : vector<1xi32> to vector<1x1x1xi32>
    %reduce_min3A_112 = vector.extract %reduce_min3A_111[0, 0, 0] : i32 from vector<1x1x1xi32>
    %eq3A_113 = vector.broadcast %reduce_min3A_112 : i32 to vector<8x1xi32>
    %eq3A_114 = arith.cmpi eq, %iota3A, %eq3A_113 : vector<8x1xi32>
    %jit3A_115 = arith.constant 0.000000e+00 : f32
    %broadcast_in_dim3A_116 = vector.shape_cast %eq3A_114 : vector<8x1xi1> to vector<8x1xi1>
    %broadcast_in_dim3A_117 = vector.broadcast %broadcast_in_dim3A_116 : vector<8x1xi1> to vector<8x44xi1>
    %broadcast_in_dim3A_118 = vector.broadcast %jit3A_115 : f32 to vector<8x44xf32>
    %select_n3A_119 = arith.select %broadcast_in_dim3A_117, %reduce_sum3A_41, %broadcast_in_dim3A_118 : vector<8x44xi1>, vector<8x44xf32>
    %reduce_sum3A_120 = arith.constant dense<0.000000e+00> : vector<44xf32>
    %reduce_sum3A_121 = vector.multi_reduction <add>, %select_n3A_119, %reduce_sum3A_120 [0] : vector<8x44xf32> to vector<44xf32>
    %get3A_122 = arith.constant 0 : index
    %get3A_123 = arith.constant 0 : index
    %get3A_124 = vector.load %arg13[%get3A_122, %get3A_123] : memref<8x3xf32, #tpu.memory_space<vmem>>, vector<8x3xf32>
    %slice3A_125 = vector.extract_strided_slice %get3A_124 {offsets = [0, 0], sizes = [8, 1], strides = [1, 1]} : vector<8x3xf32> to vector<8x1xf32>
    %squeeze3A_126 = vector.shape_cast %slice3A_125 : vector<8x1xf32> to vector<8xf32>
    %mul3A_127 = vector.broadcast %div3A : f32 to vector<8xf32>
    %mul3A_128 = arith.mulf %squeeze3A_126, %mul3A_127 : vector<8xf32>
    %slice3A_129 = vector.extract_strided_slice %get3A_124 {offsets = [0, 1], sizes = [8, 1], strides = [1, 1]} : vector<8x3xf32> to vector<8x1xf32>
    %squeeze3A_130 = vector.shape_cast %slice3A_129 : vector<8x1xf32> to vector<8xf32>
    %mul3A_131 = vector.broadcast %reduce_max3A_102 : f32 to vector<8xf32>
    %mul3A_132 = arith.mulf %squeeze3A_130, %mul3A_131 : vector<8xf32>
    %add3A = arith.addf %mul3A_128, %mul3A_132 : vector<8xf32>
    %slice3A_133 = vector.extract_strided_slice %get3A_124 {offsets = [0, 2], sizes = [8, 1], strides = [1, 1]} : vector<8x3xf32> to vector<8x1xf32>
    %squeeze3A_134 = vector.shape_cast %slice3A_133 : vector<8x1xf32> to vector<8xf32>
    %mul3A_135 = vector.broadcast %abs3A_81 : f32 to vector<8xf32>
    %mul3A_136 = arith.mulf %squeeze3A_134, %mul3A_135 : vector<8xf32>
    %add3A_137 = arith.addf %add3A, %mul3A_136 : vector<8xf32>
    %get3A_138 = arith.constant 0 : index
    %get3A_139 = vector.load %arg14[%get3A_138] : memref<8xf32, #tpu.memory_space<vmem>>, vector<8xf32>
    %add3A_140 = arith.addf %add3A_137, %get3A_139 : vector<8xf32>
    %tanh3A = math.tanh %add3A_140 : vector<8xf32>
    %get3A_141 = arith.constant 0 : index
    %get3A_142 = arith.constant 0 : index
    %get3A_143 = vector.load %arg15[%get3A_141, %get3A_142] : memref<1x8xf32, #tpu.memory_space<vmem>>, vector<1x8xf32>
    %get3A_144 = vector.shape_cast %get3A_143 : vector<1x8xf32> to vector<8xf32>
    %mul3A_145 = arith.mulf %get3A_144, %tanh3A : vector<8xf32>
    %reduce_sum3A_146 = vector.shape_cast %mul3A_145 : vector<8xf32> to vector<1x8xf32>
    %reduce_sum3A_147 = arith.constant dense<0.000000e+00> : vector<1xf32>
    %reduce_sum3A_148 = vector.multi_reduction <add>, %reduce_sum3A_146, %reduce_sum3A_147 [1] : vector<1x8xf32> to vector<1xf32>
    %reduce_sum3A_149 = vector.shape_cast %reduce_sum3A_148 : vector<1xf32> to vector<1x1xf32>
    %reduce_sum3A_150 = vector.extract %reduce_sum3A_149[0, 0] : f32 from vector<1x1xf32>
    %get3A_151 = arith.constant 0 : index
    %get3A_152 = vector.load %arg16[%get3A_151] : memref<1xf32, #tpu.memory_space<vmem>>, vector<1xf32>
    %get3A_153 = vector.extract %get3A_152[0] : f32 from vector<1xf32>
    %add3A_154 = arith.addf %reduce_sum3A_150, %get3A_153 : f32
    %logistic3A = arith.negf %add3A_154 : f32
    %logistic3A_155 = math.exp %logistic3A : f32
    %logistic3A_156 = arith.constant 1.000000e+00 : f32
    %logistic3A_157 = arith.addf %logistic3A_156, %logistic3A_155 : f32
    %logistic3A_158 = arith.divf %logistic3A_156, %logistic3A_157 : f32
    %sub3A = arith.constant 1.000000e+00 : f32
    %sub3A_159 = arith.subf %sub3A, %logistic3A_158 : f32
    %mul3A_160 = vector.broadcast %sub3A_159 : f32 to vector<44xf32>
    %mul3A_161 = arith.mulf %mul3A_160, %reduce_sum3A_29 : vector<44xf32>
    %mul3A_162 = vector.broadcast %logistic3A_158 : f32 to vector<44xf32>
    %mul3A_163 = arith.mulf %mul3A_162, %reduce_sum3A_121 : vector<44xf32>
    %add3A_164 = arith.addf %mul3A_161, %mul3A_163 : vector<44xf32>
    %get3A_165 = arith.constant 0 : index
    %get3A_166 = arith.constant 0 : index
    %get3A_167 = vector.load %arg7[%get3A_165, %get3A_166] : memref<16x3xf32, #tpu.memory_space<vmem>>, vector<16x3xf32>
    %slice3A_168 = vector.extract_strided_slice %get3A_167 {offsets = [0, 0], sizes = [16, 1], strides = [1, 1]} : vector<16x3xf32> to vector<16x1xf32>
    %squeeze3A_169 = vector.shape_cast %slice3A_168 : vector<16x1xf32> to vector<16xf32>
    %mul3A_170 = vector.broadcast %div3A : f32 to vector<16xf32>
    %mul3A_171 = arith.mulf %squeeze3A_169, %mul3A_170 : vector<16xf32>
    %slice3A_172 = vector.extract_strided_slice %get3A_167 {offsets = [0, 1], sizes = [16, 1], strides = [1, 1]} : vector<16x3xf32> to vector<16x1xf32>
    %squeeze3A_173 = vector.shape_cast %slice3A_172 : vector<16x1xf32> to vector<16xf32>
    %mul3A_174 = vector.broadcast %abs3A_81 : f32 to vector<16xf32>
    %mul3A_175 = arith.mulf %squeeze3A_173, %mul3A_174 : vector<16xf32>
    %add3A_176 = arith.addf %mul3A_171, %mul3A_175 : vector<16xf32>
    %get3A_177 = arith.constant 0 : index
    %get3A_178 = vector.load %arg8[%get3A_177] : memref<16xf32, #tpu.memory_space<vmem>>, vector<16xf32>
    %add3A_179 = arith.addf %add3A_176, %get3A_178 : vector<16xf32>
    %tanh3A_180 = math.tanh %add3A_179 : vector<16xf32>
    %get3A_181 = arith.constant 0 : index
    %get3A_182 = arith.constant 0 : index
    %get3A_183 = vector.load %arg9[%get3A_181, %get3A_182] : memref<1x16xf32, #tpu.memory_space<vmem>>, vector<1x16xf32>
    %get3A_184 = vector.shape_cast %get3A_183 : vector<1x16xf32> to vector<16xf32>
    %mul3A_185 = arith.mulf %get3A_184, %tanh3A_180 : vector<16xf32>
    %reduce_sum3A_186 = vector.shape_cast %mul3A_185 : vector<16xf32> to vector<1x16xf32>
    %reduce_sum3A_187 = arith.constant dense<0.000000e+00> : vector<1xf32>
    %reduce_sum3A_188 = vector.multi_reduction <add>, %reduce_sum3A_186, %reduce_sum3A_187 [1] : vector<1x16xf32> to vector<1xf32>
    %reduce_sum3A_189 = vector.shape_cast %reduce_sum3A_188 : vector<1xf32> to vector<1x1xf32>
    %reduce_sum3A_190 = vector.extract %reduce_sum3A_189[0, 0] : f32 from vector<1x1xf32>
    %get3A_191 = arith.constant 0 : index
    %get3A_192 = vector.load %arg10[%get3A_191] : memref<1xf32, #tpu.memory_space<vmem>>, vector<1xf32>
    %get3A_193 = vector.extract %get3A_192[0] : f32 from vector<1xf32>
    %add3A_194 = arith.addf %reduce_sum3A_190, %get3A_193 : f32
    %tanh3A_195 = math.tanh %add3A_194 : f32
    %get3A_196 = arith.constant 0 : index
    %get3A_197 = arith.constant 0 : index
    %get3A_198 = vector.load %arg11[%get3A_196, %get3A_197] : memref<32x44xf32, #tpu.memory_space<vmem>>, vector<32x44xf32>
    %broadcast_in_dim3A_199 = vector.shape_cast %add3A_164 : vector<44xf32> to vector<1x44xf32>
    %mul3A_200 = vector.broadcast %broadcast_in_dim3A_199 : vector<1x44xf32> to vector<32x44xf32>
    %mul3A_201 = arith.mulf %get3A_198, %mul3A_200 : vector<32x44xf32>
    %reduce_sum3A_202 = arith.constant dense<0.000000e+00> : vector<32xf32>
    %reduce_sum3A_203 = vector.multi_reduction <add>, %mul3A_201, %reduce_sum3A_202 [1] : vector<32x44xf32> to vector<32xf32>
    %get3A_204 = arith.constant 0 : index
    %get3A_205 = vector.load %arg12[%get3A_204] : memref<32xf32, #tpu.memory_space<vmem>>, vector<32xf32>
    %add3A_206 = arith.addf %reduce_sum3A_203, %get3A_205 : vector<32xf32>
    %broadcast_in_dim3A_207 = vector.shape_cast %add3A_206 : vector<32xf32> to vector<1x32xf32>
    %mul3A_208 = vector.broadcast %tanh3A_195 : f32 to vector<1x32xf32>
    %mul3A_209 = arith.mulf %mul3A_208, %broadcast_in_dim3A_207 : vector<1x32xf32>
    %add3A_210 = arith.addf %get3A_66, %mul3A_209 : vector<1x32xf32>
    %swap3A = arith.constant 0 : index
    %swap3A_211 = arith.constant 0 : index
    %swap3A_212 = vector.load %arg17[%swap3A, %swap3A_211] : memref<1x32xf32, #tpu.memory_space<vmem>>, vector<1x32xf32>
    tpu.vector_store %arg17[%swap3A, %swap3A_211], %add3A_210 {strides = array<i32>} : memref<1x32xf32, #tpu.memory_space<vmem>>, vector<1x32xf32>,
    return
  }
}

</mosaic_0001>

<sc_bundles>
// kernel: kernel.4.cloned.1.call-start
scs
__scs_entry_jumppad:
0x0: {  	(pc) =	sbr.rel $0x88, $3  }
0x1: {  	(tag) =	ssettag $0x0;
	lr =	simm.s32 $0x1  }
0x2: {  	[smem:$0x3F91] =	sst lr;
	_ =	strace $0xD0000000  }
0x3: {  	_ = 	snop  }
0x4: {  	_ = 	snop  }
0x5: {  	_ = 	snop  }
0x6: {  	_ = 	snop  }
0x7: {  	_ = 	snop  }
__scs_overlays_trampoline_lowered:
0x8: {  	[smem:$0x3FA0] =	sst s0  }
0x9: {  	[smem:$0x3FA1] =	sst s1  }
0xa: {  	[smem:$0x3FA2] =	sst s2  }
0xb: {  	[smem:$0x3FA3] =	sst s3  }
0xc: {  	[smem:$0x3FA4] =	sst s4  }
0xd: {  	[smem:$0x3FA5] =	sst s5  }
0xe: {  	[smem:$0x3FA6] =	sst s6  }
0xf: {  	[smem:$0x3FA7] =	sst s7  }
0x10: {  	[smem:$0x3FA8] =	sst s8  }
0x11: {  	[smem:$0x3FA9] =	sst s9;
	s0 =	simm.s32 @!p0 $0x0  }
0x12: {  	s1 =	sld [smem:$0x3F8F];
	s0 =	simm.s32 @p0 $0x1  }
0x13: {  	[smem:$0x3FAA] =	sst s0;
	s0 =	simm.s32 @!p1 $0x0  }
0x14: {  	s2 =	sld [smem:$0x3F8E];
	s0 =	simm.s32 @p1 $0x1  }
0x15: {  	[smem:$0x3FAB] =	sst s0;
	s0 =	simm.s32 @!p2 $0x0  }
0x16: {  	s3 =	sld [smem:$0x3FDB];
	s0 =	simm.s32 @p2 $0x1  }
0x17: {  	s4 =	simm.s32 $0x1BF5;
	[smem:$0x3FAD] =	sst s0  }
0x18: {  	s0 =	sld [smem:$0x3F90];
	_ =	swait.ge [sflag:s4], $0x0  }
0x19: {  	s7 =	sld [smem:$0x3F91]  }
0x1a: {  	s8 =	sadd.s32 $0xFFFFE003, lr  }
0x1b: {  	s9 =	sadd.s32 $0xFFFFFEF7, lr;
	s5 =	simm.s32 $0xFFFFFFFF;
	p2 =	slt.u32 s8, $0xFFFFF086  }
0x1c: {  	p1 =	slt.u32 s9, $0xF7A;
	s5 =	simm.s32 @!p2 $0x0  }
0x1d: {  	s5 =	simm.s32 @p1 $0x1;
	p0 =	seq.s32 s7, s2  }
0x1e: {  	s7 =	smul.u32 @!p0 $0xF7A, s2;
	p2 =	seq.s32 @!p0 s5, $0x0  }
0x1f: {  	s9 =	smul.u32 $0xF7A, s1;
	s8 =	simm.s32 @!p0 $0x1BF5;
	p2 =	por !p2, p0  }
0x20: {  	[sflag:s8] =	ssyncset.s32 @!p0 $0xFFFFF086;
	s6 =	sadd.s32 @!p0 s3, s7;
	s7 =	simm.s32 @!p0 $0x108  }
0x21: {  	s3 =	sadd.s32 s3, s9;
	s6 =	sadd.s32 @!p0 $0x88, s6;
	s7 =	simm.s32 @p2 $0x1082  }
0x22: {  	[simem:s7], [sflag:s8] =	dma.local @!p0 [hbm:s6], $0xF7A  }
0x23: {  	s9 =	sor.u32 $0xD0000000, s2;
	s6 =	simm.s32 $0x108;
	_ =	swait.ge @!p0 [sflag:s8], $0x0  }
0x24: {  	s3 =	sadd.s32 $0x88, s3;
	s6 =	simm.s32 @!p1 $0x1082;
	[sflag:s4] =	ssyncset.s32 $0xFFFFF086  }
0x25: {  	[simem:s6], [sflag:s4] =	dma.local [hbm:s3], $0xF7A  }
0x26: {  	[smem:$0x3F91] =	sst s1;
	(tag) =	ssettag s2;
	_ =	strace s9  }
0x27: {  	s1 =	sld [smem:$0x3FA1]  }
0x28: {  	s2 =	sld [smem:$0x3FA2]  }
0x29: {  	s4 =	sld [smem:$0x3FA4]  }
0x2a: {  	p0 =	seq.s32 s5, $0x0;
	s5 =	sld [smem:$0x3FA5]  }
0x2b: {  	s6 =	sld [smem:$0x3FA6]  }
0x2c: {  	s7 =	sld [smem:$0x3FA7]  }
0x2d: {  	s3 =	simm.s32 $0x108;
	s8 =	sld [smem:$0x3FA8]  }
0x2e: {  	s3 =	simm.s32 @!p0 $0x1082;
	s9 =	sld [smem:$0x3FA9]  }
0x2f: {  	lr =	sadd.s32 s0, s3;
	s0 =	sld [smem:$0x3FA0]  }
0x30: {  	s3 =	sld [smem:$0x3FA3]  }
0x31: {  	[smem:$0x3FAC] =	sst s10  }
0x32: {  	s10 =	sld [smem:$0x3FAA];
	_ =	sdelay $0x3  }
0x33: {  	p0 =	seq.s32 s10, $0x1;
	s10 =	sld [smem:$0x3FAC];
	_ =	sdelay $0x3  }
0x34: {  	[smem:$0x3FAC] =	sst s10  }
0x35: {  	s10 =	sld [smem:$0x3FAB];
	_ =	sdelay $0x3  }
0x36: {  	p1 =	seq.s32 s10, $0x1;
	s10 =	sld [smem:$0x3FAC];
	_ =	sdelay $0x3  }
0x37: {  	[smem:$0x3FAC] =	sst s10  }
0x38: {  	s10 =	sld [smem:$0x3FAD]  }
0x39: {  	_ = 	snop;
	(pc) =	sbr.ind lr, $3  }
0x3a: {  	_ = 	snop  }
0x3b: {  	_ = 	snop  }
0x3c: {  	p2 =	seq.s32 s10, $0x1;
	s10 =	sld [smem:$0x3FAC]  }
0x3d: {  	_ =	shalt  }
0x3e: {  	_ =	shalt  }
0x3f: {  	_ =	shalt  }
0x40: {  	_ =	shalt  }
0x41: {  	_ =	shalt  }
0x42: {  	_ =	shalt  }
0x43: {  	_ =	shalt  }
0x44: {  	_ =	shalt  }
0x45: {  	_ =	shalt  }
0x46: {  	_ =	shalt  }
0x47: {  	_ =	shalt  }
0x48: {  	_ =	shalt  }
0x49: {  	_ =	shalt  }
0x4a: {  	_ =	shalt  }
0x4b: {  	_ =	shalt  }
0x4c: {  	_ =	shalt  }
0x4d: {  	_ =	shalt  }
0x4e: {  	_ =	shalt  }
0x4f: {  	_ =	shalt  }
0x50: {  	_ =	shalt  }
0x51: {  	_ =	shalt  }
0x52: {  	_ =	shalt  }
0x53: {  	_ =	shalt  }
0x54: {  	_ =	shalt  }
0x55: {  	_ =	shalt  }
0x56: {  	_ =	shalt  }
0x57: {  	_ =	shalt  }
0x58: {  	_ =	shalt  }
0x59: {  	_ =	shalt  }
0x5a: {  	_ =	shalt  }
0x5b: {  	_ =	shalt  }
0x5c: {  	_ =	shalt  }
0x5d: {  	_ =	shalt  }
0x5e: {  	_ =	shalt  }
0x5f: {  	_ =	shalt  }
0x60: {  	_ =	shalt  }
0x61: {  	_ =	shalt  }
0x62: {  	_ =	shalt  }
0x63: {  	_ =	shalt  }
0x64: {  	_ =	shalt  }
0x65: {  	_ =	shalt  }
0x66: {  	_ =	shalt  }
0x67: {  	_ =	shalt  }
0x68: {  	_ =	shalt  }
0x69: {  	_ =	shalt  }
0x6a: {  	_ =	shalt  }
0x6b: {  	_ =	shalt  }
0x6c: {  	_ =	shalt  }
0x6d: {  	_ =	shalt  }
0x6e: {  	_ =	shalt  }
0x6f: {  	_ =	shalt  }
0x70: {  	_ =	shalt  }
0x71: {  	_ =	shalt  }
0x72: {  	_ =	shalt  }
0x73: {  	_ =	shalt  }
0x74: {  	_ =	shalt  }
0x75: {  	_ =	shalt  }
0x76: {  	_ =	shalt  }
0x77: {  	_ =	shalt  }
0x78: {  	_ =	shalt  }
0x79: {  	_ =	shalt  }
0x7a: {  	_ =	shalt  }
0x7b: {  	_ =	shalt  }
0x7c: {  	_ =	shalt  }
0x7d: {  	_ =	shalt  }
0x7e: {  	_ =	shalt  }
0x7f: {  	_ =	shalt  }
0x80: {  	_ =	shalt  }
0x81: {  	_ =	shalt  }
0x82: {  	_ =	shalt  }
0x83: {  	_ =	shalt  }
0x84: {  	_ =	shalt  }
0x85: {  	_ =	shalt  }
0x86: {  	_ =	shalt  }
0x87: {  	_ =	shalt  }
.Lfunc_end0:
.L_simem_size_0:
called_computation_lowered:
.L_overlay_start_0:
0x88: {  	s2 =	sld [smem:$0x3FD9]  }
0x89: {  	s3 =	sld [smem:$0x3FFE];
	_ =	sdelay $0x1  }
0x8a: {  	s1 =	srdreg.scid  }
0x8b: {  	s0 =	sand.u32 $0x1, s1  }
0x8c: {  	s17 =	sshll.u32 s0, $0xA;
	s2 =	sadd.s32 s3, s2  }
0x8d: {  	s2 =	sadd.s32 s2, s17  }
0x8e: {  	[smem:$0x3FB8] =	sst s2  }
0x8f: {  	_ = 	snop  }
0x90: {  	s2 =	sld [smem:$0x3FC9]  }
0x91: {  	s18 =	sld [smem:$0x3FC6];
	(tm) =	ssettm $0x1  }
0x92: {  	s4 =	sld [smem:$0x3FFB];
	_ =	sdelay $0x3  }
0x93: {  	_ =	strace s4  }
0x94: {  	s4 =	sld [smem:$0x3FFC];
	_ =	sdelay $0x3  }
0x95: {  	_ =	strace s4  }
0x96: {  	s4 =	sld [smem:$0x3FFD];
	_ =	sdelay $0x3  }
0x97: {  	_ =	strace s4  }
0x98: {  	_ =	strace $0x8FFFFFFF  }
0x99: {  	s19 =	sld [smem:$0x3FDB];
	_ =	sdelay $0x1  }
0x9a: {  	s5 =	simm.s32 $_scs_section_size  }
0x9b: {  	s6 =	simm.s32 $_size__tile_overlayer_lowered;
	s7 =	simm.s32 $_tile_overlayer_lowered  }
0x9c: {  	s22 =	simm.s32 $0x1BFF;
	s21 =	sshll.u32 s7, $0x1;
	s4 =	sadd.s32 s5, s19  }
0x9d: {  	s8 =	simm.s32 $0x0;
	s20 =	sshll.u32 s6, $0x1;
	s6 =	sadd.s32 s21, s4  }
0x9e: {  	[timem:s8], [sflag:s22] =	dma.local [hbm:s6], s20  }
0x9f: {  	_ =	swait.ge [sflag:s22], s20  }
0xa0: {  	s5 =	ssub.s32 $0x0, s20;
	[sflag:s22] =	ssyncset.done $0x0  }
0xa1: {  	[sflag:s22] =	ssyncadd.s32 s5;
	_ =	sdelay $0x1  }
0xa2: {  	s23 =	simm.s32 $0x1B8B  }
0xa3: {  	_ =	swait.ge [sflag:s23], $0x1  }
0xa4: {  	[sflag:s23] =	ssyncset.done $0x0  }
0xa5: {  	s25 =	simm.s32 $0x1B8E;
	s24 =	sld [smem:$0x3FFE];
	[sflag:s23] =	ssyncadd.s32 $0xFFFFFFFF  }
0xa6: {  	s26 =	simm.s32 $execute0_lowered;
	[smem:$0x3FD2] =	sst s25  }
0xa7: {  	s6 =	sshll.u32 s26, $0x1;
	_ =	strace $0x80000046;
	[dreg:$0x1] =	wrdreg $0xFFFFFFFF  }
0xa8: {  	s28 =	simm.s32 $_size_execute0_lowered;
	s4 =	sadd.s32 s4, s6;
	[dreg:$0x0] =	wrdreg $0x0  }
0xa9: {  	s6 =	sshll.u32 s28, $0x1;
	[dreg:$0x2] =	wrdreg s4  }
0xaa: {  	[dreg:$0x3] =	wrdreg s6  }
0xab: {  	[dreg:$0x4] =	wrdreg $0xC0  }
0xac: {  	_ =	task [dreg:s8], $0x5FFFF  }
0xad: {  	[dreg:$0x1] =	wrdreg $0xFFFFFFFF  }
0xae: {  	[dreg:$0x0] =	wrdreg $0x60  }
0xaf: {  	[dreg:$0x2] =	wrdreg s18  }
0xb0: {  	[dreg:$0x3] =	wrdreg s2  }
0xb1: {  	[dreg:$0x4] =	wrdreg s24  }
0xb2: {  	[dreg:$0x5] =	wrdreg $0x9  }
0xb3: {  	_ =	task.clear_ibuf [dreg:s8], $0x6FFFF;
	_ =	strace $0x90000046  }
0xb4: {  	s29 =	simm.s32 $0x9;
	_ =	strace $0x80000048  }
0xb5: {  	_ =	swait.ge [sflag:s29], $0x1  }
0xb6: {  	[sflag:s29] =	ssyncadd.s32 $0xFFFFFFFF  }
0xb7: {  	_ =	strace $0x90000048  }
0xb8: {  	_ =	sfence  }
0xb9: {  	s30 =	sld [smem:$0x0];
	_ =	sdelay $0x2  }
0xba: {  	s31 =	sshll.u32 s1, $0xD;
	s1 =	sshrl.u32 s1, $0x2  }
0xbb: {  	s3 =	sand.u32 $0x4000, s31;
	s1 =	sadd.s32 s1, s30  }
0xbc: {  	s0 =	sor.u32 s3, s0;
	s1 =	sshll.u32 s1, $0x11  }
0xbd: {  	s0 =	sor.u32 s1, s0  }
0xbe: {  	s0 =	sadd.s32 $0x8F2B, s0  }
0xbf: {  	[sflag:s0] =	ssyncadd.remote.s32 $0x1  }
0xc0: {  	_ =	sfence.sel $0xFFFF  }
0xc1: {  	[dreg:$0x0] =	wrdreg $0xFFFFFFFF;
	(pc) =	sbr.abs _section_cstart, $3  }
0xc2: {  	[dreg:$0x1] =	wrdreg $0xFFFFFFFF  }
0xc3: {  	_ =	task.clear_ibuf [dreg:s8], $0x2FFFF;
	_ =	strace $0x9FFFFFFF  }
0xc4: {  	(tm) =	ssettm $0x7FFFFFFF  }
0xc5: {  	_ =	shalt  }
tec
execute0_lowered:
.L_overlay_start_1:
0x0: {  	(tag) =	ssettag $0x1  }
0x1: {  	v6 =	vlaneseq.u32;
	v54 =	vimm.s32 $0xB80;
	vm6 =	vcmask $0x300  }
0x2: {  	vm7 =	vcmask $0x704;
	vm8 =	vcmask $0xB08;
	vm9 =	vcmask $0xF0C  }
0x3: {  	s0 =	srdreg.scid;
	vm10 =	vcmask $0x1310;
	vm11 =	vcmask $0x1714;
	vm12 =	vcmask $0x1B18  }
0x4: {  	vm13 =	vcmask $0x1F1C;
	vm14 =	vcmask $0x2320;
	vm15 =	vcmask $0x2724;
	s0 =	sand.u32 $0x1, s0  }
0x5: {  	s8 =	stileid.u32;
	vm5 =	vcmask $0x2B28;
	vm1 =	vcmask $0x2F2C;
	vm2 =	vcmask $0x3330;
	s1 =	sshll.u32 s0, $0x4  }
0x6: {  	vm3 =	vcmask $0x3734;
	vm4 =	vcmask $0x3B38;
	v59 =	vimm.s32 $0x1B80;
	s2 =	sor.u32 s8, s1  }
0x7: {  	v60 =	vimm.s32 $0x2B80;
	v61 =	vimm.s32 $0x3B80;
	v5 =	vshrl.u32 v6, $0x3;
	s3 =	sshll.u32 s2, $0x8  }
0x8: {  	v7 =	vand.u32 $0x7, v6;
	v5 =	vmul.u32 $0x8, v5;
	v8 =	vor.u32 s3, v6;
	s13 =	sor.u32 $0x10, s3;
	s4 =	sor.u32 $0x20, s3  }
0x9: {  	s14 =	sor.u32 $0x30, s3;
	s5 =	sor.u32 $0x40, s3;
	s6 =	sor.u32 $0x80, s3;
	v9 =	vor.u32 s13, v6;
	v0 =	vshll.u32 v8, $0x1;
	v10 =	vor.u32 s4, v6  }
0xa: {  	s7 =	rddreg [dreg:$0x2];
	s15 =	sor.u32 $0x50, s3;
	s18 =	sor.u32 $0x90, s3;
	v11 =	vor.u32 s14, v6;
	v12 =	vor.u32 s5, v6;
	v16 =	vor.u32 s6, v6  }
0xb: {  	s1 =	rddreg [dreg:$0x0];
	s16 =	sor.u32 $0x60, s3;
	s17 =	sor.u32 $0x70, s3;
	v13 =	vor.u32 s15, v6;
	v2 =	vor.u32 s18, v6;
	v49 =	vshll.u32 v16, $0x1  }
0xc: {  	s19 =	sor.u32 $0xA0, s3;
	s20 =	sor.u32 $0xB0, s3;
	v14 =	vor.u32 s16, v6;
	s4 =	simm.s32 $0x0;
	v15 =	vor.u32 s17, v6;
	[tilespmem:$0x1FE30] =	vst v2;
	v2 =	vand.u32 $0xFFFFFF10, v49  }
0xd: {  	s21 =	sor.u32 $0xC0, s3;
	s22 =	sor.u32 $0xD0, s3;
	v3 =	vor.u32 s19, v6;
	v50 =	vor.u32 s20, v6;
	[smem:$0x7FF] =	sst s4;
	v2 =	vor.u32 v7, v2  }
0xe: {  	s23 =	sor.u32 $0xE0, s3;
	s3 =	sor.u32 $0xF0, s3;
	v51 =	vor.u32 s21, v6;
	v52 =	vor.u32 s22, v6;
	_ =	strace $0x80000047;
	[tilespmem:$0x1FE60] =	vst v2;
	v2 =	vsel vm6, $0x0, v54  }
0xf: {  	v53 =	vor.u32 s23, v6;
	v4 =	vor.u32 s3, v6;
	v2 =	vsel vm7, $0x80, v2  }
0x10: {  	v0 =	vand.u32 $0x7FFFFE10, v0;
	v1 =	vshll.u32 v12, $0x1;
	[tilespmem:$0x1FE40] =	vst v3;
	v2 =	vsel vm8, $0x100, v2  }
0x11: {  	v0 =	vor.u32 v7, v0;
	v1 =	vand.u32 $0xFFFFFE90, v1;
	[tilespmem:$0x1FE50] =	vst v50;
	v2 =	vsel vm9, $0x180, v2  }
0x12: {  	[tilespmem:$0x1FE90] =	vst v4;
	v3 =	vshll.u32 v51, $0x1;
	v4 =	vperm.xlane v0, v7;
	v2 =	vsel vm10, $0x200, v2  }
0x13: {  	[tilespmem:$0x1FE70] =	vst v52;
	v1 =	vor.u32 v7, v1;
	v3 =	vand.u32 $0xFFFFFF90, v3;
	v2 =	vsel vm11, $0x280, v2  }
0x14: {  	[tilespmem:$0x1FE80] =	vst v53;
	v55 =	vadd.s32 v5, v4;
	v4 =	vor.u32 $0x8, v6;
	v2 =	vsel vm12, $0x300, v2  }
0x15: {  	[tilespmem:$0x1FEA0] =	vst v51;
	v56 =	vperm.xlane v1, v7;
	v0 =	vperm.xlane v0, v4;
	v2 =	vsel vm13, $0x380, v2  }
0x16: {  	[tilespmem:$0x1FF00] =	vst v5;
	v3 =	vor.u32 v7, v3;
	v1 =	vperm.xlane v1, v4;
	v2 =	vsel vm14, $0x800, v2  }
0x17: {  	[tilespmem:$0x1FF40] =	vst v8;
	v58 =	vadd.s32 v5, v56;
	v0 =	vadd.s32 v5, v0;
	v2 =	vsel vm15, $0x880, v2  }
0x18: {  	v1 =	vadd.s32 v5, v1;
	[tilespmem:$0x1FEE0] =	vst v0;
	v0 =	vsel vm6, $0x1000, v59;
	v2 =	vsel vm5, $0x900, v2  }
0x19: {  	[tilespmem:$0x1FF10] =	vst v1;
	v1 =	vsel vm6, $0x2000, v60;
	v0 =	vsel vm7, $0x1080, v0;
	v2 =	vsel vm1, $0x980, v2  }
0x1a: {  	[tilespmem:$0x1FF50] =	vst v9;
	v1 =	vsel vm7, $0x2080, v1;
	v0 =	vsel vm8, $0x1100, v0;
	v2 =	vsel vm2, $0xA00, v2  }
0x1b: {  	[tilespmem:$0x1FF60] =	vst v10;
	v1 =	vsel vm8, $0x2100, v1;
	v57 =	vsel vm3, $0xA80, v2;
	v2 =	vsel vm6, $0x3000, v61  }
0x1c: {  	[tilespmem:$0x1FF70] =	vst v7;
	v0 =	vsel vm9, $0x1180, v0;
	v1 =	vsel vm9, $0x2180, v1;
	v2 =	vsel vm7, $0x3080, v2  }
0x1d: {  	[tilespmem:$0x1FF80] =	vst v11;
	v0 =	vsel vm10, $0x1200, v0;
	v1 =	vsel vm10, $0x2200, v1;
	v2 =	vsel vm8, $0x3100, v2  }
0x1e: {  	[tilespmem:$0x1FF90] =	vst v12;
	v0 =	vsel vm11, $0x1280, v0;
	v1 =	vsel vm11, $0x2280, v1;
	v2 =	vsel vm9, $0x3180, v2  }
0x1f: {  	[tilespmem:$0x1FFA0] =	vst v13;
	v0 =	vsel vm12, $0x1300, v0;
	v1 =	vsel vm12, $0x2300, v1;
	v2 =	vsel vm10, $0x3200, v2  }
0x20: {  	s12 =	simm.s32 $0x4;
	s28 =	simm.s32 $0x7200;
	s29 =	simm.s32 $0x7A00;
	[tilespmem:$0x1FFB0] =	vst v14;
	v0 =	vsel vm13, $0x1380, v0;
	v1 =	vsel vm13, $0x2380, v1;
	v2 =	vsel vm11, $0x3280, v2  }
0x21: {  	s30 =	simm.s32 $0x1;
	s31 =	simm.s32 $0x100;
	s0 =	ssub.s32 $0x2, s0;
	[tilespmem:$0x1FFC0] =	vst v15;
	v0 =	vsel vm14, $0x1800, v0;
	v1 =	vsel vm14, $0x2800, v1;
	v2 =	vsel vm12, $0x3300, v2  }
0x22: {  	s8 =	sshll.u32 s8, $0x7;
	s26 =	sshrl.u32 s0, $0x1;
	s2 =	sshll.u32 s2, $0x7;
	[tilespmem:$0x1FFD0] =	vst v16;
	v27 =	vsel vm4, $0xB00, v57;
	v1 =	vsel vm15, $0x2880, v1;
	v2 =	vsel vm13, $0x3380, v2  }
0x23: {  	s8 =	sand.u32 $0x380, s8;
	s0 =	ssub.s32 s0, s26;
	s26 =	simm.s32 $0x6A00;
	[tilespmem:$0x1FEB0] =	vst v3;
	v0 =	vsel vm15, $0x1880, v0;
	v1 =	vsel vm5, $0x2900, v1;
	v2 =	vsel vm14, $0x3800, v2  }
0x24: {  	s24 =	sand.u32 $0xC00, s2;
	s2 =	sadd.s32 s2, s7;
	s11 =	smax.u32 s0, $0x1;
	[tilespmem:$0x1FEC0] =	vst v55;
	v0 =	vsel vm5, $0x1900, v0;
	v1 =	vsel vm1, $0x2980, v1;
	v2 =	vsel vm15, $0x3880, v2  }
0x25: {  	s0 =	simm.s32 $0x10;
	s5 =	sadd.s32 $0x2600, s7;
	s6 =	sadd.s32 $0x102600, s7;
	[tilespmem:$0x1FED0] =	vst v4;
	v0 =	vsel vm1, $0x1980, v0;
	v1 =	vsel vm2, $0x2A00, v1;
	v2 =	vsel vm5, $0x3900, v2  }
0x26: {  	s8 =	sor.u32 s8, s24;
	s10 =	sadd.s32 $0xD600, s2;
	s13 =	simm.s32 $0x200;
	[tilespmem:$0x1FEF0] =	vst v58;
	v0 =	vsel vm2, $0x1A00, v0;
	v1 =	vsel vm3, $0x2A80, v1;
	v2 =	vsel vm1, $0x3980, v2  }
0x27: {  	s21 =	simm.s32 $0x4200;
	s2 =	simm.s32 $0x9300;
	s25 =	sshrl.u32 s8, $0x3;
	[tilespmem:$0x1FFF0] =	vst v27;
	v0 =	vsel vm3, $0x1A80, v0;
	v62 =	vsel vm4, $0x2B00, v1;
	v2 =	vsel vm2, $0x3A00, v2  }
0x28: {  	s14 =	simm.s32 $0x9380;
	s15 =	simm.s32 $0x3;
	s3 =	sadd.s32 s25, s7;
	v28 =	vsel vm4, $0x1B00, v0;
	[tilespmem:$0x1FF20] =	vst v62;
	v2 =	vsel vm3, $0x3A80, v2  }
0x29: {  	s16 =	simm.s32 $0x0;
	s25 =	simm.s32 $0x6200;
	s7 =	sadd.s32 $0xE600, s3;
	[tilespmem:$0x1FFE0] =	vst v28;
	v63 =	vsel vm4, $0x3B00, v2  }
0x2a: {  	vm0 =	vmmov $0xffff;
	s8 =	sadd.s32 $0xE800, s3;
	s9 =	sadd.s32 $0xEA00, s3;
	s3 =	simm.s32 $0x2;
	[tilespmem:$0x1FF30] =	vst v63  }
.LBB2_1:
0x2b: {  	s17 =	rddreg [dreg:$0x1]  }
0x2c: {  	[tilespmem:s4], [sflag:$0x4] =	stream.linear.gather [hbm4b:s17+s4], $0x100, $0x38;
	[tilespmem:$0x9880] =	vst v63  }
0x2d: {  	_ =	swait.ge [sflag:s12], $0x100  }
0x2e: {  	[sflag:s12] =	ssyncset.done $0x0  }
0x2f: {  	[sflag:s12] =	ssyncadd.s32 $0xFFFFFF00  }
0x30: {  	v0 =	vld [tilespmem:$0x0]  }
0x31: {  	v1 =	vld [tilespmem:$0x10]  }
0x32: {  	v2 =	vld [tilespmem:$0x20]  }
0x33: {  	v3 =	vld [tilespmem:$0x30]  }
0x34: {  	v4 =	vld [tilespmem:$0x40]  }
0x35: {  	v5 =	vld [tilespmem:$0x50];
	v0 =	vmax.f32 v0, $0.0e+00  }
0x36: {  	[tilespmem:$0x100] =	vst v0;
	v0 =	vmax.f32 v1, $0.0e+00;
	v1 =	vld [tilespmem:$0x60]  }
0x37: {  	[tilespmem:$0x110] =	vst v0;
	v0 =	vmax.f32 v2, $0.0e+00;
	v2 =	vld [tilespmem:$0x70]  }
0x38: {  	[tilespmem:$0x120] =	vst v0;
	v0 =	vmax.f32 v3, $0.0e+00;
	v3 =	vld [tilespmem:$0x80]  }
0x39: {  	[tilespmem:$0x130] =	vst v0;
	v0 =	vmax.f32 v4, $0.0e+00;
	v4 =	vld [tilespmem:$0x90]  }
0x3a: {  	[tilespmem:$0x140] =	vst v0;
	v0 =	vmax.f32 v5, $0.0e+00;
	v5 =	vld [tilespmem:$0xA0]  }
0x3b: {  	[tilespmem:$0x150] =	vst v0;
	v0 =	vmax.f32 v1, $0.0e+00;
	v1 =	vld [tilespmem:$0xB0]  }
0x3c: {  	[tilespmem:$0x160] =	vst v0;
	v0 =	vmax.f32 v2, $0.0e+00;
	v2 =	vld [tilespmem:$0xC0]  }
0x3d: {  	[tilespmem:$0x170] =	vst v0;
	v0 =	vmax.f32 v3, $0.0e+00;
	v3 =	vld [tilespmem:$0xD0]  }
0x3e: {  	[tilespmem:$0x180] =	vst v0;
	v0 =	vmax.f32 v4, $0.0e+00;
	v4 =	vld [tilespmem:$0xE0]  }
0x3f: {  	[tilespmem:$0x190] =	vst v0;
	v0 =	vmax.f32 v5, $0.0e+00;
	v5 =	vld [tilespmem:$0xF0]  }
0x40: {  	[tilespmem:$0x1A0] =	vst v0;
	v0 =	vmax.f32 v1, $0.0e+00  }
0x41: {  	[tilespmem:$0x1B0] =	vst v0;
	v0 =	vmax.f32 v2, $0.0e+00  }
0x42: {  	[tilespmem:$0x1C0] =	vst v0;
	v0 =	vmax.f32 v3, $0.0e+00  }
0x43: {  	[tilespmem:$0x1D0] =	vst v0;
	v0 =	vmax.f32 v4, $0.0e+00  }
0x44: {  	[tilespmem:$0x1E0] =	vst v0;
	v0 =	vmax.f32 v5, $0.0e+00  }
0x45: {  	[tilespmem:$0x1F0] =	vst v0;
	v0 =	vld [tilespmem:$0x1FEC0];
	_ =	sdelay $0x3  }
0x46: {  	[tilespmem:$0x8200] =	vst v8  }
0x47: {  	[tilespmem:$0x8210] =	vst v9  }
0x48: {  	[tilespmem:$0x8220] =	vst v10  }
0x49: {  	[tilespmem:$0x8230] =	vst v11  }
0x4a: {  	[tilespmem:s13], [sflag:$0x1] =	stream.indirect_vreg.gather [hbm4b:s1+s4], $0x80, v0, vm0, $0xb8;
	v0 =	vld [tilespmem:$0x1FEE0]  }
0x4b: {  	_ =	sdelay $0x5  }
0x4c: {  	s19 =	simm.s32 $0xA00  }
0x4d: {  	[tilespmem:s19], [sflag:$0x1] =	stream.indirect_vreg.gather [hbm4b:s1+s4], $0x80, v0, vm0, $0xb8;
	[tilespmem:$0x9880] =	vst v63  }
0x4e: {  	v0 =	vld [tilespmem:$0x8210];
	_ =	sdelay $0x3  }
0x4f: {  	v2 =	vld [tilespmem:$0x1FF00]  }
0x50: {  	v3 =	vld [tilespmem:$0x1FED0];
	v1 =	vshll.u32 v0, $0x1  }
0x51: {  	v0 =	vand.u32 $0x7, v0;
	v1 =	vand.u32 $0xFFFFFFF0, v1  }
0x52: {  	v0 =	vor.u32 v0, v1  }
0x53: {  	v1 =	vperm.xlane v0, v7;
	_ =	sdelay $0x1  }
0x54: {  	v0 =	vperm.xlane v0, v3;
	v1 =	vadd.s32 v2, v1;
	_ =	sdelay $0x1  }
0x55: {  	v0 =	vadd.s32 v2, v0;
	_ =	sdelay $0x1  }
0x56: {  	s20 =	simm.s32 $0x1200  }
0x57: {  	[tilespmem:s20], [sflag:$0x1] =	stream.indirect_vreg.gather [hbm4b:s1+s4], $0x80, v1, vm0, $0xb8;
	[tilespmem:$0x9880] =	vst v63  }
0x58: {  	s22 =	simm.s32 $0x1A00  }
0x59: {  	[tilespmem:s22], [sflag:$0x1] =	stream.indirect_vreg.gather [hbm4b:s1+s4], $0x80, v0, vm0, $0xb8;
	[tilespmem:$0x9880] =	vst v63  }
0x5a: {  	v0 =	vld [tilespmem:$0x8220];
	_ =	sdelay $0x4  }
0x5b: {  	v1 =	vshll.u32 v0, $0x1  }
0x5c: {  	v0 =	vand.u32 $0x7, v0;
	v1 =	vand.u32 $0xFFFFFFF0, v1  }
0x5d: {  	v0 =	vor.u32 v0, v1  }
0x5e: {  	v1 =	vperm.xlane v0, v7;
	_ =	sdelay $0x1  }
0x5f: {  	v0 =	vperm.xlane v0, v3;
	v1 =	vadd.s32 v2, v1;
	_ =	sdelay $0x1  }
0x60: {  	v0 =	vadd.s32 v2, v0;
	_ =	sdelay $0x1  }
0x61: {  	s23 =	simm.s32 $0x2200  }
0x62: {  	[tilespmem:s23], [sflag:$0x1] =	stream.indirect_vreg.gather [hbm4b:s1+s4], $0x80, v1, vm0, $0xb8;
	[tilespmem:$0x9880] =	vst v63  }
0x63: {  	s24 =	simm.s32 $0x2A00  }
0x64: {  	[tilespmem:s24], [sflag:$0x1] =	stream.indirect_vreg.gather [hbm4b:s1+s4], $0x80, v0, vm0, $0xb8;
	[tilespmem:$0x9880] =	vst v63  }
0x65: {  	v0 =	vld [tilespmem:$0x8230];
	_ =	sdelay $0x4  }
0x66: {  	v1 =	vshll.u32 v0, $0x1  }
0x67: {  	v0 =	vand.u32 $0x7, v0;
	v1 =	vand.u32 $0xFFFFFFF0, v1  }
0x68: {  	v0 =	vor.u32 v0, v1  }
0x69: {  	v1 =	vperm.xlane v0, v7;
	_ =	sdelay $0x1  }
0x6a: {  	v0 =	vperm.xlane v0, v3;
	v1 =	vadd.s32 v2, v1;
	_ =	sdelay $0x1  }
0x6b: {  	v0 =	vadd.s32 v2, v0;
	_ =	sdelay $0x1  }
0x6c: {  	s18 =	simm.s32 $0x3200  }
0x6d: {  	[tilespmem:s18], [sflag:$0x1] =	stream.indirect_vreg.gather [hbm4b:s1+s4], $0x80, v1, vm0, $0xb8;
	[tilespmem:$0x9880] =	vst v63  }
0x6e: {  	s19 =	simm.s32 $0x3A00  }
0x6f: {  	[tilespmem:s19], [sflag:$0x1] =	stream.indirect_vreg.gather [hbm4b:s1+s4], $0x80, v0, vm0, $0xb8;
	v0 =	vld [tilespmem:$0x1FEF0]  }
0x70: {  	_ =	sdelay $0x2  }
0x71: {  	[tilespmem:$0x8280] =	vst v12  }
0x72: {  	[tilespmem:$0x8290] =	vst v13  }
0x73: {  	[tilespmem:$0x82A0] =	vst v14  }
0x74: {  	[tilespmem:$0x82B0] =	vst v15  }
0x75: {  	[tilespmem:s21], [sflag:$0x2] =	stream.indirect_vreg.gather [hbm4b:s1+s4], $0x80, v0, vm0, $0xb8;
	v0 =	vld [tilespmem:$0x1FF10]  }
0x76: {  	_ =	sdelay $0x5  }
0x77: {  	s20 =	simm.s32 $0x4A00  }
0x78: {  	[tilespmem:s20], [sflag:$0x2] =	stream.indirect_vreg.gather [hbm4b:s1+s4], $0x80, v0, vm0, $0xb8;
	[tilespmem:$0x9880] =	vst v63  }
0x79: {  	v0 =	vld [tilespmem:$0x8290];
	_ =	sdelay $0x4  }
0x7a: {  	v1 =	vshll.u32 v0, $0x1  }
0x7b: {  	v0 =	vand.u32 $0x7, v0;
	v1 =	vand.u32 $0xFFFFFFF0, v1  }
0x7c: {  	v0 =	vor.u32 v0, v1  }
0x7d: {  	v1 =	vperm.xlane v0, v7;
	_ =	sdelay $0x1  }
0x7e: {  	v0 =	vperm.xlane v0, v3;
	v1 =	vadd.s32 v2, v1;
	_ =	sdelay $0x1  }
0x7f: {  	v0 =	vadd.s32 v2, v0;
	_ =	sdelay $0x1  }
0x80: {  	s22 =	simm.s32 $0x5200  }
0x81: {  	[tilespmem:s22], [sflag:$0x2] =	stream.indirect_vreg.gather [hbm4b:s1+s4], $0x80, v1, vm0, $0xb8;
	[tilespmem:$0x9880] =	vst v63  }
0x82: {  	s23 =	simm.s32 $0x5A00  }
0x83: {  	[tilespmem:s23], [sflag:$0x2] =	stream.indirect_vreg.gather [hbm4b:s1+s4], $0x80, v0, vm0, $0xb8;
	[tilespmem:$0x9880] =	vst v63  }
0x84: {  	v0 =	vld [tilespmem:$0x82A0];
	_ =	sdelay $0x4  }
0x85: {  	v1 =	vshll.u32 v0, $0x1  }
0x86: {  	v0 =	vand.u32 $0x7, v0;
	v1 =	vand.u32 $0xFFFFFFF0, v1  }
0x87: {  	v0 =	vor.u32 v0, v1  }
0x88: {  	v1 =	vperm.xlane v0, v7;
	_ =	sdelay $0x1  }
0x89: {  	v0 =	vperm.xlane v0, v3;
	v1 =	vadd.s32 v2, v1;
	_ =	sdelay $0x1  }
0x8a: {  	v0 =	vadd.s32 v2, v0;
	_ =	sdelay $0x2  }
0x8b: {  	[tilespmem:s25], [sflag:$0x2] =	stream.indirect_vreg.gather [hbm4b:s1+s4], $0x80, v1, vm0, $0xb8;
	[tilespmem:$0x9880] =	vst v63  }
0x8c: {  	_ = 	snop  }
0x8d: {  	[tilespmem:s26], [sflag:$0x2] =	stream.indirect_vreg.gather [hbm4b:s1+s4], $0x80, v0, vm0, $0xb8;
	[tilespmem:$0x9880] =	vst v63  }
0x8e: {  	v0 =	vld [tilespmem:$0x82B0];
	_ =	sdelay $0x4  }
0x8f: {  	v1 =	vshll.u32 v0, $0x1  }
0x90: {  	v0 =	vand.u32 $0x7, v0;
	v1 =	vand.u32 $0xFFFFFFF0, v1  }
0x91: {  	v0 =	vor.u32 v0, v1  }
0x92: {  	v1 =	vperm.xlane v0, v7;
	_ =	sdelay $0x1  }
0x93: {  	v0 =	vperm.xlane v0, v3;
	v1 =	vadd.s32 v2, v1;
	_ =	sdelay $0x1  }
0x94: {  	v0 =	vadd.s32 v2, v0;
	_ =	sdelay $0x1  }
0x95: {  	s18 =	simm.s32 $0x6;
	s20 =	simm.s32 $0x2  }
0x96: {  	[tilespmem:s28], [sflag:$0x2] =	stream.indirect_vreg.gather [hbm4b:s1+s4], $0x80, v1, vm0, $0xb8;
	[tilespmem:$0x9880] =	vst v63  }
0x97: {  	s19 =	simm.s32 $0x7;
	v4 =	vmov s20;
	s22 =	simm.s32 $0x3;
	s23 =	simm.s32 $0x4;
	v1 =	vmov s4  }
0x98: {  	v18 =	vand.u32 $0x7A, v4;
	v19 =	vshll.u32 v4, $0x3;
	v3 =	vmov s19;
	[tilespmem:s29], [sflag:$0x2] =	stream.indirect_vreg.gather [hbm4b:s1+s4], $0x80, v0, vm0, $0xb8;
	[tilespmem:$0x9880] =	vst v63  }
0x99: {  	v5 =	vmov s22;
	v6 =	vmov s23;
	v2 =	vmov s18;
	_ =	swait.ge [sflag:s30], $0x4000  }
0x9a: {  	v16 =	vand.u32 $0x7C, v6;
	v17 =	vshll.u32 v6, $0x3;
	v11 =	vand.u32 $0x7F, v3;
	[sflag:s30] =	ssyncset.done $0x0;
	v29 =	vld [tilespmem:$0x1FF20]  }
0x9b: {  	s24 =	simm.s32 $0x5;
	v12 =	vshll.u32 v3, $0x3;
	v10 =	vand.u32 $0x7E, v2;
	v8 =	vshll.u32 v1, $0x3;
	v42 =	vld [tilespmem:$0x1FF30];
	[sflag:s30] =	ssyncadd.s32 $0xFFFFC000  }
0x9c: {  	v7 =	vand.u32 $0x78, v1;
	v0 =	vmov s24;
	s24 =	simm.s32 $0x1;
	v8 =	vand.u32 $0x400, v8;
	v15 =	vld.idx.msk [tilespmem:v1+s31+$0x0], $0xffff  }
0x9d: {  	v9 =	vmov s24;
	v13 =	vand.u32 $0x7D, v0;
	v14 =	vshll.u32 v0, $0x3;
	v33 =	vld.idx.msk [tilespmem:v3+s31+$0x0], $0xffff  }
0x9e: {  	v20 =	vand.u32 $0x79, v9;
	v21 =	vshll.u32 v9, $0x3;
	v1 =	vshll.u32 v2, $0x3;
	v35 =	vld.idx.msk [tilespmem:v2+s31+$0x0], $0xffff  }
0x9f: {  	v3 =	vor.u32 v7, v8;
	v7 =	vand.u32 $0x7B, v5;
	v8 =	vshll.u32 v5, $0x3;
	v38 =	vld.idx.msk [tilespmem:v5+s31+$0x0], $0xffff  }
0xa0: {  	v5 =	vand.u32 $0x400, v12;
	v12 =	vand.u32 $0x400, v14;
	v39 =	vld.idx.msk [tilespmem:v4+s31+$0x0], $0xffff;
	v2 =	vor.u32 v27, v3  }
0xa1: {  	v14 =	vand.u32 $0x400, v19;
	v36 =	vld.idx.msk [tilespmem:v0+s31+$0x0], $0xffff;
	v0 =	vor.u32 v28, v3;
	v4 =	vor.u32 v11, v5  }
0xa2: {  	v1 =	vand.u32 $0x400, v1;
	v5 =	vand.u32 $0x400, v8;
	v40 =	vld.idx.msk [tilespmem:v9+s31+$0x0], $0xffff;
	v9 =	vor.u32 v27, v4  }
0xa3: {  	v37 =	vld.idx.msk [tilespmem:v6+s31+$0x0], $0xffff;
	v8 =	vand.u32 $0x400, v17;
	v6 =	vor.u32 v29, v3;
	v3 =	vor.u32 v42, v3  }
0xa4: {  	v11 =	vand.u32 $0x400, v21;
	v1 =	vor.u32 v10, v1;
	v10 =	vor.u32 v29, v4  }
0xa5: {  	v12 =	vor.u32 v13, v12;
	v21 =	vor.u32 v18, v14;
	v17 =	vor.u32 v28, v4;
	v2 =	vld.idx.msk [tilespmem:v2+s13+$0x0], $0xffff  }
0xa6: {  	v19 =	vor.u32 v7, v5;
	v5 =	vor.u32 v16, v8;
	v11 =	vor.u32 v20, v11;
	v0 =	vld.idx.msk [tilespmem:v0+s13+$0x0], $0xffff  }
0xa7: {  	v18 =	vor.u32 v28, v12;
	v8 =	vor.u32 v27, v1;
	v14 =	vor.u32 v28, v1;
	v9 =	vld.idx.msk [tilespmem:v9+s13+$0x0], $0xffff  }
0xa8: {  	v16 =	vor.u32 v29, v1;
	v32 =	vor.u32 v42, v1;
	v31 =	vor.u32 v42, v4;
	v13 =	vld.idx.msk [tilespmem:v3+s13+$0x0], $0xffff  }
0xa9: {  	v4 =	vor.u32 v27, v12;
	v20 =	vor.u32 v29, v12;
	v1 =	vor.u32 v42, v12;
	v12 =	vld.idx.msk [tilespmem:v10+s13+$0x0], $0xffff  }
0xaa: {  	v43 =	vor.u32 v28, v5;
	v17 =	vld.idx.msk [tilespmem:v17+s13+$0x0], $0xffff  }
0xab: {  	v41 =	vor.u32 v27, v11;
	v7 =	vld.idx.msk [tilespmem:v6+s13+$0x0], $0xffff;
	v26 =	vmul.f32 v2, v15;
	v30 =	vmul.f32 v2, v2  }
0xac: {  	v51 =	vor.u32 v28, v11;
	v18 =	vld.idx.msk [tilespmem:v18+s13+$0x0], $0xffff;
	v10 =	vmul.f32 v0, v15;
	v6 =	vmul.f32 v0, v0  }
0xad: {  	v56 =	vor.u32 v29, v5;
	v8 =	vld.idx.msk [tilespmem:v8+s13+$0x0], $0xffff;
	v34 =	vmul.f32 v9, v33;
	v24 =	vmul.f32 v13, v15  }
0xae: {  	v22 =	vld.idx.msk [tilespmem:v16+s13+$0x0], $0xffff;
	v0 =	vor.u32 v27, v5;
	v25 =	vmul.f32 v13, v13;
	v13 =	vmul.f32 v12, v33  }
0xaf: {  	v4 =	vld.idx.msk [tilespmem:v4+s13+$0x0], $0xffff;
	v47 =	vmul.f32 v9, v9;
	v9 =	vor.u32 v27, v21;
	v12 =	vmul.f32 v12, v12  }
0xb0: {  	v2 =	vmul.f32 v7, v15;
	v3 =	vmul.f32 v7, v7;
	v7 =	vld.idx.msk [tilespmem:v14+s13+$0x0], $0xffff;
	[tilespmem:$0x1FDF0] =	vst v13  }
0xb1: {  	v50 =	vor.u32 v42, v5;
	v60 =	vor.u32 v28, v19;
	v15 =	vor.u32 v27, v19;
	[tilespmem:$0x1FE00] =	vst v12  }
0xb2: {  	v63 =	vor.u32 v29, v19;
	v48 =	vmul.f32 v17, v33;
	v49 =	vmul.f32 v17, v17;
	v44 =	vld.idx.msk [tilespmem:v20+s13+$0x0], $0xffff  }
0xb3: {  	v12 =	vmul.f32 v8, v35;
	v13 =	vmul.f32 v8, v8;
	v8 =	vor.u32 v28, v21;
	v0 =	vld.idx.msk [tilespmem:v0+s13+$0x0], $0xffff  }
0xb4: {  	v53 =	vor.u32 v42, v19;
	v23 =	vmul.f32 v22, v35;
	v46 =	vmul.f32 v22, v22;
	v57 =	vld.idx.msk [tilespmem:v51+s13+$0x0], $0xffff  }
0xb5: {  	v58 =	vor.u32 v42, v21;
	v17 =	vmul.f32 v4, v4;
	v20 =	vmul.f32 v18, v36;
	v9 =	vld.idx.msk [tilespmem:v9+s13+$0x0], $0xffff  }
0xb6: {  	v19 =	vor.u32 v29, v11;
	v18 =	vmul.f32 v18, v18;
	v14 =	vmul.f32 v7, v35;
	v45 =	vld.idx.msk [tilespmem:v15+s13+$0x0], $0xffff  }
0xb7: {  	v11 =	vor.u32 v42, v11;
	v16 =	vmul.f32 v7, v7;
	v15 =	vmul.f32 v4, v36;
	v4 =	vld.idx.msk [tilespmem:v41+s13+$0x0], $0xffff  }
0xb8: {  	v59 =	vld.idx.msk [tilespmem:v8+s13+$0x0], $0xffff;
	v8 =	vimm.f32 $0.0e+00;
	v7 =	vmul.f32 v44, v36;
	v5 =	vmul.f32 v44, v44  }
0xb9: {  	v51 =	vmul.f32 v0, v37;
	v52 =	vmul.f32 v0, v0;
	v0 =	vor.u32 v29, v21  }
0xba: {  	v42 =	vadd.f32 v26, v8;
	v44 =	vimm.f32 $0.0e+00;
	v41 =	vadd.f32 v30, v8  }
0xbb: {  	v30 =	vmul.f32 v57, v40;
	v8 =	vimm.f32 $0.0e+00;
	v61 =	vmul.f32 v9, v39  }
0xbc: {  	v62 =	vmul.f32 v9, v9;
	v9 =	vimm.f32 $0.0e+00;
	v54 =	vmul.f32 v45, v38  }
0xbd: {  	v60 =	vld.idx.msk [tilespmem:v60+s13+$0x0], $0xffff;
	v21 =	vimm.f32 $0.0e+00;
	v55 =	vmul.f32 v45, v45;
	v22 =	vmul.f32 v4, v40;
	[tilespmem:$0x1FE10] =	vst v9  }
0xbe: {  	s17 =	simm.s32 $0x8;
	v4 =	vmul.f32 v4, v4;
	v45 =	vimm.f32 $0.0e+00;
	v9 =	vld.idx.msk [tilespmem:v43+s13+$0x0], $0xffff;
	v43 =	vimm.f32 $0.0e+00;
	[tilespmem:$0x1FE20] =	vst v21  }
.LBB2_2:
0xbf: {  	_ = 	snop  }
0xc0: {  	v6 =	vadd.f32 v6, v8;
	v8 =	vmul.f32 v57, v57;
	v22 =	vadd.f32 v22, v42  }
0xc1: {  	v10 =	vadd.f32 v10, v44;
	v26 =	vmul.f32 v59, v39  }
0xc2: {  	v6 =	vadd.f32 v8, v6;
	v8 =	vmul.f32 v59, v59;
	v22 =	vadd.f32 v61, v22  }
0xc3: {  	v4 =	vadd.f32 v4, v41;
	v10 =	vadd.f32 v30, v10;
	v30 =	vmul.f32 v60, v38  }
0xc4: {  	v6 =	vadd.f32 v8, v6;
	v8 =	vmul.f32 v60, v60;
	v22 =	vadd.f32 v54, v22  }
0xc5: {  	v4 =	vadd.f32 v62, v4;
	v10 =	vadd.f32 v26, v10;
	v26 =	vmul.f32 v9, v37  }
0xc6: {  	v6 =	vadd.f32 v8, v6;
	v8 =	vmul.f32 v9, v9;
	v9 =	vadd.f32 v51, v22  }
0xc7: {  	v4 =	vadd.f32 v55, v4;
	v10 =	vadd.f32 v30, v10  }
0xc8: {  	v6 =	vadd.f32 v8, v6;
	v8 =	vadd.f32 v15, v9  }
0xc9: {  	v63 =	vld.idx.msk [tilespmem:v63+s13+$0x0], $0xffff;
	v4 =	vadd.f32 v52, v4;
	v10 =	vadd.f32 v26, v10  }
0xca: {  	v0 =	vld.idx.msk [tilespmem:v0+s13+$0x0], $0xffff;
	v6 =	vadd.f32 v18, v6;
	v8 =	vadd.f32 v12, v8  }
0xcb: {  	v19 =	vld.idx.msk [tilespmem:v19+s13+$0x0], $0xffff;
	v4 =	vadd.f32 v17, v4;
	v9 =	vadd.f32 v20, v10  }
0xcc: {  	v11 =	vld.idx.msk [tilespmem:v11+s13+$0x0], $0xffff;
	v6 =	vadd.f32 v16, v6;
	v8 =	vadd.f32 v34, v8  }
0xcd: {  	v4 =	vadd.f32 v13, v4;
	v12 =	vadd.f32 v14, v9;
	v9 =	vld [tilespmem:$0x1FE20]  }
0xce: {  	[tilespmem:$0x1FDD0] =	vst v8;
	v8 =	vadd.f32 v49, v6;
	v6 =	vld [tilespmem:$0x1FE10]  }
0xcf: {  	v4 =	vadd.f32 v47, v4  }
0xd0: {  	v15 =	vmul.f32 v63, v63;
	v17 =	vld.idx.msk [tilespmem:v58+s13+$0x0], $0xffff  }
0xd1: {  	v3 =	vadd.f32 v3, v43;
	v10 =	vmul.f32 v0, v39;
	[tilespmem:$0x1FDE0] =	vst v4;
	v4 =	vmul.f32 v19, v19  }
0xd2: {  	v0 =	vmul.f32 v0, v0;
	v18 =	vadd.f32 v25, v45;
	v14 =	vld.idx.msk [tilespmem:v53+s13+$0x0], $0xffff;
	v16 =	vadd.f32 v24, v9  }
0xd3: {  	v57 =	vld.idx.msk [tilespmem:v56+s13+$0x0], $0xffff;
	v3 =	vadd.f32 v4, v3;
	v2 =	vadd.f32 v2, v6;
	v6 =	vmul.f32 v11, v40  }
0xd4: {  	v13 =	vmul.f32 v19, v40;
	v44 =	vadd.f32 v48, v12;
	v12 =	vld.idx.msk [tilespmem:v50+s13+$0x0], $0xffff;
	v11 =	vmul.f32 v11, v11  }
0xd5: {  	v4 =	vmul.f32 v17, v39;
	v0 =	vadd.f32 v0, v3;
	v6 =	vadd.f32 v6, v16  }
0xd6: {  	v1 =	vld.idx.msk [tilespmem:v1+s13+$0x0], $0xffff;
	v2 =	vadd.f32 v13, v2;
	v11 =	vadd.f32 v11, v18;
	v13 =	vmul.f32 v17, v17  }
0xd7: {  	v3 =	vmul.f32 v14, v38;
	v0 =	vadd.f32 v15, v0;
	v4 =	vadd.f32 v4, v6  }
0xd8: {  	v26 =	vmul.f32 v57, v57;
	v2 =	vadd.f32 v10, v2;
	v10 =	vld.idx.msk [tilespmem:v32+s13+$0x0], $0xffff;
	v6 =	vadd.f32 v13, v11  }
0xd9: {  	v11 =	vmul.f32 v14, v14;
	v13 =	vmul.f32 v12, v37;
	v3 =	vadd.f32 v3, v4  }
0xda: {  	v30 =	vmul.f32 v63, v38;
	v0 =	vadd.f32 v26, v0  }
0xdb: {  	v4 =	vadd.f32 v11, v6;
	v11 =	vmul.f32 v1, v36;
	v3 =	vadd.f32 v13, v3  }
0xdc: {  	v22 =	vmul.f32 v57, v37;
	v2 =	vadd.f32 v30, v2  }
0xdd: {  	v0 =	vadd.f32 v5, v0;
	v5 =	vmul.f32 v10, v35;
	v3 =	vadd.f32 v11, v3  }
0xde: {  	v2 =	vadd.f32 v22, v2  }
0xdf: {  	v3 =	vadd.f32 v5, v3;
	v5 =	vld [tilespmem:$0x1FDF0]  }
0xe0: {  	v2 =	vadd.f32 v7, v2  }
0xe1: {  	v6 =	vmul.f32 v12, v12  }
0xe2: {  	v14 =	vld.idx.msk [tilespmem:v31+s13+$0x0], $0xffff;
	v2 =	vadd.f32 v23, v2  }
0xe3: {  	v1 =	vmul.f32 v1, v1;
	v4 =	vadd.f32 v6, v4  }
0xe4: {  	v2 =	vadd.f32 v5, v2  }
0xe5: {  	v1 =	vadd.f32 v1, v4;
	v4 =	vmul.f32 v10, v10  }
0xe6: {  	[tilespmem:$0x1FE10] =	vst v2;
	v2 =	vld [tilespmem:$0x1FE00]  }
0xe7: {  	v1 =	vadd.f32 v4, v1;
	v4 =	vmul.f32 v14, v14  }
0xe8: {  	s18 =	sadd.s32 $0x5, s17;
	v0 =	vadd.f32 v46, v0  }
0xe9: {  	s22 =	sadd.s32 $0x2, s17;
	v6 =	vmul.f32 v14, v33;
	v45 =	vadd.f32 v4, v1;
	v1 =	vmov s18  }
0xea: {  	s20 =	sadd.s32 $0x7, s17;
	v4 =	vmov s22  }
0xeb: {  	s23 =	sadd.s32 $0x3, s17;
	v42 =	vadd.f32 v2, v0;
	v2 =	vadd.f32 v6, v3;
	v3 =	vmov s20  }
0xec: {  	s24 =	sadd.s32 $0x4, s17;
	v15 =	vand.u32 $0x7D, v1;
	v16 =	vshll.u32 v1, $0x3;
	v5 =	vmov s23  }
0xed: {  	s19 =	sadd.s32 $0x6, s17;
	v43 =	vld [tilespmem:$0x1FF30];
	v20 =	vand.u32 $0x7A, v4;
	v0 =	vmov s17;
	v6 =	vmov s24  }
0xee: {  	v22 =	vshll.u32 v4, $0x3;
	v36 =	vld.idx.msk [tilespmem:v1+s31+$0x0], $0xffff;
	s20 =	sadd.s32 $0x1, s17;
	v10 =	vshll.u32 v0, $0x3;
	[tilespmem:$0x1FE20] =	vst v2;
	v2 =	vmov s19  }
0xef: {  	v39 =	vld.idx.msk [tilespmem:v4+s31+$0x0], $0xffff;
	v7 =	vand.u32 $0x78, v0;
	v11 =	vmov s20;
	v10 =	vand.u32 $0x400, v10  }
0xf0: {  	v13 =	vand.u32 $0x7F, v3;
	v14 =	vshll.u32 v3, $0x3;
	v33 =	vld.idx.msk [tilespmem:v3+s31+$0x0], $0xffff;
	v3 =	vor.u32 v7, v10  }
0xf1: {  	v4 =	vand.u32 $0x400, v16;
	v38 =	vld.idx.msk [tilespmem:v5+s31+$0x0], $0xffff;
	v18 =	vand.u32 $0x7C, v6;
	v1 =	vor.u32 v28, v3  }
0xf2: {  	v19 =	vshll.u32 v6, $0x3;
	v23 =	vand.u32 $0x79, v11;
	v37 =	vld.idx.msk [tilespmem:v6+s31+$0x0], $0xffff;
	v6 =	vor.u32 v29, v3  }
0xf3: {  	v12 =	vand.u32 $0x7E, v2;
	v17 =	vshll.u32 v2, $0x3;
	v35 =	vld.idx.msk [tilespmem:v2+s31+$0x0], $0xffff;
	v2 =	vor.u32 v27, v3  }
0xf4: {  	v24 =	vshll.u32 v11, $0x3;
	v14 =	vand.u32 $0x400, v14;
	v0 =	vld.idx.msk [tilespmem:v0+s31+$0x0], $0xffff;
	v3 =	vor.u32 v43, v3  }
0xf5: {  	v13 =	vor.u32 v13, v14;
	v7 =	vand.u32 $0x7B, v5;
	v10 =	vshll.u32 v5, $0x3;
	v40 =	vld.idx.msk [tilespmem:v11+s31+$0x0], $0xffff  }
0xf6: {  	v5 =	vand.u32 $0x400, v17;
	v17 =	vand.u32 $0x400, v22;
	v11 =	vand.u32 $0x400, v19;
	v22 =	vld.idx.msk [tilespmem:v1+s13+$0x0], $0xffff  }
0xf7: {  	v19 =	vor.u32 v28, v13;
	v1 =	vor.u32 v15, v4;
	v4 =	vor.u32 v12, v5;
	v12 =	vld.idx.msk [tilespmem:v6+s13+$0x0], $0xffff  }
0xf8: {  	v14 =	vor.u32 v27, v13;
	v30 =	vor.u32 v20, v17;
	v2 =	vld.idx.msk [tilespmem:v2+s13+$0x0], $0xffff  }
0xf9: {  	v16 =	vand.u32 $0x400, v24;
	v11 =	vor.u32 v18, v11;
	v55 =	vor.u32 v28, v30;
	v18 =	vld.idx.msk [tilespmem:v3+s13+$0x0], $0xffff  }
0xfa: {  	v26 =	vor.u32 v23, v16;
	v10 =	vand.u32 $0x400, v10;
	v5 =	vor.u32 v29, v13  }
0xfb: {  	v7 =	vor.u32 v7, v10;
	v15 =	vor.u32 v27, v4;
	v16 =	vor.u32 v28, v4  }
0xfc: {  	v19 =	vld.idx.msk [tilespmem:v19+s13+$0x0], $0xffff;
	v17 =	vor.u32 v29, v4;
	v32 =	vor.u32 v43, v4;
	v10 =	vmul.f32 v22, v0  }
0xfd: {  	v4 =	vld.idx.msk [tilespmem:v14+s13+$0x0], $0xffff;
	v20 =	vor.u32 v29, v1;
	v41 =	vmul.f32 v2, v0;
	v9 =	vmul.f32 v2, v2  }
0xfe: {  	v59 =	vld.idx.msk [tilespmem:v55+s13+$0x0], $0xffff;
	v2 =	vmul.f32 v12, v0;
	v24 =	vmul.f32 v18, v0;
	v0 =	vor.u32 v27, v7  }
0xff: {  	v5 =	vld.idx.msk [tilespmem:v5+s13+$0x0], $0xffff  }
0x100: {  	v31 =	vor.u32 v43, v13;
	v21 =	vor.u32 v28, v11;
	v13 =	vor.u32 v27, v1;
	v15 =	vld.idx.msk [tilespmem:v15+s13+$0x0], $0xffff  }
0x101: {  	v56 =	vor.u32 v29, v11;
	v50 =	vor.u32 v43, v11;
	v14 =	vor.u32 v28, v1;
	v16 =	vld.idx.msk [tilespmem:v16+s13+$0x0], $0xffff  }
0x102: {  	v48 =	vmul.f32 v19, v33;
	v49 =	vmul.f32 v19, v19;
	v19 =	vor.u32 v28, v26;
	v54 =	vld.idx.msk [tilespmem:v20+s13+$0x0], $0xffff  }
0x103: {  	v6 =	vmul.f32 v22, v22;
	v22 =	vor.u32 v27, v11;
	v11 =	vor.u32 v28, v7;
	v60 =	vld.idx.msk [tilespmem:v0+s13+$0x0], $0xffff  }
0x104: {  	v63 =	vor.u32 v29, v7;
	v3 =	vmul.f32 v12, v12;
	v25 =	vmul.f32 v18, v18;
	v17 =	vld.idx.msk [tilespmem:v17+s13+$0x0], $0xffff  }
0x105: {  	v53 =	vor.u32 v43, v7;
	v51 =	vld.idx.msk [tilespmem:v13+s13+$0x0], $0xffff;
	v12 =	vmul.f32 v5, v33;
	v5 =	vmul.f32 v5, v5  }
0x106: {  	v18 =	vor.u32 v27, v30;
	v34 =	vmul.f32 v4, v33;
	v47 =	vmul.f32 v4, v4;
	v52 =	vld.idx.msk [tilespmem:v14+s13+$0x0], $0xffff  }
0x107: {  	v57 =	vld.idx.msk [tilespmem:v19+s13+$0x0], $0xffff;
	v7 =	vmul.f32 v54, v36;
	[tilespmem:$0x1FE00] =	vst v5;
	v5 =	vmul.f32 v54, v54  }
0x108: {  	v4 =	vor.u32 v27, v26;
	v54 =	vmul.f32 v60, v38;
	v55 =	vmul.f32 v60, v60;
	v60 =	vld.idx.msk [tilespmem:v11+s13+$0x0], $0xffff  }
0x109: {  	v19 =	vor.u32 v29, v26;
	v11 =	vor.u32 v43, v26;
	v26 =	vld [tilespmem:$0x1FDD0];
	_ =	sdelay $0x1  }
0x10a: {  	v22 =	vld.idx.msk [tilespmem:v22+s13+$0x0], $0xffff;
	v13 =	vmul.f32 v15, v15  }
0x10b: {  	v58 =	vor.u32 v43, v30;
	v14 =	vmul.f32 v16, v35;
	v16 =	vmul.f32 v16, v16;
	v62 =	vld.idx.msk [tilespmem:v18+s13+$0x0], $0xffff  }
0x10c: {  	v1 =	vor.u32 v43, v1;
	v23 =	vmul.f32 v17, v35;
	v46 =	vmul.f32 v17, v17;
	v4 =	vld.idx.msk [tilespmem:v4+s13+$0x0], $0xffff  }
0x10d: {  	p0 =	slt.u32 s17, $0xF8;
	v17 =	vmul.f32 v51, v51;
	v20 =	vmul.f32 v52, v36;
	v43 =	vmovc v42;
	v42 =	vadd.f32 v41, v26;
	v26 =	vld [tilespmem:$0x1FDE0]  }
.Ltmp0:
0x10e: {  	v18 =	vmul.f32 v52, v52;
	[tilespmem:$0x1FDF0] =	vst v12;
	v12 =	vmul.f32 v15, v35;
	(pc) =	sbr.rel @p0 .LBB2_2-.Ltmp0, $4  }
0x10f: {  	v15 =	vmul.f32 v51, v36;
	v51 =	vmul.f32 v22, v37  }
0x110: {  	v0 =	vor.u32 v29, v30;
	v52 =	vmul.f32 v22, v22;
	v30 =	vmul.f32 v57, v40  }
0x111: {  	v61 =	vmul.f32 v62, v39;
	v62 =	vmul.f32 v62, v62  }
0x112: {  	s17 =	sadd.s32 $0x8, s17;
	v22 =	vmul.f32 v4, v40;
	v4 =	vmul.f32 v4, v4;
	v41 =	vadd.f32 v9, v26;
	v9 =	vld.idx.msk [tilespmem:v21+s13+$0x0], $0xffff  }
0x113: {  	_ =	sdelay $0x3  }
0x114: {  	v0 =	vld.idx.msk [tilespmem:v0+s13+$0x0], $0xffff;
	_ =	sdelay $0x3  }
0x115: {  	v21 =	vld.idx.msk [tilespmem:v56+s13+$0x0], $0xffff  }
0x116: {  	v56 =	vld.idx.msk [tilespmem:v63+s13+$0x0], $0xffff;
	[tilespmem:$0x1FCD0] =	vst v0  }
0x117: {  	v0 =	vld.idx.msk [tilespmem:v19+s13+$0x0], $0xffff;
	_ =	sdelay $0x4  }
0x118: {  	[tilespmem:$0x1FCE0] =	vst v0  }
0x119: {  	v0 =	vld.idx.msk [tilespmem:v1+s13+$0x0], $0xffff;
	_ =	sdelay $0x1  }
0x11a: {  	v11 =	vld.idx.msk [tilespmem:v11+s13+$0x0], $0xffff  }
0x11b: {  	v58 =	vld.idx.msk [tilespmem:v58+s13+$0x0], $0xffff  }
0x11c: {  	v53 =	vld.idx.msk [tilespmem:v53+s13+$0x0], $0xffff  }
0x11d: {  	v50 =	vld.idx.msk [tilespmem:v50+s13+$0x0], $0xffff;
	[tilespmem:$0x1FD30] =	vst v0  }
0x11e: {  	v19 =	vld.idx.msk [tilespmem:v31+s13+$0x0], $0xffff  }
0x11f: {  	v26 =	vmov v28;
	v28 =	vld [tilespmem:$0x1FE60]  }
0x120: {  	v1 =	vld [tilespmem:$0x1FF70]  }
0x121: {  	v0 =	vmov v27;
	v27 =	vld [tilespmem:$0x1FF00]  }
0x122: {  	v32 =	vld.idx.msk [tilespmem:v32+s13+$0x0], $0xffff  }
0x123: {  	[tilespmem:$0x1FD40] =	vst v19;
	v19 =	vld [tilespmem:$0x1FED0];
	_ =	sdelay $0x2  }
0x124: {  	v63 =	vperm.xlane v28, v1;
	_ =	sdelay $0x1  }
0x125: {  	v31 =	vadd.s32 v27, v63;
	v63 =	vperm.xlane v28, v19;
	v28 =	vld [tilespmem:$0x1FFD0];
	_ =	sdelay $0x4  }
0x126: {  	[tilespmem:$0x8200] =	vst v28;
	v28 =	vld [tilespmem:$0x1FE30];
	_ =	sdelay $0x4  }
0x127: {  	[tilespmem:$0x8210] =	vst v28;
	v28 =	vld [tilespmem:$0x1FE40];
	_ =	sdelay $0x4  }
0x128: {  	[tilespmem:$0x8220] =	vst v28;
	v28 =	vld [tilespmem:$0x1FE50];
	_ =	sdelay $0x2  }
0x129: {  	v63 =	vadd.s32 v27, v63;
	_ =	sdelay $0x1  }
0x12a: {  	s17 =	simm.s32 $0x0;
	[tilespmem:$0x8230] =	vst v28  }
0x12b: {  	[tilespmem:s13], [sflag:$0x1] =	stream.indirect_vreg.gather [hbm4b:s1+s17], $0x80, v31, vm0, $0xb8;
	[tilespmem:$0x9880] =	vst v63  }
0x12c: {  	s18 =	simm.s32 $0xA00  }
0x12d: {  	[tilespmem:s18], [sflag:$0x1] =	stream.indirect_vreg.gather [hbm4b:s1+s17], $0x80, v63, vm0, $0xb8;
	[tilespmem:$0x9880] =	vst v63  }
0x12e: {  	v31 =	vld [tilespmem:$0x8210];
	_ =	sdelay $0x4  }
0x12f: {  	v63 =	vshll.u32 v31, $0x1  }
0x130: {  	v31 =	vand.u32 $0x7, v31;
	v63 =	vand.u32 $0xFFFFFFF0, v63  }
0x131: {  	v31 =	vor.u32 v31, v63  }
0x132: {  	v63 =	vperm.xlane v31, v1;
	_ =	sdelay $0x1  }
0x133: {  	v31 =	vperm.xlane v31, v19;
	v63 =	vadd.s32 v27, v63;
	_ =	sdelay $0x1  }
0x134: {  	v31 =	vadd.s32 v27, v31  }
0x135: {  	v6 =	vadd.f32 v6, v8;
	v8 =	vmul.f32 v57, v57  }
0x136: {  	s22 =	simm.s32 $0x1200;
	v10 =	vadd.f32 v10, v44;
	v22 =	vadd.f32 v22, v42  }
0x137: {  	v6 =	vadd.f32 v8, v6;
	v8 =	vmul.f32 v59, v59;
	[tilespmem:s22], [sflag:$0x1] =	stream.indirect_vreg.gather [hbm4b:s1+s17], $0x80, v63, vm0, $0xb8;
	[tilespmem:$0x9880] =	vst v63  }
0x138: {  	s23 =	simm.s32 $0x1A00;
	v57 =	vmul.f32 v59, v39;
	v4 =	vadd.f32 v4, v41;
	v10 =	vadd.f32 v30, v10  }
0x139: {  	v6 =	vadd.f32 v8, v6;
	v8 =	vmul.f32 v60, v60;
	[tilespmem:s23], [sflag:$0x1] =	stream.indirect_vreg.gather [hbm4b:s1+s17], $0x80, v31, vm0, $0xb8;
	[tilespmem:$0x9880] =	vst v63  }
0x13a: {  	v30 =	vmul.f32 v60, v38;
	v22 =	vadd.f32 v61, v22;
	v4 =	vadd.f32 v62, v4;
	v31 =	vld [tilespmem:$0x8220]  }
0x13b: {  	v10 =	vadd.f32 v57, v10;
	v6 =	vadd.f32 v8, v6;
	v8 =	vmul.f32 v9, v9  }
0x13c: {  	v22 =	vadd.f32 v54, v22;
	v4 =	vadd.f32 v55, v4  }
0x13d: {  	v61 =	vmul.f32 v9, v37;
	v10 =	vadd.f32 v30, v10;
	v6 =	vadd.f32 v8, v6  }
0x13e: {  	v22 =	vadd.f32 v51, v22;
	v4 =	vadd.f32 v52, v4  }
0x13f: {  	v10 =	vadd.f32 v61, v10;
	v6 =	vadd.f32 v18, v6;
	v62 =	vshll.u32 v31, $0x1  }
0x140: {  	v15 =	vadd.f32 v15, v22;
	v30 =	vand.u32 $0x7, v31;
	v31 =	vand.u32 $0xFFFFFFF0, v62  }
0x141: {  	v10 =	vadd.f32 v20, v10;
	v6 =	vadd.f32 v16, v6;
	v9 =	vor.u32 v30, v31  }
0x142: {  	v4 =	vadd.f32 v17, v4;
	v12 =	vadd.f32 v12, v15;
	v30 =	vperm.xlane v9, v1  }
0x143: {  	v8 =	vmul.f32 v21, v21;
	v10 =	vadd.f32 v14, v10;
	v6 =	vadd.f32 v49, v6  }
0x144: {  	v31 =	vmul.f32 v21, v37;
	v9 =	vperm.xlane v9, v19;
	v21 =	vadd.s32 v27, v30  }
0x145: {  	v14 =	vld [tilespmem:$0x1FCE0];
	v10 =	vadd.f32 v48, v10  }
0x146: {  	v4 =	vadd.f32 v13, v4;
	v12 =	vadd.f32 v34, v12;
	[tilespmem:$0x1FD20] =	vst v6;
	v6 =	vld [tilespmem:$0x1FE10];
	v9 =	vadd.s32 v27, v9  }
0x147: {  	[tilespmem:$0x1FD10] =	vst v10;
	v10 =	vld [tilespmem:$0x1FE20]  }
0x148: {  	s24 =	simm.s32 $0x2200;
	v4 =	vadd.f32 v47, v4;
	[tilespmem:$0x1FCF0] =	vst v12  }
0x149: {  	[tilespmem:s24], [sflag:$0x1] =	stream.indirect_vreg.gather [hbm4b:s1+s17], $0x80, v21, vm0, $0xb8;
	[tilespmem:$0x9880] =	vst v63  }
0x14a: {  	s19 =	simm.s32 $0x2A00;
	v3 =	vadd.f32 v3, v43;
	[tilespmem:$0x1FD00] =	vst v4;
	v4 =	vmul.f32 v14, v14;
	v28 =	vmov v0;
	v0 =	vld [tilespmem:$0x1FCD0]  }
0x14b: {  	v12 =	vadd.f32 v25, v45;
	v2 =	vadd.f32 v2, v6;
	[tilespmem:s19], [sflag:$0x1] =	stream.indirect_vreg.gather [hbm4b:s1+s17], $0x80, v9, vm0, $0xb8;
	[tilespmem:$0x9880] =	vst v63  }
0x14c: {  	v6 =	vmul.f32 v11, v40;
	v10 =	vadd.f32 v24, v10;
	v11 =	vmul.f32 v11, v11;
	v9 =	vld [tilespmem:$0x8230]  }
0x14d: {  	v3 =	vadd.f32 v4, v3;
	v4 =	vmul.f32 v58, v39  }
0x14e: {  	v6 =	vadd.f32 v6, v10;
	v10 =	vadd.f32 v11, v12;
	v11 =	vmul.f32 v58, v58  }
0x14f: {  	v18 =	vmul.f32 v0, v39;
	v0 =	vmul.f32 v0, v0  }
0x150: {  	v4 =	vadd.f32 v4, v6  }
0x151: {  	v6 =	vadd.f32 v11, v10;
	v0 =	vadd.f32 v0, v3;
	v10 =	vshll.u32 v9, $0x1  }
0x152: {  	v3 =	vmul.f32 v53, v38;
	v9 =	vand.u32 $0x7, v9;
	v10 =	vand.u32 $0xFFFFFFF0, v10  }
0x153: {  	v17 =	vmul.f32 v56, v56;
	v9 =	vor.u32 v9, v10  }
0x154: {  	v13 =	vmul.f32 v14, v40;
	v3 =	vadd.f32 v3, v4;
	v4 =	vperm.xlane v9, v1;
	v1 =	vld [tilespmem:$0x1FD30];
	_ =	sdelay $0x1  }
0x155: {  	v2 =	vadd.f32 v13, v2;
	v0 =	vadd.f32 v17, v0  }
0x156: {  	v10 =	vmul.f32 v50, v37  }
0x157: {  	v2 =	vadd.f32 v18, v2;
	v0 =	vadd.f32 v8, v0;
	v30 =	vmul.f32 v56, v38  }
0x158: {  	v8 =	vperm.xlane v9, v19;
	v3 =	vadd.f32 v10, v3;
	v9 =	vmul.f32 v1, v36  }
0x159: {  	v2 =	vadd.f32 v30, v2  }
0x15a: {  	v0 =	vadd.f32 v5, v0;
	v5 =	vmul.f32 v32, v35;
	v3 =	vadd.f32 v9, v3  }
0x15b: {  	v2 =	vadd.f32 v31, v2  }
0x15c: {  	v3 =	vadd.f32 v5, v3;
	v5 =	vld [tilespmem:$0x1FDF0]  }
0x15d: {  	v2 =	vadd.f32 v7, v2;
	_ =	sdelay $0x1  }
0x15e: {  	v2 =	vadd.f32 v23, v2;
	_ =	sdelay $0x1  }
0x15f: {  	v2 =	vadd.f32 v5, v2  }
0x160: {  	v11 =	vmul.f32 v53, v53;
	v10 =	vmul.f32 v1, v1;
	v1 =	vld [tilespmem:$0x1FD40]  }
0x161: {  	[tilespmem:$0x1FD50] =	vst v2;
	v2 =	vld [tilespmem:$0x1FE00]  }
0x162: {  	v6 =	vadd.f32 v11, v6;
	v11 =	vmul.f32 v50, v50;
	v4 =	vadd.s32 v27, v4;
	_ =	sdelay $0x1  }
0x163: {  	v6 =	vadd.f32 v11, v6;
	v0 =	vadd.f32 v46, v0;
	v7 =	vadd.s32 v27, v8  }
0x164: {  	v8 =	vmul.f32 v32, v32  }
0x165: {  	s20 =	simm.s32 $0x3200;
	v6 =	vadd.f32 v10, v6;
	v9 =	vmul.f32 v1, v33;
	v0 =	vadd.f32 v2, v0  }
0x166: {  	[tilespmem:s20], [sflag:$0x1] =	stream.indirect_vreg.gather [hbm4b:s1+s17], $0x80, v4, vm0, $0xb8;
	[tilespmem:$0x9880] =	vst v63  }
0x167: {  	s22 =	simm.s32 $0x3A00;
	s19 =	simm.s32 $0x6;
	v4 =	vadd.f32 v8, v6;
	v1 =	vmul.f32 v1, v1;
	[tilespmem:$0x1FD60] =	vst v0;
	v0 =	vadd.f32 v9, v3  }
0x168: {  	[tilespmem:s22], [sflag:$0x1] =	stream.indirect_vreg.gather [hbm4b:s1+s17], $0x80, v7, vm0, $0xb8;
	[tilespmem:$0x9880] =	vst v63  }
0x169: {  	s24 =	simm.s32 $0x7;
	v2 =	vmov s19;
	[tilespmem:$0x1FD70] =	vst v0;
	v0 =	vadd.f32 v1, v4  }
0x16a: {  	s22 =	simm.s32 $0x3;
	v15 =	vshll.u32 v2, $0x3;
	v3 =	vmov s24  }
0x16b: {  	s23 =	simm.s32 $0x5;
	v5 =	vmov s22;
	v10 =	vand.u32 $0x7E, v2;
	s24 =	simm.s32 $0x1;
	v15 =	vand.u32 $0x400, v15;
	[tilespmem:$0x1FD80] =	vst v0  }
0x16c: {  	v9 =	vmov s24;
	v11 =	vand.u32 $0x7F, v3;
	v1 =	vmov s23;
	s23 =	simm.s32 $0x4;
	_ =	swait.ge [sflag:s3], $0x4000  }
0x16d: {  	s20 =	simm.s32 $0x2;
	v12 =	vshll.u32 v3, $0x3;
	v10 =	vor.u32 v10, v15;
	v6 =	vmov s23;
	[sflag:s3] =	ssyncset.done $0x0  }
0x16e: {  	v4 =	vmov s20;
	v20 =	vand.u32 $0x79, v9;
	v0 =	vmov s17;
	v27 =	vld [tilespmem:$0x1FF30];
	[sflag:s3] =	ssyncadd.s32 $0xFFFFC000  }
0x16f: {  	v21 =	vshll.u32 v9, $0x3;
	v13 =	vand.u32 $0x7D, v1;
	v8 =	vshll.u32 v0, $0x3;
	v41 =	vld.idx.msk [tilespmem:v3+s31+$0x0], $0xffff  }
0x170: {  	v14 =	vshll.u32 v1, $0x3;
	v7 =	vand.u32 $0x78, v0;
	v8 =	vand.u32 $0x400, v8;
	v43 =	vld.idx.msk [tilespmem:v2+s31+$0x0], $0xffff  }
0x171: {  	v18 =	vand.u32 $0x7A, v4;
	v19 =	vshll.u32 v4, $0x3;
	v3 =	vor.u32 v7, v8;
	v44 =	vld.idx.msk [tilespmem:v1+s31+$0x0], $0xffff  }
0x172: {  	v16 =	vand.u32 $0x7C, v6;
	v7 =	vand.u32 $0x7B, v5;
	v45 =	vld.idx.msk [tilespmem:v6+s31+$0x0], $0xffff;
	v2 =	vor.u32 v28, v3  }
0x173: {  	v8 =	vshll.u32 v5, $0x3;
	v46 =	vld.idx.msk [tilespmem:v5+s31+$0x0], $0xffff;
	v5 =	vand.u32 $0x400, v12;
	v1 =	vor.u32 v26, v3  }
0x174: {  	v17 =	vshll.u32 v6, $0x3;
	v47 =	vld.idx.msk [tilespmem:v4+s31+$0x0], $0xffff;
	v6 =	vor.u32 v29, v3;
	v4 =	vor.u32 v11, v5  }
0x175: {  	v12 =	vand.u32 $0x400, v14;
	v48 =	vld.idx.msk [tilespmem:v9+s31+$0x0], $0xffff;
	v14 =	vand.u32 $0x400, v19;
	v9 =	vor.u32 v28, v4  }
0x176: {  	v0 =	vld.idx.msk [tilespmem:v0+s31+$0x0], $0xffff;
	v5 =	vand.u32 $0x400, v8;
	v8 =	vand.u32 $0x400, v17;
	v17 =	vor.u32 v26, v4  }
0x177: {  	v11 =	vand.u32 $0x400, v21;
	v12 =	vor.u32 v13, v12;
	v15 =	vor.u32 v29, v4;
	v2 =	vld.idx.msk [tilespmem:v2+s21+$0x0], $0xffff  }
0x178: {  	v19 =	vor.u32 v7, v5;
	v5 =	vor.u32 v16, v8;
	v8 =	vor.u32 v28, v10;
	v13 =	vld.idx.msk [tilespmem:v1+s21+$0x0], $0xffff  }
0x179: {  	v21 =	vor.u32 v20, v11;
	v11 =	vor.u32 v18, v14;
	v18 =	vor.u32 v29, v10;
	v7 =	vld.idx.msk [tilespmem:v6+s21+$0x0], $0xffff  }
0x17a: {  	v60 =	vimm.f32 $0.0e+00;
	v3 =	vor.u32 v27, v3;
	v9 =	vld.idx.msk [tilespmem:v9+s21+$0x0], $0xffff  }
0x17b: {  	v51 =	vimm.f32 $0.0e+00;
	v20 =	vor.u32 v26, v12;
	v22 =	vor.u32 v29, v12;
	v17 =	vld.idx.msk [tilespmem:v17+s21+$0x0], $0xffff  }
0x17c: {  	v39 =	vor.u32 v27, v4;
	v4 =	vor.u32 v28, v12;
	v1 =	vor.u32 v27, v12;
	v12 =	vld.idx.msk [tilespmem:v15+s21+$0x0], $0xffff  }
0x17d: {  	v16 =	vor.u32 v26, v10;
	v40 =	vor.u32 v27, v10;
	v53 =	vor.u32 v26, v5;
	v8 =	vld.idx.msk [tilespmem:v8+s21+$0x0], $0xffff  }
0x17e: {  	v31 =	vor.u32 v28, v21;
	v18 =	vld.idx.msk [tilespmem:v18+s21+$0x0], $0xffff;
	v50 =	vmul.f32 v2, v0;
	v38 =	vmul.f32 v2, v2  }
0x17f: {  	v58 =	vor.u32 v26, v21;
	v14 =	vld.idx.msk [tilespmem:v3+s21+$0x0], $0xffff;
	v10 =	vmul.f32 v13, v0;
	v6 =	vmul.f32 v13, v13  }
0x180: {  	v36 =	vor.u32 v29, v5;
	v63 =	vld.idx.msk [tilespmem:v20+s21+$0x0], $0xffff;
	v2 =	vmul.f32 v7, v0;
	v3 =	vmul.f32 v7, v7  }
0x181: {  	v15 =	vor.u32 v28, v5;
	v4 =	vld.idx.msk [tilespmem:v4+s21+$0x0], $0xffff;
	v42 =	vmul.f32 v9, v41;
	v13 =	vmul.f32 v12, v41  }
0x182: {  	v49 =	vor.u32 v26, v11;
	v7 =	vld.idx.msk [tilespmem:v16+s21+$0x0], $0xffff;
	v55 =	vmul.f32 v9, v9;
	v12 =	vmul.f32 v12, v12  }
0x183: {  	v9 =	vor.u32 v28, v11;
	v56 =	vmul.f32 v17, v41;
	v57 =	vmul.f32 v17, v17;
	[tilespmem:$0x1FD90] =	vst v13  }
0x184: {  	v23 =	vmul.f32 v18, v43;
	v24 =	vmul.f32 v14, v0;
	v0 =	vor.u32 v28, v19;
	[tilespmem:$0x1FDA0] =	vst v12  }
0x185: {  	v30 =	vor.u32 v27, v5;
	v54 =	vmul.f32 v18, v18;
	v20 =	vmul.f32 v63, v44;
	v22 =	vld.idx.msk [tilespmem:v22+s21+$0x0], $0xffff  }
0x186: {  	v52 =	vor.u32 v26, v19;
	v12 =	vmul.f32 v8, v43;
	v13 =	vmul.f32 v8, v8;
	v8 =	vld.idx.msk [tilespmem:v15+s21+$0x0], $0xffff  }
0x187: {  	v33 =	vor.u32 v27, v19;
	v17 =	vmul.f32 v4, v4;
	v15 =	vmul.f32 v4, v44;
	v4 =	vld.idx.msk [tilespmem:v31+s21+$0x0], $0xffff  }
0x188: {  	v18 =	vmul.f32 v63, v63;
	v63 =	vor.u32 v29, v19;
	v25 =	vmul.f32 v14, v14;
	v9 =	vld.idx.msk [tilespmem:v9+s21+$0x0], $0xffff  }
0x189: {  	v19 =	vor.u32 v27, v21;
	v50 =	vadd.f32 v50, v60;
	v14 =	vmul.f32 v7, v43;
	v59 =	vld.idx.msk [tilespmem:v0+s21+$0x0], $0xffff  }
0x18a: {  	v37 =	vld.idx.msk [tilespmem:v58+s21+$0x0], $0xffff;
	v58 =	vor.u32 v27, v11;
	v16 =	vmul.f32 v7, v7;
	v7 =	vmul.f32 v22, v44  }
0x18b: {  	v0 =	vor.u32 v29, v11;
	v5 =	vmul.f32 v22, v22;
	v31 =	vmul.f32 v8, v45  }
0x18c: {  	v11 =	vor.u32 v29, v21;
	v32 =	vmul.f32 v8, v8;
	v22 =	vmul.f32 v4, v48  }
0x18d: {  	v21 =	vimm.f32 $0.0e+00;
	v61 =	vmul.f32 v9, v47;
	v62 =	vmul.f32 v9, v9  }
0x18e: {  	v9 =	vimm.f32 $0.0e+00;
	v34 =	vmul.f32 v59, v46;
	v35 =	vmul.f32 v59, v59;
	v59 =	vld.idx.msk [tilespmem:v49+s21+$0x0], $0xffff  }
0x18f: {  	v4 =	vmul.f32 v4, v4;
	v8 =	vimm.f32 $0.0e+00;
	v49 =	vadd.f32 v38, v60;
	v60 =	vld.idx.msk [tilespmem:v52+s21+$0x0], $0xffff;
	[tilespmem:$0x1FDB0] =	vst v9  }
0x190: {  	s17 =	simm.s32 $0x8;
	v38 =	vmul.f32 v37, v48;
	v52 =	vimm.f32 $0.0e+00;
	v9 =	vld.idx.msk [tilespmem:v53+s21+$0x0], $0xffff;
	[tilespmem:$0x1FDC0] =	vst v21;
	v53 =	vimm.f32 $0.0e+00  }
.LBB2_4:
0x191: {  	v6 =	vadd.f32 v6, v8;
	v8 =	vmul.f32 v37, v37;
	_ =	sdelay $0x1  }
0x192: {  	v22 =	vadd.f32 v22, v50;
	v6 =	vadd.f32 v8, v6;
	v8 =	vmul.f32 v59, v59  }
0x193: {  	v10 =	vadd.f32 v10, v51  }
0x194: {  	v22 =	vadd.f32 v61, v22;
	v6 =	vadd.f32 v8, v6;
	v8 =	vmul.f32 v60, v60  }
0x195: {  	v26 =	vmul.f32 v59, v47;
	v10 =	vadd.f32 v38, v10  }
0x196: {  	v22 =	vadd.f32 v34, v22;
	v6 =	vadd.f32 v8, v6;
	v8 =	vmul.f32 v9, v9  }
0x197: {  	v10 =	vadd.f32 v26, v10  }
0x198: {  	v26 =	vmul.f32 v9, v45;
	v9 =	vadd.f32 v31, v22;
	v6 =	vadd.f32 v8, v6  }
0x199: {  	v4 =	vadd.f32 v4, v49  }
0x19a: {  	v8 =	vadd.f32 v15, v9;
	v6 =	vadd.f32 v18, v6  }
0x19b: {  	v4 =	vadd.f32 v62, v4  }
0x19c: {  	v8 =	vadd.f32 v12, v8;
	v6 =	vadd.f32 v16, v6  }
0x19d: {  	v36 =	vld.idx.msk [tilespmem:v36+s21+$0x0], $0xffff;
	v62 =	vmul.f32 v60, v46;
	v4 =	vadd.f32 v35, v4  }
0x19e: {  	v50 =	vadd.f32 v42, v8;
	v8 =	vadd.f32 v57, v6;
	v6 =	vld [tilespmem:$0x1FDB0]  }
0x19f: {  	v63 =	vld.idx.msk [tilespmem:v63+s21+$0x0], $0xffff;
	v10 =	vadd.f32 v62, v10  }
0x1a0: {  	v0 =	vld.idx.msk [tilespmem:v0+s21+$0x0], $0xffff;
	v4 =	vadd.f32 v32, v4  }
0x1a1: {  	v11 =	vld.idx.msk [tilespmem:v11+s21+$0x0], $0xffff;
	v10 =	vadd.f32 v26, v10  }
0x1a2: {  	v19 =	vld.idx.msk [tilespmem:v19+s21+$0x0], $0xffff;
	v4 =	vadd.f32 v17, v4  }
0x1a3: {  	v9 =	vadd.f32 v20, v10;
	v2 =	vadd.f32 v2, v6;
	v6 =	vld [tilespmem:$0x1FDC0]  }
0x1a4: {  	v4 =	vadd.f32 v13, v4  }
0x1a5: {  	v26 =	vmul.f32 v36, v36;
	v17 =	vld.idx.msk [tilespmem:v58+s21+$0x0], $0xffff;
	v12 =	vadd.f32 v14, v9  }
0x1a6: {  	v15 =	vmul.f32 v63, v63;
	v10 =	vmul.f32 v0, v47;
	v4 =	vadd.f32 v55, v4  }
0x1a7: {  	v0 =	vmul.f32 v0, v0;
	v14 =	vld.idx.msk [tilespmem:v33+s21+$0x0], $0xffff;
	v51 =	vadd.f32 v56, v12;
	v12 =	vadd.f32 v24, v52  }
0x1a8: {  	[tilespmem:$0x1FCC0] =	vst v4;
	v4 =	vmul.f32 v11, v11;
	v3 =	vadd.f32 v3, v6;
	v6 =	vmul.f32 v19, v48  }
0x1a9: {  	v18 =	vmul.f32 v19, v19;
	v13 =	vmul.f32 v11, v48;
	v16 =	vadd.f32 v25, v53;
	v11 =	vld.idx.msk [tilespmem:v30+s21+$0x0], $0xffff  }
0x1aa: {  	v3 =	vadd.f32 v4, v3;
	v4 =	vmul.f32 v17, v47;
	v6 =	vadd.f32 v6, v12  }
0x1ab: {  	v1 =	vld.idx.msk [tilespmem:v1+s21+$0x0], $0xffff;
	v2 =	vadd.f32 v13, v2;
	v13 =	vmul.f32 v17, v17;
	v12 =	vadd.f32 v18, v16  }
0x1ac: {  	v0 =	vadd.f32 v0, v3;
	v3 =	vmul.f32 v14, v46;
	v4 =	vadd.f32 v4, v6  }
0x1ad: {  	v2 =	vadd.f32 v10, v2;
	v10 =	vld.idx.msk [tilespmem:v40+s21+$0x0], $0xffff;
	v6 =	vadd.f32 v13, v12;
	v12 =	vmul.f32 v14, v14  }
0x1ae: {  	v13 =	vmul.f32 v11, v45;
	v0 =	vadd.f32 v15, v0;
	v3 =	vadd.f32 v3, v4  }
0x1af: {  	v31 =	vmul.f32 v63, v46;
	v4 =	vadd.f32 v12, v6;
	v6 =	vmul.f32 v11, v11  }
0x1b0: {  	v11 =	vmul.f32 v1, v44;
	v0 =	vadd.f32 v26, v0;
	v3 =	vadd.f32 v13, v3  }
0x1b1: {  	v22 =	vmul.f32 v36, v45;
	v2 =	vadd.f32 v31, v2  }
0x1b2: {  	v0 =	vadd.f32 v5, v0;
	v5 =	vmul.f32 v10, v43;
	v3 =	vadd.f32 v11, v3  }
0x1b3: {  	v2 =	vadd.f32 v22, v2;
	v14 =	vld.idx.msk [tilespmem:v39+s21+$0x0], $0xffff  }
0x1b4: {  	v3 =	vadd.f32 v5, v3;
	v5 =	vld [tilespmem:$0x1FD90]  }
0x1b5: {  	v2 =	vadd.f32 v7, v2;
	v1 =	vmul.f32 v1, v1;
	v4 =	vadd.f32 v6, v4;
	_ =	sdelay $0x1  }
0x1b6: {  	v2 =	vadd.f32 v23, v2;
	v1 =	vadd.f32 v1, v4;
	v4 =	vmul.f32 v10, v10  }
0x1b7: {  	v6 =	vmul.f32 v14, v41  }
0x1b8: {  	s20 =	sadd.s32 $0x7, s17;
	v1 =	vadd.f32 v4, v1;
	v2 =	vadd.f32 v5, v2  }
0x1b9: {  	v21 =	vld [tilespmem:$0x1FFE0];
	v4 =	vmul.f32 v14, v14;
	v52 =	vadd.f32 v6, v3;
	v3 =	vmov s20;
	s20 =	sadd.s32 $0x1, s17  }
0x1ba: {  	v11 =	vmov s20;
	[tilespmem:$0x1FDB0] =	vst v2;
	v2 =	vld [tilespmem:$0x1FDA0]  }
0x1bb: {  	s22 =	sadd.s32 $0x2, s17;
	s24 =	sadd.s32 $0x4, s17;
	v0 =	vadd.f32 v54, v0;
	v53 =	vadd.f32 v4, v1  }
0x1bc: {  	v4 =	vmov s22;
	v6 =	vmov s24;
	v14 =	vshll.u32 v3, $0x3  }
0x1bd: {  	v13 =	vand.u32 $0x7F, v3;
	v19 =	vshll.u32 v6, $0x3;
	v14 =	vand.u32 $0x400, v14  }
0x1be: {  	v23 =	vand.u32 $0x79, v11;
	v24 =	vshll.u32 v11, $0x3;
	v13 =	vor.u32 v13, v14  }
0x1bf: {  	s18 =	sadd.s32 $0x5, s17;
	s19 =	sadd.s32 $0x6, s17;
	v48 =	vld.idx.msk [tilespmem:v11+s31+$0x0], $0xffff;
	v11 =	vand.u32 $0x400, v19;
	v19 =	vor.u32 v21, v13;
	v0 =	vadd.f32 v2, v0  }
0x1c0: {  	v1 =	vmov s18;
	v2 =	vmov s19  }
0x1c1: {  	v15 =	vand.u32 $0x7D, v1;
	v16 =	vshll.u32 v1, $0x3;
	[tilespmem:$0x1FDC0] =	vst v0;
	v0 =	vmov s17  }
0x1c2: {  	s23 =	sadd.s32 $0x3, s17;
	v20 =	vand.u32 $0x7A, v4;
	v22 =	vshll.u32 v4, $0x3;
	v41 =	vld.idx.msk [tilespmem:v3+s31+$0x0], $0xffff;
	v10 =	vshll.u32 v0, $0x3  }
0x1c3: {  	v5 =	vmov s23;
	v47 =	vld.idx.msk [tilespmem:v4+s31+$0x0], $0xffff;
	v7 =	vand.u32 $0x78, v0;
	v10 =	vand.u32 $0x400, v10  }
0x1c4: {  	v4 =	vand.u32 $0x400, v16;
	v16 =	vand.u32 $0x400, v24;
	v19 =	vld.idx.msk [tilespmem:v19+s21+$0x0], $0xffff;
	v3 =	vor.u32 v7, v10  }
0x1c5: {  	v12 =	vand.u32 $0x7E, v2;
	v17 =	vshll.u32 v2, $0x3;
	v43 =	vld.idx.msk [tilespmem:v2+s31+$0x0], $0xffff;
	v2 =	vor.u32 v28, v3  }
0x1c6: {  	v18 =	vand.u32 $0x7C, v6;
	v44 =	vld.idx.msk [tilespmem:v1+s31+$0x0], $0xffff;
	v26 =	vor.u32 v23, v16;
	v1 =	vor.u32 v21, v3  }
0x1c7: {  	v45 =	vld.idx.msk [tilespmem:v6+s31+$0x0], $0xffff;
	v7 =	vand.u32 $0x7B, v5;
	v10 =	vshll.u32 v5, $0x3;
	v6 =	vor.u32 v29, v3  }
0x1c8: {  	v46 =	vld.idx.msk [tilespmem:v5+s31+$0x0], $0xffff;
	v5 =	vand.u32 $0x400, v17;
	v17 =	vand.u32 $0x400, v22;
	v3 =	vor.u32 v27, v3  }
0x1c9: {  	v56 =	vmul.f32 v19, v41;
	v57 =	vmul.f32 v19, v19;
	v19 =	vor.u32 v21, v26;
	v0 =	vld.idx.msk [tilespmem:v0+s31+$0x0], $0xffff  }
0x1ca: {  	v14 =	vor.u32 v28, v13;
	v34 =	vor.u32 v20, v17;
	v2 =	vld.idx.msk [tilespmem:v2+s21+$0x0], $0xffff  }
0x1cb: {  	v58 =	vor.u32 v21, v34;
	v22 =	vld.idx.msk [tilespmem:v1+s21+$0x0], $0xffff  }
0x1cc: {  	v1 =	vor.u32 v15, v4;
	v4 =	vor.u32 v12, v5;
	v5 =	vor.u32 v29, v13;
	v12 =	vld.idx.msk [tilespmem:v6+s21+$0x0], $0xffff  }
0x1cd: {  	v11 =	vor.u32 v18, v11;
	v18 =	vld.idx.msk [tilespmem:v3+s21+$0x0], $0xffff;
	v15 =	vor.u32 v28, v4  }
0x1ce: {  	v39 =	vor.u32 v27, v13;
	v37 =	vld.idx.msk [tilespmem:v19+s21+$0x0], $0xffff;
	v16 =	vor.u32 v21, v4  }
0x1cf: {  	v10 =	vand.u32 $0x400, v10;
	v17 =	vor.u32 v29, v4;
	v40 =	vor.u32 v27, v4;
	v4 =	vld.idx.msk [tilespmem:v14+s21+$0x0], $0xffff  }
0x1d0: {  	v7 =	vor.u32 v7, v10;
	v13 =	vor.u32 v28, v1;
	v59 =	vld.idx.msk [tilespmem:v58+s21+$0x0], $0xffff;
	v38 =	vmul.f32 v2, v0  }
0x1d1: {  	v20 =	vor.u32 v29, v1;
	v49 =	vmul.f32 v2, v2;
	v5 =	vld.idx.msk [tilespmem:v5+s21+$0x0], $0xffff;
	v10 =	vmul.f32 v22, v0  }
0x1d2: {  	v2 =	vmul.f32 v12, v0;
	v24 =	vmul.f32 v18, v0;
	v0 =	vor.u32 v28, v7;
	v15 =	vld.idx.msk [tilespmem:v15+s21+$0x0], $0xffff  }
0x1d3: {  	v14 =	vor.u32 v21, v1;
	v16 =	vld.idx.msk [tilespmem:v16+s21+$0x0], $0xffff  }
0x1d4: {  	v9 =	vor.u32 v21, v11;
	v6 =	vmul.f32 v22, v22;
	v22 =	vor.u32 v28, v11;
	v17 =	vld.idx.msk [tilespmem:v17+s21+$0x0], $0xffff  }
0x1d5: {  	v21 =	vor.u32 v21, v7;
	v25 =	vmul.f32 v18, v18;
	v18 =	vor.u32 v28, v34;
	v31 =	vld.idx.msk [tilespmem:v13+s21+$0x0], $0xffff  }
0x1d6: {  	v42 =	vmul.f32 v4, v41;
	v55 =	vmul.f32 v4, v4;
	v4 =	vor.u32 v28, v26;
	v35 =	vld.idx.msk [tilespmem:v20+s21+$0x0], $0xffff  }
0x1d7: {  	v3 =	vmul.f32 v12, v12;
	v50 =	vadd.f32 v38, v50;
	v38 =	vmul.f32 v37, v48;
	v60 =	vld.idx.msk [tilespmem:v0+s21+$0x0], $0xffff  }
0x1d8: {  	v63 =	vor.u32 v29, v7;
	v32 =	vld.idx.msk [tilespmem:v14+s21+$0x0], $0xffff;
	v12 =	vmul.f32 v5, v41;
	v5 =	vmul.f32 v5, v5  }
0x1d9: {  	v33 =	vor.u32 v27, v7;
	v22 =	vld.idx.msk [tilespmem:v22+s21+$0x0], $0xffff;
	v13 =	vmul.f32 v15, v15;
	v14 =	vmul.f32 v16, v43  }
0x1da: {  	v58 =	vor.u32 v27, v34;
	v62 =	vld.idx.msk [tilespmem:v18+s21+$0x0], $0xffff;
	v16 =	vmul.f32 v16, v16;
	v23 =	vmul.f32 v17, v43  }
0x1db: {  	v4 =	vld.idx.msk [tilespmem:v4+s21+$0x0], $0xffff;
	v7 =	vmul.f32 v35, v44;
	[tilespmem:$0x1FDA0] =	vst v5;
	v5 =	vmul.f32 v35, v35  }
0x1dc: {  	v0 =	vor.u32 v29, v34;
	v34 =	vmul.f32 v60, v46;
	v35 =	vmul.f32 v60, v60;
	v60 =	vld.idx.msk [tilespmem:v21+s21+$0x0], $0xffff  }
0x1dd: {  	p0 =	slt.u32 s17, $0xF8;
	v36 =	vor.u32 v29, v11;
	v54 =	vmul.f32 v17, v17;
	v17 =	vmul.f32 v31, v31;
	v21 =	vld [tilespmem:$0x1FCC0]  }
.Ltmp1:
0x1de: {  	v30 =	vor.u32 v27, v11;
	v20 =	vmul.f32 v32, v44;
	v18 =	vmul.f32 v32, v32;
	(pc) =	sbr.rel @p0 .LBB2_4-.Ltmp1, $4  }
0x1df: {  	v19 =	vor.u32 v27, v26;
	[tilespmem:$0x1FD90] =	vst v12;
	v12 =	vmul.f32 v15, v43;
	v15 =	vmul.f32 v31, v44  }
0x1e0: {  	v1 =	vor.u32 v27, v1;
	v31 =	vmul.f32 v22, v45;
	v32 =	vmul.f32 v22, v22  }
0x1e1: {  	v11 =	vor.u32 v29, v26;
	v61 =	vmul.f32 v62, v47;
	v62 =	vmul.f32 v62, v62  }
0x1e2: {  	s17 =	sadd.s32 $0x8, s17;
	v9 =	vld.idx.msk [tilespmem:v9+s21+$0x0], $0xffff;
	v22 =	vmul.f32 v4, v48;
	v4 =	vmul.f32 v4, v4;
	v49 =	vadd.f32 v49, v21  }
0x1e3: {  	_ =	sdelay $0x3  }
0x1e4: {  	v19 =	vld.idx.msk [tilespmem:v19+s21+$0x0], $0xffff;
	_ =	sdelay $0x1  }
0x1e5: {  	v21 =	vld.idx.msk [tilespmem:v36+s21+$0x0], $0xffff  }
0x1e6: {  	v36 =	vld.idx.msk [tilespmem:v63+s21+$0x0], $0xffff  }
0x1e7: {  	v0 =	vld.idx.msk [tilespmem:v0+s21+$0x0], $0xffff  }
0x1e8: {  	v11 =	vld.idx.msk [tilespmem:v11+s21+$0x0], $0xffff;
	[tilespmem:$0x1FC40] =	vst v19  }
0x1e9: {  	v1 =	vld.idx.msk [tilespmem:v1+s21+$0x0], $0xffff;
	_ =	sdelay $0x2  }
0x1ea: {  	v58 =	vld.idx.msk [tilespmem:v58+s21+$0x0], $0xffff  }
0x1eb: {  	v33 =	vld.idx.msk [tilespmem:v33+s21+$0x0], $0xffff  }
0x1ec: {  	v30 =	vld.idx.msk [tilespmem:v30+s21+$0x0], $0xffff;
	[tilespmem:$0x1FC50] =	vst v1  }
0x1ed: {  	v19 =	vld.idx.msk [tilespmem:v39+s21+$0x0], $0xffff  }
0x1ee: {  	v26 =	vmov v28;
	v28 =	vld [tilespmem:$0x1FEB0]  }
0x1ef: {  	v29 =	vmov v27;
	v27 =	vld [tilespmem:$0x1FF00]  }
0x1f0: {  	v1 =	vld [tilespmem:$0x1FF70]  }
0x1f1: {  	v40 =	vld.idx.msk [tilespmem:v40+s21+$0x0], $0xffff  }
0x1f2: {  	[tilespmem:$0x1FC60] =	vst v19;
	v19 =	vld [tilespmem:$0x1FED0];
	_ =	sdelay $0x2  }
0x1f3: {  	v63 =	vperm.xlane v28, v1;
	_ =	sdelay $0x1  }
0x1f4: {  	v39 =	vadd.s32 v27, v63;
	v63 =	vperm.xlane v28, v19;
	v28 =	vld [tilespmem:$0x1FEA0];
	_ =	sdelay $0x4  }
0x1f5: {  	[tilespmem:$0x8280] =	vst v28;
	v28 =	vld [tilespmem:$0x1FE70];
	_ =	sdelay $0x4  }
0x1f6: {  	[tilespmem:$0x8290] =	vst v28;
	v28 =	vld [tilespmem:$0x1FE80];
	_ =	sdelay $0x4  }
0x1f7: {  	[tilespmem:$0x82A0] =	vst v28;
	v28 =	vld [tilespmem:$0x1FE90];
	_ =	sdelay $0x2  }
0x1f8: {  	v63 =	vadd.s32 v27, v63;
	_ =	sdelay $0x1  }
0x1f9: {  	s17 =	simm.s32 $0x0;
	[tilespmem:$0x82B0] =	vst v28  }
0x1fa: {  	[tilespmem:s21], [sflag:$0x2] =	stream.indirect_vreg.gather [hbm4b:s1+s17], $0x80, v39, vm0, $0xb8;
	[tilespmem:$0x9880] =	vst v63  }
0x1fb: {  	s18 =	simm.s32 $0x4A00  }
0x1fc: {  	[tilespmem:s18], [sflag:$0x2] =	stream.indirect_vreg.gather [hbm4b:s1+s17], $0x80, v63, vm0, $0xb8;
	[tilespmem:$0x9880] =	vst v63  }
0x1fd: {  	v39 =	vld [tilespmem:$0x8290];
	_ =	sdelay $0x4  }
0x1fe: {  	v63 =	vshll.u32 v39, $0x1  }
0x1ff: {  	v39 =	vand.u32 $0x7, v39;
	v63 =	vand.u32 $0xFFFFFFF0, v63  }
0x200: {  	v39 =	vor.u32 v39, v63  }
0x201: {  	v63 =	vperm.xlane v39, v1  }
0x202: {  	v6 =	vadd.f32 v6, v8  }
0x203: {  	v8 =	vmul.f32 v37, v37;
	v39 =	vperm.xlane v39, v19;
	v63 =	vadd.s32 v27, v63;
	_ =	sdelay $0x1  }
0x204: {  	v6 =	vadd.f32 v8, v6;
	v8 =	vmul.f32 v59, v59;
	v39 =	vadd.s32 v27, v39;
	_ =	sdelay $0x1  }
0x205: {  	s20 =	simm.s32 $0x5200;
	v6 =	vadd.f32 v8, v6;
	v8 =	vmul.f32 v60, v60  }
0x206: {  	[tilespmem:s20], [sflag:$0x2] =	stream.indirect_vreg.gather [hbm4b:s1+s17], $0x80, v63, vm0, $0xb8;
	[tilespmem:$0x9880] =	vst v63  }
0x207: {  	s22 =	simm.s32 $0x5A00;
	v6 =	vadd.f32 v8, v6;
	v8 =	vmul.f32 v9, v9  }
0x208: {  	v22 =	vadd.f32 v22, v50;
	[tilespmem:s22], [sflag:$0x2] =	stream.indirect_vreg.gather [hbm4b:s1+s17], $0x80, v39, vm0, $0xb8;
	[tilespmem:$0x9880] =	vst v63  }
0x209: {  	v6 =	vadd.f32 v8, v6;
	v50 =	vld [tilespmem:$0x82A0]  }
0x20a: {  	v4 =	vadd.f32 v4, v49;
	v22 =	vadd.f32 v61, v22  }
0x20b: {  	v10 =	vadd.f32 v10, v51;
	v6 =	vadd.f32 v18, v6  }
0x20c: {  	v51 =	vmul.f32 v59, v47;
	v4 =	vadd.f32 v62, v4;
	v22 =	vadd.f32 v34, v22  }
0x20d: {  	v10 =	vadd.f32 v38, v10;
	v59 =	vmul.f32 v60, v46;
	v6 =	vadd.f32 v16, v6  }
0x20e: {  	v4 =	vadd.f32 v35, v4;
	v22 =	vadd.f32 v31, v22;
	v61 =	vshll.u32 v50, $0x1  }
0x20f: {  	v6 =	vadd.f32 v57, v6;
	v37 =	vand.u32 $0x7, v50;
	v35 =	vand.u32 $0xFFFFFFF0, v61  }
0x210: {  	v10 =	vadd.f32 v51, v10;
	v60 =	vmul.f32 v9, v45;
	v9 =	vor.u32 v37, v35  }
0x211: {  	v62 =	vmul.f32 v21, v45;
	v15 =	vadd.f32 v15, v22;
	[tilespmem:$0x1FC30] =	vst v6;
	v6 =	vld [tilespmem:$0x1FDB0];
	v31 =	vperm.xlane v9, v1  }
0x212: {  	v10 =	vadd.f32 v59, v10;
	v4 =	vadd.f32 v32, v4;
	v8 =	vmul.f32 v21, v21  }
0x213: {  	v12 =	vadd.f32 v12, v15;
	v9 =	vperm.xlane v9, v19;
	v21 =	vadd.s32 v27, v31  }
0x214: {  	v10 =	vadd.f32 v60, v10  }
0x215: {  	v4 =	vadd.f32 v17, v4;
	v12 =	vadd.f32 v42, v12;
	v9 =	vadd.s32 v27, v9  }
0x216: {  	v10 =	vadd.f32 v20, v10;
	v2 =	vadd.f32 v2, v6;
	v6 =	vld [tilespmem:$0x1FDC0]  }
0x217: {  	v4 =	vadd.f32 v13, v4;
	[tilespmem:$0x1FC00] =	vst v12;
	v12 =	vld [tilespmem:$0x1FC40]  }
0x218: {  	v10 =	vadd.f32 v14, v10;
	[tilespmem:s25], [sflag:$0x2] =	stream.indirect_vreg.gather [hbm4b:s1+s17], $0x80, v21, vm0, $0xb8;
	[tilespmem:$0x9880] =	vst v63  }
0x219: {  	v18 =	vmul.f32 v0, v47;
	v4 =	vadd.f32 v55, v4  }
0x21a: {  	v13 =	vmul.f32 v11, v48;
	v10 =	vadd.f32 v56, v10;
	[tilespmem:s26], [sflag:$0x2] =	stream.indirect_vreg.gather [hbm4b:s1+s17], $0x80, v9, vm0, $0xb8;
	[tilespmem:$0x9880] =	vst v63  }
0x21b: {  	[tilespmem:$0x1FC10] =	vst v4;
	v4 =	vmul.f32 v11, v11;
	v11 =	vadd.f32 v25, v53;
	v3 =	vadd.f32 v3, v6;
	v9 =	vld [tilespmem:$0x82B0]  }
0x21c: {  	[tilespmem:$0x1FC20] =	vst v10;
	v10 =	vadd.f32 v24, v52;
	v6 =	vmul.f32 v12, v48;
	v12 =	vmul.f32 v12, v12  }
0x21d: {  	v0 =	vmul.f32 v0, v0;
	v3 =	vadd.f32 v4, v3;
	v4 =	vmul.f32 v58, v47  }
0x21e: {  	v6 =	vadd.f32 v6, v10;
	v10 =	vadd.f32 v12, v11;
	v11 =	vmul.f32 v58, v58  }
0x21f: {  	v0 =	vadd.f32 v0, v3  }
0x220: {  	v4 =	vadd.f32 v4, v6;
	v6 =	vadd.f32 v11, v10;
	v10 =	vshll.u32 v9, $0x1  }
0x221: {  	v3 =	vmul.f32 v33, v46;
	v9 =	vand.u32 $0x7, v9;
	v10 =	vand.u32 $0xFFFFFFF0, v10  }
0x222: {  	v9 =	vor.u32 v9, v10  }
0x223: {  	v17 =	vmul.f32 v36, v36;
	v3 =	vadd.f32 v3, v4;
	v4 =	vperm.xlane v9, v1;
	v1 =	vld [tilespmem:$0x1FC50];
	_ =	sdelay $0x1  }
0x224: {  	v2 =	vadd.f32 v13, v2;
	v0 =	vadd.f32 v17, v0  }
0x225: {  	v10 =	vmul.f32 v30, v45  }
0x226: {  	v2 =	vadd.f32 v18, v2;
	v0 =	vadd.f32 v8, v0;
	v31 =	vmul.f32 v36, v46  }
0x227: {  	v8 =	vperm.xlane v9, v19;
	v3 =	vadd.f32 v10, v3;
	v9 =	vmul.f32 v1, v44  }
0x228: {  	v2 =	vadd.f32 v31, v2  }
0x229: {  	v0 =	vadd.f32 v5, v0;
	v5 =	vmul.f32 v40, v43;
	v3 =	vadd.f32 v9, v3  }
0x22a: {  	v2 =	vadd.f32 v62, v2  }
0x22b: {  	v3 =	vadd.f32 v5, v3;
	v5 =	vld [tilespmem:$0x1FD90]  }
0x22c: {  	v2 =	vadd.f32 v7, v2;
	_ =	sdelay $0x1  }
0x22d: {  	v2 =	vadd.f32 v23, v2;
	_ =	sdelay $0x1  }
0x22e: {  	v2 =	vadd.f32 v5, v2  }
0x22f: {  	v11 =	vmul.f32 v33, v33;
	v10 =	vmul.f32 v1, v1;
	v1 =	vld [tilespmem:$0x1FC60]  }
0x230: {  	[tilespmem:$0x1FC70] =	vst v2;
	v2 =	vld [tilespmem:$0x1FDA0]  }
0x231: {  	v6 =	vadd.f32 v11, v6;
	v11 =	vmul.f32 v30, v30;
	v4 =	vadd.s32 v27, v4;
	_ =	sdelay $0x1  }
0x232: {  	v6 =	vadd.f32 v11, v6;
	v0 =	vadd.f32 v54, v0  }
0x233: {  	v7 =	vadd.s32 v27, v8;
	v8 =	vmul.f32 v40, v40  }
0x234: {  	v6 =	vadd.f32 v10, v6;
	v9 =	vmul.f32 v1, v41;
	v0 =	vadd.f32 v2, v0  }
0x235: {  	[tilespmem:s28], [sflag:$0x2] =	stream.indirect_vreg.gather [hbm4b:s1+s17], $0x80, v4, vm0, $0xb8;
	[tilespmem:$0x9880] =	vst v63  }
0x236: {  	v4 =	vadd.f32 v8, v6;
	v1 =	vmul.f32 v1, v1;
	[tilespmem:$0x1FC80] =	vst v0;
	v0 =	vadd.f32 v9, v3  }
0x237: {  	s19 =	simm.s32 $0x6  }
0x238: {  	s24 =	simm.s32 $0x7;
	s22 =	simm.s32 $0x3;
	v2 =	vmov s19;
	[tilespmem:$0x1FC90] =	vst v0;
	v0 =	vadd.f32 v1, v4  }
0x239: {  	v28 =	vimm.f32 $0.0e+00;
	[tilespmem:s29], [sflag:$0x2] =	stream.indirect_vreg.gather [hbm4b:s1+s17], $0x80, v7, vm0, $0xb8;
	v15 =	vshll.u32 v2, $0x3;
	v3 =	vmov s24;
	[tilespmem:$0x9880] =	vst v63  }
0x23a: {  	v5 =	vmov s22;
	v10 =	vand.u32 $0x7E, v2;
	s24 =	simm.s32 $0x1;
	v15 =	vand.u32 $0x400, v15;
	[tilespmem:$0x1FCA0] =	vst v0  }
0x23b: {  	s20 =	simm.s32 $0x2;
	v9 =	vmov s24;
	v11 =	vand.u32 $0x7F, v3;
	v12 =	vshll.u32 v3, $0x3;
	_ =	swait.ge [sflag:s30], $0x4000  }
0x23c: {  	s23 =	simm.s32 $0x5;
	v10 =	vor.u32 v10, v15;
	v4 =	vmov s20;
	v0 =	vmov s17;
	[sflag:s30] =	ssyncset.done $0x0;
	v27 =	vld [tilespmem:$0x1FFE0]  }
0x23d: {  	v1 =	vmov s23;
	v20 =	vand.u32 $0x79, v9;
	v8 =	vshll.u32 v0, $0x3;
	v45 =	vld [tilespmem:$0x1FF20];
	[sflag:s30] =	ssyncadd.s32 $0xFFFFC000  }
0x23e: {  	s23 =	simm.s32 $0x4;
	v21 =	vshll.u32 v9, $0x3;
	v7 =	vand.u32 $0x78, v0;
	v8 =	vand.u32 $0x400, v8;
	v50 =	vld.idx.msk [tilespmem:v3+s31+$0x0], $0xffff  }
0x23f: {  	v6 =	vmov s23;
	v18 =	vand.u32 $0x7A, v4;
	v3 =	vor.u32 v7, v8;
	v51 =	vld.idx.msk [tilespmem:v2+s31+$0x0], $0xffff  }
0x240: {  	v7 =	vand.u32 $0x7B, v5;
	v8 =	vshll.u32 v5, $0x3;
	v54 =	vld.idx.msk [tilespmem:v5+s31+$0x0], $0xffff;
	v5 =	vand.u32 $0x400, v12  }
0x241: {  	v19 =	vshll.u32 v4, $0x3;
	v55 =	vld.idx.msk [tilespmem:v4+s31+$0x0], $0xffff;
	v2 =	vor.u32 v26, v3;
	v4 =	vor.u32 v11, v5  }
0x242: {  	v23 =	vor.u32 v29, v10;
	v13 =	vand.u32 $0x7D, v1;
	v56 =	vld.idx.msk [tilespmem:v9+s31+$0x0], $0xffff;
	v9 =	vor.u32 v26, v4  }
0x243: {  	v14 =	vshll.u32 v1, $0x3;
	v16 =	vand.u32 $0x7C, v6;
	v52 =	vld.idx.msk [tilespmem:v1+s31+$0x0], $0xffff;
	v1 =	vor.u32 v27, v3  }
0x244: {  	v17 =	vshll.u32 v6, $0x3;
	v53 =	vld.idx.msk [tilespmem:v6+s31+$0x0], $0xffff;
	v12 =	vand.u32 $0x400, v14;
	v6 =	vor.u32 v45, v3  }
0x245: {  	v14 =	vand.u32 $0x400, v19;
	v0 =	vld.idx.msk [tilespmem:v0+s31+$0x0], $0xffff;
	v5 =	vand.u32 $0x400, v8;
	v3 =	vor.u32 v29, v3  }
0x246: {  	v8 =	vand.u32 $0x400, v17;
	v11 =	vand.u32 $0x400, v21;
	v12 =	vor.u32 v13, v12;
	v2 =	vld.idx.msk [tilespmem:v2+s13+$0x0], $0xffff  }
0x247: {  	v22 =	vor.u32 v18, v14;
	v19 =	vor.u32 v7, v5;
	v17 =	vor.u32 v27, v4;
	v9 =	vld.idx.msk [tilespmem:v9+s13+$0x0], $0xffff  }
0x248: {  	v21 =	vor.u32 v16, v8;
	v24 =	vor.u32 v20, v11;
	v13 =	vor.u32 v45, v4;
	v1 =	vld.idx.msk [tilespmem:v1+s13+$0x0], $0xffff  }
0x249: {  	v33 =	vor.u32 v29, v22;
	v11 =	vor.u32 v27, v10;
	v5 =	vld.idx.msk [tilespmem:v6+s13+$0x0], $0xffff;
	v6 =	vor.u32 v26, v10  }
0x24a: {  	v14 =	vor.u32 v45, v10;
	v15 =	vor.u32 v45, v12;
	v7 =	vld.idx.msk [tilespmem:v3+s13+$0x0], $0xffff;
	v3 =	vor.u32 v29, v4  }
0x24b: {  	v59 =	vor.u32 v27, v21;
	v35 =	vor.u32 v45, v21;
	v41 =	vor.u32 v27, v22;
	[tilespmem:$0x1FCB0] =	vst v3  }
0x24c: {  	v4 =	vor.u32 v26, v12;
	v10 =	vor.u32 v27, v12;
	v18 =	vld.idx.msk [tilespmem:v17+s13+$0x0], $0xffff;
	v25 =	vmul.f32 v2, v0  }
0x24d: {  	v3 =	vor.u32 v29, v12;
	v12 =	vld.idx.msk [tilespmem:v13+s13+$0x0], $0xffff;
	v2 =	vmul.f32 v2, v2;
	v16 =	vmul.f32 v9, v9  }
0x24e: {  	v46 =	vor.u32 v27, v19;
	v34 =	vmul.f32 v1, v0;
	v36 =	vmul.f32 v1, v1;
	v6 =	vld.idx.msk [tilespmem:v6+s13+$0x0], $0xffff  }
0x24f: {  	v1 =	vor.u32 v26, v21;
	v8 =	vmul.f32 v5, v0;
	v60 =	vmul.f32 v5, v5;
	v5 =	vld.idx.msk [tilespmem:v11+s13+$0x0], $0xffff  }
0x250: {  	v61 =	vmul.f32 v7, v0;
	v62 =	vmul.f32 v7, v7;
	v0 =	vor.u32 v26, v19;
	v7 =	vld.idx.msk [tilespmem:v14+s13+$0x0], $0xffff  }
0x251: {  	v14 =	vmul.f32 v9, v50;
	v9 =	vor.u32 v26, v22;
	v4 =	vld.idx.msk [tilespmem:v4+s13+$0x0], $0xffff;
	v17 =	vmul.f32 v18, v50  }
0x252: {  	v11 =	vor.u32 v26, v24;
	v13 =	vld.idx.msk [tilespmem:v10+s13+$0x0], $0xffff;
	v18 =	vmul.f32 v18, v18;
	v57 =	vmul.f32 v12, v50  }
0x253: {  	v26 =	vor.u32 v27, v24;
	v58 =	vmul.f32 v12, v12;
	v12 =	vld.idx.msk [tilespmem:v15+s13+$0x0], $0xffff;
	v10 =	vmul.f32 v6, v51  }
0x254: {  	v43 =	vor.u32 v45, v19;
	v15 =	vmul.f32 v6, v6;
	v1 =	vld.idx.msk [tilespmem:v1+s13+$0x0], $0xffff;
	v20 =	vmul.f32 v5, v51  }
0x255: {  	v30 =	vor.u32 v29, v19;
	v32 =	vmul.f32 v5, v5;
	v63 =	vld.idx.msk [tilespmem:v0+s13+$0x0], $0xffff;
	v5 =	vmul.f32 v7, v51  }
0x256: {  	v44 =	vor.u32 v45, v22;
	v7 =	vmul.f32 v7, v7;
	v9 =	vld.idx.msk [tilespmem:v9+s13+$0x0], $0xffff;
	v31 =	vmul.f32 v4, v52  }
0x257: {  	v45 =	vor.u32 v45, v24;
	v37 =	vmul.f32 v4, v4;
	v4 =	vld.idx.msk [tilespmem:v11+s13+$0x0], $0xffff;
	v40 =	vmul.f32 v13, v52  }
0x258: {  	v6 =	vor.u32 v29, v21;
	v42 =	vmul.f32 v13, v13;
	v0 =	vld.idx.msk [tilespmem:v26+s13+$0x0], $0xffff;
	v11 =	vmul.f32 v12, v52  }
0x259: {  	v26 =	vadd.f32 v25, v28;
	v12 =	vmul.f32 v12, v12;
	v38 =	vmul.f32 v1, v53  }
0x25a: {  	v21 =	vadd.f32 v2, v28;
	v39 =	vmul.f32 v1, v1;
	v47 =	vmul.f32 v63, v54  }
0x25b: {  	v2 =	vimm.f32 $0.0e+00;
	v48 =	vmul.f32 v63, v63;
	v22 =	vmul.f32 v9, v55  }
0x25c: {  	v19 =	vld.idx.msk [tilespmem:v46+s13+$0x0], $0xffff;
	v25 =	vimm.f32 $0.0e+00;
	v49 =	vmul.f32 v9, v9;
	v63 =	vmul.f32 v4, v56  }
0x25d: {  	v13 =	vmul.f32 v4, v4;
	v4 =	vld.idx.msk [tilespmem:v41+s13+$0x0], $0xffff;
	v41 =	vor.u32 v29, v24;
	v46 =	vmul.f32 v0, v56  }
0x25e: {  	s17 =	simm.s32 $0x8;
	v9 =	vimm.f32 $0.0e+00;
	v1 =	vld.idx.msk [tilespmem:v59+s13+$0x0], $0xffff;
	v24 =	vimm.f32 $0.0e+00;
	v59 =	vimm.f32 $0.0e+00  }
.LBB2_6:
0x25f: {  	_ = 	snop  }
0x260: {  	v9 =	vadd.f32 v36, v9;
	v0 =	vmul.f32 v0, v0  }
0x261: {  	v26 =	vadd.f32 v63, v26;
	v13 =	vadd.f32 v13, v21  }
0x262: {  	v0 =	vadd.f32 v0, v9;
	v34 =	vadd.f32 v34, v28  }
0x263: {  	v9 =	vadd.f32 v22, v26;
	v21 =	vmul.f32 v4, v55;
	v4 =	vmul.f32 v4, v4  }
0x264: {  	v35 =	vld.idx.msk [tilespmem:v35+s13+$0x0], $0xffff;
	v13 =	vadd.f32 v49, v13;
	v22 =	vmul.f32 v19, v54;
	v34 =	vadd.f32 v46, v34  }
0x265: {  	v26 =	vld.idx.msk [tilespmem:v43+s13+$0x0], $0xffff;
	v9 =	vadd.f32 v47, v9;
	v0 =	vadd.f32 v4, v0;
	v4 =	vmul.f32 v19, v19  }
0x266: {  	v43 =	vmul.f32 v1, v53;
	v13 =	vadd.f32 v48, v13;
	v21 =	vadd.f32 v21, v34  }
0x267: {  	v1 =	vmul.f32 v1, v1;
	v9 =	vadd.f32 v38, v9;
	v0 =	vadd.f32 v4, v0  }
0x268: {  	v19 =	vld.idx.msk [tilespmem:v44+s13+$0x0], $0xffff;
	v13 =	vadd.f32 v39, v13;
	v21 =	vadd.f32 v22, v21  }
0x269: {  	v0 =	vadd.f32 v1, v0;
	v1 =	vadd.f32 v31, v9  }
0x26a: {  	v44 =	vmul.f32 v35, v35;
	v4 =	vld.idx.msk [tilespmem:v45+s13+$0x0], $0xffff;
	v46 =	vmul.f32 v26, v54;
	v9 =	vadd.f32 v37, v13  }
0x26b: {  	v22 =	vmul.f32 v35, v53;
	v21 =	vadd.f32 v43, v21;
	v1 =	vadd.f32 v10, v1  }
0x26c: {  	v45 =	vld.idx.msk [tilespmem:v41+s13+$0x0], $0xffff;
	v13 =	vmul.f32 v26, v26;
	v0 =	vadd.f32 v42, v0;
	v9 =	vadd.f32 v15, v9  }
0x26d: {  	v26 =	vmul.f32 v19, v55;
	v21 =	vadd.f32 v40, v21;
	v1 =	vadd.f32 v14, v1  }
0x26e: {  	v31 =	vld.idx.msk [tilespmem:v33+s13+$0x0], $0xffff;
	v10 =	vmul.f32 v19, v19;
	v0 =	vadd.f32 v32, v0;
	v14 =	vadd.f32 v61, v25  }
0x26f: {  	v19 =	vmul.f32 v4, v56;
	v15 =	vadd.f32 v20, v21;
	[tilespmem:$0x1FBE0] =	vst v1;
	v1 =	vadd.f32 v16, v9  }
0x270: {  	v4 =	vmul.f32 v4, v4;
	v20 =	vld.idx.msk [tilespmem:v30+s13+$0x0], $0xffff;
	v9 =	vadd.f32 v18, v0;
	v0 =	vadd.f32 v8, v2  }
0x271: {  	v2 =	vadd.f32 v60, v24;
	v8 =	vmul.f32 v45, v56;
	[tilespmem:$0x1FBF0] =	vst v1;
	v1 =	vadd.f32 v17, v15  }
0x272: {  	v6 =	vld.idx.msk [tilespmem:v6+s13+$0x0], $0xffff;
	v16 =	vmul.f32 v45, v45;
	v15 =	vadd.f32 v62, v59;
	v0 =	vadd.f32 v19, v0  }
0x273: {  	v3 =	vld.idx.msk [tilespmem:v3+s13+$0x0], $0xffff;
	v2 =	vadd.f32 v4, v2;
	v4 =	vmul.f32 v31, v55;
	v8 =	vadd.f32 v8, v14  }
0x274: {  	[tilespmem:$0x1FBD0] =	vst v1;
	v14 =	vadd.f32 v16, v15;
	v15 =	vmul.f32 v31, v31;
	v0 =	vadd.f32 v26, v0;
	v1 =	vld [tilespmem:$0x1FCB0]  }
0x275: {  	v2 =	vadd.f32 v10, v2;
	v4 =	vadd.f32 v4, v8;
	v10 =	vmul.f32 v20, v54  }
0x276: {  	v16 =	vld.idx.msk [tilespmem:v23+s13+$0x0], $0xffff;
	v8 =	vadd.f32 v15, v14;
	v14 =	vmul.f32 v20, v20;
	v0 =	vadd.f32 v46, v0  }
0x277: {  	v2 =	vadd.f32 v13, v2;
	v13 =	vmul.f32 v6, v53;
	v4 =	vadd.f32 v10, v4  }
0x278: {  	v6 =	vmul.f32 v6, v6;
	v8 =	vadd.f32 v14, v8;
	v0 =	vadd.f32 v22, v0  }
0x279: {  	v10 =	vmul.f32 v3, v52;
	v2 =	vadd.f32 v44, v2;
	v4 =	vadd.f32 v13, v4  }
0x27a: {  	v3 =	vmul.f32 v3, v3;
	v6 =	vadd.f32 v6, v8;
	v0 =	vadd.f32 v11, v0  }
0x27b: {  	v2 =	vadd.f32 v12, v2;
	v8 =	vmul.f32 v16, v51;
	v4 =	vadd.f32 v10, v4  }
0x27c: {  	v15 =	vld.idx.msk [tilespmem:v1+s13+$0x0], $0xffff;
	v3 =	vadd.f32 v3, v6;
	v6 =	vmul.f32 v16, v16;
	v0 =	vadd.f32 v5, v0  }
0x27d: {  	s24 =	sadd.s32 $0x4, s17;
	v5 =	vadd.f32 v7, v2;
	v4 =	vadd.f32 v8, v4  }
0x27e: {  	s20 =	sadd.s32 $0x7, s17;
	v8 =	vmov s24;
	v3 =	vadd.f32 v6, v3;
	v2 =	vadd.f32 v57, v0  }
0x27f: {  	v24 =	vadd.f32 v58, v5;
	v0 =	vmov s17;
	v5 =	vmov s20  }
0x280: {  	s20 =	sadd.s32 $0x1, s17;
	v19 =	vand.u32 $0x7C, v8;
	v20 =	vshll.u32 v8, $0x3;
	v10 =	vand.u32 $0x78, v0  }
0x281: {  	v11 =	vshll.u32 v0, $0x3;
	v12 =	vmov s20;
	v7 =	vmul.f32 v15, v50  }
0x282: {  	s19 =	sadd.s32 $0x6, s17;
	v28 =	vld [tilespmem:$0x1FFF0];
	v14 =	vand.u32 $0x7F, v5;
	v11 =	vand.u32 $0x400, v11;
	v6 =	vmul.f32 v15, v15  }
0x283: {  	s18 =	sadd.s32 $0x5, s17;
	v37 =	vld [tilespmem:$0x1FFE0];
	v23 =	vand.u32 $0x79, v12;
	v25 =	vadd.f32 v7, v4;
	v4 =	vmov s19  }
0x284: {  	s22 =	sadd.s32 $0x2, s17;
	v45 =	vld [tilespmem:$0x1FF20];
	v15 =	vshll.u32 v5, $0x3;
	v59 =	vadd.f32 v6, v3;
	v3 =	vmov s18  }
0x285: {  	s23 =	sadd.s32 $0x3, s17;
	v26 =	vshll.u32 v12, $0x3;
	v53 =	vld.idx.msk [tilespmem:v8+s31+$0x0], $0xffff;
	v15 =	vand.u32 $0x400, v15;
	v6 =	vmov s22  }
0x286: {  	v7 =	vmov s23;
	v50 =	vld.idx.msk [tilespmem:v5+s31+$0x0], $0xffff;
	v5 =	vor.u32 v10, v11;
	v14 =	vor.u32 v14, v15  }
0x287: {  	v0 =	vld.idx.msk [tilespmem:v0+s31+$0x0], $0xffff;
	v13 =	vand.u32 $0x7E, v4;
	v16 =	vand.u32 $0x7D, v3;
	v17 =	vshll.u32 v3, $0x3  }
0x288: {  	v18 =	vshll.u32 v4, $0x3;
	v10 =	vand.u32 $0x7B, v7;
	v51 =	vld.idx.msk [tilespmem:v4+s31+$0x0], $0xffff;
	v4 =	vor.u32 v28, v5  }
0x289: {  	v11 =	vshll.u32 v7, $0x3;
	v21 =	vand.u32 $0x7A, v6;
	v52 =	vld.idx.msk [tilespmem:v3+s31+$0x0], $0xffff;
	v3 =	vor.u32 v37, v5  }
0x28a: {  	v22 =	vshll.u32 v6, $0x3;
	v8 =	vor.u32 v45, v5;
	v56 =	vld.idx.msk [tilespmem:v12+s31+$0x0], $0xffff;
	v12 =	vand.u32 $0x400, v20  }
0x28b: {  	v15 =	vor.u32 v28, v14;
	v20 =	vor.u32 v37, v14;
	v1 =	vor.u32 v29, v14;
	v54 =	vld.idx.msk [tilespmem:v7+s31+$0x0], $0xffff  }
0x28c: {  	v11 =	vand.u32 $0x400, v11;
	v12 =	vor.u32 v19, v12;
	v5 =	vor.u32 v29, v5;
	v55 =	vld.idx.msk [tilespmem:v6+s31+$0x0], $0xffff  }
0x28d: {  	v7 =	vand.u32 $0x400, v18;
	v6 =	vand.u32 $0x400, v17;
	v18 =	vand.u32 $0x400, v22;
	v4 =	vld.idx.msk [tilespmem:v4+s13+$0x0], $0xffff  }
0x28e: {  	v22 =	vld.idx.msk [tilespmem:v3+s13+$0x0], $0xffff;
	v3 =	vor.u32 v16, v6;
	v6 =	vor.u32 v13, v7;
	v7 =	vor.u32 v45, v14  }
0x28f: {  	v11 =	vor.u32 v10, v11;
	v27 =	vor.u32 v37, v12;
	v13 =	vld.idx.msk [tilespmem:v8+s13+$0x0], $0xffff;
	v8 =	vor.u32 v28, v6  }
0x290: {  	[tilespmem:$0x1FCB0] =	vst v1;
	v17 =	vand.u32 $0x400, v26;
	v19 =	vor.u32 v21, v18;
	v18 =	vld.idx.msk [tilespmem:v20+s13+$0x0], $0xffff;
	v14 =	vor.u32 v28, v3  }
0x291: {  	v35 =	vor.u32 v45, v12;
	v26 =	vor.u32 v23, v17;
	v5 =	vld.idx.msk [tilespmem:v5+s13+$0x0], $0xffff;
	v21 =	vor.u32 v45, v3  }
0x292: {  	v10 =	vor.u32 v37, v6;
	v16 =	vor.u32 v45, v6;
	v23 =	vor.u32 v29, v6;
	v6 =	vld.idx.msk [tilespmem:v15+s13+$0x0], $0xffff  }
0x293: {  	v63 =	vor.u32 v37, v11;
	v46 =	vmul.f32 v4, v0;
	v1 =	vmul.f32 v4, v4;
	v4 =	vld.idx.msk [tilespmem:v7+s13+$0x0], $0xffff  }
0x294: {  	v43 =	vor.u32 v45, v11;
	v31 =	vor.u32 v28, v26;
	v15 =	vor.u32 v37, v3;
	v20 =	vld.idx.msk [tilespmem:v8+s13+$0x0], $0xffff  }
0x295: {  	v47 =	vor.u32 v37, v26;
	v34 =	vmul.f32 v22, v0;
	v36 =	vmul.f32 v22, v22;
	v30 =	vld.idx.msk [tilespmem:v14+s13+$0x0], $0xffff  }
0x296: {  	v7 =	vor.u32 v28, v12;
	v60 =	vmul.f32 v13, v13;
	v61 =	vmul.f32 v5, v0;
	v21 =	vld.idx.msk [tilespmem:v21+s13+$0x0], $0xffff  }
0x297: {  	v62 =	vmul.f32 v5, v5;
	v5 =	vor.u32 v28, v19;
	v8 =	vmul.f32 v13, v0;
	v13 =	vld.idx.msk [tilespmem:v10+s13+$0x0], $0xffff  }
0x298: {  	v0 =	vor.u32 v28, v11;
	v22 =	vld.idx.msk [tilespmem:v16+s13+$0x0], $0xffff;
	v14 =	vmul.f32 v6, v50;
	v16 =	vmul.f32 v6, v6  }
0x299: {  	v33 =	vld.idx.msk [tilespmem:v15+s13+$0x0], $0xffff;
	v6 =	vor.u32 v29, v12;
	v57 =	vmul.f32 v4, v50;
	v58 =	vmul.f32 v4, v4  }
0x29a: {  	v28 =	vld.idx.msk [tilespmem:v31+s13+$0x0], $0xffff;
	v4 =	vor.u32 v37, v19;
	v31 =	vmul.f32 v30, v52;
	v37 =	vmul.f32 v30, v30  }
0x29b: {  	v30 =	vor.u32 v29, v11;
	v11 =	vmul.f32 v21, v52;
	v12 =	vmul.f32 v21, v21;
	v21 =	vld [tilespmem:$0x1FBE0]  }
0x29c: {  	v17 =	vmul.f32 v18, v50;
	v48 =	vld.idx.msk [tilespmem:v7+s13+$0x0], $0xffff  }
0x29d: {  	v44 =	vor.u32 v45, v19;
	v10 =	vmul.f32 v20, v51;
	v15 =	vmul.f32 v20, v20;
	v49 =	vld.idx.msk [tilespmem:v0+s13+$0x0], $0xffff  }
0x29e: {  	v41 =	vor.u32 v29, v26;
	v20 =	vmul.f32 v13, v51;
	v32 =	vmul.f32 v13, v13;
	v13 =	vld.idx.msk [tilespmem:v5+s13+$0x0], $0xffff  }
0x29f: {  	v45 =	vor.u32 v45, v26;
	v5 =	vmul.f32 v22, v51;
	v7 =	vmul.f32 v22, v22;
	v0 =	vld.idx.msk [tilespmem:v47+s13+$0x0], $0xffff  }
0x2a0: {  	p0 =	slt.u32 s17, $0xF8;
	v40 =	vmul.f32 v33, v52;
	v42 =	vmul.f32 v33, v33;
	v26 =	vadd.f32 v46, v21;
	v21 =	vld [tilespmem:$0x1FBF0]  }
.Ltmp2:
0x2a1: {  	v33 =	vor.u32 v29, v19;
	v19 =	vld.idx.msk [tilespmem:v63+s13+$0x0], $0xffff;
	v63 =	vmul.f32 v28, v56;
	v38 =	vmul.f32 v48, v53;
	(pc) =	sbr.rel @p0 .LBB2_6-.Ltmp2, $4  }
0x2a2: {  	v39 =	vmul.f32 v48, v48;
	v47 =	vmul.f32 v49, v54  }
0x2a3: {  	v4 =	vld.idx.msk [tilespmem:v4+s13+$0x0], $0xffff;
	v48 =	vmul.f32 v49, v49;
	v22 =	vmul.f32 v13, v55  }
0x2a4: {  	v3 =	vor.u32 v29, v3;
	v49 =	vmul.f32 v13, v13;
	v13 =	vmul.f32 v28, v28;
	v28 =	vld [tilespmem:$0x1FBD0]  }
0x2a5: {  	s17 =	sadd.s32 $0x8, s17;
	v18 =	vmul.f32 v18, v18;
	v46 =	vmul.f32 v0, v56;
	v21 =	vadd.f32 v1, v21;
	v1 =	vld.idx.msk [tilespmem:v27+s13+$0x0], $0xffff  }
0x2a6: {  	v9 =	vadd.f32 v36, v9;
	v0 =	vmul.f32 v0, v0  }
0x2a7: {  	v26 =	vadd.f32 v63, v26;
	v13 =	vadd.f32 v13, v21  }
0x2a8: {  	v21 =	vmul.f32 v4, v55;
	v0 =	vadd.f32 v0, v9;
	v4 =	vmul.f32 v4, v4  }
0x2a9: {  	v9 =	vadd.f32 v22, v26;
	v27 =	vadd.f32 v34, v28  }
0x2aa: {  	v13 =	vadd.f32 v49, v13;
	v0 =	vadd.f32 v4, v0;
	v4 =	vmul.f32 v19, v19  }
0x2ab: {  	v9 =	vadd.f32 v47, v9;
	v27 =	vadd.f32 v46, v27  }
0x2ac: {  	v13 =	vadd.f32 v48, v13;
	v0 =	vadd.f32 v4, v0  }
0x2ad: {  	v22 =	vmul.f32 v19, v54;
	v4 =	vadd.f32 v38, v9;
	v21 =	vadd.f32 v21, v27  }
0x2ae: {  	v19 =	vmul.f32 v1, v53;
	v1 =	vmul.f32 v1, v1;
	v9 =	vadd.f32 v39, v13  }
0x2af: {  	v28 =	vld.idx.msk [tilespmem:v35+s13+$0x0], $0xffff;
	v4 =	vadd.f32 v31, v4;
	v21 =	vadd.f32 v22, v21  }
0x2b0: {  	v0 =	vadd.f32 v1, v0;
	v9 =	vadd.f32 v37, v9  }
0x2b1: {  	v26 =	vld.idx.msk [tilespmem:v43+s13+$0x0], $0xffff;
	v4 =	vadd.f32 v10, v4;
	v19 =	vadd.f32 v19, v21  }
0x2b2: {  	v22 =	vld.idx.msk [tilespmem:v45+s13+$0x0], $0xffff;
	v0 =	vadd.f32 v42, v0;
	v9 =	vadd.f32 v15, v9  }
0x2b3: {  	v27 =	vld.idx.msk [tilespmem:v44+s13+$0x0], $0xffff;
	v4 =	vadd.f32 v14, v4;
	v19 =	vadd.f32 v40, v19  }
0x2b4: {  	v13 =	vmul.f32 v28, v53;
	v1 =	vmul.f32 v28, v28;
	v28 =	vld.idx.msk [tilespmem:v41+s13+$0x0], $0xffff;
	v0 =	vadd.f32 v32, v0  }
0x2b5: {  	v10 =	vld.idx.msk [tilespmem:v33+s13+$0x0], $0xffff;
	[tilespmem:$0x1FB30] =	vst v4;
	v4 =	vadd.f32 v16, v9;
	v19 =	vadd.f32 v20, v19  }
0x2b6: {  	v0 =	vadd.f32 v18, v0  }
0x2b7: {  	v9 =	vmul.f32 v22, v22;
	v16 =	vadd.f32 v62, v59;
	[tilespmem:$0x1FB40] =	vst v4;
	v14 =	vadd.f32 v17, v19  }
0x2b8: {  	v4 =	vld.idx.msk [tilespmem:v30+s13+$0x0], $0xffff;
	[tilespmem:$0x1FB60] =	vst v0;
	v0 =	vadd.f32 v8, v2;
	v2 =	vadd.f32 v60, v24  }
0x2b9: {  	v8 =	vmul.f32 v28, v56;
	v17 =	vmul.f32 v28, v28;
	[tilespmem:$0x1FB50] =	vst v14;
	v14 =	vadd.f32 v61, v25  }
0x2ba: {  	v20 =	vmul.f32 v22, v56;
	v2 =	vadd.f32 v9, v2;
	v9 =	vmul.f32 v10, v55  }
0x2bb: {  	v10 =	vmul.f32 v10, v10;
	v8 =	vadd.f32 v8, v14;
	v14 =	vadd.f32 v17, v16  }
0x2bc: {  	v31 =	vmul.f32 v27, v55;
	v0 =	vadd.f32 v20, v0  }
0x2bd: {  	v8 =	vadd.f32 v9, v8;
	v9 =	vadd.f32 v10, v14;
	v14 =	vld [tilespmem:$0x1FCB0]  }
0x2be: {  	v21 =	vmul.f32 v26, v54;
	v15 =	vmul.f32 v27, v27;
	v6 =	vld.idx.msk [tilespmem:v6+s13+$0x0], $0xffff;
	v0 =	vadd.f32 v31, v0;
	_ =	sdelay $0x1  }
0x2bf: {  	v26 =	vmul.f32 v26, v26;
	v3 =	vld.idx.msk [tilespmem:v3+s13+$0x0], $0xffff;
	v2 =	vadd.f32 v15, v2;
	v0 =	vadd.f32 v21, v0  }
0x2c0: {  	v15 =	vmul.f32 v4, v54;
	v4 =	vmul.f32 v4, v4  }
0x2c1: {  	v2 =	vadd.f32 v26, v2;
	v0 =	vadd.f32 v13, v0  }
0x2c2: {  	v16 =	vld.idx.msk [tilespmem:v23+s13+$0x0], $0xffff;
	v10 =	vmul.f32 v6, v53;
	v8 =	vadd.f32 v15, v8;
	v4 =	vadd.f32 v4, v9  }
0x2c3: {  	v1 =	vadd.f32 v1, v2;
	v0 =	vadd.f32 v11, v0  }
0x2c4: {  	v6 =	vmul.f32 v6, v6;
	v2 =	vmul.f32 v3, v52;
	v8 =	vadd.f32 v10, v8;
	v14 =	vld.idx.msk [tilespmem:v14+s13+$0x0], $0xffff  }
0x2c5: {  	v1 =	vadd.f32 v12, v1;
	v0 =	vadd.f32 v5, v0  }
0x2c6: {  	v3 =	vmul.f32 v3, v3;
	v4 =	vadd.f32 v6, v4;
	v2 =	vadd.f32 v2, v8  }
0x2c7: {  	v6 =	vmul.f32 v16, v51;
	v1 =	vadd.f32 v7, v1;
	v0 =	vadd.f32 v57, v0  }
0x2c8: {  	v3 =	vadd.f32 v3, v4;
	v4 =	vmul.f32 v16, v16  }
0x2c9: {  	v2 =	vadd.f32 v6, v2;
	[tilespmem:$0x1FB70] =	vst v0;
	v0 =	vadd.f32 v58, v1;
	v5 =	vmul.f32 v14, v50;
	_ =	sdelay $0x1  }
0x2ca: {  	v3 =	vadd.f32 v4, v3;
	[tilespmem:$0x1FB80] =	vst v0;
	v4 =	vmul.f32 v14, v14;
	v0 =	vadd.f32 v5, v2  }
0x2cb: {  	s23 =	simm.s32 $0x4  }
0x2cc: {  	v6 =	vmov s23;
	[tilespmem:$0x1FB90] =	vst v0;
	v0 =	vadd.f32 v4, v3  }
0x2cd: {  	s18 =	simm.s32 $0x5;
	s24 =	simm.s32 $0x7;
	v16 =	vand.u32 $0x7C, v6  }
0x2ce: {  	s19 =	simm.s32 $0x6;
	v17 =	vshll.u32 v6, $0x3;
	v1 =	vmov s18;
	v3 =	vmov s24;
	[tilespmem:$0x1FBA0] =	vst v0  }
0x2cf: {  	s22 =	simm.s32 $0x3;
	v13 =	vand.u32 $0x7D, v1;
	v14 =	vshll.u32 v1, $0x3;
	v2 =	vmov s19;
	_ =	swait.ge [sflag:s3], $0x4000  }
0x2d0: {  	s20 =	simm.s32 $0x2;
	v5 =	vmov s22;
	v10 =	vand.u32 $0x7E, v2;
	v15 =	vshll.u32 v2, $0x3;
	s24 =	simm.s32 $0x1;
	v30 =	vld [tilespmem:$0x1FFF0]  }
0x2d1: {  	s17 =	simm.s32 $0x0;
	v4 =	vmov s20;
	v15 =	vand.u32 $0x400, v15;
	v9 =	vmov s24;
	[sflag:s3] =	ssyncset.done $0x0;
	v50 =	vld [tilespmem:$0x1FFE0]  }
0x2d2: {  	v11 =	vand.u32 $0x7F, v3;
	v12 =	vshll.u32 v3, $0x3;
	v0 =	vmov s17;
	v53 =	vld [tilespmem:$0x1FF20];
	[sflag:s3] =	ssyncadd.s32 $0xFFFFC000  }
0x2d3: {  	v18 =	vand.u32 $0x7A, v4;
	v19 =	vshll.u32 v4, $0x3;
	v8 =	vshll.u32 v0, $0x3;
	v54 =	vld.idx.msk [tilespmem:v3+s31+$0x0], $0xffff  }
0x2d4: {  	v10 =	vor.u32 v10, v15;
	v7 =	vand.u32 $0x78, v0;
	v8 =	vand.u32 $0x400, v8;
	v55 =	vld.idx.msk [tilespmem:v2+s31+$0x0], $0xffff  }
0x2d5: {  	v20 =	vand.u32 $0x79, v9;
	v22 =	vshll.u32 v9, $0x3;
	v3 =	vor.u32 v7, v8;
	v56 =	vld.idx.msk [tilespmem:v1+s31+$0x0], $0xffff  }
0x2d6: {  	v7 =	vand.u32 $0x7B, v5;
	v8 =	vshll.u32 v5, $0x3;
	v58 =	vld.idx.msk [tilespmem:v6+s31+$0x0], $0xffff;
	v2 =	vor.u32 v30, v3  }
0x2d7: {  	v61 =	vld.idx.msk [tilespmem:v5+s31+$0x0], $0xffff;
	v5 =	vand.u32 $0x400, v12;
	v12 =	vand.u32 $0x400, v14;
	v1 =	vor.u32 v50, v3  }
0x2d8: {  	v21 =	vld.idx.msk [tilespmem:v4+s31+$0x0], $0xffff;
	v14 =	vand.u32 $0x400, v19;
	v4 =	vor.u32 v11, v5;
	v6 =	vor.u32 v53, v3  }
0x2d9: {  	v23 =	vld.idx.msk [tilespmem:v9+s31+$0x0], $0xffff;
	v5 =	vand.u32 $0x400, v8;
	v8 =	vand.u32 $0x400, v17;
	v3 =	vor.u32 v29, v3  }
0x2da: {  	v0 =	vld.idx.msk [tilespmem:v0+s31+$0x0], $0xffff;
	v11 =	vand.u32 $0x400, v22;
	v12 =	vor.u32 v13, v12;
	v9 =	vor.u32 v30, v4  }
0x2db: {  	v5 =	vor.u32 v7, v5;
	v7 =	vor.u32 v16, v8;
	v13 =	vor.u32 v53, v4;
	v2 =	vld.idx.msk [tilespmem:v2+s21+$0x0], $0xffff  }
0x2dc: {  	v22 =	vor.u32 v20, v11;
	v17 =	vor.u32 v50, v4;
	v8 =	vor.u32 v30, v10;
	v1 =	vld.idx.msk [tilespmem:v1+s21+$0x0], $0xffff  }
0x2dd: {  	v11 =	vor.u32 v50, v10;
	v15 =	vor.u32 v53, v10;
	v10 =	vor.u32 v29, v10;
	v6 =	vld.idx.msk [tilespmem:v6+s21+$0x0], $0xffff  }
0x2de: {  	v18 =	vor.u32 v18, v14;
	v62 =	vor.u32 v29, v4;
	v3 =	vld.idx.msk [tilespmem:v3+s21+$0x0], $0xffff;
	[tilespmem:$0x1FBB0] =	vst v10  }
0x2df: {  	v4 =	vor.u32 v30, v12;
	v19 =	vor.u32 v50, v12;
	v24 =	vor.u32 v53, v12;
	v9 =	vld.idx.msk [tilespmem:v9+s21+$0x0], $0xffff  }
0x2e0: {  	v26 =	vmul.f32 v2, v0;
	v27 =	vmul.f32 v2, v2;
	v2 =	vor.u32 v29, v12;
	v12 =	vld.idx.msk [tilespmem:v13+s21+$0x0], $0xffff  }
0x2e1: {  	v63 =	vimm.f32 $0.0e+00;
	v39 =	vor.u32 v29, v18;
	v25 =	vor.u32 v30, v7;
	v17 =	vld.idx.msk [tilespmem:v17+s21+$0x0], $0xffff  }
0x2e2: {  	v28 =	vor.u32 v50, v7;
	v8 =	vld.idx.msk [tilespmem:v8+s21+$0x0], $0xffff;
	v31 =	vmul.f32 v1, v0;
	v44 =	vmul.f32 v1, v1  }
0x2e3: {  	v59 =	vor.u32 v50, v18;
	v11 =	vld.idx.msk [tilespmem:v11+s21+$0x0], $0xffff;
	v16 =	vmul.f32 v6, v0;
	v14 =	vmul.f32 v6, v6  }
0x2e4: {  	v32 =	vor.u32 v29, v7;
	v4 =	vld.idx.msk [tilespmem:v4+s21+$0x0], $0xffff;
	v1 =	vmul.f32 v3, v0;
	v13 =	vmul.f32 v3, v3  }
0x2e5: {  	v19 =	vld.idx.msk [tilespmem:v19+s21+$0x0], $0xffff;
	v0 =	vor.u32 v30, v5;
	v60 =	vmul.f32 v12, v54;
	v12 =	vmul.f32 v12, v12  }
0x2e6: {  	v3 =	vld.idx.msk [tilespmem:v15+s21+$0x0], $0xffff;
	v6 =	vmul.f32 v9, v54;
	v10 =	vmul.f32 v9, v9;
	v9 =	vor.u32 v30, v18  }
0x2e7: {  	v20 =	vmul.f32 v17, v54;
	v15 =	vmul.f32 v17, v17;
	v17 =	vor.u32 v30, v22;
	[tilespmem:$0x1FBC0] =	vst v12  }
0x2e8: {  	v41 =	vor.u32 v53, v5;
	v42 =	vor.u32 v29, v5;
	v34 =	vmul.f32 v8, v55;
	v57 =	vld.idx.msk [tilespmem:v24+s21+$0x0], $0xffff  }
0x2e9: {  	v36 =	vmul.f32 v8, v8;
	v37 =	vmul.f32 v11, v55;
	v12 =	vor.u32 v50, v22;
	v8 =	vld.idx.msk [tilespmem:v25+s21+$0x0], $0xffff  }
0x2ea: {  	v43 =	vor.u32 v53, v18;
	v40 =	vmul.f32 v11, v11;
	v33 =	vmul.f32 v4, v56;
	v0 =	vld.idx.msk [tilespmem:v0+s21+$0x0], $0xffff  }
0x2eb: {  	v52 =	vor.u32 v29, v22;
	v24 =	vmul.f32 v3, v55;
	v25 =	vmul.f32 v3, v3;
	v3 =	vld.idx.msk [tilespmem:v9+s21+$0x0], $0xffff  }
0x2ec: {  	v30 =	vor.u32 v53, v7;
	v35 =	vmul.f32 v4, v4;
	v45 =	vmul.f32 v19, v56;
	v7 =	vld.idx.msk [tilespmem:v17+s21+$0x0], $0xffff  }
0x2ed: {  	v38 =	vmul.f32 v19, v19;
	v53 =	vor.u32 v53, v22;
	v17 =	vor.u32 v50, v5;
	v19 =	vld.idx.msk [tilespmem:v59+s21+$0x0], $0xffff  }
0x2ee: {  	v59 =	vadd.f32 v26, v63;
	v4 =	vld.idx.msk [tilespmem:v12+s21+$0x0], $0xffff;
	v11 =	vmul.f32 v57, v56;
	v9 =	vmul.f32 v57, v57  }
0x2ef: {  	v26 =	vadd.f32 v27, v63;
	v48 =	vmul.f32 v8, v58;
	v49 =	vmul.f32 v8, v8  }
0x2f0: {  	v5 =	vimm.f32 $0.0e+00;
	v46 =	vmul.f32 v0, v61;
	v0 =	vmul.f32 v0, v0  }
0x2f1: {  	v12 =	vimm.f32 $0.0e+00;
	v50 =	vmul.f32 v3, v21;
	v47 =	vmul.f32 v3, v3  }
0x2f2: {  	v18 =	vmul.f32 v7, v23;
	v51 =	vmul.f32 v7, v7;
	v22 =	vld.idx.msk [tilespmem:v17+s21+$0x0], $0xffff;
	v7 =	vimm.f32 $0.0e+00  }
0x2f3: {  	s17 =	simm.s32 $0x8;
	v17 =	vld.idx.msk [tilespmem:v28+s21+$0x0], $0xffff;
	v8 =	vimm.f32 $0.0e+00;
	v3 =	vimm.f32 $0.0e+00;
	v57 =	vmul.f32 v4, v23  }
.LBB2_8:
0x2f4: {  	_ =	sdelay $0x1  }
0x2f5: {  	v12 =	vadd.f32 v44, v12  }
0x2f6: {  	v4 =	vmul.f32 v4, v4;
	v1 =	vadd.f32 v1, v8;
	v3 =	vadd.f32 v13, v3  }
0x2f7: {  	v18 =	vadd.f32 v18, v59;
	v27 =	vadd.f32 v31, v63  }
0x2f8: {  	v26 =	vadd.f32 v51, v26;
	v4 =	vadd.f32 v4, v12;
	v12 =	vmul.f32 v19, v19  }
0x2f9: {  	v18 =	vadd.f32 v50, v18;
	v28 =	vmul.f32 v19, v21;
	v27 =	vadd.f32 v57, v27  }
0x2fa: {  	v19 =	vadd.f32 v47, v26;
	v4 =	vadd.f32 v12, v4;
	v12 =	vmul.f32 v22, v22  }
0x2fb: {  	v26 =	vmul.f32 v22, v61;
	v18 =	vadd.f32 v46, v18;
	v27 =	vadd.f32 v28, v27  }
0x2fc: {  	v0 =	vadd.f32 v0, v19;
	v4 =	vadd.f32 v12, v4;
	v12 =	vmul.f32 v17, v17  }
0x2fd: {  	v30 =	vld.idx.msk [tilespmem:v30+s21+$0x0], $0xffff;
	v19 =	vmul.f32 v17, v58;
	v17 =	vadd.f32 v48, v18;
	v26 =	vadd.f32 v26, v27  }
0x2fe: {  	v0 =	vadd.f32 v49, v0;
	v4 =	vadd.f32 v12, v4  }
0x2ff: {  	v31 =	vld.idx.msk [tilespmem:v41+s21+$0x0], $0xffff;
	v12 =	vadd.f32 v33, v17;
	v19 =	vadd.f32 v19, v26  }
0x300: {  	v27 =	vld.idx.msk [tilespmem:v53+s21+$0x0], $0xffff;
	v0 =	vadd.f32 v35, v0;
	v4 =	vadd.f32 v38, v4  }
0x301: {  	v22 =	vld.idx.msk [tilespmem:v43+s21+$0x0], $0xffff;
	v12 =	vadd.f32 v34, v12;
	v17 =	vadd.f32 v45, v19  }
0x302: {  	v18 =	vmul.f32 v30, v58;
	v28 =	vld.idx.msk [tilespmem:v52+s21+$0x0], $0xffff;
	v0 =	vadd.f32 v36, v0;
	v4 =	vadd.f32 v40, v4  }
0x303: {  	v51 =	vld.idx.msk [tilespmem:v39+s21+$0x0], $0xffff;
	v26 =	vmul.f32 v30, v30;
	v59 =	vadd.f32 v6, v12;
	v52 =	vadd.f32 v37, v17  }
0x304: {  	v30 =	vmul.f32 v31, v61;
	v0 =	vadd.f32 v10, v0;
	v10 =	vld [tilespmem:$0x1FBB0];
	v12 =	vadd.f32 v15, v4  }
0x305: {  	v63 =	vld.idx.msk [tilespmem:v42+s21+$0x0], $0xffff;
	v53 =	vmul.f32 v27, v23;
	v4 =	vadd.f32 v16, v5;
	v6 =	vadd.f32 v20, v52  }
0x306: {  	v31 =	vmul.f32 v31, v31;
	[tilespmem:$0x1FB10] =	vst v0;
	v0 =	vmul.f32 v27, v27;
	v5 =	vadd.f32 v14, v7  }
0x307: {  	v19 =	vmul.f32 v22, v21;
	v4 =	vadd.f32 v53, v4;
	[tilespmem:$0x1FB20] =	vst v6;
	v6 =	vmul.f32 v28, v23  }
0x308: {  	v8 =	vmul.f32 v28, v28;
	v22 =	vmul.f32 v22, v22;
	v7 =	vld.idx.msk [tilespmem:v32+s21+$0x0], $0xffff;
	v0 =	vadd.f32 v0, v5  }
0x309: {  	v5 =	vmul.f32 v51, v21;
	v4 =	vadd.f32 v19, v4;
	v1 =	vadd.f32 v6, v1  }
0x30a: {  	v2 =	vld.idx.msk [tilespmem:v2+s21+$0x0], $0xffff;
	v3 =	vadd.f32 v8, v3;
	v0 =	vadd.f32 v22, v0;
	v6 =	vmul.f32 v51, v51  }
0x30b: {  	v8 =	vmul.f32 v63, v61;
	v4 =	vadd.f32 v30, v4;
	v1 =	vadd.f32 v5, v1  }
0x30c: {  	v10 =	vld.idx.msk [tilespmem:v10+s21+$0x0], $0xffff;
	v0 =	vadd.f32 v31, v0;
	v3 =	vadd.f32 v6, v3;
	v5 =	vmul.f32 v63, v63  }
0x30d: {  	v6 =	vmul.f32 v7, v58;
	v4 =	vadd.f32 v18, v4;
	v1 =	vadd.f32 v8, v1  }
0x30e: {  	v13 =	vld.idx.msk [tilespmem:v62+s21+$0x0], $0xffff;
	v0 =	vadd.f32 v26, v0;
	v3 =	vadd.f32 v5, v3;
	v5 =	vmul.f32 v7, v7  }
0x30f: {  	v7 =	vmul.f32 v2, v56;
	v4 =	vadd.f32 v11, v4;
	v1 =	vadd.f32 v6, v1  }
0x310: {  	s23 =	sadd.s32 $0x3, s17;
	v2 =	vmul.f32 v2, v2;
	v0 =	vadd.f32 v9, v0;
	v3 =	vadd.f32 v5, v3  }
0x311: {  	v9 =	vmov s23;
	v5 =	vmul.f32 v10, v55;
	v1 =	vadd.f32 v7, v1  }
0x312: {  	s24 =	sadd.s32 $0x4, s17;
	v4 =	vadd.f32 v24, v4;
	v2 =	vadd.f32 v2, v3;
	v3 =	vmul.f32 v10, v10  }
0x313: {  	v6 =	vmul.f32 v13, v54;
	v10 =	vmov s24;
	v1 =	vadd.f32 v5, v1  }
0x314: {  	v2 =	vadd.f32 v3, v2;
	v3 =	vmul.f32 v13, v13;
	v5 =	vadd.f32 v60, v4;
	v4 =	vld [tilespmem:$0x1FBC0]  }
0x315: {  	s19 =	sadd.s32 $0x6, s17;
	v0 =	vadd.f32 v25, v0;
	v22 =	vand.u32 $0x7C, v10;
	v24 =	vshll.u32 v10, $0x3  }
0x316: {  	s18 =	sadd.s32 $0x5, s17;
	s22 =	sadd.s32 $0x2, s17;
	v8 =	vadd.f32 v6, v1;
	v3 =	vadd.f32 v3, v2;
	v2 =	vmov s19  }
0x317: {  	v1 =	vmov s18;
	v6 =	vmov s22;
	v15 =	vand.u32 $0x7E, v2  }
0x318: {  	s20 =	sadd.s32 $0x7, s17;
	v19 =	vand.u32 $0x7D, v1;
	v20 =	vshll.u32 v1, $0x3;
	v21 =	vshll.u32 v2, $0x3  }
0x319: {  	v38 =	vld [tilespmem:$0x1FFF0];
	v7 =	vadd.f32 v4, v0;
	v0 =	vmov s17;
	v4 =	vmov s20  }
0x31a: {  	v50 =	vld [tilespmem:$0x1FF20];
	v25 =	vand.u32 $0x7A, v6;
	v26 =	vshll.u32 v6, $0x3;
	s20 =	sadd.s32 $0x1, s17;
	v11 =	vand.u32 $0x78, v0  }
0x31b: {  	v41 =	vld [tilespmem:$0x1FFE0];
	v13 =	vshll.u32 v0, $0x3;
	v14 =	vmov s20;
	v18 =	vshll.u32 v4, $0x3  }
0x31c: {  	v61 =	vld.idx.msk [tilespmem:v9+s31+$0x0], $0xffff;
	v16 =	vand.u32 $0x7F, v4;
	v13 =	vand.u32 $0x400, v13;
	v18 =	vand.u32 $0x400, v18  }
0x31d: {  	v55 =	vld.idx.msk [tilespmem:v2+s31+$0x0], $0xffff;
	v27 =	vand.u32 $0x79, v14;
	v28 =	vshll.u32 v14, $0x3;
	v16 =	vor.u32 v16, v18  }
0x31e: {  	v18 =	vor.u32 v38, v16;
	v54 =	vld.idx.msk [tilespmem:v4+s31+$0x0], $0xffff;
	v4 =	vor.u32 v11, v13;
	v11 =	vand.u32 $0x7B, v9  }
0x31f: {  	v13 =	vshll.u32 v9, $0x3;
	v9 =	vand.u32 $0x400, v21;
	v21 =	vld.idx.msk [tilespmem:v6+s31+$0x0], $0xffff;
	v6 =	vand.u32 $0x400, v20  }
0x320: {  	v56 =	vld.idx.msk [tilespmem:v1+s31+$0x0], $0xffff;
	v20 =	vand.u32 $0x400, v28;
	v2 =	vor.u32 v38, v4;
	v1 =	vor.u32 v41, v4  }
0x321: {  	v58 =	vld.idx.msk [tilespmem:v10+s31+$0x0], $0xffff;
	v10 =	vor.u32 v50, v4;
	v4 =	vor.u32 v29, v4;
	v13 =	vand.u32 $0x400, v13  }
0x322: {  	v23 =	vld.idx.msk [tilespmem:v14+s31+$0x0], $0xffff;
	v14 =	vand.u32 $0x400, v24;
	v24 =	vand.u32 $0x400, v26;
	v6 =	vor.u32 v19, v6  }
0x323: {  	v9 =	vor.u32 v15, v9;
	v27 =	vor.u32 v27, v20;
	v11 =	vor.u32 v11, v13  }
0x324: {  	v19 =	vor.u32 v22, v14;
	v13 =	vor.u32 v38, v9;
	v22 =	vor.u32 v25, v24  }
0x325: {  	v0 =	vld.idx.msk [tilespmem:v0+s31+$0x0], $0xffff;
	v20 =	vor.u32 v41, v9;
	v24 =	vor.u32 v50, v9;
	v9 =	vor.u32 v29, v9  }
0x326: {  	v26 =	vor.u32 v41, v16;
	[tilespmem:$0x1FBB0] =	vst v9;
	v9 =	vld.idx.msk [tilespmem:v18+s21+$0x0], $0xffff  }
0x327: {  	v15 =	vor.u32 v50, v16;
	v2 =	vld.idx.msk [tilespmem:v2+s21+$0x0], $0xffff  }
0x328: {  	v1 =	vld.idx.msk [tilespmem:v1+s21+$0x0], $0xffff  }
0x329: {  	v10 =	vld.idx.msk [tilespmem:v10+s21+$0x0], $0xffff  }
0x32a: {  	v28 =	vor.u32 v50, v6;
	v4 =	vld.idx.msk [tilespmem:v4+s21+$0x0], $0xffff  }
0x32b: {  	v63 =	vor.u32 v29, v16;
	v26 =	vld.idx.msk [tilespmem:v26+s21+$0x0], $0xffff  }
0x32c: {  	v25 =	vor.u32 v41, v6;
	v51 =	vor.u32 v38, v19;
	v62 =	vor.u32 v41, v19;
	v30 =	vld.idx.msk [tilespmem:v15+s21+$0x0], $0xffff  }
0x32d: {  	v18 =	vor.u32 v38, v6;
	v52 =	vld.idx.msk [tilespmem:v13+s21+$0x0], $0xffff;
	v57 =	vmul.f32 v2, v0;
	v17 =	vmul.f32 v2, v2  }
0x32e: {  	v53 =	vld.idx.msk [tilespmem:v20+s21+$0x0], $0xffff;
	v2 =	vor.u32 v29, v6;
	v31 =	vmul.f32 v1, v0;
	v44 =	vmul.f32 v1, v1  }
0x32f: {  	v28 =	vld.idx.msk [tilespmem:v28+s21+$0x0], $0xffff;
	v16 =	vmul.f32 v10, v0;
	v1 =	vmul.f32 v4, v0;
	v0 =	vor.u32 v38, v11  }
0x330: {  	v14 =	vmul.f32 v10, v10;
	v13 =	vmul.f32 v4, v4;
	v4 =	vld.idx.msk [tilespmem:v24+s21+$0x0], $0xffff;
	v24 =	vor.u32 v38, v22  }
0x331: {  	v39 =	vld.idx.msk [tilespmem:v51+s21+$0x0], $0xffff;
	v6 =	vmul.f32 v9, v54;
	v10 =	vmul.f32 v9, v9;
	v9 =	vor.u32 v38, v27  }
0x332: {  	v18 =	vld.idx.msk [tilespmem:v18+s21+$0x0], $0xffff;
	v20 =	vmul.f32 v26, v54;
	v15 =	vmul.f32 v26, v26;
	v26 =	vor.u32 v41, v27  }
0x333: {  	v43 =	vor.u32 v41, v22;
	v38 =	vld.idx.msk [tilespmem:v25+s21+$0x0], $0xffff;
	v60 =	vmul.f32 v30, v54;
	v25 =	vmul.f32 v30, v30  }
0x334: {  	v32 =	vor.u32 v29, v19;
	v34 =	vmul.f32 v52, v55;
	v36 =	vmul.f32 v52, v52;
	v0 =	vld.idx.msk [tilespmem:v0+s21+$0x0], $0xffff  }
0x335: {  	v42 =	vor.u32 v29, v11;
	v37 =	vmul.f32 v53, v55;
	v40 =	vmul.f32 v53, v53;
	v47 =	vld.idx.msk [tilespmem:v24+s21+$0x0], $0xffff  }
0x336: {  	v52 =	vor.u32 v41, v11;
	v41 =	vor.u32 v50, v11;
	v11 =	vmul.f32 v28, v56;
	v51 =	vld.idx.msk [tilespmem:v9+s21+$0x0], $0xffff  }
0x337: {  	[tilespmem:$0x1FBC0] =	vst v25;
	v24 =	vmul.f32 v4, v55;
	v25 =	vmul.f32 v4, v4;
	v4 =	vld.idx.msk [tilespmem:v26+s21+$0x0], $0xffff  }
0x338: {  	v30 =	vor.u32 v50, v19;
	v48 =	vmul.f32 v39, v58;
	v49 =	vmul.f32 v39, v39;
	v26 =	vld [tilespmem:$0x1FB10]  }
0x339: {  	p0 =	slt.u32 s17, $0xF8;
	v19 =	vld.idx.msk [tilespmem:v43+s21+$0x0], $0xffff;
	v43 =	vor.u32 v50, v22;
	v33 =	vmul.f32 v18, v56;
	v35 =	vmul.f32 v18, v18  }
.Ltmp3:
0x33a: {  	v53 =	vor.u32 v50, v27;
	v45 =	vmul.f32 v38, v56;
	v38 =	vmul.f32 v38, v38;
	(pc) =	sbr.rel @p0 .LBB2_8-.Ltmp3, $4  }
0x33b: {  	v39 =	vor.u32 v29, v22;
	v9 =	vmul.f32 v28, v28;
	v46 =	vmul.f32 v0, v61  }
0x33c: {  	v59 =	vadd.f32 v57, v59;
	v22 =	vld.idx.msk [tilespmem:v52+s21+$0x0], $0xffff;
	v0 =	vmul.f32 v0, v0;
	v50 =	vmul.f32 v47, v21  }
0x33d: {  	v47 =	vmul.f32 v47, v47;
	v18 =	vmul.f32 v51, v23;
	v26 =	vadd.f32 v17, v26;
	v17 =	vld.idx.msk [tilespmem:v62+s21+$0x0], $0xffff  }
0x33e: {  	s17 =	sadd.s32 $0x8, s17;
	v52 =	vor.u32 v29, v27;
	v51 =	vmul.f32 v51, v51;
	v57 =	vmul.f32 v4, v23;
	v62 =	vmovc v63;
	v63 =	vld [tilespmem:$0x1FB20]  }
0x33f: {  	_ =	sdelay $0x1  }
0x340: {  	v12 =	vadd.f32 v44, v12;
	v4 =	vmul.f32 v4, v4  }
0x341: {  	v26 =	vadd.f32 v51, v26  }
0x342: {  	v4 =	vadd.f32 v4, v12;
	v27 =	vadd.f32 v31, v63;
	v63 =	vmul.f32 v19, v19;
	_ =	sdelay $0x1  }
0x343: {  	v44 =	vadd.f32 v47, v26;
	v47 =	vmul.f32 v22, v22;
	v4 =	vadd.f32 v63, v4  }
0x344: {  	v18 =	vadd.f32 v18, v59  }
0x345: {  	v51 =	vmul.f32 v17, v58;
	v17 =	vmul.f32 v17, v17;
	v4 =	vadd.f32 v47, v4  }
0x346: {  	v7 =	vadd.f32 v14, v7;
	v1 =	vadd.f32 v1, v8  }
0x347: {  	v3 =	vadd.f32 v13, v3;
	v4 =	vadd.f32 v17, v4  }
0x348: {  	v28 =	vmul.f32 v19, v21;
	v0 =	vadd.f32 v0, v44;
	v27 =	vadd.f32 v57, v27;
	v57 =	vld.idx.msk [tilespmem:v53+s21+$0x0], $0xffff  }
0x349: {  	v12 =	vadd.f32 v50, v18;
	v4 =	vadd.f32 v38, v4  }
0x34a: {  	v59 =	vld.idx.msk [tilespmem:v52+s21+$0x0], $0xffff;
	v0 =	vadd.f32 v49, v0;
	v26 =	vadd.f32 v28, v27;
	v27 =	vmul.f32 v22, v61  }
0x34b: {  	v12 =	vadd.f32 v46, v12;
	v4 =	vadd.f32 v40, v4  }
0x34c: {  	v0 =	vadd.f32 v35, v0;
	v50 =	vadd.f32 v27, v26  }
0x34d: {  	v63 =	vld.idx.msk [tilespmem:v43+s21+$0x0], $0xffff;
	v14 =	vmul.f32 v57, v23;
	v15 =	vadd.f32 v15, v4;
	v4 =	vadd.f32 v16, v5  }
0x34e: {  	v12 =	vadd.f32 v48, v12;
	v0 =	vadd.f32 v36, v0  }
0x34f: {  	v8 =	vld.idx.msk [tilespmem:v41+s21+$0x0], $0xffff;
	v18 =	vadd.f32 v51, v50;
	v4 =	vadd.f32 v14, v4;
	v14 =	vmul.f32 v59, v59  }
0x350: {  	v12 =	vadd.f32 v33, v12;
	v10 =	vadd.f32 v10, v0;
	v16 =	vmul.f32 v57, v57  }
0x351: {  	v17 =	vadd.f32 v45, v18;
	v3 =	vadd.f32 v14, v3;
	v14 =	vld [tilespmem:$0x1FD00]  }
0x352: {  	v0 =	vmul.f32 v63, v63;
	v5 =	vld.idx.msk [tilespmem:v39+s21+$0x0], $0xffff;
	v7 =	vadd.f32 v16, v7;
	v16 =	vmul.f32 v63, v21  }
0x353: {  	v12 =	vadd.f32 v34, v12;
	v17 =	vadd.f32 v37, v17  }
0x354: {  	v4 =	vadd.f32 v16, v4;
	v0 =	vadd.f32 v0, v7;
	v7 =	vmul.f32 v8, v61  }
0x355: {  	v13 =	vld.idx.msk [tilespmem:v42+s21+$0x0], $0xffff;
	v12 =	vadd.f32 v6, v12;
	v6 =	vadd.f32 v20, v17;
	v17 =	vmul.f32 v59, v23  }
0x356: {  	v4 =	vadd.f32 v7, v4;
	v7 =	vld [tilespmem:$0x1FD20];
	v14 =	vmax.f32 v14, $1.000000020e-24  }
0x357: {  	v1 =	vadd.f32 v17, v1;
	v16 =	vmul.f32 v5, v21;
	(erf) = vrcp.f32 v14;
	v14 =	vld.idx.msk [tilespmem:v30+s21+$0x0], $0xffff  }
0x358: {  	v5 =	vmul.f32 v5, v5  }
0x359: {  	v1 =	vadd.f32 v16, v1;
	v16 =	vld.idx.msk [tilespmem:v32+s21+$0x0], $0xffff  }
0x35a: {  	v17 =	vmul.f32 v13, v61;
	v3 =	vadd.f32 v5, v3;
	v5 =	vmul.f32 v13, v13;
	v13 =	vld [tilespmem:$0x1FCF0]  }
0x35b: {  	v8 =	vmul.f32 v8, v8  }
0x35c: {  	v3 =	vadd.f32 v5, v3;
	v7 =	vmax.f32 v7, $1.000000020e-24;
	v5 =	vmul.f32 v14, v58  }
0x35d: {  	v0 =	vadd.f32 v8, v0;
	(erf) = vrcp.f32 v7;
	v7 =	vmul.f32 v14, v14  }
0x35e: {  	v8 =	vld [tilespmem:$0x1FD60];
	v1 =	vadd.f32 v17, v1;
	v4 =	vadd.f32 v5, v4;
	v5 =	vmul.f32 v16, v58  }
0x35f: {  	v0 =	vadd.f32 v7, v0;
	v7 =	vand.u32 $0x7FFFFFFF, v13  }
0x360: {  	v1 =	vadd.f32 v5, v1;
	v5 =	vmul.f32 v7, v13;
	v7 =	vld [tilespmem:$0x1FD80]  }
0x361: {  	v2 =	vld.idx.msk [tilespmem:v2+s21+$0x0], $0xffff;
	_ =	sdelay $0x1  }
0x362: {  	v8 =	vmax.f32 v8, $1.000000020e-24  }
0x363: {  	(erf) = vrcp.f32 v8;
	v8 =	vmul.f32 v16, v16  }
0x364: {  	v7 =	vmax.f32 v7, $1.000000020e-24  }
0x365: {  	v4 =	vadd.f32 v11, v4;
	v11 =	vld [tilespmem:$0x1FC10];
	(erf) = vrcp.f32 v7;
	v7 =	vmul.f32 v2, v56;
	_ =	sdelay $0x1  }
0x366: {  	v3 =	vadd.f32 v8, v3;
	v8 =	vpop (erf);
	v1 =	vadd.f32 v7, v1;
	v7 =	vld [tilespmem:$0x1FD10]  }
0x367: {  	v5 =	vmul.f32 v8, v5;
	v8 =	vld [tilespmem:$0x1FD50];
	_ =	sdelay $0x1  }
0x368: {  	v11 =	vmax.f32 v11, $1.000000020e-24  }
0x369: {  	v2 =	vmul.f32 v2, v2;
	(erf) = vrcp.f32 v11;
	v11 =	vld [tilespmem:$0x1FD70]  }
0x36a: {  	v18 =	vand.u32 $0x7FFFFFFF, v7  }
0x36b: {  	v2 =	vadd.f32 v2, v3;
	v3 =	vmul.f32 v18, v7;
	v7 =	vand.u32 $0x7FFFFFFF, v8  }
0x36c: {  	v7 =	vmul.f32 v7, v8;
	v8 =	vpop (erf)  }
0x36d: {  	v3 =	vmul.f32 v8, v3;
	v8 =	vpop (erf)  }
0x36e: {  	v0 =	vadd.f32 v9, v0;
	v9 =	vld [tilespmem:$0x1FC30];
	v7 =	vmul.f32 v8, v7;
	v8 =	vand.u32 $0x7FFFFFFF, v11  }
0x36f: {  	v8 =	vmul.f32 v8, v11;
	v11 =	vld [tilespmem:$0x1FC80]  }
0x370: {  	v13 =	vld [tilespmem:$0x1FC00];
	vm1 =	vlt.f32 v5, $-Inf;
	vm2 =	vgt.f32 v5, $-Inf  }
0x371: {  	vm1 =	vmor vm2, vm1  }
0x372: {  	v5 =	vnsel vm1, $0xFF800000, v5  }
0x373: {  	v9 =	vmax.f32 v9, $1.000000020e-24  }
0x374: {  	(erf) = vrcp.f32 v9;
	vm2 =	vgt.f32 v3, v5;
	v11 =	vmax.f32 v11, $1.000000020e-24  }
0x375: {  	v3 =	vsel vm2, v3, v5;
	v5 =	vpop (erf);
	(erf) = vrcp.f32 v11;
	v11 =	vand.u32 $0x7FFFFFFF, v13  }
0x376: {  	v5 =	vmul.f32 v5, v8;
	v8 =	vmul.f32 v11, v13;
	v11 =	vld [tilespmem:$0x1FCA0];
	_ =	sdelay $0x2  }
0x377: {  	v9 =	vld [tilespmem:$0x1FBB0];
	_ =	sdelay $0x1  }
0x378: {  	vm3 =	vgt.f32 v7, v3;
	v11 =	vmax.f32 v11, $1.000000020e-24  }
0x379: {  	v3 =	vsel vm3, v7, v3;
	v7 =	vpop (erf);
	(erf) = vrcp.f32 v11;
	v11 =	vld [tilespmem:$0x1FB40];
	_ =	sdelay $0x1  }
0x37a: {  	v13 =	vld [tilespmem:$0x1FC20];
	v7 =	vmul.f32 v7, v8  }
0x37b: {  	vm4 =	vgt.f32 v5, v3  }
0x37c: {  	v3 =	vsel vm4, v5, v3  }
0x37d: {  	v9 =	vld.idx.msk [tilespmem:v9+s21+$0x0], $0xffff;
	vm5 =	vgt.f32 v7, v3;
	v11 =	vmax.f32 v11, $1.000000020e-24  }
0x37e: {  	v3 =	vsel vm5, v7, v3;
	v7 =	vpop (erf);
	(erf) = vrcp.f32 v11;
	v11 =	vld [tilespmem:$0x1FB60]  }
0x37f: {  	v5 =	vand.u32 $0x7FFFFFFF, v13  }
0x380: {  	v5 =	vmul.f32 v5, v13;
	v13 =	vld [tilespmem:$0x1FC70];
	_ =	sdelay $0x2  }
0x381: {  	v8 =	vmul.f32 v9, v55;
	v9 =	vmul.f32 v9, v9;
	v11 =	vmax.f32 v11, $1.000000020e-24  }
0x382: {  	(erf) = vrcp.f32 v11;
	v11 =	vld [tilespmem:$0x1FBC0]  }
0x383: {  	v5 =	vmul.f32 v7, v5;
	v7 =	vand.u32 $0x7FFFFFFF, v13  }
0x384: {  	v7 =	vmul.f32 v7, v13  }
0x385: {  	v0 =	vadd.f32 v25, v0;
	v2 =	vadd.f32 v9, v2;
	v9 =	vpop (erf);
	vm6 =	vgt.f32 v5, v3  }
0x386: {  	v3 =	vsel vm6, v5, v3;
	v5 =	vmul.f32 v9, v7;
	v9 =	vld [tilespmem:$0x1FB80]  }
0x387: {  	v0 =	vadd.f32 v11, v0;
	v11 =	vld [tilespmem:$0x1FBA0];
	_ =	sdelay $0x3  }
0x388: {  	v1 =	vadd.f32 v8, v1;
	v8 =	vld.idx.msk [tilespmem:v62+s21+$0x0], $0xffff;
	v9 =	vmax.f32 v9, $1.000000020e-24  }
0x389: {  	(erf) = vrcp.f32 v9;
	v11 =	vmax.f32 v11, $1.000000020e-24  }
0x38a: {  	(erf) = vrcp.f32 v11;
	v11 =	vld [tilespmem:$0x1FB30];
	_ =	sdelay $0x1  }
0x38b: {  	v13 =	vld [tilespmem:$0x1FC90]  }
0x38c: {  	v7 =	vmul.f32 v8, v54;
	v8 =	vmul.f32 v8, v8;
	_ =	sdelay $0x1  }
0x38d: {  	v2 =	vadd.f32 v8, v2;
	v8 =	vand.u32 $0x7FFFFFFF, v11  }
0x38e: {  	v8 =	vmul.f32 v8, v11;
	v11 =	vld [tilespmem:$0x1FB50]  }
0x38f: {  	v9 =	vand.u32 $0x7FFFFFFF, v13  }
0x390: {  	vm7 =	vgt.f32 v5, v3;
	v9 =	vmul.f32 v9, v13  }
0x391: {  	v3 =	vsel vm7, v5, v3;
	v5 =	vpop (erf)  }
0x392: {  	v5 =	vmul.f32 v5, v9;
	v9 =	vmax.f32 v10, $1.000000020e-24  }
0x393: {  	v10 =	vmax.f32 v15, $1.000000020e-24;
	(erf) = vrcp.f32 v9;
	v9 =	vand.u32 $0x7FFFFFFF, v11  }
0x394: {  	v9 =	vmul.f32 v9, v11;
	v11 =	vld [tilespmem:$0x1FB70];
	_ =	sdelay $0x1  }
0x395: {  	vm8 =	vgt.f32 v5, v3;
	(erf) = vrcp.f32 v10;
	v10 =	vpop (erf)  }
0x396: {  	v3 =	vsel vm8, v5, v3;
	v5 =	vmul.f32 v10, v8;
	_ =	sdelay $0x1  }
0x397: {  	v8 =	vpop (erf);
	v10 =	vand.u32 $0x7FFFFFFF, v11  }
0x398: {  	vm9 =	vgt.f32 v5, v3;
	v8 =	vmul.f32 v8, v9;
	v9 =	vmul.f32 v10, v11;
	v10 =	vld [tilespmem:$0x1FB90]  }
0x399: {  	v3 =	vsel vm9, v5, v3;
	v5 =	vpop (erf)  }
0x39a: {  	vm10 =	vgt.f32 v8, v3;
	v5 =	vmul.f32 v5, v9  }
0x39b: {  	v2 =	vmax.f32 v2, $1.000000020e-24;
	v0 =	vmax.f32 v0, $1.000000020e-24;
	v3 =	vsel vm10, v8, v3  }
0x39c: {  	(erf) = vrcp.f32 v0;
	v8 =	vand.u32 $0x7FFFFFFF, v6;
	vm11 =	vgt.f32 v5, v3  }
0x39d: {  	v19 =	vand.u32 $0x7FFFFFFF, v10;
	v3 =	vsel vm11, v5, v3;
	v5 =	vmul.f32 v8, v6;
	v8 =	vld [tilespmem:$0x1FF40]  }
0x39e: {  	v21 =	vand.u32 $0x7FFFFFFF, v12;
	(erf) = vrcp.f32 v2;
	v0 =	vmul.f32 v19, v10  }
0x39f: {  	v4 =	vadd.f32 v24, v4;
	v2 =	vmul.f32 v21, v12;
	v20 =	vpop (erf)  }
0x3a0: {  	v9 =	vld [tilespmem:$0x1FF50];
	v6 =	vpop (erf);
	v0 =	vmul.f32 v20, v0  }
0x3a1: {  	v4 =	vadd.f32 v60, v4;
	v2 =	vmul.f32 v6, v2;
	v6 =	vpop (erf)  }
0x3a2: {  	v10 =	vld [tilespmem:$0x1FF60];
	v22 =	vmul.f32 v6, v5;
	vm12 =	vgt.f32 v0, v3;
	v6 =	vnsel vm1, $0x0, v8  }
0x3a3: {  	v1 =	vadd.f32 v7, v1;
	v11 =	vld [tilespmem:$0x1FF80];
	v5 =	vand.u32 $0x7FFFFFFF, v4;
	v0 =	vsel vm12, v0, v3  }
0x3a4: {  	v12 =	vld [tilespmem:$0x1FF90];
	v4 =	vmul.f32 v5, v4;
	vm1 =	vgt.f32 v2, v0  }
0x3a5: {  	v23 =	vand.u32 $0x7FFFFFFF, v1;
	v13 =	vld [tilespmem:$0x1FFA0];
	v5 =	vsel vm2, v9, v6;
	v6 =	vpop (erf);
	v0 =	vsel vm1, v2, v0  }
0x3a6: {  	v14 =	vld [tilespmem:$0x1FFB0];
	v1 =	vmul.f32 v23, v1;
	v4 =	vmul.f32 v6, v4;
	vm2 =	vgt.f32 v22, v0  }
0x3a7: {  	v15 =	vld [tilespmem:$0x1FFC0];
	v32 =	vsel vm3, v10, v5;
	v33 =	vpop (erf);
	v0 =	vsel vm2, v22, v0  }
0x3a8: {  	v16 =	vld [tilespmem:$0x1FFD0];
	v2 =	vsel vm4, v11, v32;
	v1 =	vmul.f32 v33, v1;
	vm3 =	vgt.f32 v4, v0  }
0x3a9: {  	v35 =	vld [tilespmem:$0x1FE30];
	v2 =	vsel vm5, v12, v2;
	v0 =	vsel vm3, v4, v0  }
0x3aa: {  	v36 =	vld [tilespmem:$0x1FE40];
	v2 =	vsel vm6, v13, v2;
	vm15 =	vgt.f32 v1, v0  }
0x3ab: {  	v37 =	vld [tilespmem:$0x1FE50];
	v2 =	vsel vm7, v14, v2;
	v0 =	vsel vm15, v1, v0  }
0x3ac: {  	v38 =	vld [tilespmem:$0x1FEA0];
	v34 =	vsel vm8, v15, v2;
	(xrf0) =	vmax.scan.msk.f32 $0xffff, v0  }
0x3ad: {  	v39 =	vld [tilespmem:$0x1FE70];
	v1 =	vsel vm9, v16, v34  }
0x3ae: {  	v41 =	vld [tilespmem:$0x1FE80];
	v1 =	vsel vm10, v35, v1  }
0x3af: {  	v43 =	vld [tilespmem:$0x1FE90];
	v1 =	vsel vm11, v36, v1  }
0x3b0: {  	v1 =	vsel vm12, v37, v1  }
0x3b1: {  	v1 =	vsel vm1, v38, v1  }
0x3b2: {  	v1 =	vsel vm2, v39, v1;
	v40, _, _ =	vpop (xrf0)  }
0x3b3: {  	v3 =	vsel vm3, v41, v1;
	v42 =	vbroadcast v40, $0xF  }
0x3b4: {  	v2 =	vsel vm15, v43, v3  }
0x3b5: {  	v44 =	vxor.u32 $0x80000000, v2;
	vm1 =	veq.f32 v0, v42  }
0x3b6: {  	v0 =	vnsel vm1, $0x80002000, v44  }
0x3b7: {  	(xrf0) =	vmin.scan.msk.u32 $0xffff, v0;
	_ =	sdelay $0x5  }
0x3b8: {  	v0, _, _ =	vpop (xrf0)  }
0x3b9: {  	(v2sf) =	vpush v0, $0xF;
	_ =	sdelay $0xe  }
0x3ba: {  	s17 =	spop (v2sf)  }
0x3bb: {  	s17 =	sxor.u32 $0x80000000, s17  }
0x3bc: {  	v45 =	vmov s17  }
0x3bd: {  	v46 =	vmul.u32 $0x2C, v45  }
0x3be: {  	v7 =	vlaneseq.u32  }
0x3bf: {  	v47 =	vadd.s32 v7, v46  }
0x3c0: {  	v4 =	vor.u32 $0x10, v7;
	vm1 =	vlt.s32 v47, $0x57FFF  }
0x3c1: {  	v5 =	vadd.s32 v4, v46;
	v3 =	vnsel vm1, $0x57FFF, v47  }
0x3c2: {  	s19 =	simm.s32 $0x8300;
	v6 =	vor.u32 $0x20, v7;
	vm1 =	vlt.s32 v5, $0x57FFF;
	[tilespmem:$0x8300] =	vst v3  }
0x3c3: {  	v48 =	vmul.u32 $0x160, v45;
	v0 =	vadd.s32 v6, v46;
	v5 =	vnsel vm1, $0x57FFF, v5;
	[tilespmem:s2], [sflag:$0x3] =	stream.indirect.gather [hbm4b:s5+s0], $0x1, s19, s0, $0xb8;
	[tilespmem:$0x9880] =	vst v63  }
0x3c4: {  	s20 =	simm.s32 $0x8380;
	s18 =	simm.s32 $0x9310;
	vm1 =	vlt.s32 v0, $0x57FFF;
	[tilespmem:$0x8380] =	vst v5  }
0x3c5: {  	v0 =	vnsel vm1, $0x57FFF, v0;
	v5 =	vor.u32 v7, v48;
	[tilespmem:s18], [sflag:$0x3] =	stream.indirect.gather [hbm4b:s5+s0], $0x1, s20, s0, $0xb8;
	[tilespmem:$0x9880] =	vst v63  }
0x3c6: {  	s22 =	simm.s32 $0x8400;
	s23 =	simm.s32 $0x9320;
	vm1 =	vlt.s32 v5, $0x2BFFFF;
	[tilespmem:$0x8400] =	vst v0  }
0x3c7: {  	v4 =	vor.u32 v4, v48;
	v49 =	vnsel vm1, $0x2BFFFF, v5;
	[tilespmem:s23], [sflag:$0x3] =	stream.indirect.gather [hbm4b:s5+s0], $0x1, s22, s0, $0xb8;
	[tilespmem:$0x9880] =	vst v63  }
0x3c8: {  	s24 =	simm.s32 $0x8480;
	vm1 =	vlt.s32 v4, $0x2BFFFF;
	[tilespmem:$0x8480] =	vst v49  }
0x3c9: {  	v50 =	vnsel vm1, $0x2BFFFF, v4;
	v4 =	vadd.s32 v6, v48;
	[tilespmem:s14], [sflag:$0x3] =	stream.indirect.gather [hbm4b:s6+s0], $0x1, s24, s0, $0xb8;
	[tilespmem:$0x9880] =	vst v63  }
0x3ca: {  	v51 =	vadd.s32 $0x2C, v7;
	s19 =	simm.s32 $0x9390;
	s18 =	simm.s32 $0x8500;
	vm1 =	vlt.s32 v4, $0x2BFFFF;
	[tilespmem:$0x8500] =	vst v50  }
0x3cb: {  	v0 =	vadd.s32 v51, v48;
	v4 =	vnsel vm1, $0x2BFFFF, v4;
	[tilespmem:s19], [sflag:$0x3] =	stream.indirect.gather [hbm4b:s6+s0], $0x1, s18, s0, $0xb8;
	[tilespmem:$0x9880] =	vst v63  }
0x3cc: {  	s20 =	simm.s32 $0x8580;
	s22 =	simm.s32 $0x93A0;
	vm1 =	vlt.s32 v0, $0x2BFFFF;
	[tilespmem:$0x8580] =	vst v4;
	v4 =	vadd.s32 $0x3C, v7  }
0x3cd: {  	v0 =	vnsel vm1, $0x2BFFFF, v0;
	[tilespmem:s22], [sflag:$0x3] =	stream.indirect.gather [hbm4b:s6+s0], $0x1, s20, s0, $0xb8;
	v4 =	vadd.s32 v4, v48;
	[tilespmem:$0x9880] =	vst v63  }
0x3ce: {  	v52 =	vadd.s32 $0x4C, v7;
	s23 =	simm.s32 $0x8600;
	s24 =	simm.s32 $0x9400;
	[tilespmem:$0x8600] =	vst v0;
	vm1 =	vlt.s32 v4, $0x2BFFFF  }
0x3cf: {  	v0 =	vadd.s32 v52, v48;
	[tilespmem:s24], [sflag:$0x3] =	stream.indirect.gather [hbm4b:s6+s0], $0x1, s23, s0, $0xb8;
	v4 =	vnsel vm1, $0x2BFFFF, v4;
	[tilespmem:$0x9880] =	vst v63  }
0x3d0: {  	s18 =	simm.s32 $0x8680;
	s19 =	simm.s32 $0x9410;
	vm1 =	vlt.s32 v0, $0x2BFFFF;
	[tilespmem:$0x8680] =	vst v4;
	v4 =	vadd.s32 $0x58, v7  }
0x3d1: {  	v0 =	vnsel vm1, $0x2BFFFF, v0;
	[tilespmem:s19], [sflag:$0x3] =	stream.indirect.gather [hbm4b:s6+s0], $0x1, s18, s0, $0xb8;
	v4 =	vadd.s32 v4, v48;
	[tilespmem:$0x9880] =	vst v63  }
0x3d2: {  	v53 =	vadd.s32 $0x68, v7;
	s20 =	simm.s32 $0x8700;
	s22 =	simm.s32 $0x9420;
	[tilespmem:$0x8700] =	vst v0;
	vm1 =	vlt.s32 v4, $0x2BFFFF  }
0x3d3: {  	v0 =	vadd.s32 v53, v48;
	[tilespmem:s22], [sflag:$0x3] =	stream.indirect.gather [hbm4b:s6+s0], $0x1, s20, s0, $0xb8;
	v4 =	vnsel vm1, $0x2BFFFF, v4;
	[tilespmem:$0x9880] =	vst v63  }
0x3d4: {  	s23 =	simm.s32 $0x8780;
	s24 =	simm.s32 $0x9480;
	vm1 =	vlt.s32 v0, $0x2BFFFF;
	[tilespmem:$0x8780] =	vst v4;
	v4 =	vadd.s32 $0x78, v7  }
0x3d5: {  	v0 =	vnsel vm1, $0x2BFFFF, v0;
	[tilespmem:s24], [sflag:$0x3] =	stream.indirect.gather [hbm4b:s6+s0], $0x1, s23, s0, $0xb8;
	v4 =	vadd.s32 v4, v48;
	[tilespmem:$0x9880] =	vst v63  }
0x3d6: {  	v54 =	vadd.s32 $0x84, v7;
	s18 =	simm.s32 $0x8800;
	s19 =	simm.s32 $0x9490;
	[tilespmem:$0x8800] =	vst v0;
	vm1 =	vlt.s32 v4, $0x2BFFFF  }
0x3d7: {  	v0 =	vadd.s32 v54, v48;
	[tilespmem:s19], [sflag:$0x3] =	stream.indirect.gather [hbm4b:s6+s0], $0x1, s18, s0, $0xb8;
	v4 =	vnsel vm1, $0x2BFFFF, v4;
	[tilespmem:$0x9880] =	vst v63  }
0x3d8: {  	s20 =	simm.s32 $0x8880;
	s22 =	simm.s32 $0x94A0;
	vm1 =	vlt.s32 v0, $0x2BFFFF;
	[tilespmem:$0x8880] =	vst v4;
	v4 =	vadd.s32 $0x94, v7  }
0x3d9: {  	v0 =	vnsel vm1, $0x2BFFFF, v0;
	[tilespmem:s22], [sflag:$0x3] =	stream.indirect.gather [hbm4b:s6+s0], $0x1, s20, s0, $0xb8;
	v4 =	vadd.s32 v4, v48;
	[tilespmem:$0x9880] =	vst v63  }
0x3da: {  	v55 =	vadd.s32 $0xA4, v7;
	s23 =	simm.s32 $0x8900;
	s24 =	simm.s32 $0x9500;
	[tilespmem:$0x8900] =	vst v0;
	vm1 =	vlt.s32 v4, $0x2BFFFF  }
0x3db: {  	v0 =	vadd.s32 v55, v48;
	[tilespmem:s24], [sflag:$0x3] =	stream.indirect.gather [hbm4b:s6+s0], $0x1, s23, s0, $0xb8;
	v4 =	vnsel vm1, $0x2BFFFF, v4;
	[tilespmem:$0x9880] =	vst v63  }
0x3dc: {  	s18 =	simm.s32 $0x8980;
	s19 =	simm.s32 $0x9510;
	vm1 =	vlt.s32 v0, $0x2BFFFF;
	[tilespmem:$0x8980] =	vst v4;
	v4 =	vor.u32 $0xB0, v7  }
0x3dd: {  	v0 =	vnsel vm1, $0x2BFFFF, v0;
	[tilespmem:s19], [sflag:$0x3] =	stream.indirect.gather [hbm4b:s6+s0], $0x1, s18, s0, $0xb8;
	v4 =	vadd.s32 v4, v48;
	[tilespmem:$0x9880] =	vst v63  }
0x3de: {  	v56 =	vor.u32 $0xC0, v7;
	s20 =	simm.s32 $0x8A00;
	s22 =	simm.s32 $0x9520;
	[tilespmem:$0x8A00] =	vst v0;
	vm1 =	vlt.s32 v4, $0x2BFFFF  }
0x3df: {  	v0 =	vadd.s32 v56, v48;
	[tilespmem:s22], [sflag:$0x3] =	stream.indirect.gather [hbm4b:s6+s0], $0x1, s20, s0, $0xb8;
	v4 =	vnsel vm1, $0x2BFFFF, v4;
	[tilespmem:$0x9880] =	vst v63  }
0x3e0: {  	s23 =	simm.s32 $0x8A80;
	s24 =	simm.s32 $0x9580;
	vm1 =	vlt.s32 v0, $0x2BFFFF;
	[tilespmem:$0x8A80] =	vst v4;
	v4 =	vor.u32 $0xD0, v7  }
0x3e1: {  	v0 =	vnsel vm1, $0x2BFFFF, v0;
	[tilespmem:s24], [sflag:$0x3] =	stream.indirect.gather [hbm4b:s6+s0], $0x1, s23, s0, $0xb8;
	v4 =	vadd.s32 v4, v48;
	[tilespmem:$0x9880] =	vst v63  }
0x3e2: {  	v57 =	vadd.s32 $0xDC, v7;
	s18 =	simm.s32 $0x8B00;
	s19 =	simm.s32 $0x9590;
	[tilespmem:$0x8B00] =	vst v0;
	vm1 =	vlt.s32 v4, $0x2BFFFF  }
0x3e3: {  	v0 =	vadd.s32 v57, v48;
	[tilespmem:s19], [sflag:$0x3] =	stream.indirect.gather [hbm4b:s6+s0], $0x1, s18, s0, $0xb8;
	v4 =	vnsel vm1, $0x2BFFFF, v4;
	[tilespmem:$0x9880] =	vst v63  }
0x3e4: {  	s20 =	simm.s32 $0x8B80;
	s22 =	simm.s32 $0x95A0;
	vm1 =	vlt.s32 v0, $0x2BFFFF;
	[tilespmem:$0x8B80] =	vst v4;
	v4 =	vadd.s32 $0xEC, v7  }
0x3e5: {  	v0 =	vnsel vm1, $0x2BFFFF, v0;
	[tilespmem:s22], [sflag:$0x3] =	stream.indirect.gather [hbm4b:s6+s0], $0x1, s20, s0, $0xb8;
	v4 =	vadd.s32 v4, v48;
	[tilespmem:$0x9880] =	vst v63  }
0x3e6: {  	v58 =	vadd.s32 $0xFC, v7;
	s23 =	simm.s32 $0x8C00;
	s24 =	simm.s32 $0x9600;
	[tilespmem:$0x8C00] =	vst v0;
	vm1 =	vlt.s32 v4, $0x2BFFFF  }
0x3e7: {  	v0 =	vadd.s32 v58, v48;
	[tilespmem:s24], [sflag:$0x3] =	stream.indirect.gather [hbm4b:s6+s0], $0x1, s23, s0, $0xb8;
	v4 =	vnsel vm1, $0x2BFFFF, v4;
	[tilespmem:$0x9880] =	vst v63  }
0x3e8: {  	s18 =	simm.s32 $0x8C80;
	s19 =	simm.s32 $0x9610;
	vm1 =	vlt.s32 v0, $0x2BFFFF;
	[tilespmem:$0x8C80] =	vst v4;
	v4 =	vadd.s32 $0x108, v7  }
0x3e9: {  	v0 =	vnsel vm1, $0x2BFFFF, v0;
	[tilespmem:s19], [sflag:$0x3] =	stream.indirect.gather [hbm4b:s6+s0], $0x1, s18, s0, $0xb8;
	v4 =	vadd.s32 v4, v48;
	[tilespmem:$0x9880] =	vst v63  }
0x3ea: {  	v59 =	vadd.s32 $0x118, v7;
	s20 =	simm.s32 $0x8D00;
	s22 =	simm.s32 $0x9620;
	[tilespmem:$0x8D00] =	vst v0;
	vm1 =	vlt.s32 v4, $0x2BFFFF  }
0x3eb: {  	v0 =	vadd.s32 v59, v48;
	[tilespmem:s22], [sflag:$0x3] =	stream.indirect.gather [hbm4b:s6+s0], $0x1, s20, s0, $0xb8;
	v4 =	vnsel vm1, $0x2BFFFF, v4;
	[tilespmem:$0x9880] =	vst v63  }
0x3ec: {  	s23 =	simm.s32 $0x8D80;
	s24 =	simm.s32 $0x9680;
	vm1 =	vlt.s32 v0, $0x2BFFFF;
	[tilespmem:$0x8D80] =	vst v4;
	v4 =	vadd.s32 $0x128, v7  }
0x3ed: {  	v0 =	vnsel vm1, $0x2BFFFF, v0;
	[tilespmem:s24], [sflag:$0x3] =	stream.indirect.gather [hbm4b:s6+s0], $0x1, s23, s0, $0xb8;
	v4 =	vadd.s32 v4, v48;
	[tilespmem:$0x9880] =	vst v63  }
0x3ee: {  	v60 =	vadd.s32 $0x134, v7;
	s18 =	simm.s32 $0x8E00;
	s19 =	simm.s32 $0x9690;
	[tilespmem:$0x8E00] =	vst v0;
	vm1 =	vlt.s32 v4, $0x2BFFFF  }
0x3ef: {  	v0 =	vadd.s32 v60, v48;
	[tilespmem:s19], [sflag:$0x3] =	stream.indirect.gather [hbm4b:s6+s0], $0x1, s18, s0, $0xb8;
	v4 =	vnsel vm1, $0x2BFFFF, v4;
	[tilespmem:$0x9880] =	vst v63  }
0x3f0: {  	s20 =	simm.s32 $0x8E80;
	s22 =	simm.s32 $0x96A0;
	vm1 =	vlt.s32 v0, $0x2BFFFF;
	[tilespmem:$0x8E80] =	vst v4;
	v4 =	vadd.s32 $0x144, v7  }
0x3f1: {  	v0 =	vnsel vm1, $0x2BFFFF, v0;
	[tilespmem:s22], [sflag:$0x3] =	stream.indirect.gather [hbm4b:s6+s0], $0x1, s20, s0, $0xb8;
	v4 =	vadd.s32 v4, v48;
	[tilespmem:$0x9880] =	vst v63  }
0x3f2: {  	v61 =	vadd.s32 $0x154, v7;
	s23 =	simm.s32 $0x8F00;
	s24 =	simm.s32 $0x9700;
	[tilespmem:$0x8F00] =	vst v0;
	vm1 =	vlt.s32 v4, $0x2BFFFF  }
0x3f3: {  	v0 =	vadd.s32 v61, v48;
	v62 =	vnsel vm1, $0x2BFFFF, v4;
	[tilespmem:s24], [sflag:$0x3] =	stream.indirect.gather [hbm4b:s6+s0], $0x1, s23, s0, $0xb8;
	[tilespmem:$0x9880] =	vst v63  }
0x3f4: {  	s18 =	simm.s32 $0x8F80;
	s19 =	simm.s32 $0x9710;
	vm1 =	vlt.s32 v0, $0x2BFFFF;
	[tilespmem:$0x8F80] =	vst v62  }
0x3f5: {  	v0 =	vnsel vm1, $0x2BFFFF, v0;
	[tilespmem:s19], [sflag:$0x3] =	stream.indirect.gather [hbm4b:s6+s0], $0x1, s18, s0, $0xb8;
	[tilespmem:$0x9880] =	vst v63  }
0x3f6: {  	s20 =	simm.s32 $0x9000;
	s22 =	simm.s32 $0x9720;
	[tilespmem:$0x9000] =	vst v0  }
0x3f7: {  	[tilespmem:s22], [sflag:$0x3] =	stream.indirect.gather [hbm4b:s6+s0], $0x1, s20, s0, $0xb8;
	[tilespmem:$0x9880] =	vst v63  }
0x3f8: {  	_ =	swait.ge [sflag:s15], $0x10  }
0x3f9: {  	[sflag:s15] =	ssyncset.done $0x0  }
0x3fa: {  	[sflag:s15] =	ssyncadd.s32 $0xFFFFFFF0  }
0x3fb: {  	_ =	swait.ge [sflag:s15], $0x10  }
0x3fc: {  	[sflag:s15] =	ssyncset.done $0x0  }
0x3fd: {  	[sflag:s15] =	ssyncadd.s32 $0xFFFFFFF0  }
0x3fe: {  	_ =	swait.ge [sflag:s15], $0x10  }
0x3ff: {  	[sflag:s15] =	ssyncset.done $0x0  }
0x400: {  	[sflag:s15] =	ssyncadd.s32 $0xFFFFFFF0  }
0x401: {  	_ =	swait.ge [sflag:s15], $0x10  }
0x402: {  	[sflag:s15] =	ssyncset.done $0x0  }
0x403: {  	[sflag:s15] =	ssyncadd.s32 $0xFFFFFFF0  }
0x404: {  	_ =	swait.ge [sflag:s15], $0x10  }
0x405: {  	[sflag:s15] =	ssyncset.done $0x0  }
0x406: {  	[sflag:s15] =	ssyncadd.s32 $0xFFFFFFF0  }
0x407: {  	_ =	swait.ge [sflag:s15], $0x10  }
0x408: {  	[sflag:s15] =	ssyncset.done $0x0  }
0x409: {  	[sflag:s15] =	ssyncadd.s32 $0xFFFFFFF0  }
0x40a: {  	_ =	swait.ge [sflag:s15], $0x10  }
0x40b: {  	[sflag:s15] =	ssyncset.done $0x0  }
0x40c: {  	[sflag:s15] =	ssyncadd.s32 $0xFFFFFFF0  }
0x40d: {  	_ =	swait.ge [sflag:s15], $0x10  }
0x40e: {  	[sflag:s15] =	ssyncset.done $0x0  }
0x40f: {  	[sflag:s15] =	ssyncadd.s32 $0xFFFFFFF0  }
0x410: {  	_ =	swait.ge [sflag:s15], $0x10  }
0x411: {  	[sflag:s15] =	ssyncset.done $0x0  }
0x412: {  	[sflag:s15] =	ssyncadd.s32 $0xFFFFFFF0  }
0x413: {  	_ =	swait.ge [sflag:s15], $0x10  }
0x414: {  	[sflag:s15] =	ssyncset.done $0x0  }
0x415: {  	[sflag:s15] =	ssyncadd.s32 $0xFFFFFFF0  }
0x416: {  	_ =	swait.ge [sflag:s15], $0x10  }
0x417: {  	[sflag:s15] =	ssyncset.done $0x0  }
0x418: {  	[sflag:s15] =	ssyncadd.s32 $0xFFFFFFF0  }
0x419: {  	_ =	swait.ge [sflag:s15], $0x10  }
0x41a: {  	[sflag:s15] =	ssyncset.done $0x0  }
0x41b: {  	[sflag:s15] =	ssyncadd.s32 $0xFFFFFFF0  }
0x41c: {  	_ =	swait.ge [sflag:s15], $0x10  }
0x41d: {  	[sflag:s15] =	ssyncset.done $0x0  }
0x41e: {  	[sflag:s15] =	ssyncadd.s32 $0xFFFFFFF0  }
0x41f: {  	_ =	swait.ge [sflag:s15], $0x10  }
0x420: {  	[sflag:s15] =	ssyncset.done $0x0  }
0x421: {  	[sflag:s15] =	ssyncadd.s32 $0xFFFFFFF0  }
0x422: {  	_ =	swait.ge [sflag:s15], $0x10  }
0x423: {  	[sflag:s15] =	ssyncset.done $0x0  }
0x424: {  	[sflag:s15] =	ssyncadd.s32 $0xFFFFFFF0  }
0x425: {  	_ =	swait.ge [sflag:s15], $0x10  }
0x426: {  	[sflag:s15] =	ssyncset.done $0x0  }
0x427: {  	[sflag:s15] =	ssyncadd.s32 $0xFFFFFFF0  }
0x428: {  	_ =	swait.ge [sflag:s15], $0x10  }
0x429: {  	[sflag:s15] =	ssyncset.done $0x0  }
0x42a: {  	[sflag:s15] =	ssyncadd.s32 $0xFFFFFFF0  }
0x42b: {  	_ =	swait.ge [sflag:s15], $0x10  }
0x42c: {  	[sflag:s15] =	ssyncset.done $0x0  }
0x42d: {  	[sflag:s15] =	ssyncadd.s32 $0xFFFFFFF0  }
0x42e: {  	_ =	swait.ge [sflag:s15], $0x10  }
0x42f: {  	[sflag:s15] =	ssyncset.done $0x0  }
0x430: {  	[sflag:s15] =	ssyncadd.s32 $0xFFFFFFF0  }
0x431: {  	_ =	swait.ge [sflag:s15], $0x10  }
0x432: {  	[sflag:s15] =	ssyncset.done $0x0  }
0x433: {  	[sflag:s15] =	ssyncadd.s32 $0xFFFFFFF0  }
0x434: {  	_ =	swait.ge [sflag:s15], $0x10  }
0x435: {  	[sflag:s15] =	ssyncset.done $0x0  }
0x436: {  	[sflag:s15] =	ssyncadd.s32 $0xFFFFFFF0  }
0x437: {  	_ =	swait.ge [sflag:s15], $0x10  }
0x438: {  	[sflag:s15] =	ssyncset.done $0x0  }
0x439: {  	[sflag:s15] =	ssyncadd.s32 $0xFFFFFFF0  }
0x43a: {  	_ =	swait.ge [sflag:s15], $0x10  }
0x43b: {  	[sflag:s15] =	ssyncset.done $0x0  }
0x43c: {  	[sflag:s15] =	ssyncadd.s32 $0xFFFFFFF0  }
0x43d: {  	_ =	swait.ge [sflag:s15], $0x10  }
0x43e: {  	[sflag:s15] =	ssyncset.done $0x0  }
0x43f: {  	[sflag:s15] =	ssyncadd.s32 $0xFFFFFFF0  }
0x440: {  	_ =	swait.ge [sflag:s15], $0x10  }
0x441: {  	[sflag:s15] =	ssyncset.done $0x0  }
0x442: {  	[sflag:s15] =	ssyncadd.s32 $0xFFFFFFF0  }
0x443: {  	_ =	swait.ge [sflag:s15], $0x10  }
0x444: {  	[sflag:s15] =	ssyncset.done $0x0  }
0x445: {  	[sflag:s15] =	ssyncadd.s32 $0xFFFFFFF0  }
0x446: {  	_ =	swait.ge [sflag:s15], $0x10  }
0x447: {  	v63 =	vadd.f32 $0.0e+00, v42;
	[sflag:s15] =	ssyncset.done $0x0  }
0x448: {  	[sflag:s15] =	ssyncadd.s32 $0xFFFFFFF0  }
0x449: {  	[tilespmem:$0x9780] =	vst v63  }
0x44a: {  	s23 =	simm.s32 $0x9780;
	[tilespmem:$0x9800] =	vst v45  }
0x44b: {  	[hbm4b:s7+s4] =	stream.linear.scatter [tilespmem:s23], [sflag:$0x4], $0x80, $0x38;
	[tilespmem:$0x9880] =	vst v63  }
0x44c: {  	_ =	swait.ge [sflag:s12], $0x80  }
0x44d: {  	[sflag:s12] =	ssyncset.done $0x0  }
0x44e: {  	s24 =	simm.s32 $0x9800;
	[sflag:s12] =	ssyncadd.s32 $0xFFFFFF80  }
0x44f: {  	[hbm4b:s8+s4] =	stream.linear.scatter [tilespmem:s24], [sflag:$0x4], $0x80, $0x38;
	[tilespmem:$0x9880] =	vst v63  }
0x450: {  	_ =	swait.ge [sflag:s12], $0x80  }
0x451: {  	[sflag:s12] =	ssyncset.done $0x0  }
0x452: {  	[sflag:s12] =	ssyncadd.s32 $0xFFFFFF80  }
0x453: {  	[hbm4b:s9+s4] =	stream.linear.scatter [tilespmem:s2], [sflag:$0x4], $0x80, $0x38;
	[tilespmem:$0x9880] =	vst v63  }
0x454: {  	_ =	swait.ge [sflag:s12], $0x80  }
0x455: {  	s16 =	sadd.s32 $0x1, s16;
	[sflag:s12] =	ssyncset.done $0x0  }
0x456: {  	p0 =	sne.s32 s16, s11;
	[sflag:s12] =	ssyncadd.s32 $0xFFFFFF80  }
0x457: {  	[hbm4b:s10+s4] =	stream.linear.scatter [tilespmem:s14], [sflag:$0x4], $0x400, $0x38;
	[tilespmem:$0x9880] =	vst v63  }
.Ltmp4:
0x458: {  	_ = 	snop;
	(pc) =	sbr.rel @p0 .LBB2_1-.Ltmp4, $4  }
0x459: {  	_ =	swait.ge [sflag:s12], $0x400  }
0x45a: {  	v7 =	vld [tilespmem:$0x1FF70]  }
0x45b: {  	[sflag:s12] =	ssyncset.done $0x0;
	v27 =	vld [tilespmem:$0x1FFF0]  }
0x45c: {  	v28 =	vld [tilespmem:$0x1FFE0];
	[sflag:s12] =	ssyncadd.s32 $0xFFFFFC00  }
0x45d: {  	_ =	sfence.sel $0x180000  }
0x45e: {  	[bflag:$0x0] =	sbarrier.arrive $0xFFFF  }
0x45f: {  	_ =	strace $0x90000047  }
0x460: {  	s0 =	stileid.u32;
	[bflag:$0x2] =	sbarrier.arrive $0xFFFF  }
0x461: {  	p0 =	sne.s32 s0, $0x0;
	s0 =	rddreg [dreg:$0x3]  }
0x462: {  	s0 =	sadd.s32 @!p0 $0x100000, s0  }
0x463: {  	[sflag:s0] =	ssyncadd.tile.s32 @!p0 $0x1;
	_ =	shalt  }
.Lfunc_end2:
_tile_overlayer_lowered:
.L_overlay_start_2:
0x464: {  	(tag) =	ssettag $0x2  }
0x465: {  	s0 =	rddreg [dreg:$0x0];
	s2 =	stileid.u32  }
0x466: {  	s1 =	rddreg [dreg:$0x1];
	p0 =	sne.s32 s2, $0x0  }
0x467: {  	s3 =	rddreg [dreg:$0x2];
	[bflag:$0x3] =	sbarrier.arrive $0xFFFF;
	s2 =	simm.s32 @!p0 $0x1C04  }
0x468: {  	[timem:s3], [sflag:s2] =	dma.local @!p0 [hbm:s0], s1  }
0x469: {  	s0 =	simm.s32 @!p0 $0x4  }
0x46a: {  	_ =	swait.ge @!p0 [sflag:s0], s1  }
0x46b: {  	s1 =	ssub.s32 @!p0 $0x0, s1;
	[sflag:s0] =	ssyncset.done @!p0 $0x0  }
0x46c: {  	[sflag:s0] =	ssyncadd.s32 @!p0 s1  }
0x46d: {  	[bflag:$0x3] =	sbarrier.arrive $0xFFFF  }
0x46e: {  	_ =	shalt  }

</sc_bundles>
